<compile_context>
chip_gen: v7x
topology: tpu7x:2x2x1
jax: 0.10.2.dev20260603
libtpu: 0.0.44.dev20260713+nightly
codegen_flags: <defaults>
</compile_context>

<pallas_src>
import functools
import jax
import jax.numpy as jnp
from jax import lax
from jax.experimental import pallas as pl
from jax.experimental.pallas import tpu as pltpu
from jax.experimental.pallas import tpu_sc as plsc

B, N = 2, 8192
R1, R2 = 0.02, 0.04
EPS = 1e-5



def _mm_kernel(norm_in, x_ref, mu_ref, isd_ref, w_ref, y_ref, s1_ref, s2_ref):
    x = x_ref[...]
    if norm_in:
        x = jnp.maximum((x - mu_ref[...]) * isd_ref[...], 0.0)
    y = jnp.dot(x, w_ref[...], preferred_element_type=jnp.float32)
    y_ref[...] = y

    @pl.when(pl.program_id(0) == 0)
    def _init():
        s1_ref[...] = jnp.zeros_like(s1_ref)
        s2_ref[...] = jnp.zeros_like(s2_ref)

    s1_ref[...] = s1_ref[...] + jnp.sum(y, axis=0, keepdims=True)
    s2_ref[...] = s2_ref[...] + jnp.sum(y * y, axis=0, keepdims=True)


def _mm_stats(x, w, mu=None, isd=None, bm=2048):
    m, cin = x.shape
    cout = w.shape[1]
    norm_in = mu is not None
    if not norm_in:
        mu = jnp.zeros((1, cin), jnp.float32)
        isd = mu
    grid = (m // bm,)
    return pl.pallas_call(
        functools.partial(_mm_kernel, norm_in),
        grid=grid,
        in_specs=[
            pl.BlockSpec((bm, cin), lambda i: (i, 0)),
            pl.BlockSpec((1, cin), lambda i: (0, 0)),
            pl.BlockSpec((1, cin), lambda i: (0, 0)),
            pl.BlockSpec((cin, cout), lambda i: (0, 0)),
        ],
        out_specs=[
            pl.BlockSpec((bm, cout), lambda i: (i, 0)),
            pl.BlockSpec((1, cout), lambda i: (0, 0)),
            pl.BlockSpec((1, cout), lambda i: (0, 0)),
        ],
        out_shape=[
            jax.ShapeDtypeStruct((m, cout), jnp.float32),
            jax.ShapeDtypeStruct((1, cout), jnp.float32),
            jax.ShapeDtypeStruct((1, cout), jnp.float32),
        ],
    )(x, mu, isd, w)


def _nrm_kernel(n, x_ref, mu_ref, isd_ref, o_ref):
    z = jnp.maximum((x_ref[...] - mu_ref[...]) * isd_ref[...], 0.0)
    gb, c = o_ref.shape
    o_ref[...] = jnp.max(z.reshape(gb, n, c), axis=1)


def _norm_relu_max(y, mu, isd, n, gb=64):
    m, c = y.shape
    g = m // n
    grid = (g // gb,)
    return pl.pallas_call(
        functools.partial(_nrm_kernel, n),
        grid=grid,
        in_specs=[
            pl.BlockSpec((gb * n, c), lambda i: (i, 0)),
            pl.BlockSpec((1, c), lambda i: (0, 0)),
            pl.BlockSpec((1, c), lambda i: (0, 0)),
        ],
        out_specs=pl.BlockSpec((gb, c), lambda i: (i, 0)),
        out_shape=jax.ShapeDtypeStruct((g, c), jnp.float32),
    )(y, mu, isd)


def _nrs_kernel(x_ref, mu_ref, isd_ref, z_ref, s1_ref, s2_ref):
    z = jnp.maximum((x_ref[...] - mu_ref[...]) * isd_ref[...], 0.0)
    z_ref[...] = z

    @pl.when(pl.program_id(0) == 0)
    def _init():
        s1_ref[...] = jnp.zeros_like(s1_ref)
        s2_ref[...] = jnp.zeros_like(s2_ref)

    s1_ref[...] = s1_ref[...] + jnp.sum(z, axis=0, keepdims=True)
    s2_ref[...] = s2_ref[...] + jnp.sum(z * z, axis=0, keepdims=True)


def _norm_relu_stats(y, mu, isd, bm=2048):
    m, c = y.shape
    grid = (m // bm,)
    return pl.pallas_call(
        _nrs_kernel,
        grid=grid,
        in_specs=[
            pl.BlockSpec((bm, c), lambda i: (i, 0)),
            pl.BlockSpec((1, c), lambda i: (0, 0)),
            pl.BlockSpec((1, c), lambda i: (0, 0)),
        ],
        out_specs=[
            pl.BlockSpec((bm, c), lambda i: (i, 0)),
            pl.BlockSpec((1, c), lambda i: (0, 0)),
            pl.BlockSpec((1, c), lambda i: (0, 0)),
        ],
        out_shape=[
            jax.ShapeDtypeStruct((m, c), jnp.float32),
            jax.ShapeDtypeStruct((1, c), jnp.float32),
            jax.ShapeDtypeStruct((1, c), jnp.float32),
        ],
    )(y, mu, isd)


def _head_kernel(x_ref, mu_ref, isd_ref, g_ref, b_ref, w_ref, b2_ref, o_ref):
    xh = (x_ref[...] - mu_ref[...]) * isd_ref[...]
    a = jnp.maximum(g_ref[...] * xh + b_ref[...], 0.0)
    o_ref[...] = jnp.dot(a, w_ref[...], preferred_element_type=jnp.float32) + b2_ref[...]


def _head(x, mu, isd, g, b, w, b2, bm=2048):
    m, c = x.shape
    cout = w.shape[1]
    grid = (m // bm,)
    return pl.pallas_call(
        _head_kernel,
        grid=grid,
        in_specs=[
            pl.BlockSpec((bm, c), lambda i: (i, 0)),
            pl.BlockSpec((1, c), lambda i: (0, 0)),
            pl.BlockSpec((1, c), lambda i: (0, 0)),
            pl.BlockSpec((1, c), lambda i: (0, 0)),
            pl.BlockSpec((1, c), lambda i: (0, 0)),
            pl.BlockSpec((c, cout), lambda i: (0, 0)),
            pl.BlockSpec((1, cout), lambda i: (0, 0)),
        ],
        out_specs=pl.BlockSpec((bm, cout), lambda i: (i, 0)),
        out_shape=jax.ShapeDtypeStruct((m, cout), jnp.float32),
    )(x, mu, isd, g, b, w, b2)



def _sqdist(src, dst):
    d = -2.0 * jnp.einsum('bnc,bmc->bnm', src, dst)
    d = d + jnp.sum(src * src, -1)[:, :, None] + jnp.sum(dst * dst, -1)[:, None, :]
    return d


def _index_points(points, idx):
    return jax.vmap(lambda p, i: p[i])(points, idx)



_NW = 32


def _sc_gather_flat(table, idx):
    btot = idx.shape[0]
    d = table.shape[1]
    bw = btot // _NW
    ch = min(128, bw)
    nch = bw // ch
    mesh = plsc.VectorSubcoreMesh(core_axis_name="c", subcore_axis_name="s")

    @functools.partial(
        pl.kernel, mesh=mesh,
        out_type=jax.ShapeDtypeStruct((btot, d), jnp.float32),
        scratch_types=[
            pltpu.VMEM((ch,), jnp.int32),
            pltpu.VMEM((ch, d), jnp.float32),
            pltpu.SemaphoreType.DMA,
        ],
    )
    def k(table_hbm, idx_hbm, out_hbm, idx_v, rows_v, sem):
        wid = lax.axis_index("s") * 2 + lax.axis_index("c")
        base = wid * bw

        def body(j, carry):
            off = base + j * ch
            pltpu.sync_copy(idx_hbm.at[pl.ds(off, ch)], idx_v)
            pltpu.async_copy(table_hbm.at[idx_v], rows_v, sem).wait()
            pltpu.sync_copy(rows_v, out_hbm.at[pl.ds(off, ch)])
            return carry

        lax.fori_loop(0, nch, body, jnp.int32(0))

    return k(table, idx)


def _sc_gather(table_b, idx_b):
    b, r, d = table_b.shape
    off = (jnp.arange(b, dtype=jnp.int32) * r).reshape((b,) + (1,) * (idx_b.ndim - 1))
    flat = (idx_b + off).reshape(-1)
    rows = _sc_gather_flat(table_b.reshape(b * r, d), flat)
    return rows.reshape(idx_b.shape + (d,))


def _pad_cols(x, d):
    c = x.shape[-1]
    if c == d:
        return x
    return jnp.concatenate(
        [x, jnp.zeros(x.shape[:-1] + (d - c,), jnp.float32)], -1)


def _pad_rows(w, d):
    c = w.shape[0]
    if c == d:
        return w
    return jnp.concatenate([w, jnp.zeros((d - c, w.shape[1]), jnp.float32)], 0)


def _fps_kernel(npoint, n, xs_ref, ys_ref, zs_ref, cent_ref, dist_ref):
    x2 = xs_ref[0]
    y2 = ys_ref[0]
    z2 = zs_ref[0]
    rows, cols = x2.shape
    idx2 = (lax.broadcasted_iota(jnp.int32, (rows, cols), 0) * cols
            + lax.broadcasted_iota(jnp.int32, (rows, cols), 1))
    dist_ref[...] = jnp.full((rows, cols), 1e10, jnp.float32)

    def body(i, far):
        cent_ref[0, 0, i] = far
        sel = idx2 == far
        cx = jnp.sum(jnp.where(sel, x2, 0.0))
        cy = jnp.sum(jnp.where(sel, y2, 0.0))
        cz = jnp.sum(jnp.where(sel, z2, 0.0))
        dx = x2 - cx
        dy = y2 - cy
        dz = z2 - cz
        d = dx * dx + dy * dy + dz * dz
        nd = jnp.minimum(dist_ref[...], d)
        dist_ref[...] = nd
        m = jnp.max(nd)
        return jnp.min(jnp.where(nd == m, idx2, n))

    lax.fori_loop(0, npoint, body, jnp.int32(0))


def _fps(xyz, npoint):
    b, n, _ = xyz.shape
    rows = n // 128
    xt = jnp.transpose(xyz, (0, 2, 1)).reshape(b, 3, rows, 128)
    return pl.pallas_call(
        functools.partial(_fps_kernel, npoint, n),
        grid=(b,),
        in_specs=[pl.BlockSpec((1, rows, 128), lambda i: (i, 0, 0))] * 3,
        out_specs=pl.BlockSpec((1, 1, npoint), lambda i: (i, 0, 0),
                               memory_space=pltpu.SMEM),
        out_shape=jax.ShapeDtypeStruct((b, 1, npoint), jnp.int32),
        scratch_shapes=[pltpu.VMEM((rows, 128), jnp.float32)],
    )(xt[:, 0], xt[:, 1], xt[:, 2]).reshape(b, npoint)


def _ball(radius, nsample, xyz, new_xyz):
    b, n, _ = xyz.shape
    sqr = _sqdist(new_xyz, xyz)
    gid = jnp.broadcast_to(jnp.arange(n, dtype=jnp.int32), sqr.shape)
    gid = jnp.where(sqr > radius ** 2, n, gid)
    cand = -lax.top_k(-gid, nsample)[0]
    first = cand[:, :, :1]
    return jnp.where(cand == n, first, cand)


def _finalize(s1, s2, m):
    mu = s1 / m
    var = s2 / m - mu * mu
    isd = 1.0 / jnp.sqrt(var + EPS)
    return mu, isd



def _sa(xyz, feats, npoint, radius, nsample, w0, w1):
    b, n, _ = xyz.shape
    fidx = _fps(xyz, npoint)
    d = 128
    table = _pad_cols(jnp.concatenate([xyz, feats], -1), d)
    new_xyz = _sc_gather(table, fidx)[:, :, :3]
    idx = _ball(radius, nsample, xyz, new_xyz)
    g = _sc_gather(table, idx)
    x = g - _pad_cols(new_xyz, d)[:, :, None, :]
    m = b * npoint * nsample
    x = x.reshape(m, d)
    y1, s1, s2 = _mm_stats(x, _pad_rows(w0, d))
    mu1, isd1 = _finalize(s1, s2, m)
    y2, t1, t2 = _mm_stats(y1, w1, mu1, isd1)
    mu2, isd2 = _finalize(t1, t2, m)
    nf = _norm_relu_max(y2, mu2, isd2, nsample)
    return new_xyz, nf.reshape(b, npoint, w1.shape[1])


def _upconv(pos1, pos2, f1, f2, nsample, w1, w2):
    b, s, _ = pos1.shape
    d = _sqdist(pos1, pos2)
    _, idx = lax.top_k(-d, nsample)
    dpad = 128
    table = _pad_cols(jnp.concatenate([f2, pos2], -1), dpad)
    g = _sc_gather(table, idx)
    sub = _pad_cols(jnp.concatenate(
        [jnp.zeros(pos1.shape[:2] + (f2.shape[-1],), jnp.float32), pos1], -1), dpad)
    x = g - sub[:, :, None, :]
    m = b * s * nsample
    x = x.reshape(m, dpad)
    y, s1, s2 = _mm_stats(x, _pad_rows(w1, dpad))
    mu, isd = _finalize(s1, s2, m)
    xm = _norm_relu_max(y, mu, isd, nsample, gb=256)
    x2 = jnp.concatenate([xm.reshape(b, s, w1.shape[1]), f1], -1)
    m2 = b * s
    x2 = x2.reshape(m2, x2.shape[-1])
    y2, t1, t2 = _mm_stats(x2, w2)
    mu2, isd2 = _finalize(t1, t2, m2)
    z, _, _ = _norm_relu_stats(y2, mu2, isd2)
    return z.reshape(b, s, w2.shape[1])


def _extract(points, fea, p):
    b, n, _ = points.shape
    l1x, l1f = _sa(points, fea, 4096, R1, 32, p['sa1_w0'], p['sa1_w1'])
    l2x, l2f = _sa(l1x, l1f, 1024, R2, 32, p['sa2_w0'], p['sa2_w1'])
    l1n = _upconv(l1x, l2x, l1f, l2f, 8, p['su1_w0'], p['su1_w1'])

    d = _sqdist(points, l1x)
    nd, idx = lax.top_k(-d, 3)
    dist = jnp.maximum(-nd, 1e-10)
    w = 1.0 / dist
    w = w / jnp.sum(w, -1, keepdims=True)
    interp = jnp.sum(_sc_gather(_pad_cols(l1n, 128), idx) * w[..., None],
                     axis=2)[..., :l1n.shape[-1]]
    x = jnp.concatenate([interp, fea], -1)
    m = b * n
    x = x.reshape(m, x.shape[-1])
    y, s1, s2 = _mm_stats(x, p['fp_w0'])
    mu, isd = _finalize(s1, s2, m)
    l0n, t1, t2 = _norm_relu_stats(y, mu, isd)
    mu2, isd2 = _finalize(t1, t2, m)
    out = _head(l0n, mu2, isd2, p['bn1_g'].reshape(1, -1), p['bn1_b'].reshape(1, -1),
                p['conv2_w'], p['conv2_b'].reshape(1, -1))
    return jnp.concatenate([points, out.reshape(b, n, -1)], -1)


def kernel(points1, fea1, weights1, points2, fea2, weights2, sa1_w0, sa1_w1,
           sa2_w0, sa2_w1, su1_w0, su1_w1, fp_w0, bn1_g, bn1_b, conv2_w, conv2_b):
    p = dict(sa1_w0=sa1_w0, sa1_w1=sa1_w1, sa2_w0=sa2_w0, sa2_w1=sa2_w1,
             su1_w0=su1_w0, su1_w1=su1_w1, fp_w0=fp_w0, bn1_g=bn1_g,
             bn1_b=bn1_b, conv2_w=conv2_w, conv2_b=conv2_b)
    sf = _extract(points1, fea1, p)
    tf = _extract(points2, fea2, p)
    return (sf, tf)

# --- scband reference (transcript-rebuilt; emitter-appended) ---
"""Pipeline reference for scband-point-net2-fea-extractor-12850542149710 (READ-ONLY COPY).

The authoritative reference and input builder live on the scoring server;
editing this copy changes nothing except your own understanding.
"""

import jax, jax.numpy as jnp
import numpy as np

B, N, C_IN, C_OUT = 2, 8192, 10, 12
R1, R2 = 0.02, 0.04

def square_distance(src, dst):
    d = -2.0 * jnp.einsum('bnc,bmc->bnm', src, dst)
    d = d + jnp.sum(src * src, -1)[:, :, None] + jnp.sum(dst * dst, -1)[:, None, :]
    return d

def index_points(points, idx):
    return jax.vmap(lambda p, i: p[i])(points, idx)

def farthest_point_sample(xyz, npoint):
    xyz = jax.lax.stop_gradient(xyz)
    b, n, _ = xyz.shape
    def body(i, carry):
        cent, dist, far = carry
        cent = cent.at[:, i].set(far)
        c = xyz[jnp.arange(b), far][:, None, :]
        d = jnp.sum((xyz - c) ** 2, -1)
        dist = jnp.minimum(dist, d)
        far = jnp.argmax(dist, -1).astype(jnp.int32)
        return cent, dist, far
    cent = jnp.zeros((b, npoint), jnp.int32)
    dist = jnp.full((b, n), 1e10, jnp.float32)
    far = jnp.zeros((b,), jnp.int32)
    cent, _, _ = jax.lax.fori_loop(0, npoint, body, (cent, dist, far))
    return cent

def query_ball_point(radius, nsample, xyz, new_xyz):
    b, n, _ = xyz.shape
    s = new_xyz.shape[1]
    sqr = jax.lax.stop_gradient(square_distance(new_xyz, xyz))
    gid = jnp.broadcast_to(jnp.arange(n, dtype=jnp.int32), (b, s, n))
    gid = jnp.where(sqr > radius ** 2, n, gid)
    gid = jnp.sort(gid, axis=-1)[:, :, :nsample]
    first = gid[:, :, :1]
    gid = jnp.where(gid == n, first, gid)
    return gid

def batchnorm(x, eps=1e-5):
    ax = tuple(range(x.ndim - 1))
    m = jnp.mean(x, axis=ax, keepdims=True)
    v = jnp.var(x, axis=ax, keepdims=True)
    return (x - m) / jnp.sqrt(v + eps)

def sa_layer(xyz, feats, npoint, radius, nsample, ws):
    fps_idx = farthest_point_sample(xyz, npoint)
    new_xyz = index_points(xyz, fps_idx)
    idx = query_ball_point(radius, nsample, xyz, new_xyz)
    gx = index_points(xyz, idx) - new_xyz[:, :, None, :]
    gf = index_points(feats, idx)
    x = jnp.concatenate([gx, gf], -1)
    for W in ws:
        x = jax.nn.relu(batchnorm(x @ W))
    return new_xyz, jnp.max(x, axis=2)

def upconv(pos1, pos2, f1, f2, nsample, w1s, w2s):
    d = square_distance(pos1, pos2)
    _, idx = jax.lax.top_k(-d, nsample)
    pg = index_points(pos2, idx) - pos1[:, :, None, :]
    fg = index_points(f2, idx)
    x = jnp.concatenate([fg, pg], -1)
    for W in w1s:
        x = jax.nn.relu(batchnorm(x @ W))
    x = jnp.max(x, axis=2)
    x = jnp.concatenate([x, f1], -1)
    for W in w2s:
        x = jax.nn.relu(batchnorm(x @ W))
    return x

def feat_prop(pos1, pos2, f1, f2, ws):
    d = square_distance(pos1, pos2)
    nd, idx = jax.lax.top_k(-d, 3)
    dist = jnp.maximum(-nd, 1e-10)
    w = 1.0 / dist
    w = w / jnp.sum(w, -1, keepdims=True)
    interp = jnp.sum(index_points(f2, idx) * w[..., None], axis=2)
    x = jnp.concatenate([interp, f1], -1)
    for W in ws:
        x = jax.nn.relu(batchnorm(x @ W))
    return x

def extract(points, fea, p):
    l1x, l1f = sa_layer(points, fea, 4096, R1, 32, [p['sa1_w0'], p['sa1_w1']])
    l2x, l2f = sa_layer(l1x, l1f, 1024, R2, 32, [p['sa2_w0'], p['sa2_w1']])
    l1n = upconv(l1x, l2x, l1f, l2f, 8, [p['su1_w0']], [p['su1_w1']])
    l0n = feat_prop(points, l1x, fea, l1n, [p['fp_w0']])
    x = jax.nn.relu(p['bn1_g'] * batchnorm(l0n) + p['bn1_b'])
    out = x @ p['conv2_w'] + p['conv2_b']
    return jnp.concatenate([points, out], -1)

def setup_inputs(seed: int = 0):
    key = jax.random.key(seed)
    ks = jax.random.split(key, 16)
    return {
        'points1': jax.random.uniform(ks[0], (B, N, 3), jnp.float32) * 0.1,
        'fea1': jax.random.normal(ks[1], (B, N, C_IN), jnp.float32),
        'weights1': jax.random.uniform(ks[2], (B, N, 1), jnp.float32),
        'points2': jax.random.uniform(ks[3], (B, N, 3), jnp.float32) * 0.1,
        'fea2': jax.random.normal(ks[4], (B, N, C_IN), jnp.float32),
        'weights2': jax.random.uniform(ks[5], (B, N, 1), jnp.float32),
        'sa1_w0': jax.random.normal(ks[6], (13, 16), jnp.float32) * 0.1,
        'sa1_w1': jax.random.normal(ks[7], (16, 32), jnp.float32) * 0.1,
        'sa2_w0': jax.random.normal(ks[8], (35, 32), jnp.float32) * 0.1,
        'sa2_w1': jax.random.normal(ks[9], (32, 64), jnp.float32) * 0.1,
        'su1_w0': jax.random.normal(ks[10], (67, 32), jnp.float32) * 0.1,
        'su1_w1': jax.random.normal(ks[11], (64, 32), jnp.float32) * 0.1,
        'fp_w0': jax.random.normal(ks[12], (42, 32), jnp.float32) * 0.1,
        'bn1_g': jnp.ones((32,), jnp.float32),
        'bn1_b': jnp.zeros((32,), jnp.float32),
        'conv2_w': jax.random.normal(ks[13], (32, C_OUT), jnp.float32) * 0.1,
        'conv2_b': jnp.zeros((C_OUT,), jnp.float32),
    }

def reference(points1, fea1, weights1, points2, fea2, weights2, sa1_w0, sa1_w1, sa2_w0, sa2_w1, su1_w0, su1_w1, fp_w0, bn1_g, bn1_b, conv2_w, conv2_b):
    p = dict(sa1_w0=sa1_w0, sa1_w1=sa1_w1, sa2_w0=sa2_w0, sa2_w1=sa2_w1, su1_w0=su1_w0, su1_w1=su1_w1, fp_w0=fp_w0, bn1_g=bn1_g, bn1_b=bn1_b, conv2_w=conv2_w, conv2_b=conv2_b)
    sf = extract(points1, fea1, p)
    tf = extract(points2, fea2, p)
    return (sf, tf)

if __name__ == "__main__":
    import jax
    _d = setup_inputs()
    print(jax.jit(kernel)(*tuple(_d.values())))

</pallas_src>

<mosaic_0001>
#map = affine_map<(d0, d1) -> (0, 0)>
#map1 = affine_map<(d0, d1) -> (0)>
module attributes {stable_mosaic.version = 14 : i64} {
  func.func @k(%arg0: i32, %arg1: i32, %arg2: memref<16384x128xf32, #tpu.memory_space<hbm>>, %arg3: memref<262144xi32, #tpu.memory_space<hbm>>, %arg4: memref<262144x128xf32, #tpu.memory_space<hbm>>, %arg5: memref<128xi32, #tpu.memory_space<vmem>>, %arg6: memref<128x128xf32, #tpu.memory_space<vmem>>, %arg7: memref<!tpu.dma_semaphore, #tpu.memory_space<semaphore_mem>>) attributes {dimension_semantics = [#tpu.dimension_semantics<core_parallel>, #tpu.dimension_semantics<subcore_parallel>], iteration_bounds = array<i64: 2, 16>, scalar_prefetch = 0 : i64, scratch_operands = 3 : i64, tpu.core_type = #tpu.core_type<sc_vector_subcore>, window_params = [{transform_indices = #map}, {transform_indices = #map1}, {transform_indices = #map}]} {
    %mul3A = arith.constant 2 : i32
    %mul3A_0 = arith.muli %arg1, %mul3A : i32
    %add3A = arith.addi %mul3A_0, %arg0 : i32
    %mul3A_1 = arith.constant 8192 : i32
    %mul3A_2 = arith.muli %add3A, %mul3A_1 : i32
    %scan3A = arith.constant 0 : i32
    %scan3A_3 = arith.constant 0 : i32
    %scan3A_4 = arith.constant 64 : i32
    %scan3A_5 = arith.addi %scan3A_3, %scan3A_4 : i32
    %scan3A_6 = arith.constant 1 : i32
    scf.for %scan3A_8 = %scan3A_3 to %scan3A_5 step %scan3A_6  : i32 {
      %mul3A_9 = arith.constant 128 : i32
      %mul3A_10 = arith.muli %scan3A_8, %mul3A_9 : i32
      %add3A_11 = arith.addi %mul3A_2, %mul3A_10 : i32
      "tpu.region"() ({
        %run_scoped3A = tpu.sem_alloc : memref<!tpu.dma_semaphore, #tpu.memory_space<semaphore_mem>>
        %dma_start3A_16 = tpu.memref_slice %arg3[%add3A_11] : memref<262144xi32, #tpu.memory_space<hbm>> -> memref<128xi32, #tpu.memory_space<hbm>>
        %dma_start3A_17 = tpu.memref_slice %arg3[%add3A_11] : memref<262144xi32, #tpu.memory_space<hbm>> -> memref<128xi32, #tpu.memory_space<hbm>>
        tpu.enqueue_dma source(%dma_start3A_17 : memref<128xi32, #tpu.memory_space<hbm>>) target(%arg5 : memref<128xi32, #tpu.memory_space<vmem>>) target_semaphore(%run_scoped3A : memref<!tpu.dma_semaphore, #tpu.memory_space<semaphore_mem>>)
        %dma_wait3A_18 = tpu.memref_slice %arg3[%add3A_11] : memref<262144xi32, #tpu.memory_space<hbm>> -> memref<128xi32, #tpu.memory_space<hbm>>
        %dma_wait3A_19 = tpu.memref_slice %arg3[%add3A_11] : memref<262144xi32, #tpu.memory_space<hbm>> -> memref<128xi32, #tpu.memory_space<hbm>>
        tpu.wait_dma2 semaphore(%run_scoped3A : memref<!tpu.dma_semaphore, #tpu.memory_space<semaphore_mem>>) src(%dma_wait3A_19 : memref<128xi32, #tpu.memory_space<hbm>>) dst(%arg5 : memref<128xi32, #tpu.memory_space<vmem>>)
        tpu.yield
      }) : () -> ()
      %dma_start3A = arith.constant 0 : i32
      %dma_start3A_12 = arith.constant 0 : i32
      %dma_start3A_13 = tpu.memref_slice %arg2[%dma_start3A, %dma_start3A_12] : memref<16384x128xf32, #tpu.memory_space<hbm>> -> memref<16384x128xf32, #tpu.memory_space<hbm>>
      tpu.enqueue_indirect_dma source(%dma_start3A_13 : memref<16384x128xf32, #tpu.memory_space<hbm>>) target(%arg6 : memref<128x128xf32, #tpu.memory_space<vmem>>) offsets(%arg5 : memref<128xi32, #tpu.memory_space<vmem>>) semaphore(%arg7 : memref<!tpu.dma_semaphore, #tpu.memory_space<semaphore_mem>>)
      %dma_wait3A = arith.constant 0 : i32
      %dma_wait3A_14 = arith.constant 0 : i32
      %dma_wait3A_15 = tpu.memref_slice %arg2[%dma_wait3A, %dma_wait3A_14] : memref<16384x128xf32, #tpu.memory_space<hbm>> -> memref<16384x128xf32, #tpu.memory_space<hbm>>
      tpu.wait_indirect_dma semaphore(%arg7 : memref<!tpu.dma_semaphore, #tpu.memory_space<semaphore_mem>>) src(%dma_wait3A_15 : memref<16384x128xf32, #tpu.memory_space<hbm>>) dst(%arg6 : memref<128x128xf32, #tpu.memory_space<vmem>>)
      "tpu.region"() ({
        %run_scoped3A = tpu.sem_alloc : memref<!tpu.dma_semaphore, #tpu.memory_space<semaphore_mem>>
        %dma_start3A_16 = arith.constant 0 : i32
        %dma_start3A_17 = tpu.memref_slice %arg4[%add3A_11, %dma_start3A_16] : memref<262144x128xf32, #tpu.memory_space<hbm>> -> memref<128x128xf32, #tpu.memory_space<hbm>>
        %dma_start3A_18 = arith.constant 0 : i32
        %dma_start3A_19 = tpu.memref_slice %arg4[%add3A_11, %dma_start3A_18] : memref<262144x128xf32, #tpu.memory_space<hbm>> -> memref<128x128xf32, #tpu.memory_space<hbm>>
        tpu.enqueue_dma source(%arg6 : memref<128x128xf32, #tpu.memory_space<vmem>>) target(%dma_start3A_19 : memref<128x128xf32, #tpu.memory_space<hbm>>) target_semaphore(%run_scoped3A : memref<!tpu.dma_semaphore, #tpu.memory_space<semaphore_mem>>)
        %dma_wait3A_20 = arith.constant 0 : i32
        %dma_wait3A_21 = tpu.memref_slice %arg4[%add3A_11, %dma_wait3A_20] : memref<262144x128xf32, #tpu.memory_space<hbm>> -> memref<128x128xf32, #tpu.memory_space<hbm>>
        %dma_wait3A_22 = arith.constant 0 : i32
        %dma_wait3A_23 = tpu.memref_slice %arg4[%add3A_11, %dma_wait3A_22] : memref<262144x128xf32, #tpu.memory_space<hbm>> -> memref<128x128xf32, #tpu.memory_space<hbm>>
        tpu.wait_dma2 semaphore(%run_scoped3A : memref<!tpu.dma_semaphore, #tpu.memory_space<semaphore_mem>>) src(%arg6 : memref<128x128xf32, #tpu.memory_space<vmem>>) dst(%dma_wait3A_23 : memref<128x128xf32, #tpu.memory_space<hbm>>)
        tpu.yield
      }) : () -> ()
    }
    %scan3A_7 = arith.constant 64 : i32
    return
  }
}

#map = affine_map<(d0, d1) -> (0, 0)>
#map1 = affine_map<(d0, d1) -> (0)>
module attributes {stable_mosaic.version = 14 : i64} {
  func.func @k(%arg0: i32, %arg1: i32, %arg2: memref<16384x128xf32, #tpu.memory_space<hbm>>, %arg3: memref<8192xi32, #tpu.memory_space<hbm>>, %arg4: memref<8192x128xf32, #tpu.memory_space<hbm>>, %arg5: memref<128xi32, #tpu.memory_space<vmem>>, %arg6: memref<128x128xf32, #tpu.memory_space<vmem>>, %arg7: memref<!tpu.dma_semaphore, #tpu.memory_space<semaphore_mem>>) attributes {dimension_semantics = [#tpu.dimension_semantics<core_parallel>, #tpu.dimension_semantics<subcore_parallel>], iteration_bounds = array<i64: 2, 16>, scalar_prefetch = 0 : i64, scratch_operands = 3 : i64, tpu.core_type = #tpu.core_type<sc_vector_subcore>, window_params = [{transform_indices = #map}, {transform_indices = #map1}, {transform_indices = #map}]} {
    %mul3A = arith.constant 2 : i32
    %mul3A_0 = arith.muli %arg1, %mul3A : i32
    %add3A = arith.addi %mul3A_0, %arg0 : i32
    %mul3A_1 = arith.constant 256 : i32
    %mul3A_2 = arith.muli %add3A, %mul3A_1 : i32
    %scan3A = arith.constant 0 : i32
    %scan3A_3 = arith.constant 0 : i32
    %scan3A_4 = arith.constant 2 : i32
    %scan3A_5 = arith.addi %scan3A_3, %scan3A_4 : i32
    %scan3A_6 = arith.constant 1 : i32
    scf.for %scan3A_8 = %scan3A_3 to %scan3A_5 step %scan3A_6  : i32 {
      %mul3A_9 = arith.constant 128 : i32
      %mul3A_10 = arith.muli %scan3A_8, %mul3A_9 : i32
      %add3A_11 = arith.addi %mul3A_2, %mul3A_10 : i32
      "tpu.region"() ({
        %run_scoped3A = tpu.sem_alloc : memref<!tpu.dma_semaphore, #tpu.memory_space<semaphore_mem>>
        %dma_start3A_16 = tpu.memref_slice %arg3[%add3A_11] : memref<8192xi32, #tpu.memory_space<hbm>> -> memref<128xi32, #tpu.memory_space<hbm>>
        %dma_start3A_17 = tpu.memref_slice %arg3[%add3A_11] : memref<8192xi32, #tpu.memory_space<hbm>> -> memref<128xi32, #tpu.memory_space<hbm>>
        tpu.enqueue_dma source(%dma_start3A_17 : memref<128xi32, #tpu.memory_space<hbm>>) target(%arg5 : memref<128xi32, #tpu.memory_space<vmem>>) target_semaphore(%run_scoped3A : memref<!tpu.dma_semaphore, #tpu.memory_space<semaphore_mem>>)
        %dma_wait3A_18 = tpu.memref_slice %arg3[%add3A_11] : memref<8192xi32, #tpu.memory_space<hbm>> -> memref<128xi32, #tpu.memory_space<hbm>>
        %dma_wait3A_19 = tpu.memref_slice %arg3[%add3A_11] : memref<8192xi32, #tpu.memory_space<hbm>> -> memref<128xi32, #tpu.memory_space<hbm>>
        tpu.wait_dma2 semaphore(%run_scoped3A : memref<!tpu.dma_semaphore, #tpu.memory_space<semaphore_mem>>) src(%dma_wait3A_19 : memref<128xi32, #tpu.memory_space<hbm>>) dst(%arg5 : memref<128xi32, #tpu.memory_space<vmem>>)
        tpu.yield
      }) : () -> ()
      %dma_start3A = arith.constant 0 : i32
      %dma_start3A_12 = arith.constant 0 : i32
      %dma_start3A_13 = tpu.memref_slice %arg2[%dma_start3A, %dma_start3A_12] : memref<16384x128xf32, #tpu.memory_space<hbm>> -> memref<16384x128xf32, #tpu.memory_space<hbm>>
      tpu.enqueue_indirect_dma source(%dma_start3A_13 : memref<16384x128xf32, #tpu.memory_space<hbm>>) target(%arg6 : memref<128x128xf32, #tpu.memory_space<vmem>>) offsets(%arg5 : memref<128xi32, #tpu.memory_space<vmem>>) semaphore(%arg7 : memref<!tpu.dma_semaphore, #tpu.memory_space<semaphore_mem>>)
      %dma_wait3A = arith.constant 0 : i32
      %dma_wait3A_14 = arith.constant 0 : i32
      %dma_wait3A_15 = tpu.memref_slice %arg2[%dma_wait3A, %dma_wait3A_14] : memref<16384x128xf32, #tpu.memory_space<hbm>> -> memref<16384x128xf32, #tpu.memory_space<hbm>>
      tpu.wait_indirect_dma semaphore(%arg7 : memref<!tpu.dma_semaphore, #tpu.memory_space<semaphore_mem>>) src(%dma_wait3A_15 : memref<16384x128xf32, #tpu.memory_space<hbm>>) dst(%arg6 : memref<128x128xf32, #tpu.memory_space<vmem>>)
      "tpu.region"() ({
        %run_scoped3A = tpu.sem_alloc : memref<!tpu.dma_semaphore, #tpu.memory_space<semaphore_mem>>
        %dma_start3A_16 = arith.constant 0 : i32
        %dma_start3A_17 = tpu.memref_slice %arg4[%add3A_11, %dma_start3A_16] : memref<8192x128xf32, #tpu.memory_space<hbm>> -> memref<128x128xf32, #tpu.memory_space<hbm>>
        %dma_start3A_18 = arith.constant 0 : i32
        %dma_start3A_19 = tpu.memref_slice %arg4[%add3A_11, %dma_start3A_18] : memref<8192x128xf32, #tpu.memory_space<hbm>> -> memref<128x128xf32, #tpu.memory_space<hbm>>
        tpu.enqueue_dma source(%arg6 : memref<128x128xf32, #tpu.memory_space<vmem>>) target(%dma_start3A_19 : memref<128x128xf32, #tpu.memory_space<hbm>>) target_semaphore(%run_scoped3A : memref<!tpu.dma_semaphore, #tpu.memory_space<semaphore_mem>>)
        %dma_wait3A_20 = arith.constant 0 : i32
        %dma_wait3A_21 = tpu.memref_slice %arg4[%add3A_11, %dma_wait3A_20] : memref<8192x128xf32, #tpu.memory_space<hbm>> -> memref<128x128xf32, #tpu.memory_space<hbm>>
        %dma_wait3A_22 = arith.constant 0 : i32
        %dma_wait3A_23 = tpu.memref_slice %arg4[%add3A_11, %dma_wait3A_22] : memref<8192x128xf32, #tpu.memory_space<hbm>> -> memref<128x128xf32, #tpu.memory_space<hbm>>
        tpu.wait_dma2 semaphore(%run_scoped3A : memref<!tpu.dma_semaphore, #tpu.memory_space<semaphore_mem>>) src(%arg6 : memref<128x128xf32, #tpu.memory_space<vmem>>) dst(%dma_wait3A_23 : memref<128x128xf32, #tpu.memory_space<hbm>>)
        tpu.yield
      }) : () -> ()
    }
    %scan3A_7 = arith.constant 2 : i32
    return
  }
}

#map = affine_map<(d0, d1) -> (0, 0)>
#map1 = affine_map<(d0, d1) -> (0)>
module attributes {stable_mosaic.version = 14 : i64} {
  func.func @k(%arg0: i32, %arg1: i32, %arg2: memref<16384x128xf32, #tpu.memory_space<hbm>>, %arg3: memref<8192xi32, #tpu.memory_space<hbm>>, %arg4: memref<8192x128xf32, #tpu.memory_space<hbm>>, %arg5: memref<128xi32, #tpu.memory_space<vmem>>, %arg6: memref<128x128xf32, #tpu.memory_space<vmem>>, %arg7: memref<!tpu.dma_semaphore, #tpu.memory_space<semaphore_mem>>) attributes {dimension_semantics = [#tpu.dimension_semantics<core_parallel>, #tpu.dimension_semantics<subcore_parallel>], iteration_bounds = array<i64: 2, 16>, scalar_prefetch = 0 : i64, scratch_operands = 3 : i64, tpu.core_type = #tpu.core_type<sc_vector_subcore>, window_params = [{transform_indices = #map}, {transform_indices = #map1}, {transform_indices = #map}]} {
    %mul3A = arith.constant 2 : i32
    %mul3A_0 = arith.muli %arg1, %mul3A : i32
    %add3A = arith.addi %mul3A_0, %arg0 : i32
    %mul3A_1 = arith.constant 256 : i32
    %mul3A_2 = arith.muli %add3A, %mul3A_1 : i32
    %scan3A = arith.constant 0 : i32
    %scan3A_3 = arith.constant 0 : i32
    %scan3A_4 = arith.constant 2 : i32
    %scan3A_5 = arith.addi %scan3A_3, %scan3A_4 : i32
    %scan3A_6 = arith.constant 1 : i32
    scf.for %scan3A_8 = %scan3A_3 to %scan3A_5 step %scan3A_6  : i32 {
      %mul3A_9 = arith.constant 128 : i32
      %mul3A_10 = arith.muli %scan3A_8, %mul3A_9 : i32
      %add3A_11 = arith.addi %mul3A_2, %mul3A_10 : i32
      "tpu.region"() ({
        %run_scoped3A = tpu.sem_alloc : memref<!tpu.dma_semaphore, #tpu.memory_space<semaphore_mem>>
        %dma_start3A_16 = tpu.memref_slice %arg3[%add3A_11] : memref<8192xi32, #tpu.memory_space<hbm>> -> memref<128xi32, #tpu.memory_space<hbm>>
        %dma_start3A_17 = tpu.memref_slice %arg3[%add3A_11] : memref<8192xi32, #tpu.memory_space<hbm>> -> memref<128xi32, #tpu.memory_space<hbm>>
        tpu.enqueue_dma source(%dma_start3A_17 : memref<128xi32, #tpu.memory_space<hbm>>) target(%arg5 : memref<128xi32, #tpu.memory_space<vmem>>) target_semaphore(%run_scoped3A : memref<!tpu.dma_semaphore, #tpu.memory_space<semaphore_mem>>)
        %dma_wait3A_18 = tpu.memref_slice %arg3[%add3A_11] : memref<8192xi32, #tpu.memory_space<hbm>> -> memref<128xi32, #tpu.memory_space<hbm>>
        %dma_wait3A_19 = tpu.memref_slice %arg3[%add3A_11] : memref<8192xi32, #tpu.memory_space<hbm>> -> memref<128xi32, #tpu.memory_space<hbm>>
        tpu.wait_dma2 semaphore(%run_scoped3A : memref<!tpu.dma_semaphore, #tpu.memory_space<semaphore_mem>>) src(%dma_wait3A_19 : memref<128xi32, #tpu.memory_space<hbm>>) dst(%arg5 : memref<128xi32, #tpu.memory_space<vmem>>)
        tpu.yield
      }) : () -> ()
      %dma_start3A = arith.constant 0 : i32
      %dma_start3A_12 = arith.constant 0 : i32
      %dma_start3A_13 = tpu.memref_slice %arg2[%dma_start3A, %dma_start3A_12] : memref<16384x128xf32, #tpu.memory_space<hbm>> -> memref<16384x128xf32, #tpu.memory_space<hbm>>
      tpu.enqueue_indirect_dma source(%dma_start3A_13 : memref<16384x128xf32, #tpu.memory_space<hbm>>) target(%arg6 : memref<128x128xf32, #tpu.memory_space<vmem>>) offsets(%arg5 : memref<128xi32, #tpu.memory_space<vmem>>) semaphore(%arg7 : memref<!tpu.dma_semaphore, #tpu.memory_space<semaphore_mem>>)
      %dma_wait3A = arith.constant 0 : i32
      %dma_wait3A_14 = arith.constant 0 : i32
      %dma_wait3A_15 = tpu.memref_slice %arg2[%dma_wait3A, %dma_wait3A_14] : memref<16384x128xf32, #tpu.memory_space<hbm>> -> memref<16384x128xf32, #tpu.memory_space<hbm>>
      tpu.wait_indirect_dma semaphore(%arg7 : memref<!tpu.dma_semaphore, #tpu.memory_space<semaphore_mem>>) src(%dma_wait3A_15 : memref<16384x128xf32, #tpu.memory_space<hbm>>) dst(%arg6 : memref<128x128xf32, #tpu.memory_space<vmem>>)
      "tpu.region"() ({
        %run_scoped3A = tpu.sem_alloc : memref<!tpu.dma_semaphore, #tpu.memory_space<semaphore_mem>>
        %dma_start3A_16 = arith.constant 0 : i32
        %dma_start3A_17 = tpu.memref_slice %arg4[%add3A_11, %dma_start3A_16] : memref<8192x128xf32, #tpu.memory_space<hbm>> -> memref<128x128xf32, #tpu.memory_space<hbm>>
        %dma_start3A_18 = arith.constant 0 : i32
        %dma_start3A_19 = tpu.memref_slice %arg4[%add3A_11, %dma_start3A_18] : memref<8192x128xf32, #tpu.memory_space<hbm>> -> memref<128x128xf32, #tpu.memory_space<hbm>>
        tpu.enqueue_dma source(%arg6 : memref<128x128xf32, #tpu.memory_space<vmem>>) target(%dma_start3A_19 : memref<128x128xf32, #tpu.memory_space<hbm>>) target_semaphore(%run_scoped3A : memref<!tpu.dma_semaphore, #tpu.memory_space<semaphore_mem>>)
        %dma_wait3A_20 = arith.constant 0 : i32
        %dma_wait3A_21 = tpu.memref_slice %arg4[%add3A_11, %dma_wait3A_20] : memref<8192x128xf32, #tpu.memory_space<hbm>> -> memref<128x128xf32, #tpu.memory_space<hbm>>
        %dma_wait3A_22 = arith.constant 0 : i32
        %dma_wait3A_23 = tpu.memref_slice %arg4[%add3A_11, %dma_wait3A_22] : memref<8192x128xf32, #tpu.memory_space<hbm>> -> memref<128x128xf32, #tpu.memory_space<hbm>>
        tpu.wait_dma2 semaphore(%run_scoped3A : memref<!tpu.dma_semaphore, #tpu.memory_space<semaphore_mem>>) src(%arg6 : memref<128x128xf32, #tpu.memory_space<vmem>>) dst(%dma_wait3A_23 : memref<128x128xf32, #tpu.memory_space<hbm>>)
        tpu.yield
      }) : () -> ()
    }
    %scan3A_7 = arith.constant 2 : i32
    return
  }
}

#map = affine_map<(d0, d1) -> (0, 0)>
#map1 = affine_map<(d0, d1) -> (0)>
module attributes {stable_mosaic.version = 14 : i64} {
  func.func @k(%arg0: i32, %arg1: i32, %arg2: memref<16384x128xf32, #tpu.memory_space<hbm>>, %arg3: memref<262144xi32, #tpu.memory_space<hbm>>, %arg4: memref<262144x128xf32, #tpu.memory_space<hbm>>, %arg5: memref<128xi32, #tpu.memory_space<vmem>>, %arg6: memref<128x128xf32, #tpu.memory_space<vmem>>, %arg7: memref<!tpu.dma_semaphore, #tpu.memory_space<semaphore_mem>>) attributes {dimension_semantics = [#tpu.dimension_semantics<core_parallel>, #tpu.dimension_semantics<subcore_parallel>], iteration_bounds = array<i64: 2, 16>, scalar_prefetch = 0 : i64, scratch_operands = 3 : i64, tpu.core_type = #tpu.core_type<sc_vector_subcore>, window_params = [{transform_indices = #map}, {transform_indices = #map1}, {transform_indices = #map}]} {
    %mul3A = arith.constant 2 : i32
    %mul3A_0 = arith.muli %arg1, %mul3A : i32
    %add3A = arith.addi %mul3A_0, %arg0 : i32
    %mul3A_1 = arith.constant 8192 : i32
    %mul3A_2 = arith.muli %add3A, %mul3A_1 : i32
    %scan3A = arith.constant 0 : i32
    %scan3A_3 = arith.constant 0 : i32
    %scan3A_4 = arith.constant 64 : i32
    %scan3A_5 = arith.addi %scan3A_3, %scan3A_4 : i32
    %scan3A_6 = arith.constant 1 : i32
    scf.for %scan3A_8 = %scan3A_3 to %scan3A_5 step %scan3A_6  : i32 {
      %mul3A_9 = arith.constant 128 : i32
      %mul3A_10 = arith.muli %scan3A_8, %mul3A_9 : i32
      %add3A_11 = arith.addi %mul3A_2, %mul3A_10 : i32
      "tpu.region"() ({
        %run_scoped3A = tpu.sem_alloc : memref<!tpu.dma_semaphore, #tpu.memory_space<semaphore_mem>>
        %dma_start3A_16 = tpu.memref_slice %arg3[%add3A_11] : memref<262144xi32, #tpu.memory_space<hbm>> -> memref<128xi32, #tpu.memory_space<hbm>>
        %dma_start3A_17 = tpu.memref_slice %arg3[%add3A_11] : memref<262144xi32, #tpu.memory_space<hbm>> -> memref<128xi32, #tpu.memory_space<hbm>>
        tpu.enqueue_dma source(%dma_start3A_17 : memref<128xi32, #tpu.memory_space<hbm>>) target(%arg5 : memref<128xi32, #tpu.memory_space<vmem>>) target_semaphore(%run_scoped3A : memref<!tpu.dma_semaphore, #tpu.memory_space<semaphore_mem>>)
        %dma_wait3A_18 = tpu.memref_slice %arg3[%add3A_11] : memref<262144xi32, #tpu.memory_space<hbm>> -> memref<128xi32, #tpu.memory_space<hbm>>
        %dma_wait3A_19 = tpu.memref_slice %arg3[%add3A_11] : memref<262144xi32, #tpu.memory_space<hbm>> -> memref<128xi32, #tpu.memory_space<hbm>>
        tpu.wait_dma2 semaphore(%run_scoped3A : memref<!tpu.dma_semaphore, #tpu.memory_space<semaphore_mem>>) src(%dma_wait3A_19 : memref<128xi32, #tpu.memory_space<hbm>>) dst(%arg5 : memref<128xi32, #tpu.memory_space<vmem>>)
        tpu.yield
      }) : () -> ()
      %dma_start3A = arith.constant 0 : i32
      %dma_start3A_12 = arith.constant 0 : i32
      %dma_start3A_13 = tpu.memref_slice %arg2[%dma_start3A, %dma_start3A_12] : memref<16384x128xf32, #tpu.memory_space<hbm>> -> memref<16384x128xf32, #tpu.memory_space<hbm>>
      tpu.enqueue_indirect_dma source(%dma_start3A_13 : memref<16384x128xf32, #tpu.memory_space<hbm>>) target(%arg6 : memref<128x128xf32, #tpu.memory_space<vmem>>) offsets(%arg5 : memref<128xi32, #tpu.memory_space<vmem>>) semaphore(%arg7 : memref<!tpu.dma_semaphore, #tpu.memory_space<semaphore_mem>>)
      %dma_wait3A = arith.constant 0 : i32
      %dma_wait3A_14 = arith.constant 0 : i32
      %dma_wait3A_15 = tpu.memref_slice %arg2[%dma_wait3A, %dma_wait3A_14] : memref<16384x128xf32, #tpu.memory_space<hbm>> -> memref<16384x128xf32, #tpu.memory_space<hbm>>
      tpu.wait_indirect_dma semaphore(%arg7 : memref<!tpu.dma_semaphore, #tpu.memory_space<semaphore_mem>>) src(%dma_wait3A_15 : memref<16384x128xf32, #tpu.memory_space<hbm>>) dst(%arg6 : memref<128x128xf32, #tpu.memory_space<vmem>>)
      "tpu.region"() ({
        %run_scoped3A = tpu.sem_alloc : memref<!tpu.dma_semaphore, #tpu.memory_space<semaphore_mem>>
        %dma_start3A_16 = arith.constant 0 : i32
        %dma_start3A_17 = tpu.memref_slice %arg4[%add3A_11, %dma_start3A_16] : memref<262144x128xf32, #tpu.memory_space<hbm>> -> memref<128x128xf32, #tpu.memory_space<hbm>>
        %dma_start3A_18 = arith.constant 0 : i32
        %dma_start3A_19 = tpu.memref_slice %arg4[%add3A_11, %dma_start3A_18] : memref<262144x128xf32, #tpu.memory_space<hbm>> -> memref<128x128xf32, #tpu.memory_space<hbm>>
        tpu.enqueue_dma source(%arg6 : memref<128x128xf32, #tpu.memory_space<vmem>>) target(%dma_start3A_19 : memref<128x128xf32, #tpu.memory_space<hbm>>) target_semaphore(%run_scoped3A : memref<!tpu.dma_semaphore, #tpu.memory_space<semaphore_mem>>)
        %dma_wait3A_20 = arith.constant 0 : i32
        %dma_wait3A_21 = tpu.memref_slice %arg4[%add3A_11, %dma_wait3A_20] : memref<262144x128xf32, #tpu.memory_space<hbm>> -> memref<128x128xf32, #tpu.memory_space<hbm>>
        %dma_wait3A_22 = arith.constant 0 : i32
        %dma_wait3A_23 = tpu.memref_slice %arg4[%add3A_11, %dma_wait3A_22] : memref<262144x128xf32, #tpu.memory_space<hbm>> -> memref<128x128xf32, #tpu.memory_space<hbm>>
        tpu.wait_dma2 semaphore(%run_scoped3A : memref<!tpu.dma_semaphore, #tpu.memory_space<semaphore_mem>>) src(%arg6 : memref<128x128xf32, #tpu.memory_space<vmem>>) dst(%dma_wait3A_23 : memref<128x128xf32, #tpu.memory_space<hbm>>)
        tpu.yield
      }) : () -> ()
    }
    %scan3A_7 = arith.constant 64 : i32
    return
  }
}

#map = affine_map<(d0, d1) -> (0, 0)>
#map1 = affine_map<(d0, d1) -> (0)>
module attributes {stable_mosaic.version = 14 : i64} {
  func.func @k(%arg0: i32, %arg1: i32, %arg2: memref<8192x128xf32, #tpu.memory_space<hbm>>, %arg3: memref<2048xi32, #tpu.memory_space<hbm>>, %arg4: memref<2048x128xf32, #tpu.memory_space<hbm>>, %arg5: memref<64xi32, #tpu.memory_space<vmem>>, %arg6: memref<64x128xf32, #tpu.memory_space<vmem>>, %arg7: memref<!tpu.dma_semaphore, #tpu.memory_space<semaphore_mem>>) attributes {dimension_semantics = [#tpu.dimension_semantics<core_parallel>, #tpu.dimension_semantics<subcore_parallel>], iteration_bounds = array<i64: 2, 16>, scalar_prefetch = 0 : i64, scratch_operands = 3 : i64, tpu.core_type = #tpu.core_type<sc_vector_subcore>, window_params = [{transform_indices = #map}, {transform_indices = #map1}, {transform_indices = #map}]} {
    %mul3A = arith.constant 2 : i32
    %mul3A_0 = arith.muli %arg1, %mul3A : i32
    %add3A = arith.addi %mul3A_0, %arg0 : i32
    %mul3A_1 = arith.constant 64 : i32
    %mul3A_2 = arith.muli %add3A, %mul3A_1 : i32
    %scan3A = arith.constant 0 : i32
    %scan3A_3 = arith.constant 0 : i32
    %mul3A_4 = arith.constant 64 : i32
    %mul3A_5 = arith.muli %scan3A_3, %mul3A_4 : i32
    %add3A_6 = arith.addi %mul3A_2, %mul3A_5 : i32
    "tpu.region"() ({
      %run_scoped3A = tpu.sem_alloc : memref<!tpu.dma_semaphore, #tpu.memory_space<semaphore_mem>>
      %dma_start3A_12 = tpu.memref_slice %arg3[%add3A_6] : memref<2048xi32, #tpu.memory_space<hbm>> -> memref<64xi32, #tpu.memory_space<hbm>>
      %dma_start3A_13 = tpu.memref_slice %arg3[%add3A_6] : memref<2048xi32, #tpu.memory_space<hbm>> -> memref<64xi32, #tpu.memory_space<hbm>>
      tpu.enqueue_dma source(%dma_start3A_13 : memref<64xi32, #tpu.memory_space<hbm>>) target(%arg5 : memref<64xi32, #tpu.memory_space<vmem>>) target_semaphore(%run_scoped3A : memref<!tpu.dma_semaphore, #tpu.memory_space<semaphore_mem>>)
      %dma_wait3A_14 = tpu.memref_slice %arg3[%add3A_6] : memref<2048xi32, #tpu.memory_space<hbm>> -> memref<64xi32, #tpu.memory_space<hbm>>
      %dma_wait3A_15 = tpu.memref_slice %arg3[%add3A_6] : memref<2048xi32, #tpu.memory_space<hbm>> -> memref<64xi32, #tpu.memory_space<hbm>>
      tpu.wait_dma2 semaphore(%run_scoped3A : memref<!tpu.dma_semaphore, #tpu.memory_space<semaphore_mem>>) src(%dma_wait3A_15 : memref<64xi32, #tpu.memory_space<hbm>>) dst(%arg5 : memref<64xi32, #tpu.memory_space<vmem>>)
      tpu.yield
    }) : () -> ()
    %dma_start3A = arith.constant 0 : i32
    %dma_start3A_7 = arith.constant 0 : i32
    %dma_start3A_8 = tpu.memref_slice %arg2[%dma_start3A, %dma_start3A_7] : memref<8192x128xf32, #tpu.memory_space<hbm>> -> memref<8192x128xf32, #tpu.memory_space<hbm>>
    tpu.enqueue_indirect_dma source(%dma_start3A_8 : memref<8192x128xf32, #tpu.memory_space<hbm>>) target(%arg6 : memref<64x128xf32, #tpu.memory_space<vmem>>) offsets(%arg5 : memref<64xi32, #tpu.memory_space<vmem>>) semaphore(%arg7 : memref<!tpu.dma_semaphore, #tpu.memory_space<semaphore_mem>>)
    %dma_wait3A = arith.constant 0 : i32
    %dma_wait3A_9 = arith.constant 0 : i32
    %dma_wait3A_10 = tpu.memref_slice %arg2[%dma_wait3A, %dma_wait3A_9] : memref<8192x128xf32, #tpu.memory_space<hbm>> -> memref<8192x128xf32, #tpu.memory_space<hbm>>
    tpu.wait_indirect_dma semaphore(%arg7 : memref<!tpu.dma_semaphore, #tpu.memory_space<semaphore_mem>>) src(%dma_wait3A_10 : memref<8192x128xf32, #tpu.memory_space<hbm>>) dst(%arg6 : memref<64x128xf32, #tpu.memory_space<vmem>>)
    "tpu.region"() ({
      %run_scoped3A = tpu.sem_alloc : memref<!tpu.dma_semaphore, #tpu.memory_space<semaphore_mem>>
      %dma_start3A_12 = arith.constant 0 : i32
      %dma_start3A_13 = tpu.memref_slice %arg4[%add3A_6, %dma_start3A_12] : memref<2048x128xf32, #tpu.memory_space<hbm>> -> memref<64x128xf32, #tpu.memory_space<hbm>>
      %dma_start3A_14 = arith.constant 0 : i32
      %dma_start3A_15 = tpu.memref_slice %arg4[%add3A_6, %dma_start3A_14] : memref<2048x128xf32, #tpu.memory_space<hbm>> -> memref<64x128xf32, #tpu.memory_space<hbm>>
      tpu.enqueue_dma source(%arg6 : memref<64x128xf32, #tpu.memory_space<vmem>>) target(%dma_start3A_15 : memref<64x128xf32, #tpu.memory_space<hbm>>) target_semaphore(%run_scoped3A : memref<!tpu.dma_semaphore, #tpu.memory_space<semaphore_mem>>)
      %dma_wait3A_16 = arith.constant 0 : i32
      %dma_wait3A_17 = tpu.memref_slice %arg4[%add3A_6, %dma_wait3A_16] : memref<2048x128xf32, #tpu.memory_space<hbm>> -> memref<64x128xf32, #tpu.memory_space<hbm>>
      %dma_wait3A_18 = arith.constant 0 : i32
      %dma_wait3A_19 = tpu.memref_slice %arg4[%add3A_6, %dma_wait3A_18] : memref<2048x128xf32, #tpu.memory_space<hbm>> -> memref<64x128xf32, #tpu.memory_space<hbm>>
      tpu.wait_dma2 semaphore(%run_scoped3A : memref<!tpu.dma_semaphore, #tpu.memory_space<semaphore_mem>>) src(%arg6 : memref<64x128xf32, #tpu.memory_space<vmem>>) dst(%dma_wait3A_19 : memref<64x128xf32, #tpu.memory_space<hbm>>)
      tpu.yield
    }) : () -> ()
    %scan3A_11 = arith.constant 1 : i32
    return
  }
}

#map = affine_map<(d0, d1) -> (0, 0)>
#map1 = affine_map<(d0, d1) -> (0)>
module attributes {stable_mosaic.version = 14 : i64} {
  func.func @k(%arg0: i32, %arg1: i32, %arg2: memref<8192x128xf32, #tpu.memory_space<hbm>>, %arg3: memref<2048xi32, #tpu.memory_space<hbm>>, %arg4: memref<2048x128xf32, #tpu.memory_space<hbm>>, %arg5: memref<64xi32, #tpu.memory_space<vmem>>, %arg6: memref<64x128xf32, #tpu.memory_space<vmem>>, %arg7: memref<!tpu.dma_semaphore, #tpu.memory_space<semaphore_mem>>) attributes {dimension_semantics = [#tpu.dimension_semantics<core_parallel>, #tpu.dimension_semantics<subcore_parallel>], iteration_bounds = array<i64: 2, 16>, scalar_prefetch = 0 : i64, scratch_operands = 3 : i64, tpu.core_type = #tpu.core_type<sc_vector_subcore>, window_params = [{transform_indices = #map}, {transform_indices = #map1}, {transform_indices = #map}]} {
    %mul3A = arith.constant 2 : i32
    %mul3A_0 = arith.muli %arg1, %mul3A : i32
    %add3A = arith.addi %mul3A_0, %arg0 : i32
    %mul3A_1 = arith.constant 64 : i32
    %mul3A_2 = arith.muli %add3A, %mul3A_1 : i32
    %scan3A = arith.constant 0 : i32
    %scan3A_3 = arith.constant 0 : i32
    %mul3A_4 = arith.constant 64 : i32
    %mul3A_5 = arith.muli %scan3A_3, %mul3A_4 : i32
    %add3A_6 = arith.addi %mul3A_2, %mul3A_5 : i32
    "tpu.region"() ({
      %run_scoped3A = tpu.sem_alloc : memref<!tpu.dma_semaphore, #tpu.memory_space<semaphore_mem>>
      %dma_start3A_12 = tpu.memref_slice %arg3[%add3A_6] : memref<2048xi32, #tpu.memory_space<hbm>> -> memref<64xi32, #tpu.memory_space<hbm>>
      %dma_start3A_13 = tpu.memref_slice %arg3[%add3A_6] : memref<2048xi32, #tpu.memory_space<hbm>> -> memref<64xi32, #tpu.memory_space<hbm>>
      tpu.enqueue_dma source(%dma_start3A_13 : memref<64xi32, #tpu.memory_space<hbm>>) target(%arg5 : memref<64xi32, #tpu.memory_space<vmem>>) target_semaphore(%run_scoped3A : memref<!tpu.dma_semaphore, #tpu.memory_space<semaphore_mem>>)
      %dma_wait3A_14 = tpu.memref_slice %arg3[%add3A_6] : memref<2048xi32, #tpu.memory_space<hbm>> -> memref<64xi32, #tpu.memory_space<hbm>>
      %dma_wait3A_15 = tpu.memref_slice %arg3[%add3A_6] : memref<2048xi32, #tpu.memory_space<hbm>> -> memref<64xi32, #tpu.memory_space<hbm>>
      tpu.wait_dma2 semaphore(%run_scoped3A : memref<!tpu.dma_semaphore, #tpu.memory_space<semaphore_mem>>) src(%dma_wait3A_15 : memref<64xi32, #tpu.memory_space<hbm>>) dst(%arg5 : memref<64xi32, #tpu.memory_space<vmem>>)
      tpu.yield
    }) : () -> ()
    %dma_start3A = arith.constant 0 : i32
    %dma_start3A_7 = arith.constant 0 : i32
    %dma_start3A_8 = tpu.memref_slice %arg2[%dma_start3A, %dma_start3A_7] : memref<8192x128xf32, #tpu.memory_space<hbm>> -> memref<8192x128xf32, #tpu.memory_space<hbm>>
    tpu.enqueue_indirect_dma source(%dma_start3A_8 : memref<8192x128xf32, #tpu.memory_space<hbm>>) target(%arg6 : memref<64x128xf32, #tpu.memory_space<vmem>>) offsets(%arg5 : memref<64xi32, #tpu.memory_space<vmem>>) semaphore(%arg7 : memref<!tpu.dma_semaphore, #tpu.memory_space<semaphore_mem>>)
    %dma_wait3A = arith.constant 0 : i32
    %dma_wait3A_9 = arith.constant 0 : i32
    %dma_wait3A_10 = tpu.memref_slice %arg2[%dma_wait3A, %dma_wait3A_9] : memref<8192x128xf32, #tpu.memory_space<hbm>> -> memref<8192x128xf32, #tpu.memory_space<hbm>>
    tpu.wait_indirect_dma semaphore(%arg7 : memref<!tpu.dma_semaphore, #tpu.memory_space<semaphore_mem>>) src(%dma_wait3A_10 : memref<8192x128xf32, #tpu.memory_space<hbm>>) dst(%arg6 : memref<64x128xf32, #tpu.memory_space<vmem>>)
    "tpu.region"() ({
      %run_scoped3A = tpu.sem_alloc : memref<!tpu.dma_semaphore, #tpu.memory_space<semaphore_mem>>
      %dma_start3A_12 = arith.constant 0 : i32
      %dma_start3A_13 = tpu.memref_slice %arg4[%add3A_6, %dma_start3A_12] : memref<2048x128xf32, #tpu.memory_space<hbm>> -> memref<64x128xf32, #tpu.memory_space<hbm>>
      %dma_start3A_14 = arith.constant 0 : i32
      %dma_start3A_15 = tpu.memref_slice %arg4[%add3A_6, %dma_start3A_14] : memref<2048x128xf32, #tpu.memory_space<hbm>> -> memref<64x128xf32, #tpu.memory_space<hbm>>
      tpu.enqueue_dma source(%arg6 : memref<64x128xf32, #tpu.memory_space<vmem>>) target(%dma_start3A_15 : memref<64x128xf32, #tpu.memory_space<hbm>>) target_semaphore(%run_scoped3A : memref<!tpu.dma_semaphore, #tpu.memory_space<semaphore_mem>>)
      %dma_wait3A_16 = arith.constant 0 : i32
      %dma_wait3A_17 = tpu.memref_slice %arg4[%add3A_6, %dma_wait3A_16] : memref<2048x128xf32, #tpu.memory_space<hbm>> -> memref<64x128xf32, #tpu.memory_space<hbm>>
      %dma_wait3A_18 = arith.constant 0 : i32
      %dma_wait3A_19 = tpu.memref_slice %arg4[%add3A_6, %dma_wait3A_18] : memref<2048x128xf32, #tpu.memory_space<hbm>> -> memref<64x128xf32, #tpu.memory_space<hbm>>
      tpu.wait_dma2 semaphore(%run_scoped3A : memref<!tpu.dma_semaphore, #tpu.memory_space<semaphore_mem>>) src(%arg6 : memref<64x128xf32, #tpu.memory_space<vmem>>) dst(%dma_wait3A_19 : memref<64x128xf32, #tpu.memory_space<hbm>>)
      tpu.yield
    }) : () -> ()
    %scan3A_11 = arith.constant 1 : i32
    return
  }
}

#map = affine_map<(d0, d1) -> (0, 0)>
#map1 = affine_map<(d0, d1) -> (0)>
module attributes {stable_mosaic.version = 14 : i64} {
  func.func @k(%arg0: i32, %arg1: i32, %arg2: memref<8192x128xf32, #tpu.memory_space<hbm>>, %arg3: memref<65536xi32, #tpu.memory_space<hbm>>, %arg4: memref<65536x128xf32, #tpu.memory_space<hbm>>, %arg5: memref<128xi32, #tpu.memory_space<vmem>>, %arg6: memref<128x128xf32, #tpu.memory_space<vmem>>, %arg7: memref<!tpu.dma_semaphore, #tpu.memory_space<semaphore_mem>>) attributes {dimension_semantics = [#tpu.dimension_semantics<core_parallel>, #tpu.dimension_semantics<subcore_parallel>], iteration_bounds = array<i64: 2, 16>, scalar_prefetch = 0 : i64, scratch_operands = 3 : i64, tpu.core_type = #tpu.core_type<sc_vector_subcore>, window_params = [{transform_indices = #map}, {transform_indices = #map1}, {transform_indices = #map}]} {
    %mul3A = arith.constant 2 : i32
    %mul3A_0 = arith.muli %arg1, %mul3A : i32
    %add3A = arith.addi %mul3A_0, %arg0 : i32
    %mul3A_1 = arith.constant 2048 : i32
    %mul3A_2 = arith.muli %add3A, %mul3A_1 : i32
    %scan3A = arith.constant 0 : i32
    %scan3A_3 = arith.constant 0 : i32
    %scan3A_4 = arith.constant 16 : i32
    %scan3A_5 = arith.addi %scan3A_3, %scan3A_4 : i32
    %scan3A_6 = arith.constant 1 : i32
    scf.for %scan3A_8 = %scan3A_3 to %scan3A_5 step %scan3A_6  : i32 {
      %mul3A_9 = arith.constant 128 : i32
      %mul3A_10 = arith.muli %scan3A_8, %mul3A_9 : i32
      %add3A_11 = arith.addi %mul3A_2, %mul3A_10 : i32
      "tpu.region"() ({
        %run_scoped3A = tpu.sem_alloc : memref<!tpu.dma_semaphore, #tpu.memory_space<semaphore_mem>>
        %dma_start3A_16 = tpu.memref_slice %arg3[%add3A_11] : memref<65536xi32, #tpu.memory_space<hbm>> -> memref<128xi32, #tpu.memory_space<hbm>>
        %dma_start3A_17 = tpu.memref_slice %arg3[%add3A_11] : memref<65536xi32, #tpu.memory_space<hbm>> -> memref<128xi32, #tpu.memory_space<hbm>>
        tpu.enqueue_dma source(%dma_start3A_17 : memref<128xi32, #tpu.memory_space<hbm>>) target(%arg5 : memref<128xi32, #tpu.memory_space<vmem>>) target_semaphore(%run_scoped3A : memref<!tpu.dma_semaphore, #tpu.memory_space<semaphore_mem>>)
        %dma_wait3A_18 = tpu.memref_slice %arg3[%add3A_11] : memref<65536xi32, #tpu.memory_space<hbm>> -> memref<128xi32, #tpu.memory_space<hbm>>
        %dma_wait3A_19 = tpu.memref_slice %arg3[%add3A_11] : memref<65536xi32, #tpu.memory_space<hbm>> -> memref<128xi32, #tpu.memory_space<hbm>>
        tpu.wait_dma2 semaphore(%run_scoped3A : memref<!tpu.dma_semaphore, #tpu.memory_space<semaphore_mem>>) src(%dma_wait3A_19 : memref<128xi32, #tpu.memory_space<hbm>>) dst(%arg5 : memref<128xi32, #tpu.memory_space<vmem>>)
        tpu.yield
      }) : () -> ()
      %dma_start3A = arith.constant 0 : i32
      %dma_start3A_12 = arith.constant 0 : i32
      %dma_start3A_13 = tpu.memref_slice %arg2[%dma_start3A, %dma_start3A_12] : memref<8192x128xf32, #tpu.memory_space<hbm>> -> memref<8192x128xf32, #tpu.memory_space<hbm>>
      tpu.enqueue_indirect_dma source(%dma_start3A_13 : memref<8192x128xf32, #tpu.memory_space<hbm>>) target(%arg6 : memref<128x128xf32, #tpu.memory_space<vmem>>) offsets(%arg5 : memref<128xi32, #tpu.memory_space<vmem>>) semaphore(%arg7 : memref<!tpu.dma_semaphore, #tpu.memory_space<semaphore_mem>>)
      %dma_wait3A = arith.constant 0 : i32
      %dma_wait3A_14 = arith.constant 0 : i32
      %dma_wait3A_15 = tpu.memref_slice %arg2[%dma_wait3A, %dma_wait3A_14] : memref<8192x128xf32, #tpu.memory_space<hbm>> -> memref<8192x128xf32, #tpu.memory_space<hbm>>
      tpu.wait_indirect_dma semaphore(%arg7 : memref<!tpu.dma_semaphore, #tpu.memory_space<semaphore_mem>>) src(%dma_wait3A_15 : memref<8192x128xf32, #tpu.memory_space<hbm>>) dst(%arg6 : memref<128x128xf32, #tpu.memory_space<vmem>>)
      "tpu.region"() ({
        %run_scoped3A = tpu.sem_alloc : memref<!tpu.dma_semaphore, #tpu.memory_space<semaphore_mem>>
        %dma_start3A_16 = arith.constant 0 : i32
        %dma_start3A_17 = tpu.memref_slice %arg4[%add3A_11, %dma_start3A_16] : memref<65536x128xf32, #tpu.memory_space<hbm>> -> memref<128x128xf32, #tpu.memory_space<hbm>>
        %dma_start3A_18 = arith.constant 0 : i32
        %dma_start3A_19 = tpu.memref_slice %arg4[%add3A_11, %dma_start3A_18] : memref<65536x128xf32, #tpu.memory_space<hbm>> -> memref<128x128xf32, #tpu.memory_space<hbm>>
        tpu.enqueue_dma source(%arg6 : memref<128x128xf32, #tpu.memory_space<vmem>>) target(%dma_start3A_19 : memref<128x128xf32, #tpu.memory_space<hbm>>) target_semaphore(%run_scoped3A : memref<!tpu.dma_semaphore, #tpu.memory_space<semaphore_mem>>)
        %dma_wait3A_20 = arith.constant 0 : i32
        %dma_wait3A_21 = tpu.memref_slice %arg4[%add3A_11, %dma_wait3A_20] : memref<65536x128xf32, #tpu.memory_space<hbm>> -> memref<128x128xf32, #tpu.memory_space<hbm>>
        %dma_wait3A_22 = arith.constant 0 : i32
        %dma_wait3A_23 = tpu.memref_slice %arg4[%add3A_11, %dma_wait3A_22] : memref<65536x128xf32, #tpu.memory_space<hbm>> -> memref<128x128xf32, #tpu.memory_space<hbm>>
        tpu.wait_dma2 semaphore(%run_scoped3A : memref<!tpu.dma_semaphore, #tpu.memory_space<semaphore_mem>>) src(%arg6 : memref<128x128xf32, #tpu.memory_space<vmem>>) dst(%dma_wait3A_23 : memref<128x128xf32, #tpu.memory_space<hbm>>)
        tpu.yield
      }) : () -> ()
    }
    %scan3A_7 = arith.constant 16 : i32
    return
  }
}

#map = affine_map<(d0, d1) -> (0, 0)>
#map1 = affine_map<(d0, d1) -> (0)>
module attributes {stable_mosaic.version = 14 : i64} {
  func.func @k(%arg0: i32, %arg1: i32, %arg2: memref<8192x128xf32, #tpu.memory_space<hbm>>, %arg3: memref<65536xi32, #tpu.memory_space<hbm>>, %arg4: memref<65536x128xf32, #tpu.memory_space<hbm>>, %arg5: memref<128xi32, #tpu.memory_space<vmem>>, %arg6: memref<128x128xf32, #tpu.memory_space<vmem>>, %arg7: memref<!tpu.dma_semaphore, #tpu.memory_space<semaphore_mem>>) attributes {dimension_semantics = [#tpu.dimension_semantics<core_parallel>, #tpu.dimension_semantics<subcore_parallel>], iteration_bounds = array<i64: 2, 16>, scalar_prefetch = 0 : i64, scratch_operands = 3 : i64, tpu.core_type = #tpu.core_type<sc_vector_subcore>, window_params = [{transform_indices = #map}, {transform_indices = #map1}, {transform_indices = #map}]} {
    %mul3A = arith.constant 2 : i32
    %mul3A_0 = arith.muli %arg1, %mul3A : i32
    %add3A = arith.addi %mul3A_0, %arg0 : i32
    %mul3A_1 = arith.constant 2048 : i32
    %mul3A_2 = arith.muli %add3A, %mul3A_1 : i32
    %scan3A = arith.constant 0 : i32
    %scan3A_3 = arith.constant 0 : i32
    %scan3A_4 = arith.constant 16 : i32
    %scan3A_5 = arith.addi %scan3A_3, %scan3A_4 : i32
    %scan3A_6 = arith.constant 1 : i32
    scf.for %scan3A_8 = %scan3A_3 to %scan3A_5 step %scan3A_6  : i32 {
      %mul3A_9 = arith.constant 128 : i32
      %mul3A_10 = arith.muli %scan3A_8, %mul3A_9 : i32
      %add3A_11 = arith.addi %mul3A_2, %mul3A_10 : i32
      "tpu.region"() ({
        %run_scoped3A = tpu.sem_alloc : memref<!tpu.dma_semaphore, #tpu.memory_space<semaphore_mem>>
        %dma_start3A_16 = tpu.memref_slice %arg3[%add3A_11] : memref<65536xi32, #tpu.memory_space<hbm>> -> memref<128xi32, #tpu.memory_space<hbm>>
        %dma_start3A_17 = tpu.memref_slice %arg3[%add3A_11] : memref<65536xi32, #tpu.memory_space<hbm>> -> memref<128xi32, #tpu.memory_space<hbm>>
        tpu.enqueue_dma source(%dma_start3A_17 : memref<128xi32, #tpu.memory_space<hbm>>) target(%arg5 : memref<128xi32, #tpu.memory_space<vmem>>) target_semaphore(%run_scoped3A : memref<!tpu.dma_semaphore, #tpu.memory_space<semaphore_mem>>)
        %dma_wait3A_18 = tpu.memref_slice %arg3[%add3A_11] : memref<65536xi32, #tpu.memory_space<hbm>> -> memref<128xi32, #tpu.memory_space<hbm>>
        %dma_wait3A_19 = tpu.memref_slice %arg3[%add3A_11] : memref<65536xi32, #tpu.memory_space<hbm>> -> memref<128xi32, #tpu.memory_space<hbm>>
        tpu.wait_dma2 semaphore(%run_scoped3A : memref<!tpu.dma_semaphore, #tpu.memory_space<semaphore_mem>>) src(%dma_wait3A_19 : memref<128xi32, #tpu.memory_space<hbm>>) dst(%arg5 : memref<128xi32, #tpu.memory_space<vmem>>)
        tpu.yield
      }) : () -> ()
      %dma_start3A = arith.constant 0 : i32
      %dma_start3A_12 = arith.constant 0 : i32
      %dma_start3A_13 = tpu.memref_slice %arg2[%dma_start3A, %dma_start3A_12] : memref<8192x128xf32, #tpu.memory_space<hbm>> -> memref<8192x128xf32, #tpu.memory_space<hbm>>
      tpu.enqueue_indirect_dma source(%dma_start3A_13 : memref<8192x128xf32, #tpu.memory_space<hbm>>) target(%arg6 : memref<128x128xf32, #tpu.memory_space<vmem>>) offsets(%arg5 : memref<128xi32, #tpu.memory_space<vmem>>) semaphore(%arg7 : memref<!tpu.dma_semaphore, #tpu.memory_space<semaphore_mem>>)
      %dma_wait3A = arith.constant 0 : i32
      %dma_wait3A_14 = arith.constant 0 : i32
      %dma_wait3A_15 = tpu.memref_slice %arg2[%dma_wait3A, %dma_wait3A_14] : memref<8192x128xf32, #tpu.memory_space<hbm>> -> memref<8192x128xf32, #tpu.memory_space<hbm>>
      tpu.wait_indirect_dma semaphore(%arg7 : memref<!tpu.dma_semaphore, #tpu.memory_space<semaphore_mem>>) src(%dma_wait3A_15 : memref<8192x128xf32, #tpu.memory_space<hbm>>) dst(%arg6 : memref<128x128xf32, #tpu.memory_space<vmem>>)
      "tpu.region"() ({
        %run_scoped3A = tpu.sem_alloc : memref<!tpu.dma_semaphore, #tpu.memory_space<semaphore_mem>>
        %dma_start3A_16 = arith.constant 0 : i32
        %dma_start3A_17 = tpu.memref_slice %arg4[%add3A_11, %dma_start3A_16] : memref<65536x128xf32, #tpu.memory_space<hbm>> -> memref<128x128xf32, #tpu.memory_space<hbm>>
        %dma_start3A_18 = arith.constant 0 : i32
        %dma_start3A_19 = tpu.memref_slice %arg4[%add3A_11, %dma_start3A_18] : memref<65536x128xf32, #tpu.memory_space<hbm>> -> memref<128x128xf32, #tpu.memory_space<hbm>>
        tpu.enqueue_dma source(%arg6 : memref<128x128xf32, #tpu.memory_space<vmem>>) target(%dma_start3A_19 : memref<128x128xf32, #tpu.memory_space<hbm>>) target_semaphore(%run_scoped3A : memref<!tpu.dma_semaphore, #tpu.memory_space<semaphore_mem>>)
        %dma_wait3A_20 = arith.constant 0 : i32
        %dma_wait3A_21 = tpu.memref_slice %arg4[%add3A_11, %dma_wait3A_20] : memref<65536x128xf32, #tpu.memory_space<hbm>> -> memref<128x128xf32, #tpu.memory_space<hbm>>
        %dma_wait3A_22 = arith.constant 0 : i32
        %dma_wait3A_23 = tpu.memref_slice %arg4[%add3A_11, %dma_wait3A_22] : memref<65536x128xf32, #tpu.memory_space<hbm>> -> memref<128x128xf32, #tpu.memory_space<hbm>>
        tpu.wait_dma2 semaphore(%run_scoped3A : memref<!tpu.dma_semaphore, #tpu.memory_space<semaphore_mem>>) src(%arg6 : memref<128x128xf32, #tpu.memory_space<vmem>>) dst(%dma_wait3A_23 : memref<128x128xf32, #tpu.memory_space<hbm>>)
        tpu.yield
      }) : () -> ()
    }
    %scan3A_7 = arith.constant 16 : i32
    return
  }
}

#map = affine_map<(d0, d1) -> (0, 0)>
#map1 = affine_map<(d0, d1) -> (0)>
module attributes {stable_mosaic.version = 14 : i64} {
  func.func @k(%arg0: i32, %arg1: i32, %arg2: memref<2048x128xf32, #tpu.memory_space<hbm>>, %arg3: memref<65536xi32, #tpu.memory_space<hbm>>, %arg4: memref<65536x128xf32, #tpu.memory_space<hbm>>, %arg5: memref<128xi32, #tpu.memory_space<vmem>>, %arg6: memref<128x128xf32, #tpu.memory_space<vmem>>, %arg7: memref<!tpu.dma_semaphore, #tpu.memory_space<semaphore_mem>>) attributes {dimension_semantics = [#tpu.dimension_semantics<core_parallel>, #tpu.dimension_semantics<subcore_parallel>], iteration_bounds = array<i64: 2, 16>, scalar_prefetch = 0 : i64, scratch_operands = 3 : i64, tpu.core_type = #tpu.core_type<sc_vector_subcore>, window_params = [{transform_indices = #map}, {transform_indices = #map1}, {transform_indices = #map}]} {
    %mul3A = arith.constant 2 : i32
    %mul3A_0 = arith.muli %arg1, %mul3A : i32
    %add3A = arith.addi %mul3A_0, %arg0 : i32
    %mul3A_1 = arith.constant 2048 : i32
    %mul3A_2 = arith.muli %add3A, %mul3A_1 : i32
    %scan3A = arith.constant 0 : i32
    %scan3A_3 = arith.constant 0 : i32
    %scan3A_4 = arith.constant 16 : i32
    %scan3A_5 = arith.addi %scan3A_3, %scan3A_4 : i32
    %scan3A_6 = arith.constant 1 : i32
    scf.for %scan3A_8 = %scan3A_3 to %scan3A_5 step %scan3A_6  : i32 {
      %mul3A_9 = arith.constant 128 : i32
      %mul3A_10 = arith.muli %scan3A_8, %mul3A_9 : i32
      %add3A_11 = arith.addi %mul3A_2, %mul3A_10 : i32
      "tpu.region"() ({
        %run_scoped3A = tpu.sem_alloc : memref<!tpu.dma_semaphore, #tpu.memory_space<semaphore_mem>>
        %dma_start3A_16 = tpu.memref_slice %arg3[%add3A_11] : memref<65536xi32, #tpu.memory_space<hbm>> -> memref<128xi32, #tpu.memory_space<hbm>>
        %dma_start3A_17 = tpu.memref_slice %arg3[%add3A_11] : memref<65536xi32, #tpu.memory_space<hbm>> -> memref<128xi32, #tpu.memory_space<hbm>>
        tpu.enqueue_dma source(%dma_start3A_17 : memref<128xi32, #tpu.memory_space<hbm>>) target(%arg5 : memref<128xi32, #tpu.memory_space<vmem>>) target_semaphore(%run_scoped3A : memref<!tpu.dma_semaphore, #tpu.memory_space<semaphore_mem>>)
        %dma_wait3A_18 = tpu.memref_slice %arg3[%add3A_11] : memref<65536xi32, #tpu.memory_space<hbm>> -> memref<128xi32, #tpu.memory_space<hbm>>
        %dma_wait3A_19 = tpu.memref_slice %arg3[%add3A_11] : memref<65536xi32, #tpu.memory_space<hbm>> -> memref<128xi32, #tpu.memory_space<hbm>>
        tpu.wait_dma2 semaphore(%run_scoped3A : memref<!tpu.dma_semaphore, #tpu.memory_space<semaphore_mem>>) src(%dma_wait3A_19 : memref<128xi32, #tpu.memory_space<hbm>>) dst(%arg5 : memref<128xi32, #tpu.memory_space<vmem>>)
        tpu.yield
      }) : () -> ()
      %dma_start3A = arith.constant 0 : i32
      %dma_start3A_12 = arith.constant 0 : i32
      %dma_start3A_13 = tpu.memref_slice %arg2[%dma_start3A, %dma_start3A_12] : memref<2048x128xf32, #tpu.memory_space<hbm>> -> memref<2048x128xf32, #tpu.memory_space<hbm>>
      tpu.enqueue_indirect_dma source(%dma_start3A_13 : memref<2048x128xf32, #tpu.memory_space<hbm>>) target(%arg6 : memref<128x128xf32, #tpu.memory_space<vmem>>) offsets(%arg5 : memref<128xi32, #tpu.memory_space<vmem>>) semaphore(%arg7 : memref<!tpu.dma_semaphore, #tpu.memory_space<semaphore_mem>>)
      %dma_wait3A = arith.constant 0 : i32
      %dma_wait3A_14 = arith.constant 0 : i32
      %dma_wait3A_15 = tpu.memref_slice %arg2[%dma_wait3A, %dma_wait3A_14] : memref<2048x128xf32, #tpu.memory_space<hbm>> -> memref<2048x128xf32, #tpu.memory_space<hbm>>
      tpu.wait_indirect_dma semaphore(%arg7 : memref<!tpu.dma_semaphore, #tpu.memory_space<semaphore_mem>>) src(%dma_wait3A_15 : memref<2048x128xf32, #tpu.memory_space<hbm>>) dst(%arg6 : memref<128x128xf32, #tpu.memory_space<vmem>>)
      "tpu.region"() ({
        %run_scoped3A = tpu.sem_alloc : memref<!tpu.dma_semaphore, #tpu.memory_space<semaphore_mem>>
        %dma_start3A_16 = arith.constant 0 : i32
        %dma_start3A_17 = tpu.memref_slice %arg4[%add3A_11, %dma_start3A_16] : memref<65536x128xf32, #tpu.memory_space<hbm>> -> memref<128x128xf32, #tpu.memory_space<hbm>>
        %dma_start3A_18 = arith.constant 0 : i32
        %dma_start3A_19 = tpu.memref_slice %arg4[%add3A_11, %dma_start3A_18] : memref<65536x128xf32, #tpu.memory_space<hbm>> -> memref<128x128xf32, #tpu.memory_space<hbm>>
        tpu.enqueue_dma source(%arg6 : memref<128x128xf32, #tpu.memory_space<vmem>>) target(%dma_start3A_19 : memref<128x128xf32, #tpu.memory_space<hbm>>) target_semaphore(%run_scoped3A : memref<!tpu.dma_semaphore, #tpu.memory_space<semaphore_mem>>)
        %dma_wait3A_20 = arith.constant 0 : i32
        %dma_wait3A_21 = tpu.memref_slice %arg4[%add3A_11, %dma_wait3A_20] : memref<65536x128xf32, #tpu.memory_space<hbm>> -> memref<128x128xf32, #tpu.memory_space<hbm>>
        %dma_wait3A_22 = arith.constant 0 : i32
        %dma_wait3A_23 = tpu.memref_slice %arg4[%add3A_11, %dma_wait3A_22] : memref<65536x128xf32, #tpu.memory_space<hbm>> -> memref<128x128xf32, #tpu.memory_space<hbm>>
        tpu.wait_dma2 semaphore(%run_scoped3A : memref<!tpu.dma_semaphore, #tpu.memory_space<semaphore_mem>>) src(%arg6 : memref<128x128xf32, #tpu.memory_space<vmem>>) dst(%dma_wait3A_23 : memref<128x128xf32, #tpu.memory_space<hbm>>)
        tpu.yield
      }) : () -> ()
    }
    %scan3A_7 = arith.constant 16 : i32
    return
  }
}

#map = affine_map<(d0, d1) -> (0, 0)>
#map1 = affine_map<(d0, d1) -> (0)>
module attributes {stable_mosaic.version = 14 : i64} {
  func.func @k(%arg0: i32, %arg1: i32, %arg2: memref<2048x128xf32, #tpu.memory_space<hbm>>, %arg3: memref<65536xi32, #tpu.memory_space<hbm>>, %arg4: memref<65536x128xf32, #tpu.memory_space<hbm>>, %arg5: memref<128xi32, #tpu.memory_space<vmem>>, %arg6: memref<128x128xf32, #tpu.memory_space<vmem>>, %arg7: memref<!tpu.dma_semaphore, #tpu.memory_space<semaphore_mem>>) attributes {dimension_semantics = [#tpu.dimension_semantics<core_parallel>, #tpu.dimension_semantics<subcore_parallel>], iteration_bounds = array<i64: 2, 16>, scalar_prefetch = 0 : i64, scratch_operands = 3 : i64, tpu.core_type = #tpu.core_type<sc_vector_subcore>, window_params = [{transform_indices = #map}, {transform_indices = #map1}, {transform_indices = #map}]} {
    %mul3A = arith.constant 2 : i32
    %mul3A_0 = arith.muli %arg1, %mul3A : i32
    %add3A = arith.addi %mul3A_0, %arg0 : i32
    %mul3A_1 = arith.constant 2048 : i32
    %mul3A_2 = arith.muli %add3A, %mul3A_1 : i32
    %scan3A = arith.constant 0 : i32
    %scan3A_3 = arith.constant 0 : i32
    %scan3A_4 = arith.constant 16 : i32
    %scan3A_5 = arith.addi %scan3A_3, %scan3A_4 : i32
    %scan3A_6 = arith.constant 1 : i32
    scf.for %scan3A_8 = %scan3A_3 to %scan3A_5 step %scan3A_6  : i32 {
      %mul3A_9 = arith.constant 128 : i32
      %mul3A_10 = arith.muli %scan3A_8, %mul3A_9 : i32
      %add3A_11 = arith.addi %mul3A_2, %mul3A_10 : i32
      "tpu.region"() ({
        %run_scoped3A = tpu.sem_alloc : memref<!tpu.dma_semaphore, #tpu.memory_space<semaphore_mem>>
        %dma_start3A_16 = tpu.memref_slice %arg3[%add3A_11] : memref<65536xi32, #tpu.memory_space<hbm>> -> memref<128xi32, #tpu.memory_space<hbm>>
        %dma_start3A_17 = tpu.memref_slice %arg3[%add3A_11] : memref<65536xi32, #tpu.memory_space<hbm>> -> memref<128xi32, #tpu.memory_space<hbm>>
        tpu.enqueue_dma source(%dma_start3A_17 : memref<128xi32, #tpu.memory_space<hbm>>) target(%arg5 : memref<128xi32, #tpu.memory_space<vmem>>) target_semaphore(%run_scoped3A : memref<!tpu.dma_semaphore, #tpu.memory_space<semaphore_mem>>)
        %dma_wait3A_18 = tpu.memref_slice %arg3[%add3A_11] : memref<65536xi32, #tpu.memory_space<hbm>> -> memref<128xi32, #tpu.memory_space<hbm>>
        %dma_wait3A_19 = tpu.memref_slice %arg3[%add3A_11] : memref<65536xi32, #tpu.memory_space<hbm>> -> memref<128xi32, #tpu.memory_space<hbm>>
        tpu.wait_dma2 semaphore(%run_scoped3A : memref<!tpu.dma_semaphore, #tpu.memory_space<semaphore_mem>>) src(%dma_wait3A_19 : memref<128xi32, #tpu.memory_space<hbm>>) dst(%arg5 : memref<128xi32, #tpu.memory_space<vmem>>)
        tpu.yield
      }) : () -> ()
      %dma_start3A = arith.constant 0 : i32
      %dma_start3A_12 = arith.constant 0 : i32
      %dma_start3A_13 = tpu.memref_slice %arg2[%dma_start3A, %dma_start3A_12] : memref<2048x128xf32, #tpu.memory_space<hbm>> -> memref<2048x128xf32, #tpu.memory_space<hbm>>
      tpu.enqueue_indirect_dma source(%dma_start3A_13 : memref<2048x128xf32, #tpu.memory_space<hbm>>) target(%arg6 : memref<128x128xf32, #tpu.memory_space<vmem>>) offsets(%arg5 : memref<128xi32, #tpu.memory_space<vmem>>) semaphore(%arg7 : memref<!tpu.dma_semaphore, #tpu.memory_space<semaphore_mem>>)
      %dma_wait3A = arith.constant 0 : i32
      %dma_wait3A_14 = arith.constant 0 : i32
      %dma_wait3A_15 = tpu.memref_slice %arg2[%dma_wait3A, %dma_wait3A_14] : memref<2048x128xf32, #tpu.memory_space<hbm>> -> memref<2048x128xf32, #tpu.memory_space<hbm>>
      tpu.wait_indirect_dma semaphore(%arg7 : memref<!tpu.dma_semaphore, #tpu.memory_space<semaphore_mem>>) src(%dma_wait3A_15 : memref<2048x128xf32, #tpu.memory_space<hbm>>) dst(%arg6 : memref<128x128xf32, #tpu.memory_space<vmem>>)
      "tpu.region"() ({
        %run_scoped3A = tpu.sem_alloc : memref<!tpu.dma_semaphore, #tpu.memory_space<semaphore_mem>>
        %dma_start3A_16 = arith.constant 0 : i32
        %dma_start3A_17 = tpu.memref_slice %arg4[%add3A_11, %dma_start3A_16] : memref<65536x128xf32, #tpu.memory_space<hbm>> -> memref<128x128xf32, #tpu.memory_space<hbm>>
        %dma_start3A_18 = arith.constant 0 : i32
        %dma_start3A_19 = tpu.memref_slice %arg4[%add3A_11, %dma_start3A_18] : memref<65536x128xf32, #tpu.memory_space<hbm>> -> memref<128x128xf32, #tpu.memory_space<hbm>>
        tpu.enqueue_dma source(%arg6 : memref<128x128xf32, #tpu.memory_space<vmem>>) target(%dma_start3A_19 : memref<128x128xf32, #tpu.memory_space<hbm>>) target_semaphore(%run_scoped3A : memref<!tpu.dma_semaphore, #tpu.memory_space<semaphore_mem>>)
        %dma_wait3A_20 = arith.constant 0 : i32
        %dma_wait3A_21 = tpu.memref_slice %arg4[%add3A_11, %dma_wait3A_20] : memref<65536x128xf32, #tpu.memory_space<hbm>> -> memref<128x128xf32, #tpu.memory_space<hbm>>
        %dma_wait3A_22 = arith.constant 0 : i32
        %dma_wait3A_23 = tpu.memref_slice %arg4[%add3A_11, %dma_wait3A_22] : memref<65536x128xf32, #tpu.memory_space<hbm>> -> memref<128x128xf32, #tpu.memory_space<hbm>>
        tpu.wait_dma2 semaphore(%run_scoped3A : memref<!tpu.dma_semaphore, #tpu.memory_space<semaphore_mem>>) src(%arg6 : memref<128x128xf32, #tpu.memory_space<vmem>>) dst(%dma_wait3A_23 : memref<128x128xf32, #tpu.memory_space<hbm>>)
        tpu.yield
      }) : () -> ()
    }
    %scan3A_7 = arith.constant 16 : i32
    return
  }
}

#map = affine_map<(d0, d1) -> (0, 0)>
#map1 = affine_map<(d0, d1) -> (0)>
module attributes {stable_mosaic.version = 14 : i64} {
  func.func @k(%arg0: i32, %arg1: i32, %arg2: memref<8192x128xf32, #tpu.memory_space<hbm>>, %arg3: memref<49152xi32, #tpu.memory_space<hbm>>, %arg4: memref<49152x128xf32, #tpu.memory_space<hbm>>, %arg5: memref<128xi32, #tpu.memory_space<vmem>>, %arg6: memref<128x128xf32, #tpu.memory_space<vmem>>, %arg7: memref<!tpu.dma_semaphore, #tpu.memory_space<semaphore_mem>>) attributes {dimension_semantics = [#tpu.dimension_semantics<core_parallel>, #tpu.dimension_semantics<subcore_parallel>], iteration_bounds = array<i64: 2, 16>, scalar_prefetch = 0 : i64, scratch_operands = 3 : i64, tpu.core_type = #tpu.core_type<sc_vector_subcore>, window_params = [{transform_indices = #map}, {transform_indices = #map1}, {transform_indices = #map}]} {
    %mul3A = arith.constant 2 : i32
    %mul3A_0 = arith.muli %arg1, %mul3A : i32
    %add3A = arith.addi %mul3A_0, %arg0 : i32
    %mul3A_1 = arith.constant 1536 : i32
    %mul3A_2 = arith.muli %add3A, %mul3A_1 : i32
    %scan3A = arith.constant 0 : i32
    %scan3A_3 = arith.constant 0 : i32
    %scan3A_4 = arith.constant 12 : i32
    %scan3A_5 = arith.addi %scan3A_3, %scan3A_4 : i32
    %scan3A_6 = arith.constant 1 : i32
    scf.for %scan3A_8 = %scan3A_3 to %scan3A_5 step %scan3A_6  : i32 {
      %mul3A_9 = arith.constant 128 : i32
      %mul3A_10 = arith.muli %scan3A_8, %mul3A_9 : i32
      %add3A_11 = arith.addi %mul3A_2, %mul3A_10 : i32
      "tpu.region"() ({
        %run_scoped3A = tpu.sem_alloc : memref<!tpu.dma_semaphore, #tpu.memory_space<semaphore_mem>>
        %dma_start3A_16 = tpu.memref_slice %arg3[%add3A_11] : memref<49152xi32, #tpu.memory_space<hbm>> -> memref<128xi32, #tpu.memory_space<hbm>>
        %dma_start3A_17 = tpu.memref_slice %arg3[%add3A_11] : memref<49152xi32, #tpu.memory_space<hbm>> -> memref<128xi32, #tpu.memory_space<hbm>>
        tpu.enqueue_dma source(%dma_start3A_17 : memref<128xi32, #tpu.memory_space<hbm>>) target(%arg5 : memref<128xi32, #tpu.memory_space<vmem>>) target_semaphore(%run_scoped3A : memref<!tpu.dma_semaphore, #tpu.memory_space<semaphore_mem>>)
        %dma_wait3A_18 = tpu.memref_slice %arg3[%add3A_11] : memref<49152xi32, #tpu.memory_space<hbm>> -> memref<128xi32, #tpu.memory_space<hbm>>
        %dma_wait3A_19 = tpu.memref_slice %arg3[%add3A_11] : memref<49152xi32, #tpu.memory_space<hbm>> -> memref<128xi32, #tpu.memory_space<hbm>>
        tpu.wait_dma2 semaphore(%run_scoped3A : memref<!tpu.dma_semaphore, #tpu.memory_space<semaphore_mem>>) src(%dma_wait3A_19 : memref<128xi32, #tpu.memory_space<hbm>>) dst(%arg5 : memref<128xi32, #tpu.memory_space<vmem>>)
        tpu.yield
      }) : () -> ()
      %dma_start3A = arith.constant 0 : i32
      %dma_start3A_12 = arith.constant 0 : i32
      %dma_start3A_13 = tpu.memref_slice %arg2[%dma_start3A, %dma_start3A_12] : memref<8192x128xf32, #tpu.memory_space<hbm>> -> memref<8192x128xf32, #tpu.memory_space<hbm>>
      tpu.enqueue_indirect_dma source(%dma_start3A_13 : memref<8192x128xf32, #tpu.memory_space<hbm>>) target(%arg6 : memref<128x128xf32, #tpu.memory_space<vmem>>) offsets(%arg5 : memref<128xi32, #tpu.memory_space<vmem>>) semaphore(%arg7 : memref<!tpu.dma_semaphore, #tpu.memory_space<semaphore_mem>>)
      %dma_wait3A = arith.constant 0 : i32
      %dma_wait3A_14 = arith.constant 0 : i32
      %dma_wait3A_15 = tpu.memref_slice %arg2[%dma_wait3A, %dma_wait3A_14] : memref<8192x128xf32, #tpu.memory_space<hbm>> -> memref<8192x128xf32, #tpu.memory_space<hbm>>
      tpu.wait_indirect_dma semaphore(%arg7 : memref<!tpu.dma_semaphore, #tpu.memory_space<semaphore_mem>>) src(%dma_wait3A_15 : memref<8192x128xf32, #tpu.memory_space<hbm>>) dst(%arg6 : memref<128x128xf32, #tpu.memory_space<vmem>>)
      "tpu.region"() ({
        %run_scoped3A = tpu.sem_alloc : memref<!tpu.dma_semaphore, #tpu.memory_space<semaphore_mem>>
        %dma_start3A_16 = arith.constant 0 : i32
        %dma_start3A_17 = tpu.memref_slice %arg4[%add3A_11, %dma_start3A_16] : memref<49152x128xf32, #tpu.memory_space<hbm>> -> memref<128x128xf32, #tpu.memory_space<hbm>>
        %dma_start3A_18 = arith.constant 0 : i32
        %dma_start3A_19 = tpu.memref_slice %arg4[%add3A_11, %dma_start3A_18] : memref<49152x128xf32, #tpu.memory_space<hbm>> -> memref<128x128xf32, #tpu.memory_space<hbm>>
        tpu.enqueue_dma source(%arg6 : memref<128x128xf32, #tpu.memory_space<vmem>>) target(%dma_start3A_19 : memref<128x128xf32, #tpu.memory_space<hbm>>) target_semaphore(%run_scoped3A : memref<!tpu.dma_semaphore, #tpu.memory_space<semaphore_mem>>)
        %dma_wait3A_20 = arith.constant 0 : i32
        %dma_wait3A_21 = tpu.memref_slice %arg4[%add3A_11, %dma_wait3A_20] : memref<49152x128xf32, #tpu.memory_space<hbm>> -> memref<128x128xf32, #tpu.memory_space<hbm>>
        %dma_wait3A_22 = arith.constant 0 : i32
        %dma_wait3A_23 = tpu.memref_slice %arg4[%add3A_11, %dma_wait3A_22] : memref<49152x128xf32, #tpu.memory_space<hbm>> -> memref<128x128xf32, #tpu.memory_space<hbm>>
        tpu.wait_dma2 semaphore(%run_scoped3A : memref<!tpu.dma_semaphore, #tpu.memory_space<semaphore_mem>>) src(%arg6 : memref<128x128xf32, #tpu.memory_space<vmem>>) dst(%dma_wait3A_23 : memref<128x128xf32, #tpu.memory_space<hbm>>)
        tpu.yield
      }) : () -> ()
    }
    %scan3A_7 = arith.constant 12 : i32
    return
  }
}

#map = affine_map<(d0, d1) -> (0, 0)>
#map1 = affine_map<(d0, d1) -> (0)>
module attributes {stable_mosaic.version = 14 : i64} {
  func.func @k(%arg0: i32, %arg1: i32, %arg2: memref<8192x128xf32, #tpu.memory_space<hbm>>, %arg3: memref<49152xi32, #tpu.memory_space<hbm>>, %arg4: memref<49152x128xf32, #tpu.memory_space<hbm>>, %arg5: memref<128xi32, #tpu.memory_space<vmem>>, %arg6: memref<128x128xf32, #tpu.memory_space<vmem>>, %arg7: memref<!tpu.dma_semaphore, #tpu.memory_space<semaphore_mem>>) attributes {dimension_semantics = [#tpu.dimension_semantics<core_parallel>, #tpu.dimension_semantics<subcore_parallel>], iteration_bounds = array<i64: 2, 16>, scalar_prefetch = 0 : i64, scratch_operands = 3 : i64, tpu.core_type = #tpu.core_type<sc_vector_subcore>, window_params = [{transform_indices = #map}, {transform_indices = #map1}, {transform_indices = #map}]} {
    %mul3A = arith.constant 2 : i32
    %mul3A_0 = arith.muli %arg1, %mul3A : i32
    %add3A = arith.addi %mul3A_0, %arg0 : i32
    %mul3A_1 = arith.constant 1536 : i32
    %mul3A_2 = arith.muli %add3A, %mul3A_1 : i32
    %scan3A = arith.constant 0 : i32
    %scan3A_3 = arith.constant 0 : i32
    %scan3A_4 = arith.constant 12 : i32
    %scan3A_5 = arith.addi %scan3A_3, %scan3A_4 : i32
    %scan3A_6 = arith.constant 1 : i32
    scf.for %scan3A_8 = %scan3A_3 to %scan3A_5 step %scan3A_6  : i32 {
      %mul3A_9 = arith.constant 128 : i32
      %mul3A_10 = arith.muli %scan3A_8, %mul3A_9 : i32
      %add3A_11 = arith.addi %mul3A_2, %mul3A_10 : i32
      "tpu.region"() ({
        %run_scoped3A = tpu.sem_alloc : memref<!tpu.dma_semaphore, #tpu.memory_space<semaphore_mem>>
        %dma_start3A_16 = tpu.memref_slice %arg3[%add3A_11] : memref<49152xi32, #tpu.memory_space<hbm>> -> memref<128xi32, #tpu.memory_space<hbm>>
        %dma_start3A_17 = tpu.memref_slice %arg3[%add3A_11] : memref<49152xi32, #tpu.memory_space<hbm>> -> memref<128xi32, #tpu.memory_space<hbm>>
        tpu.enqueue_dma source(%dma_start3A_17 : memref<128xi32, #tpu.memory_space<hbm>>) target(%arg5 : memref<128xi32, #tpu.memory_space<vmem>>) target_semaphore(%run_scoped3A : memref<!tpu.dma_semaphore, #tpu.memory_space<semaphore_mem>>)
        %dma_wait3A_18 = tpu.memref_slice %arg3[%add3A_11] : memref<49152xi32, #tpu.memory_space<hbm>> -> memref<128xi32, #tpu.memory_space<hbm>>
        %dma_wait3A_19 = tpu.memref_slice %arg3[%add3A_11] : memref<49152xi32, #tpu.memory_space<hbm>> -> memref<128xi32, #tpu.memory_space<hbm>>
        tpu.wait_dma2 semaphore(%run_scoped3A : memref<!tpu.dma_semaphore, #tpu.memory_space<semaphore_mem>>) src(%dma_wait3A_19 : memref<128xi32, #tpu.memory_space<hbm>>) dst(%arg5 : memref<128xi32, #tpu.memory_space<vmem>>)
        tpu.yield
      }) : () -> ()
      %dma_start3A = arith.constant 0 : i32
      %dma_start3A_12 = arith.constant 0 : i32
      %dma_start3A_13 = tpu.memref_slice %arg2[%dma_start3A, %dma_start3A_12] : memref<8192x128xf32, #tpu.memory_space<hbm>> -> memref<8192x128xf32, #tpu.memory_space<hbm>>
      tpu.enqueue_indirect_dma source(%dma_start3A_13 : memref<8192x128xf32, #tpu.memory_space<hbm>>) target(%arg6 : memref<128x128xf32, #tpu.memory_space<vmem>>) offsets(%arg5 : memref<128xi32, #tpu.memory_space<vmem>>) semaphore(%arg7 : memref<!tpu.dma_semaphore, #tpu.memory_space<semaphore_mem>>)
      %dma_wait3A = arith.constant 0 : i32
      %dma_wait3A_14 = arith.constant 0 : i32
      %dma_wait3A_15 = tpu.memref_slice %arg2[%dma_wait3A, %dma_wait3A_14] : memref<8192x128xf32, #tpu.memory_space<hbm>> -> memref<8192x128xf32, #tpu.memory_space<hbm>>
      tpu.wait_indirect_dma semaphore(%arg7 : memref<!tpu.dma_semaphore, #tpu.memory_space<semaphore_mem>>) src(%dma_wait3A_15 : memref<8192x128xf32, #tpu.memory_space<hbm>>) dst(%arg6 : memref<128x128xf32, #tpu.memory_space<vmem>>)
      "tpu.region"() ({
        %run_scoped3A = tpu.sem_alloc : memref<!tpu.dma_semaphore, #tpu.memory_space<semaphore_mem>>
        %dma_start3A_16 = arith.constant 0 : i32
        %dma_start3A_17 = tpu.memref_slice %arg4[%add3A_11, %dma_start3A_16] : memref<49152x128xf32, #tpu.memory_space<hbm>> -> memref<128x128xf32, #tpu.memory_space<hbm>>
        %dma_start3A_18 = arith.constant 0 : i32
        %dma_start3A_19 = tpu.memref_slice %arg4[%add3A_11, %dma_start3A_18] : memref<49152x128xf32, #tpu.memory_space<hbm>> -> memref<128x128xf32, #tpu.memory_space<hbm>>
        tpu.enqueue_dma source(%arg6 : memref<128x128xf32, #tpu.memory_space<vmem>>) target(%dma_start3A_19 : memref<128x128xf32, #tpu.memory_space<hbm>>) target_semaphore(%run_scoped3A : memref<!tpu.dma_semaphore, #tpu.memory_space<semaphore_mem>>)
        %dma_wait3A_20 = arith.constant 0 : i32
        %dma_wait3A_21 = tpu.memref_slice %arg4[%add3A_11, %dma_wait3A_20] : memref<49152x128xf32, #tpu.memory_space<hbm>> -> memref<128x128xf32, #tpu.memory_space<hbm>>
        %dma_wait3A_22 = arith.constant 0 : i32
        %dma_wait3A_23 = tpu.memref_slice %arg4[%add3A_11, %dma_wait3A_22] : memref<49152x128xf32, #tpu.memory_space<hbm>> -> memref<128x128xf32, #tpu.memory_space<hbm>>
        tpu.wait_dma2 semaphore(%run_scoped3A : memref<!tpu.dma_semaphore, #tpu.memory_space<semaphore_mem>>) src(%arg6 : memref<128x128xf32, #tpu.memory_space<vmem>>) dst(%dma_wait3A_23 : memref<128x128xf32, #tpu.memory_space<hbm>>)
        tpu.yield
      }) : () -> ()
    }
    %scan3A_7 = arith.constant 12 : i32
    return
  }
}

module attributes {stable_mosaic.version = 14 : i64} {
  func.func @_fps_kernel(%arg0: i32, %arg1: memref<1x64x128xf32, #tpu.memory_space<vmem>>, %arg2: memref<1x64x128xf32, #tpu.memory_space<vmem>>, %arg3: memref<1x64x128xf32, #tpu.memory_space<vmem>>, %arg4: memref<1x1x4096xi32, #tpu.memory_space<smem>>, %arg5: memref<64x128xf32, #tpu.memory_space<vmem>>) attributes {dimension_semantics = [#tpu.dimension_semantics<arbitrary>], iteration_bounds = array<i64: 2>, scalar_prefetch = 0 : i64, scratch_operands = 1 : i64, tpu.core_type = #tpu.core_type<tc>, window_params = [{transform_indices = @transform_0, window_bounds = array<i64: 1, 64, 128>}, {transform_indices = @transform_1, window_bounds = array<i64: 1, 64, 128>}, {transform_indices = @transform_2, window_bounds = array<i64: 1, 64, 128>}, {transform_indices = @transform_3, window_bounds = array<i64: 1, 1, 4096>}]} {
    %get3A = arith.constant 0 : index
    %get3A_0 = arith.constant 0 : index
    %get3A_1 = arith.constant 0 : index
    %get3A_2 = vector.load %arg1[%get3A, %get3A_0, %get3A_1] : memref<1x64x128xf32, #tpu.memory_space<vmem>>, vector<1x64x128xf32>
    %get3A_3 = vector.shape_cast %get3A_2 : vector<1x64x128xf32> to vector<64x128xf32>
    %get3A_4 = arith.constant 0 : index
    %get3A_5 = arith.constant 0 : index
    %get3A_6 = arith.constant 0 : index
    %get3A_7 = vector.load %arg2[%get3A_4, %get3A_5, %get3A_6] : memref<1x64x128xf32, #tpu.memory_space<vmem>>, vector<1x64x128xf32>
    %get3A_8 = vector.shape_cast %get3A_7 : vector<1x64x128xf32> to vector<64x128xf32>
    %get3A_9 = arith.constant 0 : index
    %get3A_10 = arith.constant 0 : index
    %get3A_11 = arith.constant 0 : index
    %get3A_12 = vector.load %arg3[%get3A_9, %get3A_10, %get3A_11] : memref<1x64x128xf32, #tpu.memory_space<vmem>>, vector<1x64x128xf32>
    %get3A_13 = vector.shape_cast %get3A_12 : vector<1x64x128xf32> to vector<64x128xf32>
    %iota3A = tpu.iota {dimensions = array<i32: 0>} : vector<64x128xi32>
    %mul3A = arith.constant 128 : i32
    %mul3A_14 = vector.broadcast %mul3A : i32 to vector<64x128xi32>
    %mul3A_15 = arith.muli %iota3A, %mul3A_14 : vector<64x128xi32>
    %iota3A_16 = tpu.iota {dimensions = array<i32: 1>} : vector<64x128xi32>
    %add3A = arith.addi %mul3A_15, %iota3A_16 : vector<64x128xi32>
    %broadcast_in_dim3A = arith.constant 1.000000e+10 : f32
    %broadcast_in_dim3A_17 = vector.broadcast %broadcast_in_dim3A : f32 to vector<64x128xf32>
    %swap3A = arith.constant 0 : index
    %swap3A_18 = arith.constant 0 : index
    %swap3A_19 = vector.load %arg5[%swap3A, %swap3A_18] : memref<64x128xf32, #tpu.memory_space<vmem>>, vector<64x128xf32>
    tpu.vector_store %arg5[%swap3A, %swap3A_18], %broadcast_in_dim3A_17 {strides = array<i32>} : memref<64x128xf32, #tpu.memory_space<vmem>>, vector<64x128xf32>,
    %scan3A = arith.constant 0 : i32
    %scan3A_20 = arith.constant 0 : i32
    %scan3A_21 = arith.constant 4096 : i32
    %scan3A_22 = arith.addi %scan3A_20, %scan3A_21 : i32
    %scan3A_23 = arith.constant 1 : i32
    %scan3A_24 = scf.for %scan3A_26 = %scan3A_20 to %scan3A_22 step %scan3A_23 iter_args(%scan3A_27 = %scan3A) -> (i32)  : i32 {
      %swap3A_28 = arith.constant 0 : index
      %swap3A_29 = arith.constant 0 : index
      %swap3A_30 = arith.index_cast %scan3A_26 : i32 to index
      %swap3A_31 = memref.load %arg4[%swap3A_28, %swap3A_29, %swap3A_30] : memref<1x1x4096xi32, #tpu.memory_space<smem>>
      memref.store %scan3A_27, %arg4[%swap3A_28, %swap3A_29, %swap3A_30] : memref<1x1x4096xi32, #tpu.memory_space<smem>>
      %eq3A = vector.broadcast %scan3A_27 : i32 to vector<64x128xi32>
      %eq3A_32 = arith.cmpi eq, %add3A, %eq3A : vector<64x128xi32>
      %jit3A = arith.constant 0.000000e+00 : f32
      %broadcast_in_dim3A_33 = vector.broadcast %jit3A : f32 to vector<64x128xf32>
      %select_n3A = arith.select %eq3A_32, %get3A_3, %broadcast_in_dim3A_33 : vector<64x128xi1>, vector<64x128xf32>
      %reduce_sum3A = vector.shape_cast %select_n3A : vector<64x128xf32> to vector<1x64x128xf32>
      %reduce_sum3A_34 = arith.constant dense<0.000000e+00> : vector<1xf32>
      %reduce_sum3A_35 = vector.multi_reduction <add>, %reduce_sum3A, %reduce_sum3A_34 [1, 2] : vector<1x64x128xf32> to vector<1xf32>
      %reduce_sum3A_36 = vector.shape_cast %reduce_sum3A_35 : vector<1xf32> to vector<1x1x1xf32>
      %reduce_sum3A_37 = vector.extract %reduce_sum3A_36[0, 0, 0] : f32 from vector<1x1x1xf32>
      %jit3A_38 = arith.constant 0.000000e+00 : f32
      %broadcast_in_dim3A_39 = vector.broadcast %jit3A_38 : f32 to vector<64x128xf32>
      %select_n3A_40 = arith.select %eq3A_32, %get3A_8, %broadcast_in_dim3A_39 : vector<64x128xi1>, vector<64x128xf32>
      %reduce_sum3A_41 = vector.shape_cast %select_n3A_40 : vector<64x128xf32> to vector<1x64x128xf32>
      %reduce_sum3A_42 = arith.constant dense<0.000000e+00> : vector<1xf32>
      %reduce_sum3A_43 = vector.multi_reduction <add>, %reduce_sum3A_41, %reduce_sum3A_42 [1, 2] : vector<1x64x128xf32> to vector<1xf32>
      %reduce_sum3A_44 = vector.shape_cast %reduce_sum3A_43 : vector<1xf32> to vector<1x1x1xf32>
      %reduce_sum3A_45 = vector.extract %reduce_sum3A_44[0, 0, 0] : f32 from vector<1x1x1xf32>
      %jit3A_46 = arith.constant 0.000000e+00 : f32
      %broadcast_in_dim3A_47 = vector.broadcast %jit3A_46 : f32 to vector<64x128xf32>
      %select_n3A_48 = arith.select %eq3A_32, %get3A_13, %broadcast_in_dim3A_47 : vector<64x128xi1>, vector<64x128xf32>
      %reduce_sum3A_49 = vector.shape_cast %select_n3A_48 : vector<64x128xf32> to vector<1x64x128xf32>
      %reduce_sum3A_50 = arith.constant dense<0.000000e+00> : vector<1xf32>
      %reduce_sum3A_51 = vector.multi_reduction <add>, %reduce_sum3A_49, %reduce_sum3A_50 [1, 2] : vector<1x64x128xf32> to vector<1xf32>
      %reduce_sum3A_52 = vector.shape_cast %reduce_sum3A_51 : vector<1xf32> to vector<1x1x1xf32>
      %reduce_sum3A_53 = vector.extract %reduce_sum3A_52[0, 0, 0] : f32 from vector<1x1x1xf32>
      %sub3A = vector.broadcast %reduce_sum3A_37 : f32 to vector<64x128xf32>
      %sub3A_54 = arith.subf %get3A_3, %sub3A : vector<64x128xf32>
      %sub3A_55 = vector.broadcast %reduce_sum3A_45 : f32 to vector<64x128xf32>
      %sub3A_56 = arith.subf %get3A_8, %sub3A_55 : vector<64x128xf32>
      %sub3A_57 = vector.broadcast %reduce_sum3A_53 : f32 to vector<64x128xf32>
      %sub3A_58 = arith.subf %get3A_13, %sub3A_57 : vector<64x128xf32>
      %mul3A_59 = arith.mulf %sub3A_54, %sub3A_54 : vector<64x128xf32>
      %mul3A_60 = arith.mulf %sub3A_56, %sub3A_56 : vector<64x128xf32>
      %add3A_61 = arith.addf %mul3A_59, %mul3A_60 : vector<64x128xf32>
      %mul3A_62 = arith.mulf %sub3A_58, %sub3A_58 : vector<64x128xf32>
      %add3A_63 = arith.addf %add3A_61, %mul3A_62 : vector<64x128xf32>
      %get3A_64 = arith.constant 0 : index
      %get3A_65 = arith.constant 0 : index
      %get3A_66 = vector.load %arg5[%get3A_64, %get3A_65] : memref<64x128xf32, #tpu.memory_space<vmem>>, vector<64x128xf32>
      %min3A = arith.minimumf %get3A_66, %add3A_63 : vector<64x128xf32>
      %swap3A_67 = arith.constant 0 : index
      %swap3A_68 = arith.constant 0 : index
      %swap3A_69 = vector.load %arg5[%swap3A_67, %swap3A_68] : memref<64x128xf32, #tpu.memory_space<vmem>>, vector<64x128xf32>
      tpu.vector_store %arg5[%swap3A_67, %swap3A_68], %min3A {strides = array<i32>} : memref<64x128xf32, #tpu.memory_space<vmem>>, vector<64x128xf32>,
      %reduce_max3A = vector.shape_cast %min3A : vector<64x128xf32> to vector<1x64x128xf32>
      %reduce_max3A_70 = arith.constant dense<0xFF800000> : vector<1xf32>
      %reduce_max3A_71 = vector.multi_reduction <maximumf>, %reduce_max3A, %reduce_max3A_70 [1, 2] : vector<1x64x128xf32> to vector<1xf32>
      %reduce_max3A_72 = vector.shape_cast %reduce_max3A_71 : vector<1xf32> to vector<1x1x1xf32>
      %reduce_max3A_73 = vector.extract %reduce_max3A_72[0, 0, 0] : f32 from vector<1x1x1xf32>
      %eq3A_74 = vector.broadcast %reduce_max3A_73 : f32 to vector<64x128xf32>
      %eq3A_75 = arith.cmpf oeq, %min3A, %eq3A_74 : vector<64x128xf32>
      %jit3A_76 = arith.constant 8192 : i32
      %broadcast_in_dim3A_77 = vector.broadcast %jit3A_76 : i32 to vector<64x128xi32>
      %select_n3A_78 = arith.select %eq3A_75, %add3A, %broadcast_in_dim3A_77 : vector<64x128xi1>, vector<64x128xi32>
      %reduce_min3A = vector.shape_cast %select_n3A_78 : vector<64x128xi32> to vector<1x64x128xi32>
      %reduce_min3A_79 = arith.constant dense<2147483647> : vector<1xi32>
      %reduce_min3A_80 = vector.multi_reduction <minsi>, %reduce_min3A, %reduce_min3A_79 [1, 2] : vector<1x64x128xi32> to vector<1xi32>
      %reduce_min3A_81 = vector.shape_cast %reduce_min3A_80 : vector<1xi32> to vector<1x1x1xi32>
      %reduce_min3A_82 = vector.extract %reduce_min3A_81[0, 0, 0] : i32 from vector<1x1x1xi32>
      scf.yield %reduce_min3A_82 : i32
    }
    %scan3A_25 = arith.constant 4096 : i32
    return
  }
  func.func @transform_0(%arg0: i32) -> (i32, i32, i32) {
    %c0_i32 = arith.constant 0 : i32
    %c0_i32_0 = arith.constant 0 : i32
    %c0_i32_1 = arith.constant 0 : i32
    return %arg0, %c0_i32, %c0_i32_0 : i32, i32, i32
  }
  func.func @transform_1(%arg0: i32) -> (i32, i32, i32) {
    %c0_i32 = arith.constant 0 : i32
    %c0_i32_0 = arith.constant 0 : i32
    %c0_i32_1 = arith.constant 0 : i32
    return %arg0, %c0_i32, %c0_i32_0 : i32, i32, i32
  }
  func.func @transform_2(%arg0: i32) -> (i32, i32, i32) {
    %c0_i32 = arith.constant 0 : i32
    %c0_i32_0 = arith.constant 0 : i32
    %c0_i32_1 = arith.constant 0 : i32
    return %arg0, %c0_i32, %c0_i32_0 : i32, i32, i32
  }
  func.func @transform_3(%arg0: i32) -> (i32, i32, i32) {
    %c0_i32 = arith.constant 0 : i32
    %c0_i32_0 = arith.constant 0 : i32
    %c0_i32_1 = arith.constant 0 : i32
    return %arg0, %c0_i32, %c0_i32_0 : i32, i32, i32
  }
}

module attributes {stable_mosaic.version = 14 : i64} {
  func.func @_fps_kernel(%arg0: i32, %arg1: memref<1x32x128xf32, #tpu.memory_space<vmem>>, %arg2: memref<1x32x128xf32, #tpu.memory_space<vmem>>, %arg3: memref<1x32x128xf32, #tpu.memory_space<vmem>>, %arg4: memref<1x1x1024xi32, #tpu.memory_space<smem>>, %arg5: memref<32x128xf32, #tpu.memory_space<vmem>>) attributes {dimension_semantics = [#tpu.dimension_semantics<arbitrary>], iteration_bounds = array<i64: 2>, scalar_prefetch = 0 : i64, scratch_operands = 1 : i64, tpu.core_type = #tpu.core_type<tc>, window_params = [{transform_indices = @transform_0, window_bounds = array<i64: 1, 32, 128>}, {transform_indices = @transform_1, window_bounds = array<i64: 1, 32, 128>}, {transform_indices = @transform_2, window_bounds = array<i64: 1, 32, 128>}, {transform_indices = @transform_3, window_bounds = array<i64: 1, 1, 1024>}]} {
    %get3A = arith.constant 0 : index
    %get3A_0 = arith.constant 0 : index
    %get3A_1 = arith.constant 0 : index
    %get3A_2 = vector.load %arg1[%get3A, %get3A_0, %get3A_1] : memref<1x32x128xf32, #tpu.memory_space<vmem>>, vector<1x32x128xf32>
    %get3A_3 = vector.shape_cast %get3A_2 : vector<1x32x128xf32> to vector<32x128xf32>
    %get3A_4 = arith.constant 0 : index
    %get3A_5 = arith.constant 0 : index
    %get3A_6 = arith.constant 0 : index
    %get3A_7 = vector.load %arg2[%get3A_4, %get3A_5, %get3A_6] : memref<1x32x128xf32, #tpu.memory_space<vmem>>, vector<1x32x128xf32>
    %get3A_8 = vector.shape_cast %get3A_7 : vector<1x32x128xf32> to vector<32x128xf32>
    %get3A_9 = arith.constant 0 : index
    %get3A_10 = arith.constant 0 : index
    %get3A_11 = arith.constant 0 : index
    %get3A_12 = vector.load %arg3[%get3A_9, %get3A_10, %get3A_11] : memref<1x32x128xf32, #tpu.memory_space<vmem>>, vector<1x32x128xf32>
    %get3A_13 = vector.shape_cast %get3A_12 : vector<1x32x128xf32> to vector<32x128xf32>
    %iota3A = tpu.iota {dimensions = array<i32: 0>} : vector<32x128xi32>
    %mul3A = arith.constant 128 : i32
    %mul3A_14 = vector.broadcast %mul3A : i32 to vector<32x128xi32>
    %mul3A_15 = arith.muli %iota3A, %mul3A_14 : vector<32x128xi32>
    %iota3A_16 = tpu.iota {dimensions = array<i32: 1>} : vector<32x128xi32>
    %add3A = arith.addi %mul3A_15, %iota3A_16 : vector<32x128xi32>
    %broadcast_in_dim3A = arith.constant 1.000000e+10 : f32
    %broadcast_in_dim3A_17 = vector.broadcast %broadcast_in_dim3A : f32 to vector<32x128xf32>
    %swap3A = arith.constant 0 : index
    %swap3A_18 = arith.constant 0 : index
    %swap3A_19 = vector.load %arg5[%swap3A, %swap3A_18] : memref<32x128xf32, #tpu.memory_space<vmem>>, vector<32x128xf32>
    tpu.vector_store %arg5[%swap3A, %swap3A_18], %broadcast_in_dim3A_17 {strides = array<i32>} : memref<32x128xf32, #tpu.memory_space<vmem>>, vector<32x128xf32>,
    %scan3A = arith.constant 0 : i32
    %scan3A_20 = arith.constant 0 : i32
    %scan3A_21 = arith.constant 1024 : i32
    %scan3A_22 = arith.addi %scan3A_20, %scan3A_21 : i32
    %scan3A_23 = arith.constant 1 : i32
    %scan3A_24 = scf.for %scan3A_26 = %scan3A_20 to %scan3A_22 step %scan3A_23 iter_args(%scan3A_27 = %scan3A) -> (i32)  : i32 {
      %swap3A_28 = arith.constant 0 : index
      %swap3A_29 = arith.constant 0 : index
      %swap3A_30 = arith.index_cast %scan3A_26 : i32 to index
      %swap3A_31 = memref.load %arg4[%swap3A_28, %swap3A_29, %swap3A_30] : memref<1x1x1024xi32, #tpu.memory_space<smem>>
      memref.store %scan3A_27, %arg4[%swap3A_28, %swap3A_29, %swap3A_30] : memref<1x1x1024xi32, #tpu.memory_space<smem>>
      %eq3A = vector.broadcast %scan3A_27 : i32 to vector<32x128xi32>
      %eq3A_32 = arith.cmpi eq, %add3A, %eq3A : vector<32x128xi32>
      %jit3A = arith.constant 0.000000e+00 : f32
      %broadcast_in_dim3A_33 = vector.broadcast %jit3A : f32 to vector<32x128xf32>
      %select_n3A = arith.select %eq3A_32, %get3A_3, %broadcast_in_dim3A_33 : vector<32x128xi1>, vector<32x128xf32>
      %reduce_sum3A = vector.shape_cast %select_n3A : vector<32x128xf32> to vector<1x32x128xf32>
      %reduce_sum3A_34 = arith.constant dense<0.000000e+00> : vector<1xf32>
      %reduce_sum3A_35 = vector.multi_reduction <add>, %reduce_sum3A, %reduce_sum3A_34 [1, 2] : vector<1x32x128xf32> to vector<1xf32>
      %reduce_sum3A_36 = vector.shape_cast %reduce_sum3A_35 : vector<1xf32> to vector<1x1x1xf32>
      %reduce_sum3A_37 = vector.extract %reduce_sum3A_36[0, 0, 0] : f32 from vector<1x1x1xf32>
      %jit3A_38 = arith.constant 0.000000e+00 : f32
      %broadcast_in_dim3A_39 = vector.broadcast %jit3A_38 : f32 to vector<32x128xf32>
      %select_n3A_40 = arith.select %eq3A_32, %get3A_8, %broadcast_in_dim3A_39 : vector<32x128xi1>, vector<32x128xf32>
      %reduce_sum3A_41 = vector.shape_cast %select_n3A_40 : vector<32x128xf32> to vector<1x32x128xf32>
      %reduce_sum3A_42 = arith.constant dense<0.000000e+00> : vector<1xf32>
      %reduce_sum3A_43 = vector.multi_reduction <add>, %reduce_sum3A_41, %reduce_sum3A_42 [1, 2] : vector<1x32x128xf32> to vector<1xf32>
      %reduce_sum3A_44 = vector.shape_cast %reduce_sum3A_43 : vector<1xf32> to vector<1x1x1xf32>
      %reduce_sum3A_45 = vector.extract %reduce_sum3A_44[0, 0, 0] : f32 from vector<1x1x1xf32>
      %jit3A_46 = arith.constant 0.000000e+00 : f32
      %broadcast_in_dim3A_47 = vector.broadcast %jit3A_46 : f32 to vector<32x128xf32>
      %select_n3A_48 = arith.select %eq3A_32, %get3A_13, %broadcast_in_dim3A_47 : vector<32x128xi1>, vector<32x128xf32>
      %reduce_sum3A_49 = vector.shape_cast %select_n3A_48 : vector<32x128xf32> to vector<1x32x128xf32>
      %reduce_sum3A_50 = arith.constant dense<0.000000e+00> : vector<1xf32>
      %reduce_sum3A_51 = vector.multi_reduction <add>, %reduce_sum3A_49, %reduce_sum3A_50 [1, 2] : vector<1x32x128xf32> to vector<1xf32>
      %reduce_sum3A_52 = vector.shape_cast %reduce_sum3A_51 : vector<1xf32> to vector<1x1x1xf32>
      %reduce_sum3A_53 = vector.extract %reduce_sum3A_52[0, 0, 0] : f32 from vector<1x1x1xf32>
      %sub3A = vector.broadcast %reduce_sum3A_37 : f32 to vector<32x128xf32>
      %sub3A_54 = arith.subf %get3A_3, %sub3A : vector<32x128xf32>
      %sub3A_55 = vector.broadcast %reduce_sum3A_45 : f32 to vector<32x128xf32>
      %sub3A_56 = arith.subf %get3A_8, %sub3A_55 : vector<32x128xf32>
      %sub3A_57 = vector.broadcast %reduce_sum3A_53 : f32 to vector<32x128xf32>
      %sub3A_58 = arith.subf %get3A_13, %sub3A_57 : vector<32x128xf32>
      %mul3A_59 = arith.mulf %sub3A_54, %sub3A_54 : vector<32x128xf32>
      %mul3A_60 = arith.mulf %sub3A_56, %sub3A_56 : vector<32x128xf32>
      %add3A_61 = arith.addf %mul3A_59, %mul3A_60 : vector<32x128xf32>
      %mul3A_62 = arith.mulf %sub3A_58, %sub3A_58 : vector<32x128xf32>
      %add3A_63 = arith.addf %add3A_61, %mul3A_62 : vector<32x128xf32>
      %get3A_64 = arith.constant 0 : index
      %get3A_65 = arith.constant 0 : index
      %get3A_66 = vector.load %arg5[%get3A_64, %get3A_65] : memref<32x128xf32, #tpu.memory_space<vmem>>, vector<32x128xf32>
      %min3A = arith.minimumf %get3A_66, %add3A_63 : vector<32x128xf32>
      %swap3A_67 = arith.constant 0 : index
      %swap3A_68 = arith.constant 0 : index
      %swap3A_69 = vector.load %arg5[%swap3A_67, %swap3A_68] : memref<32x128xf32, #tpu.memory_space<vmem>>, vector<32x128xf32>
      tpu.vector_store %arg5[%swap3A_67, %swap3A_68], %min3A {strides = array<i32>} : memref<32x128xf32, #tpu.memory_space<vmem>>, vector<32x128xf32>,
      %reduce_max3A = vector.shape_cast %min3A : vector<32x128xf32> to vector<1x32x128xf32>
      %reduce_max3A_70 = arith.constant dense<0xFF800000> : vector<1xf32>
      %reduce_max3A_71 = vector.multi_reduction <maximumf>, %reduce_max3A, %reduce_max3A_70 [1, 2] : vector<1x32x128xf32> to vector<1xf32>
      %reduce_max3A_72 = vector.shape_cast %reduce_max3A_71 : vector<1xf32> to vector<1x1x1xf32>
      %reduce_max3A_73 = vector.extract %reduce_max3A_72[0, 0, 0] : f32 from vector<1x1x1xf32>
      %eq3A_74 = vector.broadcast %reduce_max3A_73 : f32 to vector<32x128xf32>
      %eq3A_75 = arith.cmpf oeq, %min3A, %eq3A_74 : vector<32x128xf32>
      %jit3A_76 = arith.constant 4096 : i32
      %broadcast_in_dim3A_77 = vector.broadcast %jit3A_76 : i32 to vector<32x128xi32>
      %select_n3A_78 = arith.select %eq3A_75, %add3A, %broadcast_in_dim3A_77 : vector<32x128xi1>, vector<32x128xi32>
      %reduce_min3A = vector.shape_cast %select_n3A_78 : vector<32x128xi32> to vector<1x32x128xi32>
      %reduce_min3A_79 = arith.constant dense<2147483647> : vector<1xi32>
      %reduce_min3A_80 = vector.multi_reduction <minsi>, %reduce_min3A, %reduce_min3A_79 [1, 2] : vector<1x32x128xi32> to vector<1xi32>
      %reduce_min3A_81 = vector.shape_cast %reduce_min3A_80 : vector<1xi32> to vector<1x1x1xi32>
      %reduce_min3A_82 = vector.extract %reduce_min3A_81[0, 0, 0] : i32 from vector<1x1x1xi32>
      scf.yield %reduce_min3A_82 : i32
    }
    %scan3A_25 = arith.constant 1024 : i32
    return
  }
  func.func @transform_0(%arg0: i32) -> (i32, i32, i32) {
    %c0_i32 = arith.constant 0 : i32
    %c0_i32_0 = arith.constant 0 : i32
    %c0_i32_1 = arith.constant 0 : i32
    return %arg0, %c0_i32, %c0_i32_0 : i32, i32, i32
  }
  func.func @transform_1(%arg0: i32) -> (i32, i32, i32) {
    %c0_i32 = arith.constant 0 : i32
    %c0_i32_0 = arith.constant 0 : i32
    %c0_i32_1 = arith.constant 0 : i32
    return %arg0, %c0_i32, %c0_i32_0 : i32, i32, i32
  }
  func.func @transform_2(%arg0: i32) -> (i32, i32, i32) {
    %c0_i32 = arith.constant 0 : i32
    %c0_i32_0 = arith.constant 0 : i32
    %c0_i32_1 = arith.constant 0 : i32
    return %arg0, %c0_i32, %c0_i32_0 : i32, i32, i32
  }
  func.func @transform_3(%arg0: i32) -> (i32, i32, i32) {
    %c0_i32 = arith.constant 0 : i32
    %c0_i32_0 = arith.constant 0 : i32
    %c0_i32_1 = arith.constant 0 : i32
    return %arg0, %c0_i32, %c0_i32_0 : i32, i32, i32
  }
}

module attributes {stable_mosaic.version = 14 : i64} {
  func.func @_mm_kernel(%arg0: i32, %arg1: memref<2048x128xf32, #tpu.memory_space<vmem>>, %arg2: memref<1x128xf32, #tpu.memory_space<vmem>>, %arg3: memref<1x128xf32, #tpu.memory_space<vmem>>, %arg4: memref<128x16xf32, #tpu.memory_space<vmem>>, %arg5: memref<2048x16xf32, #tpu.memory_space<vmem>>, %arg6: memref<1x16xf32, #tpu.memory_space<vmem>>, %arg7: memref<1x16xf32, #tpu.memory_space<vmem>>) attributes {dimension_semantics = [#tpu.dimension_semantics<arbitrary>], iteration_bounds = array<i64: 128>, scalar_prefetch = 0 : i64, scratch_operands = 0 : i64, tpu.core_type = #tpu.core_type<tc>, window_params = [{transform_indices = @transform_0, window_bounds = array<i64: 2048, 128>}, {pipeline_mode = #tpu.pipeline_mode<synchronous>, transform_indices = @transform_1, window_bounds = array<i64: 1, 128>}, {pipeline_mode = #tpu.pipeline_mode<synchronous>, transform_indices = @transform_2, window_bounds = array<i64: 1, 128>}, {pipeline_mode = #tpu.pipeline_mode<synchronous>, transform_indices = @transform_3, window_bounds = array<i64: 128, 16>}, {transform_indices = @transform_4, window_bounds = array<i64: 2048, 16>}, {pipeline_mode = #tpu.pipeline_mode<synchronous>, transform_indices = @transform_5, window_bounds = array<i64: 1, 16>}, {pipeline_mode = #tpu.pipeline_mode<synchronous>, transform_indices = @transform_6, window_bounds = array<i64: 1, 16>}]} {
    %get3A = arith.constant 0 : index
    %get3A_0 = arith.constant 0 : index
    %get3A_1 = vector.load %arg1[%get3A, %get3A_0] : memref<2048x128xf32, #tpu.memory_space<vmem>>, vector<2048x128xf32>
    %get3A_2 = arith.constant 0 : index
    %get3A_3 = arith.constant 0 : index
    %get3A_4 = vector.load %arg4[%get3A_2, %get3A_3] : memref<128x16xf32, #tpu.memory_space<vmem>>, vector<128x16xf32>
    %dot_general3A = arith.constant dense<0.000000e+00> : vector<2048x16xf32>
    %dot_general3A_5 = tpu.matmul %get3A_1, %get3A_4, %dot_general3A {dimension_numbers = #tpu.dot_dimension_numbers<[1], [0], [0], [1], [0, 0, 1, 1], [], []>, transpose_lhs_hint = false} : vector<2048x128xf32>, vector<128x16xf32>, vector<2048x16xf32> -> vector<2048x16xf32>
    %swap3A = arith.constant 0 : index
    %swap3A_6 = arith.constant 0 : index
    %swap3A_7 = vector.load %arg5[%swap3A, %swap3A_6] : memref<2048x16xf32, #tpu.memory_space<vmem>>, vector<2048x16xf32>
    tpu.vector_store %arg5[%swap3A, %swap3A_6], %dot_general3A_5 {strides = array<i32>} : memref<2048x16xf32, #tpu.memory_space<vmem>>, vector<2048x16xf32>,
    %eq3A = arith.constant 0 : i32
    %eq3A_8 = arith.cmpi eq, %arg0, %eq3A : i32
    %convert_element_type3A = arith.extui %eq3A_8 : i1 to i32
    %cond3A = arith.constant 0 : i32
    %cond3A_9 = arith.cmpi ne, %convert_element_type3A, %cond3A : i32
    scf.if %cond3A_9 {
      %broadcast_in_dim3A_27 = arith.constant 0.000000e+00 : f32
      %broadcast_in_dim3A_28 = vector.broadcast %broadcast_in_dim3A_27 : f32 to vector<1x16xf32>
      %swap3A_29 = arith.constant 0 : index
      %swap3A_30 = arith.constant 0 : index
      %swap3A_31 = vector.load %arg6[%swap3A_29, %swap3A_30] : memref<1x16xf32, #tpu.memory_space<vmem>>, vector<1x16xf32>
      tpu.vector_store %arg6[%swap3A_29, %swap3A_30], %broadcast_in_dim3A_28 {strides = array<i32>} : memref<1x16xf32, #tpu.memory_space<vmem>>, vector<1x16xf32>,
      %broadcast_in_dim3A_32 = arith.constant 0.000000e+00 : f32
      %broadcast_in_dim3A_33 = vector.broadcast %broadcast_in_dim3A_32 : f32 to vector<1x16xf32>
      %swap3A_34 = arith.constant 0 : index
      %swap3A_35 = arith.constant 0 : index
      %swap3A_36 = vector.load %arg7[%swap3A_34, %swap3A_35] : memref<1x16xf32, #tpu.memory_space<vmem>>, vector<1x16xf32>
      tpu.vector_store %arg7[%swap3A_34, %swap3A_35], %broadcast_in_dim3A_33 {strides = array<i32>} : memref<1x16xf32, #tpu.memory_space<vmem>>, vector<1x16xf32>,
    } else {
    }
    %get3A_10 = arith.constant 0 : index
    %get3A_11 = arith.constant 0 : index
    %get3A_12 = vector.load %arg6[%get3A_10, %get3A_11] : memref<1x16xf32, #tpu.memory_space<vmem>>, vector<1x16xf32>
    %reduce_sum3A = arith.constant dense<0.000000e+00> : vector<16xf32>
    %reduce_sum3A_13 = vector.multi_reduction <add>, %dot_general3A_5, %reduce_sum3A [0] : vector<2048x16xf32> to vector<16xf32>
    %broadcast_in_dim3A = vector.shape_cast %reduce_sum3A_13 : vector<16xf32> to vector<1x16xf32>
    %add3A = arith.addf %get3A_12, %broadcast_in_dim3A : vector<1x16xf32>
    %swap3A_14 = arith.constant 0 : index
    %swap3A_15 = arith.constant 0 : index
    %swap3A_16 = vector.load %arg6[%swap3A_14, %swap3A_15] : memref<1x16xf32, #tpu.memory_space<vmem>>, vector<1x16xf32>
    tpu.vector_store %arg6[%swap3A_14, %swap3A_15], %add3A {strides = array<i32>} : memref<1x16xf32, #tpu.memory_space<vmem>>, vector<1x16xf32>,
    %get3A_17 = arith.constant 0 : index
    %get3A_18 = arith.constant 0 : index
    %get3A_19 = vector.load %arg7[%get3A_17, %get3A_18] : memref<1x16xf32, #tpu.memory_space<vmem>>, vector<1x16xf32>
    %mul3A = arith.mulf %dot_general3A_5, %dot_general3A_5 : vector<2048x16xf32>
    %reduce_sum3A_20 = arith.constant dense<0.000000e+00> : vector<16xf32>
    %reduce_sum3A_21 = vector.multi_reduction <add>, %mul3A, %reduce_sum3A_20 [0] : vector<2048x16xf32> to vector<16xf32>
    %broadcast_in_dim3A_22 = vector.shape_cast %reduce_sum3A_21 : vector<16xf32> to vector<1x16xf32>
    %add3A_23 = arith.addf %get3A_19, %broadcast_in_dim3A_22 : vector<1x16xf32>
    %swap3A_24 = arith.constant 0 : index
    %swap3A_25 = arith.constant 0 : index
    %swap3A_26 = vector.load %arg7[%swap3A_24, %swap3A_25] : memref<1x16xf32, #tpu.memory_space<vmem>>, vector<1x16xf32>
    tpu.vector_store %arg7[%swap3A_24, %swap3A_25], %add3A_23 {strides = array<i32>} : memref<1x16xf32, #tpu.memory_space<vmem>>, vector<1x16xf32>,
    return
  }
  func.func @transform_0(%arg0: i32) -> (i32, i32) {
    %c0_i32 = arith.constant 0 : i32
    %c0_i32_0 = arith.constant 0 : i32
    return %arg0, %c0_i32 : i32, i32
  }
  func.func @transform_1(%arg0: i32) -> (i32, i32) {
    %c0_i32 = arith.constant 0 : i32
    %c0_i32_0 = arith.constant 0 : i32
    %c0_i32_1 = arith.constant 0 : i32
    return %c0_i32, %c0_i32_0 : i32, i32
  }
  func.func @transform_2(%arg0: i32) -> (i32, i32) {
    %c0_i32 = arith.constant 0 : i32
    %c0_i32_0 = arith.constant 0 : i32
    %c0_i32_1 = arith.constant 0 : i32
    return %c0_i32, %c0_i32_0 : i32, i32
  }
  func.func @transform_3(%arg0: i32) -> (i32, i32) {
    %c0_i32 = arith.constant 0 : i32
    %c0_i32_0 = arith.constant 0 : i32
    %c0_i32_1 = arith.constant 0 : i32
    return %c0_i32, %c0_i32_0 : i32, i32
  }
  func.func @transform_4(%arg0: i32) -> (i32, i32) {
    %c0_i32 = arith.constant 0 : i32
    %c0_i32_0 = arith.constant 0 : i32
    return %arg0, %c0_i32 : i32, i32
  }
  func.func @transform_5(%arg0: i32) -> (i32, i32) {
    %c0_i32 = arith.constant 0 : i32
    %c0_i32_0 = arith.constant 0 : i32
    %c0_i32_1 = arith.constant 0 : i32
    return %c0_i32, %c0_i32_0 : i32, i32
  }
  func.func @transform_6(%arg0: i32) -> (i32, i32) {
    %c0_i32 = arith.constant 0 : i32
    %c0_i32_0 = arith.constant 0 : i32
    %c0_i32_1 = arith.constant 0 : i32
    return %c0_i32, %c0_i32_0 : i32, i32
  }
}

module attributes {stable_mosaic.version = 14 : i64} {
  func.func @_mm_kernel(%arg0: i32, %arg1: memref<2048x16xf32, #tpu.memory_space<vmem>>, %arg2: memref<1x16xf32, #tpu.memory_space<vmem>>, %arg3: memref<1x16xf32, #tpu.memory_space<vmem>>, %arg4: memref<16x32xf32, #tpu.memory_space<vmem>>, %arg5: memref<2048x32xf32, #tpu.memory_space<vmem>>, %arg6: memref<1x32xf32, #tpu.memory_space<vmem>>, %arg7: memref<1x32xf32, #tpu.memory_space<vmem>>) attributes {dimension_semantics = [#tpu.dimension_semantics<arbitrary>], iteration_bounds = array<i64: 128>, scalar_prefetch = 0 : i64, scratch_operands = 0 : i64, tpu.core_type = #tpu.core_type<tc>, window_params = [{transform_indices = @transform_0, window_bounds = array<i64: 2048, 16>}, {pipeline_mode = #tpu.pipeline_mode<synchronous>, transform_indices = @transform_1, window_bounds = array<i64: 1, 16>}, {pipeline_mode = #tpu.pipeline_mode<synchronous>, transform_indices = @transform_2, window_bounds = array<i64: 1, 16>}, {pipeline_mode = #tpu.pipeline_mode<synchronous>, transform_indices = @transform_3, window_bounds = array<i64: 16, 32>}, {transform_indices = @transform_4, window_bounds = array<i64: 2048, 32>}, {pipeline_mode = #tpu.pipeline_mode<synchronous>, transform_indices = @transform_5, window_bounds = array<i64: 1, 32>}, {pipeline_mode = #tpu.pipeline_mode<synchronous>, transform_indices = @transform_6, window_bounds = array<i64: 1, 32>}]} {
    %get3A = arith.constant 0 : index
    %get3A_0 = arith.constant 0 : index
    %get3A_1 = vector.load %arg1[%get3A, %get3A_0] : memref<2048x16xf32, #tpu.memory_space<vmem>>, vector<2048x16xf32>
    %get3A_2 = arith.constant 0 : index
    %get3A_3 = arith.constant 0 : index
    %get3A_4 = vector.load %arg2[%get3A_2, %get3A_3] : memref<1x16xf32, #tpu.memory_space<vmem>>, vector<1x16xf32>
    %sub3A = vector.broadcast %get3A_4 : vector<1x16xf32> to vector<2048x16xf32>
    %sub3A_5 = arith.subf %get3A_1, %sub3A : vector<2048x16xf32>
    %get3A_6 = arith.constant 0 : index
    %get3A_7 = arith.constant 0 : index
    %get3A_8 = vector.load %arg3[%get3A_6, %get3A_7] : memref<1x16xf32, #tpu.memory_space<vmem>>, vector<1x16xf32>
    %mul3A = vector.broadcast %get3A_8 : vector<1x16xf32> to vector<2048x16xf32>
    %mul3A_9 = arith.mulf %sub3A_5, %mul3A : vector<2048x16xf32>
    %max3A = arith.constant 0.000000e+00 : f32
    %max3A_10 = vector.broadcast %max3A : f32 to vector<2048x16xf32>
    %max3A_11 = arith.maximumf %mul3A_9, %max3A_10 : vector<2048x16xf32>
    %get3A_12 = arith.constant 0 : index
    %get3A_13 = arith.constant 0 : index
    %get3A_14 = vector.load %arg4[%get3A_12, %get3A_13] : memref<16x32xf32, #tpu.memory_space<vmem>>, vector<16x32xf32>
    %dot_general3A = arith.constant dense<0.000000e+00> : vector<2048x32xf32>
    %dot_general3A_15 = tpu.matmul %max3A_11, %get3A_14, %dot_general3A {dimension_numbers = #tpu.dot_dimension_numbers<[1], [0], [0], [1], [0, 0, 1, 1], [], []>, transpose_lhs_hint = false} : vector<2048x16xf32>, vector<16x32xf32>, vector<2048x32xf32> -> vector<2048x32xf32>
    %swap3A = arith.constant 0 : index
    %swap3A_16 = arith.constant 0 : index
    %swap3A_17 = vector.load %arg5[%swap3A, %swap3A_16] : memref<2048x32xf32, #tpu.memory_space<vmem>>, vector<2048x32xf32>
    tpu.vector_store %arg5[%swap3A, %swap3A_16], %dot_general3A_15 {strides = array<i32>} : memref<2048x32xf32, #tpu.memory_space<vmem>>, vector<2048x32xf32>,
    %eq3A = arith.constant 0 : i32
    %eq3A_18 = arith.cmpi eq, %arg0, %eq3A : i32
    %convert_element_type3A = arith.extui %eq3A_18 : i1 to i32
    %cond3A = arith.constant 0 : i32
    %cond3A_19 = arith.cmpi ne, %convert_element_type3A, %cond3A : i32
    scf.if %cond3A_19 {
      %broadcast_in_dim3A_38 = arith.constant 0.000000e+00 : f32
      %broadcast_in_dim3A_39 = vector.broadcast %broadcast_in_dim3A_38 : f32 to vector<1x32xf32>
      %swap3A_40 = arith.constant 0 : index
      %swap3A_41 = arith.constant 0 : index
      %swap3A_42 = vector.load %arg6[%swap3A_40, %swap3A_41] : memref<1x32xf32, #tpu.memory_space<vmem>>, vector<1x32xf32>
      tpu.vector_store %arg6[%swap3A_40, %swap3A_41], %broadcast_in_dim3A_39 {strides = array<i32>} : memref<1x32xf32, #tpu.memory_space<vmem>>, vector<1x32xf32>,
      %broadcast_in_dim3A_43 = arith.constant 0.000000e+00 : f32
      %broadcast_in_dim3A_44 = vector.broadcast %broadcast_in_dim3A_43 : f32 to vector<1x32xf32>
      %swap3A_45 = arith.constant 0 : index
      %swap3A_46 = arith.constant 0 : index
      %swap3A_47 = vector.load %arg7[%swap3A_45, %swap3A_46] : memref<1x32xf32, #tpu.memory_space<vmem>>, vector<1x32xf32>
      tpu.vector_store %arg7[%swap3A_45, %swap3A_46], %broadcast_in_dim3A_44 {strides = array<i32>} : memref<1x32xf32, #tpu.memory_space<vmem>>, vector<1x32xf32>,
    } else {
    }
    %get3A_20 = arith.constant 0 : index
    %get3A_21 = arith.constant 0 : index
    %get3A_22 = vector.load %arg6[%get3A_20, %get3A_21] : memref<1x32xf32, #tpu.memory_space<vmem>>, vector<1x32xf32>
    %reduce_sum3A = arith.constant dense<0.000000e+00> : vector<32xf32>
    %reduce_sum3A_23 = vector.multi_reduction <add>, %dot_general3A_15, %reduce_sum3A [0] : vector<2048x32xf32> to vector<32xf32>
    %broadcast_in_dim3A = vector.shape_cast %reduce_sum3A_23 : vector<32xf32> to vector<1x32xf32>
    %add3A = arith.addf %get3A_22, %broadcast_in_dim3A : vector<1x32xf32>
    %swap3A_24 = arith.constant 0 : index
    %swap3A_25 = arith.constant 0 : index
    %swap3A_26 = vector.load %arg6[%swap3A_24, %swap3A_25] : memref<1x32xf32, #tpu.memory_space<vmem>>, vector<1x32xf32>
    tpu.vector_store %arg6[%swap3A_24, %swap3A_25], %add3A {strides = array<i32>} : memref<1x32xf32, #tpu.memory_space<vmem>>, vector<1x32xf32>,
    %get3A_27 = arith.constant 0 : index
    %get3A_28 = arith.constant 0 : index
    %get3A_29 = vector.load %arg7[%get3A_27, %get3A_28] : memref<1x32xf32, #tpu.memory_space<vmem>>, vector<1x32xf32>
    %mul3A_30 = arith.mulf %dot_general3A_15, %dot_general3A_15 : vector<2048x32xf32>
    %reduce_sum3A_31 = arith.constant dense<0.000000e+00> : vector<32xf32>
    %reduce_sum3A_32 = vector.multi_reduction <add>, %mul3A_30, %reduce_sum3A_31 [0] : vector<2048x32xf32> to vector<32xf32>
    %broadcast_in_dim3A_33 = vector.shape_cast %reduce_sum3A_32 : vector<32xf32> to vector<1x32xf32>
    %add3A_34 = arith.addf %get3A_29, %broadcast_in_dim3A_33 : vector<1x32xf32>
    %swap3A_35 = arith.constant 0 : index
    %swap3A_36 = arith.constant 0 : index
    %swap3A_37 = vector.load %arg7[%swap3A_35, %swap3A_36] : memref<1x32xf32, #tpu.memory_space<vmem>>, vector<1x32xf32>
    tpu.vector_store %arg7[%swap3A_35, %swap3A_36], %add3A_34 {strides = array<i32>} : memref<1x32xf32, #tpu.memory_space<vmem>>, vector<1x32xf32>,
    return
  }
  func.func @transform_0(%arg0: i32) -> (i32, i32) {
    %c0_i32 = arith.constant 0 : i32
    %c0_i32_0 = arith.constant 0 : i32
    return %arg0, %c0_i32 : i32, i32
  }
  func.func @transform_1(%arg0: i32) -> (i32, i32) {
    %c0_i32 = arith.constant 0 : i32
    %c0_i32_0 = arith.constant 0 : i32
    %c0_i32_1 = arith.constant 0 : i32
    return %c0_i32, %c0_i32_0 : i32, i32
  }
  func.func @transform_2(%arg0: i32) -> (i32, i32) {
    %c0_i32 = arith.constant 0 : i32
    %c0_i32_0 = arith.constant 0 : i32
    %c0_i32_1 = arith.constant 0 : i32
    return %c0_i32, %c0_i32_0 : i32, i32
  }
  func.func @transform_3(%arg0: i32) -> (i32, i32) {
    %c0_i32 = arith.constant 0 : i32
    %c0_i32_0 = arith.constant 0 : i32
    %c0_i32_1 = arith.constant 0 : i32
    return %c0_i32, %c0_i32_0 : i32, i32
  }
  func.func @transform_4(%arg0: i32) -> (i32, i32) {
    %c0_i32 = arith.constant 0 : i32
    %c0_i32_0 = arith.constant 0 : i32
    return %arg0, %c0_i32 : i32, i32
  }
  func.func @transform_5(%arg0: i32) -> (i32, i32) {
    %c0_i32 = arith.constant 0 : i32
    %c0_i32_0 = arith.constant 0 : i32
    %c0_i32_1 = arith.constant 0 : i32
    return %c0_i32, %c0_i32_0 : i32, i32
  }
  func.func @transform_6(%arg0: i32) -> (i32, i32) {
    %c0_i32 = arith.constant 0 : i32
    %c0_i32_0 = arith.constant 0 : i32
    %c0_i32_1 = arith.constant 0 : i32
    return %c0_i32, %c0_i32_0 : i32, i32
  }
}

module attributes {stable_mosaic.version = 14 : i64} {
  func.func @_nrm_kernel(%arg0: i32, %arg1: memref<2048x32xf32, #tpu.memory_space<vmem>>, %arg2: memref<1x32xf32, #tpu.memory_space<vmem>>, %arg3: memref<1x32xf32, #tpu.memory_space<vmem>>, %arg4: memref<64x32xf32, #tpu.memory_space<vmem>>) attributes {dimension_semantics = [#tpu.dimension_semantics<arbitrary>], iteration_bounds = array<i64: 128>, scalar_prefetch = 0 : i64, scratch_operands = 0 : i64, tpu.core_type = #tpu.core_type<tc>, window_params = [{transform_indices = @transform_0, window_bounds = array<i64: 2048, 32>}, {pipeline_mode = #tpu.pipeline_mode<synchronous>, transform_indices = @transform_1, window_bounds = array<i64: 1, 32>}, {pipeline_mode = #tpu.pipeline_mode<synchronous>, transform_indices = @transform_2, window_bounds = array<i64: 1, 32>}, {transform_indices = @transform_3, window_bounds = array<i64: 64, 32>}]} {
    %get3A = arith.constant 0 : index
    %get3A_0 = arith.constant 0 : index
    %get3A_1 = vector.load %arg1[%get3A, %get3A_0] : memref<2048x32xf32, #tpu.memory_space<vmem>>, vector<2048x32xf32>
    %get3A_2 = arith.constant 0 : index
    %get3A_3 = arith.constant 0 : index
    %get3A_4 = vector.load %arg2[%get3A_2, %get3A_3] : memref<1x32xf32, #tpu.memory_space<vmem>>, vector<1x32xf32>
    %sub3A = vector.broadcast %get3A_4 : vector<1x32xf32> to vector<2048x32xf32>
    %sub3A_5 = arith.subf %get3A_1, %sub3A : vector<2048x32xf32>
    %get3A_6 = arith.constant 0 : index
    %get3A_7 = arith.constant 0 : index
    %get3A_8 = vector.load %arg3[%get3A_6, %get3A_7] : memref<1x32xf32, #tpu.memory_space<vmem>>, vector<1x32xf32>
    %mul3A = vector.broadcast %get3A_8 : vector<1x32xf32> to vector<2048x32xf32>
    %mul3A_9 = arith.mulf %sub3A_5, %mul3A : vector<2048x32xf32>
    %max3A = arith.constant 0.000000e+00 : f32
    %max3A_10 = vector.broadcast %max3A : f32 to vector<2048x32xf32>
    %max3A_11 = arith.maximumf %mul3A_9, %max3A_10 : vector<2048x32xf32>
    %reshape3A = vector.shape_cast %max3A_11 : vector<2048x32xf32> to vector<64x32x32xf32>
    %reduce_max3A = arith.constant dense<0xFF800000> : vector<64x32xf32>
    %reduce_max3A_12 = vector.multi_reduction <maximumf>, %reshape3A, %reduce_max3A [1] : vector<64x32x32xf32> to vector<64x32xf32>
    %swap3A = arith.constant 0 : index
    %swap3A_13 = arith.constant 0 : index
    %swap3A_14 = vector.load %arg4[%swap3A, %swap3A_13] : memref<64x32xf32, #tpu.memory_space<vmem>>, vector<64x32xf32>
    tpu.vector_store %arg4[%swap3A, %swap3A_13], %reduce_max3A_12 {strides = array<i32>} : memref<64x32xf32, #tpu.memory_space<vmem>>, vector<64x32xf32>,
    return
  }
  func.func @transform_0(%arg0: i32) -> (i32, i32) {
    %c0_i32 = arith.constant 0 : i32
    %c0_i32_0 = arith.constant 0 : i32
    return %arg0, %c0_i32 : i32, i32
  }
  func.func @transform_1(%arg0: i32) -> (i32, i32) {
    %c0_i32 = arith.constant 0 : i32
    %c0_i32_0 = arith.constant 0 : i32
    %c0_i32_1 = arith.constant 0 : i32
    return %c0_i32, %c0_i32_0 : i32, i32
  }
  func.func @transform_2(%arg0: i32) -> (i32, i32) {
    %c0_i32 = arith.constant 0 : i32
    %c0_i32_0 = arith.constant 0 : i32
    %c0_i32_1 = arith.constant 0 : i32
    return %c0_i32, %c0_i32_0 : i32, i32
  }
  func.func @transform_3(%arg0: i32) -> (i32, i32) {
    %c0_i32 = arith.constant 0 : i32
    %c0_i32_0 = arith.constant 0 : i32
    return %arg0, %c0_i32 : i32, i32
  }
}

module attributes {stable_mosaic.version = 14 : i64} {
  func.func @_mm_kernel(%arg0: i32, %arg1: memref<2048x128xf32, #tpu.memory_space<vmem>>, %arg2: memref<1x128xf32, #tpu.memory_space<vmem>>, %arg3: memref<1x128xf32, #tpu.memory_space<vmem>>, %arg4: memref<128x32xf32, #tpu.memory_space<vmem>>, %arg5: memref<2048x32xf32, #tpu.memory_space<vmem>>, %arg6: memref<1x32xf32, #tpu.memory_space<vmem>>, %arg7: memref<1x32xf32, #tpu.memory_space<vmem>>) attributes {dimension_semantics = [#tpu.dimension_semantics<arbitrary>], iteration_bounds = array<i64: 32>, scalar_prefetch = 0 : i64, scratch_operands = 0 : i64, tpu.core_type = #tpu.core_type<tc>, window_params = [{transform_indices = @transform_0, window_bounds = array<i64: 2048, 128>}, {pipeline_mode = #tpu.pipeline_mode<synchronous>, transform_indices = @transform_1, window_bounds = array<i64: 1, 128>}, {pipeline_mode = #tpu.pipeline_mode<synchronous>, transform_indices = @transform_2, window_bounds = array<i64: 1, 128>}, {pipeline_mode = #tpu.pipeline_mode<synchronous>, transform_indices = @transform_3, window_bounds = array<i64: 128, 32>}, {transform_indices = @transform_4, window_bounds = array<i64: 2048, 32>}, {pipeline_mode = #tpu.pipeline_mode<synchronous>, transform_indices = @transform_5, window_bounds = array<i64: 1, 32>}, {pipeline_mode = #tpu.pipeline_mode<synchronous>, transform_indices = @transform_6, window_bounds = array<i64: 1, 32>}]} {
    %get3A = arith.constant 0 : index
    %get3A_0 = arith.constant 0 : index
    %get3A_1 = vector.load %arg1[%get3A, %get3A_0] : memref<2048x128xf32, #tpu.memory_space<vmem>>, vector<2048x128xf32>
    %get3A_2 = arith.constant 0 : index
    %get3A_3 = arith.constant 0 : index
    %get3A_4 = vector.load %arg4[%get3A_2, %get3A_3] : memref<128x32xf32, #tpu.memory_space<vmem>>, vector<128x32xf32>
    %dot_general3A = arith.constant dense<0.000000e+00> : vector<2048x32xf32>
    %dot_general3A_5 = tpu.matmul %get3A_1, %get3A_4, %dot_general3A {dimension_numbers = #tpu.dot_dimension_numbers<[1], [0], [0], [1], [0, 0, 1, 1], [], []>, transpose_lhs_hint = false} : vector<2048x128xf32>, vector<128x32xf32>, vector<2048x32xf32> -> vector<2048x32xf32>
    %swap3A = arith.constant 0 : index
    %swap3A_6 = arith.constant 0 : index
    %swap3A_7 = vector.load %arg5[%swap3A, %swap3A_6] : memref<2048x32xf32, #tpu.memory_space<vmem>>, vector<2048x32xf32>
    tpu.vector_store %arg5[%swap3A, %swap3A_6], %dot_general3A_5 {strides = array<i32>} : memref<2048x32xf32, #tpu.memory_space<vmem>>, vector<2048x32xf32>,
    %eq3A = arith.constant 0 : i32
    %eq3A_8 = arith.cmpi eq, %arg0, %eq3A : i32
    %convert_element_type3A = arith.extui %eq3A_8 : i1 to i32
    %cond3A = arith.constant 0 : i32
    %cond3A_9 = arith.cmpi ne, %convert_element_type3A, %cond3A : i32
    scf.if %cond3A_9 {
      %broadcast_in_dim3A_27 = arith.constant 0.000000e+00 : f32
      %broadcast_in_dim3A_28 = vector.broadcast %broadcast_in_dim3A_27 : f32 to vector<1x32xf32>
      %swap3A_29 = arith.constant 0 : index
      %swap3A_30 = arith.constant 0 : index
      %swap3A_31 = vector.load %arg6[%swap3A_29, %swap3A_30] : memref<1x32xf32, #tpu.memory_space<vmem>>, vector<1x32xf32>
      tpu.vector_store %arg6[%swap3A_29, %swap3A_30], %broadcast_in_dim3A_28 {strides = array<i32>} : memref<1x32xf32, #tpu.memory_space<vmem>>, vector<1x32xf32>,
      %broadcast_in_dim3A_32 = arith.constant 0.000000e+00 : f32
      %broadcast_in_dim3A_33 = vector.broadcast %broadcast_in_dim3A_32 : f32 to vector<1x32xf32>
      %swap3A_34 = arith.constant 0 : index
      %swap3A_35 = arith.constant 0 : index
      %swap3A_36 = vector.load %arg7[%swap3A_34, %swap3A_35] : memref<1x32xf32, #tpu.memory_space<vmem>>, vector<1x32xf32>
      tpu.vector_store %arg7[%swap3A_34, %swap3A_35], %broadcast_in_dim3A_33 {strides = array<i32>} : memref<1x32xf32, #tpu.memory_space<vmem>>, vector<1x32xf32>,
    } else {
    }
    %get3A_10 = arith.constant 0 : index
    %get3A_11 = arith.constant 0 : index
    %get3A_12 = vector.load %arg6[%get3A_10, %get3A_11] : memref<1x32xf32, #tpu.memory_space<vmem>>, vector<1x32xf32>
    %reduce_sum3A = arith.constant dense<0.000000e+00> : vector<32xf32>
    %reduce_sum3A_13 = vector.multi_reduction <add>, %dot_general3A_5, %reduce_sum3A [0] : vector<2048x32xf32> to vector<32xf32>
    %broadcast_in_dim3A = vector.shape_cast %reduce_sum3A_13 : vector<32xf32> to vector<1x32xf32>
    %add3A = arith.addf %get3A_12, %broadcast_in_dim3A : vector<1x32xf32>
    %swap3A_14 = arith.constant 0 : index
    %swap3A_15 = arith.constant 0 : index
    %swap3A_16 = vector.load %arg6[%swap3A_14, %swap3A_15] : memref<1x32xf32, #tpu.memory_space<vmem>>, vector<1x32xf32>
    tpu.vector_store %arg6[%swap3A_14, %swap3A_15], %add3A {strides = array<i32>} : memref<1x32xf32, #tpu.memory_space<vmem>>, vector<1x32xf32>,
    %get3A_17 = arith.constant 0 : index
    %get3A_18 = arith.constant 0 : index
    %get3A_19 = vector.load %arg7[%get3A_17, %get3A_18] : memref<1x32xf32, #tpu.memory_space<vmem>>, vector<1x32xf32>
    %mul3A = arith.mulf %dot_general3A_5, %dot_general3A_5 : vector<2048x32xf32>
    %reduce_sum3A_20 = arith.constant dense<0.000000e+00> : vector<32xf32>
    %reduce_sum3A_21 = vector.multi_reduction <add>, %mul3A, %reduce_sum3A_20 [0] : vector<2048x32xf32> to vector<32xf32>
    %broadcast_in_dim3A_22 = vector.shape_cast %reduce_sum3A_21 : vector<32xf32> to vector<1x32xf32>
    %add3A_23 = arith.addf %get3A_19, %broadcast_in_dim3A_22 : vector<1x32xf32>
    %swap3A_24 = arith.constant 0 : index
    %swap3A_25 = arith.constant 0 : index
    %swap3A_26 = vector.load %arg7[%swap3A_24, %swap3A_25] : memref<1x32xf32, #tpu.memory_space<vmem>>, vector<1x32xf32>
    tpu.vector_store %arg7[%swap3A_24, %swap3A_25], %add3A_23 {strides = array<i32>} : memref<1x32xf32, #tpu.memory_space<vmem>>, vector<1x32xf32>,
    return
  }
  func.func @transform_0(%arg0: i32) -> (i32, i32) {
    %c0_i32 = arith.constant 0 : i32
    %c0_i32_0 = arith.constant 0 : i32
    return %arg0, %c0_i32 : i32, i32
  }
  func.func @transform_1(%arg0: i32) -> (i32, i32) {
    %c0_i32 = arith.constant 0 : i32
    %c0_i32_0 = arith.constant 0 : i32
    %c0_i32_1 = arith.constant 0 : i32
    return %c0_i32, %c0_i32_0 : i32, i32
  }
  func.func @transform_2(%arg0: i32) -> (i32, i32) {
    %c0_i32 = arith.constant 0 : i32
    %c0_i32_0 = arith.constant 0 : i32
    %c0_i32_1 = arith.constant 0 : i32
    return %c0_i32, %c0_i32_0 : i32, i32
  }
  func.func @transform_3(%arg0: i32) -> (i32, i32) {
    %c0_i32 = arith.constant 0 : i32
    %c0_i32_0 = arith.constant 0 : i32
    %c0_i32_1 = arith.constant 0 : i32
    return %c0_i32, %c0_i32_0 : i32, i32
  }
  func.func @transform_4(%arg0: i32) -> (i32, i32) {
    %c0_i32 = arith.constant 0 : i32
    %c0_i32_0 = arith.constant 0 : i32
    return %arg0, %c0_i32 : i32, i32
  }
  func.func @transform_5(%arg0: i32) -> (i32, i32) {
    %c0_i32 = arith.constant 0 : i32
    %c0_i32_0 = arith.constant 0 : i32
    %c0_i32_1 = arith.constant 0 : i32
    return %c0_i32, %c0_i32_0 : i32, i32
  }
  func.func @transform_6(%arg0: i32) -> (i32, i32) {
    %c0_i32 = arith.constant 0 : i32
    %c0_i32_0 = arith.constant 0 : i32
    %c0_i32_1 = arith.constant 0 : i32
    return %c0_i32, %c0_i32_0 : i32, i32
  }
}

module attributes {stable_mosaic.version = 14 : i64} {
  func.func @_mm_kernel(%arg0: i32, %arg1: memref<2048x32xf32, #tpu.memory_space<vmem>>, %arg2: memref<1x32xf32, #tpu.memory_space<vmem>>, %arg3: memref<1x32xf32, #tpu.memory_space<vmem>>, %arg4: memref<32x64xf32, #tpu.memory_space<vmem>>, %arg5: memref<2048x64xf32, #tpu.memory_space<vmem>>, %arg6: memref<1x64xf32, #tpu.memory_space<vmem>>, %arg7: memref<1x64xf32, #tpu.memory_space<vmem>>) attributes {dimension_semantics = [#tpu.dimension_semantics<arbitrary>], iteration_bounds = array<i64: 32>, scalar_prefetch = 0 : i64, scratch_operands = 0 : i64, tpu.core_type = #tpu.core_type<tc>, window_params = [{transform_indices = @transform_0, window_bounds = array<i64: 2048, 32>}, {pipeline_mode = #tpu.pipeline_mode<synchronous>, transform_indices = @transform_1, window_bounds = array<i64: 1, 32>}, {pipeline_mode = #tpu.pipeline_mode<synchronous>, transform_indices = @transform_2, window_bounds = array<i64: 1, 32>}, {pipeline_mode = #tpu.pipeline_mode<synchronous>, transform_indices = @transform_3, window_bounds = array<i64: 32, 64>}, {transform_indices = @transform_4, window_bounds = array<i64: 2048, 64>}, {pipeline_mode = #tpu.pipeline_mode<synchronous>, transform_indices = @transform_5, window_bounds = array<i64: 1, 64>}, {pipeline_mode = #tpu.pipeline_mode<synchronous>, transform_indices = @transform_6, window_bounds = array<i64: 1, 64>}]} {
    %get3A = arith.constant 0 : index
    %get3A_0 = arith.constant 0 : index
    %get3A_1 = vector.load %arg1[%get3A, %get3A_0] : memref<2048x32xf32, #tpu.memory_space<vmem>>, vector<2048x32xf32>
    %get3A_2 = arith.constant 0 : index
    %get3A_3 = arith.constant 0 : index
    %get3A_4 = vector.load %arg2[%get3A_2, %get3A_3] : memref<1x32xf32, #tpu.memory_space<vmem>>, vector<1x32xf32>
    %sub3A = vector.broadcast %get3A_4 : vector<1x32xf32> to vector<2048x32xf32>
    %sub3A_5 = arith.subf %get3A_1, %sub3A : vector<2048x32xf32>
    %get3A_6 = arith.constant 0 : index
    %get3A_7 = arith.constant 0 : index
    %get3A_8 = vector.load %arg3[%get3A_6, %get3A_7] : memref<1x32xf32, #tpu.memory_space<vmem>>, vector<1x32xf32>
    %mul3A = vector.broadcast %get3A_8 : vector<1x32xf32> to vector<2048x32xf32>
    %mul3A_9 = arith.mulf %sub3A_5, %mul3A : vector<2048x32xf32>
    %max3A = arith.constant 0.000000e+00 : f32
    %max3A_10 = vector.broadcast %max3A : f32 to vector<2048x32xf32>
    %max3A_11 = arith.maximumf %mul3A_9, %max3A_10 : vector<2048x32xf32>
    %get3A_12 = arith.constant 0 : index
    %get3A_13 = arith.constant 0 : index
    %get3A_14 = vector.load %arg4[%get3A_12, %get3A_13] : memref<32x64xf32, #tpu.memory_space<vmem>>, vector<32x64xf32>
    %dot_general3A = arith.constant dense<0.000000e+00> : vector<2048x64xf32>
    %dot_general3A_15 = tpu.matmul %max3A_11, %get3A_14, %dot_general3A {dimension_numbers = #tpu.dot_dimension_numbers<[1], [0], [0], [1], [0, 0, 1, 1], [], []>, transpose_lhs_hint = false} : vector<2048x32xf32>, vector<32x64xf32>, vector<2048x64xf32> -> vector<2048x64xf32>
    %swap3A = arith.constant 0 : index
    %swap3A_16 = arith.constant 0 : index
    %swap3A_17 = vector.load %arg5[%swap3A, %swap3A_16] : memref<2048x64xf32, #tpu.memory_space<vmem>>, vector<2048x64xf32>
    tpu.vector_store %arg5[%swap3A, %swap3A_16], %dot_general3A_15 {strides = array<i32>} : memref<2048x64xf32, #tpu.memory_space<vmem>>, vector<2048x64xf32>,
    %eq3A = arith.constant 0 : i32
    %eq3A_18 = arith.cmpi eq, %arg0, %eq3A : i32
    %convert_element_type3A = arith.extui %eq3A_18 : i1 to i32
    %cond3A = arith.constant 0 : i32
    %cond3A_19 = arith.cmpi ne, %convert_element_type3A, %cond3A : i32
    scf.if %cond3A_19 {
      %broadcast_in_dim3A_38 = arith.constant 0.000000e+00 : f32
      %broadcast_in_dim3A_39 = vector.broadcast %broadcast_in_dim3A_38 : f32 to vector<1x64xf32>
      %swap3A_40 = arith.constant 0 : index
      %swap3A_41 = arith.constant 0 : index
      %swap3A_42 = vector.load %arg6[%swap3A_40, %swap3A_41] : memref<1x64xf32, #tpu.memory_space<vmem>>, vector<1x64xf32>
      tpu.vector_store %arg6[%swap3A_40, %swap3A_41], %broadcast_in_dim3A_39 {strides = array<i32>} : memref<1x64xf32, #tpu.memory_space<vmem>>, vector<1x64xf32>,
      %broadcast_in_dim3A_43 = arith.constant 0.000000e+00 : f32
      %broadcast_in_dim3A_44 = vector.broadcast %broadcast_in_dim3A_43 : f32 to vector<1x64xf32>
      %swap3A_45 = arith.constant 0 : index
      %swap3A_46 = arith.constant 0 : index
      %swap3A_47 = vector.load %arg7[%swap3A_45, %swap3A_46] : memref<1x64xf32, #tpu.memory_space<vmem>>, vector<1x64xf32>
      tpu.vector_store %arg7[%swap3A_45, %swap3A_46], %broadcast_in_dim3A_44 {strides = array<i32>} : memref<1x64xf32, #tpu.memory_space<vmem>>, vector<1x64xf32>,
    } else {
    }
    %get3A_20 = arith.constant 0 : index
    %get3A_21 = arith.constant 0 : index
    %get3A_22 = vector.load %arg6[%get3A_20, %get3A_21] : memref<1x64xf32, #tpu.memory_space<vmem>>, vector<1x64xf32>
    %reduce_sum3A = arith.constant dense<0.000000e+00> : vector<64xf32>
    %reduce_sum3A_23 = vector.multi_reduction <add>, %dot_general3A_15, %reduce_sum3A [0] : vector<2048x64xf32> to vector<64xf32>
    %broadcast_in_dim3A = vector.shape_cast %reduce_sum3A_23 : vector<64xf32> to vector<1x64xf32>
    %add3A = arith.addf %get3A_22, %broadcast_in_dim3A : vector<1x64xf32>
    %swap3A_24 = arith.constant 0 : index
    %swap3A_25 = arith.constant 0 : index
    %swap3A_26 = vector.load %arg6[%swap3A_24, %swap3A_25] : memref<1x64xf32, #tpu.memory_space<vmem>>, vector<1x64xf32>
    tpu.vector_store %arg6[%swap3A_24, %swap3A_25], %add3A {strides = array<i32>} : memref<1x64xf32, #tpu.memory_space<vmem>>, vector<1x64xf32>,
    %get3A_27 = arith.constant 0 : index
    %get3A_28 = arith.constant 0 : index
    %get3A_29 = vector.load %arg7[%get3A_27, %get3A_28] : memref<1x64xf32, #tpu.memory_space<vmem>>, vector<1x64xf32>
    %mul3A_30 = arith.mulf %dot_general3A_15, %dot_general3A_15 : vector<2048x64xf32>
    %reduce_sum3A_31 = arith.constant dense<0.000000e+00> : vector<64xf32>
    %reduce_sum3A_32 = vector.multi_reduction <add>, %mul3A_30, %reduce_sum3A_31 [0] : vector<2048x64xf32> to vector<64xf32>
    %broadcast_in_dim3A_33 = vector.shape_cast %reduce_sum3A_32 : vector<64xf32> to vector<1x64xf32>
    %add3A_34 = arith.addf %get3A_29, %broadcast_in_dim3A_33 : vector<1x64xf32>
    %swap3A_35 = arith.constant 0 : index
    %swap3A_36 = arith.constant 0 : index
    %swap3A_37 = vector.load %arg7[%swap3A_35, %swap3A_36] : memref<1x64xf32, #tpu.memory_space<vmem>>, vector<1x64xf32>
    tpu.vector_store %arg7[%swap3A_35, %swap3A_36], %add3A_34 {strides = array<i32>} : memref<1x64xf32, #tpu.memory_space<vmem>>, vector<1x64xf32>,
    return
  }
  func.func @transform_0(%arg0: i32) -> (i32, i32) {
    %c0_i32 = arith.constant 0 : i32
    %c0_i32_0 = arith.constant 0 : i32
    return %arg0, %c0_i32 : i32, i32
  }
  func.func @transform_1(%arg0: i32) -> (i32, i32) {
    %c0_i32 = arith.constant 0 : i32
    %c0_i32_0 = arith.constant 0 : i32
    %c0_i32_1 = arith.constant 0 : i32
    return %c0_i32, %c0_i32_0 : i32, i32
  }
  func.func @transform_2(%arg0: i32) -> (i32, i32) {
    %c0_i32 = arith.constant 0 : i32
    %c0_i32_0 = arith.constant 0 : i32
    %c0_i32_1 = arith.constant 0 : i32
    return %c0_i32, %c0_i32_0 : i32, i32
  }
  func.func @transform_3(%arg0: i32) -> (i32, i32) {
    %c0_i32 = arith.constant 0 : i32
    %c0_i32_0 = arith.constant 0 : i32
    %c0_i32_1 = arith.constant 0 : i32
    return %c0_i32, %c0_i32_0 : i32, i32
  }
  func.func @transform_4(%arg0: i32) -> (i32, i32) {
    %c0_i32 = arith.constant 0 : i32
    %c0_i32_0 = arith.constant 0 : i32
    return %arg0, %c0_i32 : i32, i32
  }
  func.func @transform_5(%arg0: i32) -> (i32, i32) {
    %c0_i32 = arith.constant 0 : i32
    %c0_i32_0 = arith.constant 0 : i32
    %c0_i32_1 = arith.constant 0 : i32
    return %c0_i32, %c0_i32_0 : i32, i32
  }
  func.func @transform_6(%arg0: i32) -> (i32, i32) {
    %c0_i32 = arith.constant 0 : i32
    %c0_i32_0 = arith.constant 0 : i32
    %c0_i32_1 = arith.constant 0 : i32
    return %c0_i32, %c0_i32_0 : i32, i32
  }
}

module attributes {stable_mosaic.version = 14 : i64} {
  func.func @_nrm_kernel(%arg0: i32, %arg1: memref<2048x64xf32, #tpu.memory_space<vmem>>, %arg2: memref<1x64xf32, #tpu.memory_space<vmem>>, %arg3: memref<1x64xf32, #tpu.memory_space<vmem>>, %arg4: memref<64x64xf32, #tpu.memory_space<vmem>>) attributes {dimension_semantics = [#tpu.dimension_semantics<arbitrary>], iteration_bounds = array<i64: 32>, scalar_prefetch = 0 : i64, scratch_operands = 0 : i64, tpu.core_type = #tpu.core_type<tc>, window_params = [{transform_indices = @transform_0, window_bounds = array<i64: 2048, 64>}, {pipeline_mode = #tpu.pipeline_mode<synchronous>, transform_indices = @transform_1, window_bounds = array<i64: 1, 64>}, {pipeline_mode = #tpu.pipeline_mode<synchronous>, transform_indices = @transform_2, window_bounds = array<i64: 1, 64>}, {transform_indices = @transform_3, window_bounds = array<i64: 64, 64>}]} {
    %get3A = arith.constant 0 : index
    %get3A_0 = arith.constant 0 : index
    %get3A_1 = vector.load %arg1[%get3A, %get3A_0] : memref<2048x64xf32, #tpu.memory_space<vmem>>, vector<2048x64xf32>
    %get3A_2 = arith.constant 0 : index
    %get3A_3 = arith.constant 0 : index
    %get3A_4 = vector.load %arg2[%get3A_2, %get3A_3] : memref<1x64xf32, #tpu.memory_space<vmem>>, vector<1x64xf32>
    %sub3A = vector.broadcast %get3A_4 : vector<1x64xf32> to vector<2048x64xf32>
    %sub3A_5 = arith.subf %get3A_1, %sub3A : vector<2048x64xf32>
    %get3A_6 = arith.constant 0 : index
    %get3A_7 = arith.constant 0 : index
    %get3A_8 = vector.load %arg3[%get3A_6, %get3A_7] : memref<1x64xf32, #tpu.memory_space<vmem>>, vector<1x64xf32>
    %mul3A = vector.broadcast %get3A_8 : vector<1x64xf32> to vector<2048x64xf32>
    %mul3A_9 = arith.mulf %sub3A_5, %mul3A : vector<2048x64xf32>
    %max3A = arith.constant 0.000000e+00 : f32
    %max3A_10 = vector.broadcast %max3A : f32 to vector<2048x64xf32>
    %max3A_11 = arith.maximumf %mul3A_9, %max3A_10 : vector<2048x64xf32>
    %reshape3A = vector.shape_cast %max3A_11 : vector<2048x64xf32> to vector<64x32x64xf32>
    %reduce_max3A = arith.constant dense<0xFF800000> : vector<64x64xf32>
    %reduce_max3A_12 = vector.multi_reduction <maximumf>, %reshape3A, %reduce_max3A [1] : vector<64x32x64xf32> to vector<64x64xf32>
    %swap3A = arith.constant 0 : index
    %swap3A_13 = arith.constant 0 : index
    %swap3A_14 = vector.load %arg4[%swap3A, %swap3A_13] : memref<64x64xf32, #tpu.memory_space<vmem>>, vector<64x64xf32>
    tpu.vector_store %arg4[%swap3A, %swap3A_13], %reduce_max3A_12 {strides = array<i32>} : memref<64x64xf32, #tpu.memory_space<vmem>>, vector<64x64xf32>,
    return
  }
  func.func @transform_0(%arg0: i32) -> (i32, i32) {
    %c0_i32 = arith.constant 0 : i32
    %c0_i32_0 = arith.constant 0 : i32
    return %arg0, %c0_i32 : i32, i32
  }
  func.func @transform_1(%arg0: i32) -> (i32, i32) {
    %c0_i32 = arith.constant 0 : i32
    %c0_i32_0 = arith.constant 0 : i32
    %c0_i32_1 = arith.constant 0 : i32
    return %c0_i32, %c0_i32_0 : i32, i32
  }
  func.func @transform_2(%arg0: i32) -> (i32, i32) {
    %c0_i32 = arith.constant 0 : i32
    %c0_i32_0 = arith.constant 0 : i32
    %c0_i32_1 = arith.constant 0 : i32
    return %c0_i32, %c0_i32_0 : i32, i32
  }
  func.func @transform_3(%arg0: i32) -> (i32, i32) {
    %c0_i32 = arith.constant 0 : i32
    %c0_i32_0 = arith.constant 0 : i32
    return %arg0, %c0_i32 : i32, i32
  }
}

module attributes {stable_mosaic.version = 14 : i64} {
  func.func @_nrm_kernel(%arg0: i32, %arg1: memref<2048x32xf32, #tpu.memory_space<vmem>>, %arg2: memref<1x32xf32, #tpu.memory_space<vmem>>, %arg3: memref<1x32xf32, #tpu.memory_space<vmem>>, %arg4: memref<256x32xf32, #tpu.memory_space<vmem>>) attributes {dimension_semantics = [#tpu.dimension_semantics<arbitrary>], iteration_bounds = array<i64: 32>, scalar_prefetch = 0 : i64, scratch_operands = 0 : i64, tpu.core_type = #tpu.core_type<tc>, window_params = [{transform_indices = @transform_0, window_bounds = array<i64: 2048, 32>}, {pipeline_mode = #tpu.pipeline_mode<synchronous>, transform_indices = @transform_1, window_bounds = array<i64: 1, 32>}, {pipeline_mode = #tpu.pipeline_mode<synchronous>, transform_indices = @transform_2, window_bounds = array<i64: 1, 32>}, {transform_indices = @transform_3, window_bounds = array<i64: 256, 32>}]} {
    %get3A = arith.constant 0 : index
    %get3A_0 = arith.constant 0 : index
    %get3A_1 = vector.load %arg1[%get3A, %get3A_0] : memref<2048x32xf32, #tpu.memory_space<vmem>>, vector<2048x32xf32>
    %get3A_2 = arith.constant 0 : index
    %get3A_3 = arith.constant 0 : index
    %get3A_4 = vector.load %arg2[%get3A_2, %get3A_3] : memref<1x32xf32, #tpu.memory_space<vmem>>, vector<1x32xf32>
    %sub3A = vector.broadcast %get3A_4 : vector<1x32xf32> to vector<2048x32xf32>
    %sub3A_5 = arith.subf %get3A_1, %sub3A : vector<2048x32xf32>
    %get3A_6 = arith.constant 0 : index
    %get3A_7 = arith.constant 0 : index
    %get3A_8 = vector.load %arg3[%get3A_6, %get3A_7] : memref<1x32xf32, #tpu.memory_space<vmem>>, vector<1x32xf32>
    %mul3A = vector.broadcast %get3A_8 : vector<1x32xf32> to vector<2048x32xf32>
    %mul3A_9 = arith.mulf %sub3A_5, %mul3A : vector<2048x32xf32>
    %max3A = arith.constant 0.000000e+00 : f32
    %max3A_10 = vector.broadcast %max3A : f32 to vector<2048x32xf32>
    %max3A_11 = arith.maximumf %mul3A_9, %max3A_10 : vector<2048x32xf32>
    %reshape3A = vector.shape_cast %max3A_11 : vector<2048x32xf32> to vector<256x8x32xf32>
    %reduce_max3A = arith.constant dense<0xFF800000> : vector<256x32xf32>
    %reduce_max3A_12 = vector.multi_reduction <maximumf>, %reshape3A, %reduce_max3A [1] : vector<256x8x32xf32> to vector<256x32xf32>
    %swap3A = arith.constant 0 : index
    %swap3A_13 = arith.constant 0 : index
    %swap3A_14 = vector.load %arg4[%swap3A, %swap3A_13] : memref<256x32xf32, #tpu.memory_space<vmem>>, vector<256x32xf32>
    tpu.vector_store %arg4[%swap3A, %swap3A_13], %reduce_max3A_12 {strides = array<i32>} : memref<256x32xf32, #tpu.memory_space<vmem>>, vector<256x32xf32>,
    return
  }
  func.func @transform_0(%arg0: i32) -> (i32, i32) {
    %c0_i32 = arith.constant 0 : i32
    %c0_i32_0 = arith.constant 0 : i32
    return %arg0, %c0_i32 : i32, i32
  }
  func.func @transform_1(%arg0: i32) -> (i32, i32) {
    %c0_i32 = arith.constant 0 : i32
    %c0_i32_0 = arith.constant 0 : i32
    %c0_i32_1 = arith.constant 0 : i32
    return %c0_i32, %c0_i32_0 : i32, i32
  }
  func.func @transform_2(%arg0: i32) -> (i32, i32) {
    %c0_i32 = arith.constant 0 : i32
    %c0_i32_0 = arith.constant 0 : i32
    %c0_i32_1 = arith.constant 0 : i32
    return %c0_i32, %c0_i32_0 : i32, i32
  }
  func.func @transform_3(%arg0: i32) -> (i32, i32) {
    %c0_i32 = arith.constant 0 : i32
    %c0_i32_0 = arith.constant 0 : i32
    return %arg0, %c0_i32 : i32, i32
  }
}

module attributes {stable_mosaic.version = 14 : i64} {
  func.func @_mm_kernel(%arg0: i32, %arg1: memref<2048x64xf32, #tpu.memory_space<vmem>>, %arg2: memref<1x64xf32, #tpu.memory_space<vmem>>, %arg3: memref<1x64xf32, #tpu.memory_space<vmem>>, %arg4: memref<64x32xf32, #tpu.memory_space<vmem>>, %arg5: memref<2048x32xf32, #tpu.memory_space<vmem>>, %arg6: memref<1x32xf32, #tpu.memory_space<vmem>>, %arg7: memref<1x32xf32, #tpu.memory_space<vmem>>) attributes {dimension_semantics = [#tpu.dimension_semantics<arbitrary>], iteration_bounds = array<i64: 4>, scalar_prefetch = 0 : i64, scratch_operands = 0 : i64, tpu.core_type = #tpu.core_type<tc>, window_params = [{transform_indices = @transform_0, window_bounds = array<i64: 2048, 64>}, {pipeline_mode = #tpu.pipeline_mode<synchronous>, transform_indices = @transform_1, window_bounds = array<i64: 1, 64>}, {pipeline_mode = #tpu.pipeline_mode<synchronous>, transform_indices = @transform_2, window_bounds = array<i64: 1, 64>}, {pipeline_mode = #tpu.pipeline_mode<synchronous>, transform_indices = @transform_3, window_bounds = array<i64: 64, 32>}, {transform_indices = @transform_4, window_bounds = array<i64: 2048, 32>}, {pipeline_mode = #tpu.pipeline_mode<synchronous>, transform_indices = @transform_5, window_bounds = array<i64: 1, 32>}, {pipeline_mode = #tpu.pipeline_mode<synchronous>, transform_indices = @transform_6, window_bounds = array<i64: 1, 32>}]} {
    %get3A = arith.constant 0 : index
    %get3A_0 = arith.constant 0 : index
    %get3A_1 = vector.load %arg1[%get3A, %get3A_0] : memref<2048x64xf32, #tpu.memory_space<vmem>>, vector<2048x64xf32>
    %get3A_2 = arith.constant 0 : index
    %get3A_3 = arith.constant 0 : index
    %get3A_4 = vector.load %arg4[%get3A_2, %get3A_3] : memref<64x32xf32, #tpu.memory_space<vmem>>, vector<64x32xf32>
    %dot_general3A = arith.constant dense<0.000000e+00> : vector<2048x32xf32>
    %dot_general3A_5 = tpu.matmul %get3A_1, %get3A_4, %dot_general3A {dimension_numbers = #tpu.dot_dimension_numbers<[1], [0], [0], [1], [0, 0, 1, 1], [], []>, transpose_lhs_hint = false} : vector<2048x64xf32>, vector<64x32xf32>, vector<2048x32xf32> -> vector<2048x32xf32>
    %swap3A = arith.constant 0 : index
    %swap3A_6 = arith.constant 0 : index
    %swap3A_7 = vector.load %arg5[%swap3A, %swap3A_6] : memref<2048x32xf32, #tpu.memory_space<vmem>>, vector<2048x32xf32>
    tpu.vector_store %arg5[%swap3A, %swap3A_6], %dot_general3A_5 {strides = array<i32>} : memref<2048x32xf32, #tpu.memory_space<vmem>>, vector<2048x32xf32>,
    %eq3A = arith.constant 0 : i32
    %eq3A_8 = arith.cmpi eq, %arg0, %eq3A : i32
    %convert_element_type3A = arith.extui %eq3A_8 : i1 to i32
    %cond3A = arith.constant 0 : i32
    %cond3A_9 = arith.cmpi ne, %convert_element_type3A, %cond3A : i32
    scf.if %cond3A_9 {
      %broadcast_in_dim3A_27 = arith.constant 0.000000e+00 : f32
      %broadcast_in_dim3A_28 = vector.broadcast %broadcast_in_dim3A_27 : f32 to vector<1x32xf32>
      %swap3A_29 = arith.constant 0 : index
      %swap3A_30 = arith.constant 0 : index
      %swap3A_31 = vector.load %arg6[%swap3A_29, %swap3A_30] : memref<1x32xf32, #tpu.memory_space<vmem>>, vector<1x32xf32>
      tpu.vector_store %arg6[%swap3A_29, %swap3A_30], %broadcast_in_dim3A_28 {strides = array<i32>} : memref<1x32xf32, #tpu.memory_space<vmem>>, vector<1x32xf32>,
      %broadcast_in_dim3A_32 = arith.constant 0.000000e+00 : f32
      %broadcast_in_dim3A_33 = vector.broadcast %broadcast_in_dim3A_32 : f32 to vector<1x32xf32>
      %swap3A_34 = arith.constant 0 : index
      %swap3A_35 = arith.constant 0 : index
      %swap3A_36 = vector.load %arg7[%swap3A_34, %swap3A_35] : memref<1x32xf32, #tpu.memory_space<vmem>>, vector<1x32xf32>
      tpu.vector_store %arg7[%swap3A_34, %swap3A_35], %broadcast_in_dim3A_33 {strides = array<i32>} : memref<1x32xf32, #tpu.memory_space<vmem>>, vector<1x32xf32>,
    } else {
    }
    %get3A_10 = arith.constant 0 : index
    %get3A_11 = arith.constant 0 : index
    %get3A_12 = vector.load %arg6[%get3A_10, %get3A_11] : memref<1x32xf32, #tpu.memory_space<vmem>>, vector<1x32xf32>
    %reduce_sum3A = arith.constant dense<0.000000e+00> : vector<32xf32>
    %reduce_sum3A_13 = vector.multi_reduction <add>, %dot_general3A_5, %reduce_sum3A [0] : vector<2048x32xf32> to vector<32xf32>
    %broadcast_in_dim3A = vector.shape_cast %reduce_sum3A_13 : vector<32xf32> to vector<1x32xf32>
    %add3A = arith.addf %get3A_12, %broadcast_in_dim3A : vector<1x32xf32>
    %swap3A_14 = arith.constant 0 : index
    %swap3A_15 = arith.constant 0 : index
    %swap3A_16 = vector.load %arg6[%swap3A_14, %swap3A_15] : memref<1x32xf32, #tpu.memory_space<vmem>>, vector<1x32xf32>
    tpu.vector_store %arg6[%swap3A_14, %swap3A_15], %add3A {strides = array<i32>} : memref<1x32xf32, #tpu.memory_space<vmem>>, vector<1x32xf32>,
    %get3A_17 = arith.constant 0 : index
    %get3A_18 = arith.constant 0 : index
    %get3A_19 = vector.load %arg7[%get3A_17, %get3A_18] : memref<1x32xf32, #tpu.memory_space<vmem>>, vector<1x32xf32>
    %mul3A = arith.mulf %dot_general3A_5, %dot_general3A_5 : vector<2048x32xf32>
    %reduce_sum3A_20 = arith.constant dense<0.000000e+00> : vector<32xf32>
    %reduce_sum3A_21 = vector.multi_reduction <add>, %mul3A, %reduce_sum3A_20 [0] : vector<2048x32xf32> to vector<32xf32>
    %broadcast_in_dim3A_22 = vector.shape_cast %reduce_sum3A_21 : vector<32xf32> to vector<1x32xf32>
    %add3A_23 = arith.addf %get3A_19, %broadcast_in_dim3A_22 : vector<1x32xf32>
    %swap3A_24 = arith.constant 0 : index
    %swap3A_25 = arith.constant 0 : index
    %swap3A_26 = vector.load %arg7[%swap3A_24, %swap3A_25] : memref<1x32xf32, #tpu.memory_space<vmem>>, vector<1x32xf32>
    tpu.vector_store %arg7[%swap3A_24, %swap3A_25], %add3A_23 {strides = array<i32>} : memref<1x32xf32, #tpu.memory_space<vmem>>, vector<1x32xf32>,
    return
  }
  func.func @transform_0(%arg0: i32) -> (i32, i32) {
    %c0_i32 = arith.constant 0 : i32
    %c0_i32_0 = arith.constant 0 : i32
    return %arg0, %c0_i32 : i32, i32
  }
  func.func @transform_1(%arg0: i32) -> (i32, i32) {
    %c0_i32 = arith.constant 0 : i32
    %c0_i32_0 = arith.constant 0 : i32
    %c0_i32_1 = arith.constant 0 : i32
    return %c0_i32, %c0_i32_0 : i32, i32
  }
  func.func @transform_2(%arg0: i32) -> (i32, i32) {
    %c0_i32 = arith.constant 0 : i32
    %c0_i32_0 = arith.constant 0 : i32
    %c0_i32_1 = arith.constant 0 : i32
    return %c0_i32, %c0_i32_0 : i32, i32
  }
  func.func @transform_3(%arg0: i32) -> (i32, i32) {
    %c0_i32 = arith.constant 0 : i32
    %c0_i32_0 = arith.constant 0 : i32
    %c0_i32_1 = arith.constant 0 : i32
    return %c0_i32, %c0_i32_0 : i32, i32
  }
  func.func @transform_4(%arg0: i32) -> (i32, i32) {
    %c0_i32 = arith.constant 0 : i32
    %c0_i32_0 = arith.constant 0 : i32
    return %arg0, %c0_i32 : i32, i32
  }
  func.func @transform_5(%arg0: i32) -> (i32, i32) {
    %c0_i32 = arith.constant 0 : i32
    %c0_i32_0 = arith.constant 0 : i32
    %c0_i32_1 = arith.constant 0 : i32
    return %c0_i32, %c0_i32_0 : i32, i32
  }
  func.func @transform_6(%arg0: i32) -> (i32, i32) {
    %c0_i32 = arith.constant 0 : i32
    %c0_i32_0 = arith.constant 0 : i32
    %c0_i32_1 = arith.constant 0 : i32
    return %c0_i32, %c0_i32_0 : i32, i32
  }
}

module attributes {stable_mosaic.version = 14 : i64} {
  func.func @_nrs_kernel(%arg0: i32, %arg1: memref<2048x32xf32, #tpu.memory_space<vmem>>, %arg2: memref<1x32xf32, #tpu.memory_space<vmem>>, %arg3: memref<1x32xf32, #tpu.memory_space<vmem>>, %arg4: memref<2048x32xf32, #tpu.memory_space<vmem>>, %arg5: memref<1x32xf32, #tpu.memory_space<vmem>>, %arg6: memref<1x32xf32, #tpu.memory_space<vmem>>) attributes {dimension_semantics = [#tpu.dimension_semantics<arbitrary>], iteration_bounds = array<i64: 4>, scalar_prefetch = 0 : i64, scratch_operands = 0 : i64, tpu.core_type = #tpu.core_type<tc>, window_params = [{transform_indices = @transform_0, window_bounds = array<i64: 2048, 32>}, {pipeline_mode = #tpu.pipeline_mode<synchronous>, transform_indices = @transform_1, window_bounds = array<i64: 1, 32>}, {pipeline_mode = #tpu.pipeline_mode<synchronous>, transform_indices = @transform_2, window_bounds = array<i64: 1, 32>}, {transform_indices = @transform_3, window_bounds = array<i64: 2048, 32>}, {pipeline_mode = #tpu.pipeline_mode<synchronous>, transform_indices = @transform_4, window_bounds = array<i64: 1, 32>}, {pipeline_mode = #tpu.pipeline_mode<synchronous>, transform_indices = @transform_5, window_bounds = array<i64: 1, 32>}]} {
    %get3A = arith.constant 0 : index
    %get3A_0 = arith.constant 0 : index
    %get3A_1 = vector.load %arg1[%get3A, %get3A_0] : memref<2048x32xf32, #tpu.memory_space<vmem>>, vector<2048x32xf32>
    %get3A_2 = arith.constant 0 : index
    %get3A_3 = arith.constant 0 : index
    %get3A_4 = vector.load %arg2[%get3A_2, %get3A_3] : memref<1x32xf32, #tpu.memory_space<vmem>>, vector<1x32xf32>
    %sub3A = vector.broadcast %get3A_4 : vector<1x32xf32> to vector<2048x32xf32>
    %sub3A_5 = arith.subf %get3A_1, %sub3A : vector<2048x32xf32>
    %get3A_6 = arith.constant 0 : index
    %get3A_7 = arith.constant 0 : index
    %get3A_8 = vector.load %arg3[%get3A_6, %get3A_7] : memref<1x32xf32, #tpu.memory_space<vmem>>, vector<1x32xf32>
    %mul3A = vector.broadcast %get3A_8 : vector<1x32xf32> to vector<2048x32xf32>
    %mul3A_9 = arith.mulf %sub3A_5, %mul3A : vector<2048x32xf32>
    %max3A = arith.constant 0.000000e+00 : f32
    %max3A_10 = vector.broadcast %max3A : f32 to vector<2048x32xf32>
    %max3A_11 = arith.maximumf %mul3A_9, %max3A_10 : vector<2048x32xf32>
    %swap3A = arith.constant 0 : index
    %swap3A_12 = arith.constant 0 : index
    %swap3A_13 = vector.load %arg4[%swap3A, %swap3A_12] : memref<2048x32xf32, #tpu.memory_space<vmem>>, vector<2048x32xf32>
    tpu.vector_store %arg4[%swap3A, %swap3A_12], %max3A_11 {strides = array<i32>} : memref<2048x32xf32, #tpu.memory_space<vmem>>, vector<2048x32xf32>,
    %eq3A = arith.constant 0 : i32
    %eq3A_14 = arith.cmpi eq, %arg0, %eq3A : i32
    %convert_element_type3A = arith.extui %eq3A_14 : i1 to i32
    %cond3A = arith.constant 0 : i32
    %cond3A_15 = arith.cmpi ne, %convert_element_type3A, %cond3A : i32
    scf.if %cond3A_15 {
      %broadcast_in_dim3A_34 = arith.constant 0.000000e+00 : f32
      %broadcast_in_dim3A_35 = vector.broadcast %broadcast_in_dim3A_34 : f32 to vector<1x32xf32>
      %swap3A_36 = arith.constant 0 : index
      %swap3A_37 = arith.constant 0 : index
      %swap3A_38 = vector.load %arg5[%swap3A_36, %swap3A_37] : memref<1x32xf32, #tpu.memory_space<vmem>>, vector<1x32xf32>
      tpu.vector_store %arg5[%swap3A_36, %swap3A_37], %broadcast_in_dim3A_35 {strides = array<i32>} : memref<1x32xf32, #tpu.memory_space<vmem>>, vector<1x32xf32>,
      %broadcast_in_dim3A_39 = arith.constant 0.000000e+00 : f32
      %broadcast_in_dim3A_40 = vector.broadcast %broadcast_in_dim3A_39 : f32 to vector<1x32xf32>
      %swap3A_41 = arith.constant 0 : index
      %swap3A_42 = arith.constant 0 : index
      %swap3A_43 = vector.load %arg6[%swap3A_41, %swap3A_42] : memref<1x32xf32, #tpu.memory_space<vmem>>, vector<1x32xf32>
      tpu.vector_store %arg6[%swap3A_41, %swap3A_42], %broadcast_in_dim3A_40 {strides = array<i32>} : memref<1x32xf32, #tpu.memory_space<vmem>>, vector<1x32xf32>,
    } else {
    }
    %get3A_16 = arith.constant 0 : index
    %get3A_17 = arith.constant 0 : index
    %get3A_18 = vector.load %arg5[%get3A_16, %get3A_17] : memref<1x32xf32, #tpu.memory_space<vmem>>, vector<1x32xf32>
    %reduce_sum3A = arith.constant dense<0.000000e+00> : vector<32xf32>
    %reduce_sum3A_19 = vector.multi_reduction <add>, %max3A_11, %reduce_sum3A [0] : vector<2048x32xf32> to vector<32xf32>
    %broadcast_in_dim3A = vector.shape_cast %reduce_sum3A_19 : vector<32xf32> to vector<1x32xf32>
    %add3A = arith.addf %get3A_18, %broadcast_in_dim3A : vector<1x32xf32>
    %swap3A_20 = arith.constant 0 : index
    %swap3A_21 = arith.constant 0 : index
    %swap3A_22 = vector.load %arg5[%swap3A_20, %swap3A_21] : memref<1x32xf32, #tpu.memory_space<vmem>>, vector<1x32xf32>
    tpu.vector_store %arg5[%swap3A_20, %swap3A_21], %add3A {strides = array<i32>} : memref<1x32xf32, #tpu.memory_space<vmem>>, vector<1x32xf32>,
    %get3A_23 = arith.constant 0 : index
    %get3A_24 = arith.constant 0 : index
    %get3A_25 = vector.load %arg6[%get3A_23, %get3A_24] : memref<1x32xf32, #tpu.memory_space<vmem>>, vector<1x32xf32>
    %mul3A_26 = arith.mulf %max3A_11, %max3A_11 : vector<2048x32xf32>
    %reduce_sum3A_27 = arith.constant dense<0.000000e+00> : vector<32xf32>
    %reduce_sum3A_28 = vector.multi_reduction <add>, %mul3A_26, %reduce_sum3A_27 [0] : vector<2048x32xf32> to vector<32xf32>
    %broadcast_in_dim3A_29 = vector.shape_cast %reduce_sum3A_28 : vector<32xf32> to vector<1x32xf32>
    %add3A_30 = arith.addf %get3A_25, %broadcast_in_dim3A_29 : vector<1x32xf32>
    %swap3A_31 = arith.constant 0 : index
    %swap3A_32 = arith.constant 0 : index
    %swap3A_33 = vector.load %arg6[%swap3A_31, %swap3A_32] : memref<1x32xf32, #tpu.memory_space<vmem>>, vector<1x32xf32>
    tpu.vector_store %arg6[%swap3A_31, %swap3A_32], %add3A_30 {strides = array<i32>} : memref<1x32xf32, #tpu.memory_space<vmem>>, vector<1x32xf32>,
    return
  }
  func.func @transform_0(%arg0: i32) -> (i32, i32) {
    %c0_i32 = arith.constant 0 : i32
    %c0_i32_0 = arith.constant 0 : i32
    return %arg0, %c0_i32 : i32, i32
  }
  func.func @transform_1(%arg0: i32) -> (i32, i32) {
    %c0_i32 = arith.constant 0 : i32
    %c0_i32_0 = arith.constant 0 : i32
    %c0_i32_1 = arith.constant 0 : i32
    return %c0_i32, %c0_i32_0 : i32, i32
  }
  func.func @transform_2(%arg0: i32) -> (i32, i32) {
    %c0_i32 = arith.constant 0 : i32
    %c0_i32_0 = arith.constant 0 : i32
    %c0_i32_1 = arith.constant 0 : i32
    return %c0_i32, %c0_i32_0 : i32, i32
  }
  func.func @transform_3(%arg0: i32) -> (i32, i32) {
    %c0_i32 = arith.constant 0 : i32
    %c0_i32_0 = arith.constant 0 : i32
    return %arg0, %c0_i32 : i32, i32
  }
  func.func @transform_4(%arg0: i32) -> (i32, i32) {
    %c0_i32 = arith.constant 0 : i32
    %c0_i32_0 = arith.constant 0 : i32
    %c0_i32_1 = arith.constant 0 : i32
    return %c0_i32, %c0_i32_0 : i32, i32
  }
  func.func @transform_5(%arg0: i32) -> (i32, i32) {
    %c0_i32 = arith.constant 0 : i32
    %c0_i32_0 = arith.constant 0 : i32
    %c0_i32_1 = arith.constant 0 : i32
    return %c0_i32, %c0_i32_0 : i32, i32
  }
}

module attributes {stable_mosaic.version = 14 : i64} {
  func.func @_mm_kernel(%arg0: i32, %arg1: memref<2048x42xf32, #tpu.memory_space<vmem>>, %arg2: memref<1x42xf32, #tpu.memory_space<vmem>>, %arg3: memref<1x42xf32, #tpu.memory_space<vmem>>, %arg4: memref<42x32xf32, #tpu.memory_space<vmem>>, %arg5: memref<2048x32xf32, #tpu.memory_space<vmem>>, %arg6: memref<1x32xf32, #tpu.memory_space<vmem>>, %arg7: memref<1x32xf32, #tpu.memory_space<vmem>>) attributes {dimension_semantics = [#tpu.dimension_semantics<arbitrary>], iteration_bounds = array<i64: 8>, scalar_prefetch = 0 : i64, scratch_operands = 0 : i64, tpu.core_type = #tpu.core_type<tc>, window_params = [{transform_indices = @transform_0, window_bounds = array<i64: 2048, 42>}, {pipeline_mode = #tpu.pipeline_mode<synchronous>, transform_indices = @transform_1, window_bounds = array<i64: 1, 42>}, {pipeline_mode = #tpu.pipeline_mode<synchronous>, transform_indices = @transform_2, window_bounds = array<i64: 1, 42>}, {pipeline_mode = #tpu.pipeline_mode<synchronous>, transform_indices = @transform_3, window_bounds = array<i64: 42, 32>}, {transform_indices = @transform_4, window_bounds = array<i64: 2048, 32>}, {pipeline_mode = #tpu.pipeline_mode<synchronous>, transform_indices = @transform_5, window_bounds = array<i64: 1, 32>}, {pipeline_mode = #tpu.pipeline_mode<synchronous>, transform_indices = @transform_6, window_bounds = array<i64: 1, 32>}]} {
    %get3A = arith.constant 0 : index
    %get3A_0 = arith.constant 0 : index
    %get3A_1 = vector.load %arg1[%get3A, %get3A_0] : memref<2048x42xf32, #tpu.memory_space<vmem>>, vector<2048x42xf32>
    %get3A_2 = arith.constant 0 : index
    %get3A_3 = arith.constant 0 : index
    %get3A_4 = vector.load %arg4[%get3A_2, %get3A_3] : memref<42x32xf32, #tpu.memory_space<vmem>>, vector<42x32xf32>
    %dot_general3A = arith.constant dense<0.000000e+00> : vector<2048x32xf32>
    %dot_general3A_5 = tpu.matmul %get3A_1, %get3A_4, %dot_general3A {dimension_numbers = #tpu.dot_dimension_numbers<[1], [0], [0], [1], [0, 0, 1, 1], [], []>, transpose_lhs_hint = false} : vector<2048x42xf32>, vector<42x32xf32>, vector<2048x32xf32> -> vector<2048x32xf32>
    %swap3A = arith.constant 0 : index
    %swap3A_6 = arith.constant 0 : index
    %swap3A_7 = vector.load %arg5[%swap3A, %swap3A_6] : memref<2048x32xf32, #tpu.memory_space<vmem>>, vector<2048x32xf32>
    tpu.vector_store %arg5[%swap3A, %swap3A_6], %dot_general3A_5 {strides = array<i32>} : memref<2048x32xf32, #tpu.memory_space<vmem>>, vector<2048x32xf32>,
    %eq3A = arith.constant 0 : i32
    %eq3A_8 = arith.cmpi eq, %arg0, %eq3A : i32
    %convert_element_type3A = arith.extui %eq3A_8 : i1 to i32
    %cond3A = arith.constant 0 : i32
    %cond3A_9 = arith.cmpi ne, %convert_element_type3A, %cond3A : i32
    scf.if %cond3A_9 {
      %broadcast_in_dim3A_27 = arith.constant 0.000000e+00 : f32
      %broadcast_in_dim3A_28 = vector.broadcast %broadcast_in_dim3A_27 : f32 to vector<1x32xf32>
      %swap3A_29 = arith.constant 0 : index
      %swap3A_30 = arith.constant 0 : index
      %swap3A_31 = vector.load %arg6[%swap3A_29, %swap3A_30] : memref<1x32xf32, #tpu.memory_space<vmem>>, vector<1x32xf32>
      tpu.vector_store %arg6[%swap3A_29, %swap3A_30], %broadcast_in_dim3A_28 {strides = array<i32>} : memref<1x32xf32, #tpu.memory_space<vmem>>, vector<1x32xf32>,
      %broadcast_in_dim3A_32 = arith.constant 0.000000e+00 : f32
      %broadcast_in_dim3A_33 = vector.broadcast %broadcast_in_dim3A_32 : f32 to vector<1x32xf32>
      %swap3A_34 = arith.constant 0 : index
      %swap3A_35 = arith.constant 0 : index
      %swap3A_36 = vector.load %arg7[%swap3A_34, %swap3A_35] : memref<1x32xf32, #tpu.memory_space<vmem>>, vector<1x32xf32>
      tpu.vector_store %arg7[%swap3A_34, %swap3A_35], %broadcast_in_dim3A_33 {strides = array<i32>} : memref<1x32xf32, #tpu.memory_space<vmem>>, vector<1x32xf32>,
    } else {
    }
    %get3A_10 = arith.constant 0 : index
    %get3A_11 = arith.constant 0 : index
    %get3A_12 = vector.load %arg6[%get3A_10, %get3A_11] : memref<1x32xf32, #tpu.memory_space<vmem>>, vector<1x32xf32>
    %reduce_sum3A = arith.constant dense<0.000000e+00> : vector<32xf32>
    %reduce_sum3A_13 = vector.multi_reduction <add>, %dot_general3A_5, %reduce_sum3A [0] : vector<2048x32xf32> to vector<32xf32>
    %broadcast_in_dim3A = vector.shape_cast %reduce_sum3A_13 : vector<32xf32> to vector<1x32xf32>
    %add3A = arith.addf %get3A_12, %broadcast_in_dim3A : vector<1x32xf32>
    %swap3A_14 = arith.constant 0 : index
    %swap3A_15 = arith.constant 0 : index
    %swap3A_16 = vector.load %arg6[%swap3A_14, %swap3A_15] : memref<1x32xf32, #tpu.memory_space<vmem>>, vector<1x32xf32>
    tpu.vector_store %arg6[%swap3A_14, %swap3A_15], %add3A {strides = array<i32>} : memref<1x32xf32, #tpu.memory_space<vmem>>, vector<1x32xf32>,
    %get3A_17 = arith.constant 0 : index
    %get3A_18 = arith.constant 0 : index
    %get3A_19 = vector.load %arg7[%get3A_17, %get3A_18] : memref<1x32xf32, #tpu.memory_space<vmem>>, vector<1x32xf32>
    %mul3A = arith.mulf %dot_general3A_5, %dot_general3A_5 : vector<2048x32xf32>
    %reduce_sum3A_20 = arith.constant dense<0.000000e+00> : vector<32xf32>
    %reduce_sum3A_21 = vector.multi_reduction <add>, %mul3A, %reduce_sum3A_20 [0] : vector<2048x32xf32> to vector<32xf32>
    %broadcast_in_dim3A_22 = vector.shape_cast %reduce_sum3A_21 : vector<32xf32> to vector<1x32xf32>
    %add3A_23 = arith.addf %get3A_19, %broadcast_in_dim3A_22 : vector<1x32xf32>
    %swap3A_24 = arith.constant 0 : index
    %swap3A_25 = arith.constant 0 : index
    %swap3A_26 = vector.load %arg7[%swap3A_24, %swap3A_25] : memref<1x32xf32, #tpu.memory_space<vmem>>, vector<1x32xf32>
    tpu.vector_store %arg7[%swap3A_24, %swap3A_25], %add3A_23 {strides = array<i32>} : memref<1x32xf32, #tpu.memory_space<vmem>>, vector<1x32xf32>,
    return
  }
  func.func @transform_0(%arg0: i32) -> (i32, i32) {
    %c0_i32 = arith.constant 0 : i32
    %c0_i32_0 = arith.constant 0 : i32
    return %arg0, %c0_i32 : i32, i32
  }
  func.func @transform_1(%arg0: i32) -> (i32, i32) {
    %c0_i32 = arith.constant 0 : i32
    %c0_i32_0 = arith.constant 0 : i32
    %c0_i32_1 = arith.constant 0 : i32
    return %c0_i32, %c0_i32_0 : i32, i32
  }
  func.func @transform_2(%arg0: i32) -> (i32, i32) {
    %c0_i32 = arith.constant 0 : i32
    %c0_i32_0 = arith.constant 0 : i32
    %c0_i32_1 = arith.constant 0 : i32
    return %c0_i32, %c0_i32_0 : i32, i32
  }
  func.func @transform_3(%arg0: i32) -> (i32, i32) {
    %c0_i32 = arith.constant 0 : i32
    %c0_i32_0 = arith.constant 0 : i32
    %c0_i32_1 = arith.constant 0 : i32
    return %c0_i32, %c0_i32_0 : i32, i32
  }
  func.func @transform_4(%arg0: i32) -> (i32, i32) {
    %c0_i32 = arith.constant 0 : i32
    %c0_i32_0 = arith.constant 0 : i32
    return %arg0, %c0_i32 : i32, i32
  }
  func.func @transform_5(%arg0: i32) -> (i32, i32) {
    %c0_i32 = arith.constant 0 : i32
    %c0_i32_0 = arith.constant 0 : i32
    %c0_i32_1 = arith.constant 0 : i32
    return %c0_i32, %c0_i32_0 : i32, i32
  }
  func.func @transform_6(%arg0: i32) -> (i32, i32) {
    %c0_i32 = arith.constant 0 : i32
    %c0_i32_0 = arith.constant 0 : i32
    %c0_i32_1 = arith.constant 0 : i32
    return %c0_i32, %c0_i32_0 : i32, i32
  }
}

module attributes {stable_mosaic.version = 14 : i64} {
  func.func @_nrs_kernel(%arg0: i32, %arg1: memref<2048x32xf32, #tpu.memory_space<vmem>>, %arg2: memref<1x32xf32, #tpu.memory_space<vmem>>, %arg3: memref<1x32xf32, #tpu.memory_space<vmem>>, %arg4: memref<2048x32xf32, #tpu.memory_space<vmem>>, %arg5: memref<1x32xf32, #tpu.memory_space<vmem>>, %arg6: memref<1x32xf32, #tpu.memory_space<vmem>>) attributes {dimension_semantics = [#tpu.dimension_semantics<arbitrary>], iteration_bounds = array<i64: 8>, scalar_prefetch = 0 : i64, scratch_operands = 0 : i64, tpu.core_type = #tpu.core_type<tc>, window_params = [{transform_indices = @transform_0, window_bounds = array<i64: 2048, 32>}, {pipeline_mode = #tpu.pipeline_mode<synchronous>, transform_indices = @transform_1, window_bounds = array<i64: 1, 32>}, {pipeline_mode = #tpu.pipeline_mode<synchronous>, transform_indices = @transform_2, window_bounds = array<i64: 1, 32>}, {transform_indices = @transform_3, window_bounds = array<i64: 2048, 32>}, {pipeline_mode = #tpu.pipeline_mode<synchronous>, transform_indices = @transform_4, window_bounds = array<i64: 1, 32>}, {pipeline_mode = #tpu.pipeline_mode<synchronous>, transform_indices = @transform_5, window_bounds = array<i64: 1, 32>}]} {
    %get3A = arith.constant 0 : index
    %get3A_0 = arith.constant 0 : index
    %get3A_1 = vector.load %arg1[%get3A, %get3A_0] : memref<2048x32xf32, #tpu.memory_space<vmem>>, vector<2048x32xf32>
    %get3A_2 = arith.constant 0 : index
    %get3A_3 = arith.constant 0 : index
    %get3A_4 = vector.load %arg2[%get3A_2, %get3A_3] : memref<1x32xf32, #tpu.memory_space<vmem>>, vector<1x32xf32>
    %sub3A = vector.broadcast %get3A_4 : vector<1x32xf32> to vector<2048x32xf32>
    %sub3A_5 = arith.subf %get3A_1, %sub3A : vector<2048x32xf32>
    %get3A_6 = arith.constant 0 : index
    %get3A_7 = arith.constant 0 : index
    %get3A_8 = vector.load %arg3[%get3A_6, %get3A_7] : memref<1x32xf32, #tpu.memory_space<vmem>>, vector<1x32xf32>
    %mul3A = vector.broadcast %get3A_8 : vector<1x32xf32> to vector<2048x32xf32>
    %mul3A_9 = arith.mulf %sub3A_5, %mul3A : vector<2048x32xf32>
    %max3A = arith.constant 0.000000e+00 : f32
    %max3A_10 = vector.broadcast %max3A : f32 to vector<2048x32xf32>
    %max3A_11 = arith.maximumf %mul3A_9, %max3A_10 : vector<2048x32xf32>
    %swap3A = arith.constant 0 : index
    %swap3A_12 = arith.constant 0 : index
    %swap3A_13 = vector.load %arg4[%swap3A, %swap3A_12] : memref<2048x32xf32, #tpu.memory_space<vmem>>, vector<2048x32xf32>
    tpu.vector_store %arg4[%swap3A, %swap3A_12], %max3A_11 {strides = array<i32>} : memref<2048x32xf32, #tpu.memory_space<vmem>>, vector<2048x32xf32>,
    %eq3A = arith.constant 0 : i32
    %eq3A_14 = arith.cmpi eq, %arg0, %eq3A : i32
    %convert_element_type3A = arith.extui %eq3A_14 : i1 to i32
    %cond3A = arith.constant 0 : i32
    %cond3A_15 = arith.cmpi ne, %convert_element_type3A, %cond3A : i32
    scf.if %cond3A_15 {
      %broadcast_in_dim3A_34 = arith.constant 0.000000e+00 : f32
      %broadcast_in_dim3A_35 = vector.broadcast %broadcast_in_dim3A_34 : f32 to vector<1x32xf32>
      %swap3A_36 = arith.constant 0 : index
      %swap3A_37 = arith.constant 0 : index
      %swap3A_38 = vector.load %arg5[%swap3A_36, %swap3A_37] : memref<1x32xf32, #tpu.memory_space<vmem>>, vector<1x32xf32>
      tpu.vector_store %arg5[%swap3A_36, %swap3A_37], %broadcast_in_dim3A_35 {strides = array<i32>} : memref<1x32xf32, #tpu.memory_space<vmem>>, vector<1x32xf32>,
      %broadcast_in_dim3A_39 = arith.constant 0.000000e+00 : f32
      %broadcast_in_dim3A_40 = vector.broadcast %broadcast_in_dim3A_39 : f32 to vector<1x32xf32>
      %swap3A_41 = arith.constant 0 : index
      %swap3A_42 = arith.constant 0 : index
      %swap3A_43 = vector.load %arg6[%swap3A_41, %swap3A_42] : memref<1x32xf32, #tpu.memory_space<vmem>>, vector<1x32xf32>
      tpu.vector_store %arg6[%swap3A_41, %swap3A_42], %broadcast_in_dim3A_40 {strides = array<i32>} : memref<1x32xf32, #tpu.memory_space<vmem>>, vector<1x32xf32>,
    } else {
    }
    %get3A_16 = arith.constant 0 : index
    %get3A_17 = arith.constant 0 : index
    %get3A_18 = vector.load %arg5[%get3A_16, %get3A_17] : memref<1x32xf32, #tpu.memory_space<vmem>>, vector<1x32xf32>
    %reduce_sum3A = arith.constant dense<0.000000e+00> : vector<32xf32>
    %reduce_sum3A_19 = vector.multi_reduction <add>, %max3A_11, %reduce_sum3A [0] : vector<2048x32xf32> to vector<32xf32>
    %broadcast_in_dim3A = vector.shape_cast %reduce_sum3A_19 : vector<32xf32> to vector<1x32xf32>
    %add3A = arith.addf %get3A_18, %broadcast_in_dim3A : vector<1x32xf32>
    %swap3A_20 = arith.constant 0 : index
    %swap3A_21 = arith.constant 0 : index
    %swap3A_22 = vector.load %arg5[%swap3A_20, %swap3A_21] : memref<1x32xf32, #tpu.memory_space<vmem>>, vector<1x32xf32>
    tpu.vector_store %arg5[%swap3A_20, %swap3A_21], %add3A {strides = array<i32>} : memref<1x32xf32, #tpu.memory_space<vmem>>, vector<1x32xf32>,
    %get3A_23 = arith.constant 0 : index
    %get3A_24 = arith.constant 0 : index
    %get3A_25 = vector.load %arg6[%get3A_23, %get3A_24] : memref<1x32xf32, #tpu.memory_space<vmem>>, vector<1x32xf32>
    %mul3A_26 = arith.mulf %max3A_11, %max3A_11 : vector<2048x32xf32>
    %reduce_sum3A_27 = arith.constant dense<0.000000e+00> : vector<32xf32>
    %reduce_sum3A_28 = vector.multi_reduction <add>, %mul3A_26, %reduce_sum3A_27 [0] : vector<2048x32xf32> to vector<32xf32>
    %broadcast_in_dim3A_29 = vector.shape_cast %reduce_sum3A_28 : vector<32xf32> to vector<1x32xf32>
    %add3A_30 = arith.addf %get3A_25, %broadcast_in_dim3A_29 : vector<1x32xf32>
    %swap3A_31 = arith.constant 0 : index
    %swap3A_32 = arith.constant 0 : index
    %swap3A_33 = vector.load %arg6[%swap3A_31, %swap3A_32] : memref<1x32xf32, #tpu.memory_space<vmem>>, vector<1x32xf32>
    tpu.vector_store %arg6[%swap3A_31, %swap3A_32], %add3A_30 {strides = array<i32>} : memref<1x32xf32, #tpu.memory_space<vmem>>, vector<1x32xf32>,
    return
  }
  func.func @transform_0(%arg0: i32) -> (i32, i32) {
    %c0_i32 = arith.constant 0 : i32
    %c0_i32_0 = arith.constant 0 : i32
    return %arg0, %c0_i32 : i32, i32
  }
  func.func @transform_1(%arg0: i32) -> (i32, i32) {
    %c0_i32 = arith.constant 0 : i32
    %c0_i32_0 = arith.constant 0 : i32
    %c0_i32_1 = arith.constant 0 : i32
    return %c0_i32, %c0_i32_0 : i32, i32
  }
  func.func @transform_2(%arg0: i32) -> (i32, i32) {
    %c0_i32 = arith.constant 0 : i32
    %c0_i32_0 = arith.constant 0 : i32
    %c0_i32_1 = arith.constant 0 : i32
    return %c0_i32, %c0_i32_0 : i32, i32
  }
  func.func @transform_3(%arg0: i32) -> (i32, i32) {
    %c0_i32 = arith.constant 0 : i32
    %c0_i32_0 = arith.constant 0 : i32
    return %arg0, %c0_i32 : i32, i32
  }
  func.func @transform_4(%arg0: i32) -> (i32, i32) {
    %c0_i32 = arith.constant 0 : i32
    %c0_i32_0 = arith.constant 0 : i32
    %c0_i32_1 = arith.constant 0 : i32
    return %c0_i32, %c0_i32_0 : i32, i32
  }
  func.func @transform_5(%arg0: i32) -> (i32, i32) {
    %c0_i32 = arith.constant 0 : i32
    %c0_i32_0 = arith.constant 0 : i32
    %c0_i32_1 = arith.constant 0 : i32
    return %c0_i32, %c0_i32_0 : i32, i32
  }
}

module attributes {stable_mosaic.version = 14 : i64} {
  func.func @_head_kernel(%arg0: i32, %arg1: memref<2048x32xf32, #tpu.memory_space<vmem>>, %arg2: memref<1x32xf32, #tpu.memory_space<vmem>>, %arg3: memref<1x32xf32, #tpu.memory_space<vmem>>, %arg4: memref<1x32xf32, #tpu.memory_space<vmem>>, %arg5: memref<1x32xf32, #tpu.memory_space<vmem>>, %arg6: memref<32x12xf32, #tpu.memory_space<vmem>>, %arg7: memref<1x12xf32, #tpu.memory_space<vmem>>, %arg8: memref<2048x12xf32, #tpu.memory_space<vmem>>) attributes {dimension_semantics = [#tpu.dimension_semantics<arbitrary>], iteration_bounds = array<i64: 8>, scalar_prefetch = 0 : i64, scratch_operands = 0 : i64, tpu.core_type = #tpu.core_type<tc>, window_params = [{transform_indices = @transform_0, window_bounds = array<i64: 2048, 32>}, {pipeline_mode = #tpu.pipeline_mode<synchronous>, transform_indices = @transform_1, window_bounds = array<i64: 1, 32>}, {pipeline_mode = #tpu.pipeline_mode<synchronous>, transform_indices = @transform_2, window_bounds = array<i64: 1, 32>}, {pipeline_mode = #tpu.pipeline_mode<synchronous>, transform_indices = @transform_3, window_bounds = array<i64: 1, 32>}, {pipeline_mode = #tpu.pipeline_mode<synchronous>, transform_indices = @transform_4, window_bounds = array<i64: 1, 32>}, {pipeline_mode = #tpu.pipeline_mode<synchronous>, transform_indices = @transform_5, window_bounds = array<i64: 32, 12>}, {pipeline_mode = #tpu.pipeline_mode<synchronous>, transform_indices = @transform_6, window_bounds = array<i64: 1, 12>}, {transform_indices = @transform_7, window_bounds = array<i64: 2048, 12>}]} {
    %get3A = arith.constant 0 : index
    %get3A_0 = arith.constant 0 : index
    %get3A_1 = vector.load %arg1[%get3A, %get3A_0] : memref<2048x32xf32, #tpu.memory_space<vmem>>, vector<2048x32xf32>
    %get3A_2 = arith.constant 0 : index
    %get3A_3 = arith.constant 0 : index
    %get3A_4 = vector.load %arg2[%get3A_2, %get3A_3] : memref<1x32xf32, #tpu.memory_space<vmem>>, vector<1x32xf32>
    %sub3A = vector.broadcast %get3A_4 : vector<1x32xf32> to vector<2048x32xf32>
    %sub3A_5 = arith.subf %get3A_1, %sub3A : vector<2048x32xf32>
    %get3A_6 = arith.constant 0 : index
    %get3A_7 = arith.constant 0 : index
    %get3A_8 = vector.load %arg3[%get3A_6, %get3A_7] : memref<1x32xf32, #tpu.memory_space<vmem>>, vector<1x32xf32>
    %mul3A = vector.broadcast %get3A_8 : vector<1x32xf32> to vector<2048x32xf32>
    %mul3A_9 = arith.mulf %sub3A_5, %mul3A : vector<2048x32xf32>
    %get3A_10 = arith.constant 0 : index
    %get3A_11 = arith.constant 0 : index
    %get3A_12 = vector.load %arg4[%get3A_10, %get3A_11] : memref<1x32xf32, #tpu.memory_space<vmem>>, vector<1x32xf32>
    %mul3A_13 = vector.broadcast %get3A_12 : vector<1x32xf32> to vector<2048x32xf32>
    %mul3A_14 = arith.mulf %mul3A_13, %mul3A_9 : vector<2048x32xf32>
    %get3A_15 = arith.constant 0 : index
    %get3A_16 = arith.constant 0 : index
    %get3A_17 = vector.load %arg5[%get3A_15, %get3A_16] : memref<1x32xf32, #tpu.memory_space<vmem>>, vector<1x32xf32>
    %add3A = vector.broadcast %get3A_17 : vector<1x32xf32> to vector<2048x32xf32>
    %add3A_18 = arith.addf %mul3A_14, %add3A : vector<2048x32xf32>
    %max3A = arith.constant 0.000000e+00 : f32
    %max3A_19 = vector.broadcast %max3A : f32 to vector<2048x32xf32>
    %max3A_20 = arith.maximumf %add3A_18, %max3A_19 : vector<2048x32xf32>
    %get3A_21 = arith.constant 0 : index
    %get3A_22 = arith.constant 0 : index
    %get3A_23 = vector.load %arg6[%get3A_21, %get3A_22] : memref<32x12xf32, #tpu.memory_space<vmem>>, vector<32x12xf32>
    %dot_general3A = arith.constant dense<0.000000e+00> : vector<2048x12xf32>
    %dot_general3A_24 = tpu.matmul %max3A_20, %get3A_23, %dot_general3A {dimension_numbers = #tpu.dot_dimension_numbers<[1], [0], [0], [1], [0, 0, 1, 1], [], []>, transpose_lhs_hint = false} : vector<2048x32xf32>, vector<32x12xf32>, vector<2048x12xf32> -> vector<2048x12xf32>
    %get3A_25 = arith.constant 0 : index
    %get3A_26 = arith.constant 0 : index
    %get3A_27 = vector.load %arg7[%get3A_25, %get3A_26] : memref<1x12xf32, #tpu.memory_space<vmem>>, vector<1x12xf32>
    %add3A_28 = vector.broadcast %get3A_27 : vector<1x12xf32> to vector<2048x12xf32>
    %add3A_29 = arith.addf %dot_general3A_24, %add3A_28 : vector<2048x12xf32>
    %swap3A = arith.constant 0 : index
    %swap3A_30 = arith.constant 0 : index
    %swap3A_31 = vector.load %arg8[%swap3A, %swap3A_30] : memref<2048x12xf32, #tpu.memory_space<vmem>>, vector<2048x12xf32>
    tpu.vector_store %arg8[%swap3A, %swap3A_30], %add3A_29 {strides = array<i32>} : memref<2048x12xf32, #tpu.memory_space<vmem>>, vector<2048x12xf32>,
    return
  }
  func.func @transform_0(%arg0: i32) -> (i32, i32) {
    %c0_i32 = arith.constant 0 : i32
    %c0_i32_0 = arith.constant 0 : i32
    return %arg0, %c0_i32 : i32, i32
  }
  func.func @transform_1(%arg0: i32) -> (i32, i32) {
    %c0_i32 = arith.constant 0 : i32
    %c0_i32_0 = arith.constant 0 : i32
    %c0_i32_1 = arith.constant 0 : i32
    return %c0_i32, %c0_i32_0 : i32, i32
  }
  func.func @transform_2(%arg0: i32) -> (i32, i32) {
    %c0_i32 = arith.constant 0 : i32
    %c0_i32_0 = arith.constant 0 : i32
    %c0_i32_1 = arith.constant 0 : i32
    return %c0_i32, %c0_i32_0 : i32, i32
  }
  func.func @transform_3(%arg0: i32) -> (i32, i32) {
    %c0_i32 = arith.constant 0 : i32
    %c0_i32_0 = arith.constant 0 : i32
    %c0_i32_1 = arith.constant 0 : i32
    return %c0_i32, %c0_i32_0 : i32, i32
  }
  func.func @transform_4(%arg0: i32) -> (i32, i32) {
    %c0_i32 = arith.constant 0 : i32
    %c0_i32_0 = arith.constant 0 : i32
    %c0_i32_1 = arith.constant 0 : i32
    return %c0_i32, %c0_i32_0 : i32, i32
  }
  func.func @transform_5(%arg0: i32) -> (i32, i32) {
    %c0_i32 = arith.constant 0 : i32
    %c0_i32_0 = arith.constant 0 : i32
    %c0_i32_1 = arith.constant 0 : i32
    return %c0_i32, %c0_i32_0 : i32, i32
  }
  func.func @transform_6(%arg0: i32) -> (i32, i32) {
    %c0_i32 = arith.constant 0 : i32
    %c0_i32_0 = arith.constant 0 : i32
    %c0_i32_1 = arith.constant 0 : i32
    return %c0_i32, %c0_i32_0 : i32, i32
  }
  func.func @transform_7(%arg0: i32) -> (i32, i32) {
    %c0_i32 = arith.constant 0 : i32
    %c0_i32_0 = arith.constant 0 : i32
    return %arg0, %c0_i32 : i32, i32
  }
}

</mosaic_0001>

<sc_bundles>
// kernel: kernel.44.cloned.1.call-start
scs
__scs_entry_jumppad:
0x0: {  	(pc) =	sbr.rel $0x88, $3  }
0x1: {  	(tag) =	ssettag $0x0;
	lr =	simm.s32 $0x1  }
0x2: {  	[smem:$0x3F92] =	sst lr;
	_ =	strace $0xD0000000  }
0x3: {  	_ = 	snop  }
0x4: {  	_ = 	snop  }
0x5: {  	_ = 	snop  }
0x6: {  	_ = 	snop  }
0x7: {  	_ = 	snop  }
__scs_overlays_trampoline_lowered:
0x8: {  	[smem:$0x3FA1] =	sst s0  }
0x9: {  	[smem:$0x3FA2] =	sst s1  }
0xa: {  	[smem:$0x3FA3] =	sst s2  }
0xb: {  	[smem:$0x3FA4] =	sst s3  }
0xc: {  	[smem:$0x3FA5] =	sst s4  }
0xd: {  	[smem:$0x3FA6] =	sst s5  }
0xe: {  	[smem:$0x3FA7] =	sst s6  }
0xf: {  	[smem:$0x3FA8] =	sst s7  }
0x10: {  	[smem:$0x3FA9] =	sst s8  }
0x11: {  	[smem:$0x3FAA] =	sst s9;
	s0 =	simm.s32 @!p0 $0x0  }
0x12: {  	s1 =	sld [smem:$0x3F90];
	s0 =	simm.s32 @p0 $0x1  }
0x13: {  	[smem:$0x3FAB] =	sst s0;
	s0 =	simm.s32 @!p1 $0x0  }
0x14: {  	s2 =	sld [smem:$0x3F8F];
	s0 =	simm.s32 @p1 $0x1  }
0x15: {  	[smem:$0x3FAC] =	sst s0;
	s0 =	simm.s32 @!p2 $0x0  }
0x16: {  	s3 =	sld [smem:$0x3FDB];
	s0 =	simm.s32 @p2 $0x1  }
0x17: {  	s4 =	simm.s32 $0x1BF5;
	[smem:$0x3FAE] =	sst s0  }
0x18: {  	s0 =	sld [smem:$0x3F91];
	_ =	swait.ge [sflag:s4], $0x0  }
0x19: {  	s7 =	sld [smem:$0x3F92]  }
0x1a: {  	s8 =	sadd.s32 $0xFFFFE003, lr  }
0x1b: {  	s9 =	sadd.s32 $0xFFFFFEF7, lr;
	s5 =	simm.s32 $0xFFFFFFFF;
	p2 =	slt.u32 s8, $0xFFFFF086  }
0x1c: {  	p1 =	slt.u32 s9, $0xF7A;
	s5 =	simm.s32 @!p2 $0x0  }
0x1d: {  	s5 =	simm.s32 @p1 $0x1;
	p0 =	seq.s32 s7, s2  }
0x1e: {  	s7 =	smul.u32 @!p0 $0xF7A, s2;
	p2 =	seq.s32 @!p0 s5, $0x0  }
0x1f: {  	s9 =	smul.u32 $0xF7A, s1;
	s8 =	simm.s32 @!p0 $0x1BF5;
	p2 =	por !p2, p0  }
0x20: {  	[sflag:s8] =	ssyncset.s32 @!p0 $0xFFFFF086;
	s6 =	sadd.s32 @!p0 s3, s7;
	s7 =	simm.s32 @!p0 $0x108  }
0x21: {  	s3 =	sadd.s32 s3, s9;
	s6 =	sadd.s32 @!p0 $0x88, s6;
	s7 =	simm.s32 @p2 $0x1082  }
0x22: {  	[simem:s7], [sflag:s8] =	dma.local @!p0 [hbm:s6], $0xF7A  }
0x23: {  	s9 =	sor.u32 $0xD0000000, s2;
	s6 =	simm.s32 $0x108;
	_ =	swait.ge @!p0 [sflag:s8], $0x0  }
0x24: {  	s3 =	sadd.s32 $0x88, s3;
	s6 =	simm.s32 @!p1 $0x1082;
	[sflag:s4] =	ssyncset.s32 $0xFFFFF086  }
0x25: {  	[simem:s6], [sflag:s4] =	dma.local [hbm:s3], $0xF7A  }
0x26: {  	[smem:$0x3F92] =	sst s1;
	(tag) =	ssettag s2;
	_ =	strace s9  }
0x27: {  	s1 =	sld [smem:$0x3FA2]  }
0x28: {  	s2 =	sld [smem:$0x3FA3]  }
0x29: {  	s4 =	sld [smem:$0x3FA5]  }
0x2a: {  	p0 =	seq.s32 s5, $0x0;
	s5 =	sld [smem:$0x3FA6]  }
0x2b: {  	s6 =	sld [smem:$0x3FA7]  }
0x2c: {  	s7 =	sld [smem:$0x3FA8]  }
0x2d: {  	s3 =	simm.s32 $0x108;
	s8 =	sld [smem:$0x3FA9]  }
0x2e: {  	s3 =	simm.s32 @!p0 $0x1082;
	s9 =	sld [smem:$0x3FAA]  }
0x2f: {  	lr =	sadd.s32 s0, s3;
	s0 =	sld [smem:$0x3FA1]  }
0x30: {  	s3 =	sld [smem:$0x3FA4]  }
0x31: {  	[smem:$0x3FAD] =	sst s10  }
0x32: {  	s10 =	sld [smem:$0x3FAB];
	_ =	sdelay $0x3  }
0x33: {  	p0 =	seq.s32 s10, $0x1;
	s10 =	sld [smem:$0x3FAD];
	_ =	sdelay $0x3  }
0x34: {  	[smem:$0x3FAD] =	sst s10  }
0x35: {  	s10 =	sld [smem:$0x3FAC];
	_ =	sdelay $0x3  }
0x36: {  	p1 =	seq.s32 s10, $0x1;
	s10 =	sld [smem:$0x3FAD];
	_ =	sdelay $0x3  }
0x37: {  	[smem:$0x3FAD] =	sst s10  }
0x38: {  	s10 =	sld [smem:$0x3FAE]  }
0x39: {  	_ = 	snop;
	(pc) =	sbr.ind lr, $3  }
0x3a: {  	_ = 	snop  }
0x3b: {  	_ = 	snop  }
0x3c: {  	p2 =	seq.s32 s10, $0x1;
	s10 =	sld [smem:$0x3FAD]  }
0x3d: {  	_ =	shalt  }
0x3e: {  	_ =	shalt  }
0x3f: {  	_ =	shalt  }
0x40: {  	_ =	shalt  }
0x41: {  	_ =	shalt  }
0x42: {  	_ =	shalt  }
0x43: {  	_ =	shalt  }
0x44: {  	_ =	shalt  }
0x45: {  	_ =	shalt  }
0x46: {  	_ =	shalt  }
0x47: {  	_ =	shalt  }
0x48: {  	_ =	shalt  }
0x49: {  	_ =	shalt  }
0x4a: {  	_ =	shalt  }
0x4b: {  	_ =	shalt  }
0x4c: {  	_ =	shalt  }
0x4d: {  	_ =	shalt  }
0x4e: {  	_ =	shalt  }
0x4f: {  	_ =	shalt  }
0x50: {  	_ =	shalt  }
0x51: {  	_ =	shalt  }
0x52: {  	_ =	shalt  }
0x53: {  	_ =	shalt  }
0x54: {  	_ =	shalt  }
0x55: {  	_ =	shalt  }
0x56: {  	_ =	shalt  }
0x57: {  	_ =	shalt  }
0x58: {  	_ =	shalt  }
0x59: {  	_ =	shalt  }
0x5a: {  	_ =	shalt  }
0x5b: {  	_ =	shalt  }
0x5c: {  	_ =	shalt  }
0x5d: {  	_ =	shalt  }
0x5e: {  	_ =	shalt  }
0x5f: {  	_ =	shalt  }
0x60: {  	_ =	shalt  }
0x61: {  	_ =	shalt  }
0x62: {  	_ =	shalt  }
0x63: {  	_ =	shalt  }
0x64: {  	_ =	shalt  }
0x65: {  	_ =	shalt  }
0x66: {  	_ =	shalt  }
0x67: {  	_ =	shalt  }
0x68: {  	_ =	shalt  }
0x69: {  	_ =	shalt  }
0x6a: {  	_ =	shalt  }
0x6b: {  	_ =	shalt  }
0x6c: {  	_ =	shalt  }
0x6d: {  	_ =	shalt  }
0x6e: {  	_ =	shalt  }
0x6f: {  	_ =	shalt  }
0x70: {  	_ =	shalt  }
0x71: {  	_ =	shalt  }
0x72: {  	_ =	shalt  }
0x73: {  	_ =	shalt  }
0x74: {  	_ =	shalt  }
0x75: {  	_ =	shalt  }
0x76: {  	_ =	shalt  }
0x77: {  	_ =	shalt  }
0x78: {  	_ =	shalt  }
0x79: {  	_ =	shalt  }
0x7a: {  	_ =	shalt  }
0x7b: {  	_ =	shalt  }
0x7c: {  	_ =	shalt  }
0x7d: {  	_ =	shalt  }
0x7e: {  	_ =	shalt  }
0x7f: {  	_ =	shalt  }
0x80: {  	_ =	shalt  }
0x81: {  	_ =	shalt  }
0x82: {  	_ =	shalt  }
0x83: {  	_ =	shalt  }
0x84: {  	_ =	shalt  }
0x85: {  	_ =	shalt  }
0x86: {  	_ =	shalt  }
0x87: {  	_ =	shalt  }
.Lfunc_end0:
.L_simem_size_0:
called_computation.4_lowered:
.L_overlay_start_0:
0x88: {  	s2 =	sld [smem:$0x3FD9]  }
0x89: {  	s3 =	sld [smem:$0x3FFE];
	_ =	sdelay $0x1  }
0x8a: {  	s1 =	srdreg.scid  }
0x8b: {  	s0 =	sand.u32 $0x1, s1  }
0x8c: {  	s14 =	sshll.u32 s0, $0xA;
	s2 =	sadd.s32 s3, s2  }
0x8d: {  	s2 =	sadd.s32 s2, s14  }
0x8e: {  	[smem:$0x3FB9] =	sst s2  }
0x8f: {  	_ = 	snop  }
0x90: {  	s2 =	sld [smem:$0x3FD0];
	_ =	sdelay $0x2  }
0x91: {  	s15 =	simm.s32 $0xD;
	s4 =	simm.s32 $0x10  }
0x92: {  	[smem:s4], [sflag:s15] =	dma.local [hbm:s2], $0x1  }
0x93: {  	_ =	swait.eq [sflag:s15], $0x1  }
0x94: {  	[sflag:s15] =	ssyncset.done $0x0  }
0x95: {  	[sflag:s15] =	ssyncadd.s32 $0xFFFFFFFF  }
0x96: {  	s16 =	sld [smem:$0x10];
	(tm) =	ssettm $0x1  }
0x97: {  	s17 =	sld [smem:$0x3FFB];
	_ =	sdelay $0x3  }
0x98: {  	_ =	strace s17  }
0x99: {  	s3 =	sld [smem:$0x3FFC];
	_ =	sdelay $0x3  }
0x9a: {  	_ =	strace s3  }
0x9b: {  	s3 =	sld [smem:$0x3FFD];
	_ =	sdelay $0x3  }
0x9c: {  	_ =	strace s3  }
0x9d: {  	_ =	strace $0x8FFFFFFF  }
0x9e: {  	s18 =	sld [smem:$0x3FDB];
	_ =	sdelay $0x1  }
0x9f: {  	s19 =	simm.s32 $_scs_section_size  }
0xa0: {  	s5 =	simm.s32 $_size__tile_overlayer_lowered;
	s6 =	simm.s32 $_tile_overlayer_lowered  }
0xa1: {  	s22 =	simm.s32 $0x1BFF;
	s21 =	sshll.u32 s6, $0x1;
	s3 =	sadd.s32 s19, s18  }
0xa2: {  	s7 =	simm.s32 $0x0;
	s20 =	sshll.u32 s5, $0x1;
	s5 =	sadd.s32 s21, s3  }
0xa3: {  	[timem:s7], [sflag:s22] =	dma.local [hbm:s5], s20  }
0xa4: {  	_ =	swait.ge [sflag:s22], s20  }
0xa5: {  	s4 =	ssub.s32 $0x0, s20;
	[sflag:s22] =	ssyncset.done $0x0  }
0xa6: {  	[sflag:s22] =	ssyncadd.s32 s4;
	_ =	sdelay $0x1  }
0xa7: {  	s23 =	simm.s32 $0x1B8B  }
0xa8: {  	_ =	swait.ge [sflag:s23], $0x1  }
0xa9: {  	[sflag:s23] =	ssyncset.done $0x0  }
0xaa: {  	s25 =	simm.s32 $0x1B8E;
	s24 =	sld [smem:$0x3FFE];
	[sflag:s23] =	ssyncadd.s32 $0xFFFFFFFF  }
0xab: {  	s26 =	simm.s32 $execute0_lowered;
	[smem:$0x3FD2] =	sst s25  }
0xac: {  	s5 =	sshll.u32 s26, $0x1;
	_ =	strace $0x80000046;
	[dreg:$0x1] =	wrdreg $0xFFFFFFFF  }
0xad: {  	s28 =	simm.s32 $_size_execute0_lowered;
	s3 =	sadd.s32 s3, s5;
	[dreg:$0x0] =	wrdreg $0x0  }
0xae: {  	s5 =	sshll.u32 s28, $0x1;
	[dreg:$0x2] =	wrdreg s3  }
0xaf: {  	[dreg:$0x3] =	wrdreg s5  }
0xb0: {  	[dreg:$0x4] =	wrdreg $0xC0  }
0xb1: {  	_ =	task [dreg:s7], $0x5FFFF  }
0xb2: {  	[dreg:$0x1] =	wrdreg $0xFFFFFFFF  }
0xb3: {  	[dreg:$0x0] =	wrdreg $0x60  }
0xb4: {  	[dreg:$0x2] =	wrdreg s24  }
0xb5: {  	[dreg:$0x3] =	wrdreg s16  }
0xb6: {  	[dreg:$0x4] =	wrdreg $0x9  }
0xb7: {  	_ =	task.clear_ibuf [dreg:s7], $0x5FFFF;
	_ =	strace $0x90000046  }
0xb8: {  	s29 =	simm.s32 $0x9;
	_ =	strace $0x80000048  }
0xb9: {  	_ =	swait.ge [sflag:s29], $0x1  }
0xba: {  	[sflag:s29] =	ssyncadd.s32 $0xFFFFFFFF  }
0xbb: {  	_ =	strace $0x90000048  }
0xbc: {  	_ =	sfence  }
0xbd: {  	s30 =	sld [smem:$0x0];
	_ =	sdelay $0x2  }
0xbe: {  	s31 =	sshll.u32 s1, $0xD;
	s1 =	sshrl.u32 s1, $0x2  }
0xbf: {  	s3 =	sand.u32 $0x4000, s31;
	s1 =	sadd.s32 s1, s30  }
0xc0: {  	s0 =	sor.u32 s3, s0;
	s1 =	sshll.u32 s1, $0x11  }
0xc1: {  	s0 =	sor.u32 s1, s0  }
0xc2: {  	s0 =	sadd.s32 $0x8F2B, s0  }
0xc3: {  	[sflag:s0] =	ssyncadd.remote.s32 $0x1  }
0xc4: {  	_ =	sfence.sel $0xFFFF  }
0xc5: {  	[dreg:$0x0] =	wrdreg $0xFFFFFFFF;
	(pc) =	sbr.abs _section_cstart, $3  }
0xc6: {  	[dreg:$0x1] =	wrdreg $0xFFFFFFFF  }
0xc7: {  	_ =	task.clear_ibuf [dreg:s7], $0x2FFFF;
	_ =	strace $0x9FFFFFFF  }
0xc8: {  	(tm) =	ssettm $0x7FFFFFFF  }
0xc9: {  	_ =	shalt  }
tec
execute0_lowered:
.L_overlay_start_1:
0x0: {  	(tag) =	ssettag $0x1  }
0x1: {  	s1 =	srdreg.scid  }
0x2: {  	s8 =	rddreg [dreg:$0x0];
	s0 =	stileid.u32;
	s10 =	sand.u32 $0x1, s1  }
0x3: {  	s9 =	rddreg [dreg:$0x1];
	s3 =	sshll.u32 s0, $0x9;
	s4 =	sshll.u32 s10, $0x8  }
0x4: {  	s2 =	simm.s32 $0x0;
	s1 =	rddreg [dreg:$0x2];
	s11 =	sor.u32 s4, s3  }
0x5: {  	[smem:$0x7FF] =	sst s2;
	s3 =	sshrl.u32 s11, $0x3  }
0x6: {  	_ =	strace $0x80000047;
	s4 =	sadd.s32 s9, s3;
	s3 =	simm.s32 $0x2  }
0x7: {  	[tilespmem:s2], [sflag:$0x2] =	stream.linear.gather [hbm4b:s4+s2], $0x80, $0x38;
	[tilespmem:$0x4080] =	vst v63  }
0x8: {  	_ =	swait.ge [sflag:s3], $0x80  }
0x9: {  	s6 =	simm.s32 $0x80;
	[sflag:s3] =	ssyncset.done $0x0  }
0xa: {  	s7 =	simm.s32 $0x1;
	s5 =	sadd.s32 $0x104800, s8;
	[sflag:s3] =	ssyncadd.s32 $0xFFFFFF80  }
0xb: {  	[tilespmem:s6], [sflag:$0x1] =	stream.indirect.gather [hbm4b:s5+s6], $0x80, s2, s6, $0xb8;
	[tilespmem:$0x4080] =	vst v63  }
0xc: {  	_ =	swait.ge [sflag:s7], $0x4000  }
0xd: {  	s12 =	sadd.s32 $0x144800, s8;
	s28 =	sshll.u32 s11, $0x4;
	[sflag:s7] =	ssyncset.done $0x0  }
0xe: {  	s8 =	sadd.s32 s12, s28;
	[sflag:s7] =	ssyncadd.s32 $0xFFFFC000  }
0xf: {  	[hbm4b:s8+s2] =	stream.linear.scatter [tilespmem:s6], [sflag:$0x2], $0x4000, $0x38;
	[tilespmem:$0x4080] =	vst v63  }
0x10: {  	s11 =	sor.u32 $0x80, s11;
	_ =	swait.ge [sflag:s3], $0x4000  }
0x11: {  	s13 =	sshrl.u32 s11, $0x3;
	[sflag:s3] =	ssyncset.done $0x0  }
0x12: {  	s10 =	ssub.s32 $0x2, s10;
	s9 =	sadd.s32 s9, s13;
	[sflag:s3] =	ssyncadd.s32 $0xFFFFC000  }
0x13: {  	[tilespmem:s2], [sflag:$0x2] =	stream.linear.gather [hbm4b:s9+s2], $0x80, $0x38;
	[tilespmem:$0x4080] =	vst v63  }
0x14: {  	s29 =	sshrl.u32 s10, $0x1;
	_ =	swait.ge [sflag:s3], $0x80  }
0x15: {  	s13 =	ssub.s32 s10, s29;
	[sflag:s3] =	ssyncset.done $0x0  }
0x16: {  	s31 =	smax.u32 s13, $0x1;
	[sflag:s3] =	ssyncadd.s32 $0xFFFFFF80  }
0x17: {  	[tilespmem:s6], [sflag:$0x1] =	stream.indirect.gather [hbm4b:s5+s6], $0x80, s2, s6, $0xb8;
	[tilespmem:$0x4080] =	vst v63  }
0x18: {  	p0 =	sne.s32 s31, $0x1;
	_ =	swait.ge [sflag:s7], $0x4000  }
.Ltmp0:
0x19: {  	s30 =	sshll.u32 s11, $0x4;
	[sflag:s7] =	ssyncset.done $0x0;
	(pc) =	sbr.rel @!p0 .LBB2_2-.Ltmp0, $4  }
0x1a: {  	s10 =	sadd.s32 s12, s30;
	[sflag:s7] =	ssyncadd.s32 $0xFFFFC000  }
0x1b: {  	[hbm4b:s10+s2] =	stream.linear.scatter [tilespmem:s6], [sflag:$0x2], $0x4000, $0x38;
	[tilespmem:$0x4080] =	vst v63  }
0x1c: {  	_ =	swait.ge [sflag:s3], $0x4000  }
0x1d: {  	s11 =	sadd.s32 $0xFFFFFFFF, s31;
	[sflag:s3] =	ssyncset.done $0x0  }
.LBB2_1:
0x1e: {  	p0 =	sne.s32 s11, $0x1;
	s11 =	sadd.s32 $0xFFFFFFFF, s11;
	[sflag:s3] =	ssyncadd.s32 $0xFFFFC000  }
0x1f: {  	[tilespmem:s2], [sflag:$0x2] =	stream.linear.gather [hbm4b:s4+s2], $0x80, $0x38;
	[tilespmem:$0x4080] =	vst v63  }
0x20: {  	_ =	swait.ge [sflag:s3], $0x80  }
0x21: {  	[sflag:s3] =	ssyncset.done $0x0  }
0x22: {  	[sflag:s3] =	ssyncadd.s32 $0xFFFFFF80  }
0x23: {  	[tilespmem:s6], [sflag:$0x1] =	stream.indirect.gather [hbm4b:s5+s6], $0x80, s2, s6, $0xb8;
	[tilespmem:$0x4080] =	vst v63  }
0x24: {  	_ =	swait.ge [sflag:s7], $0x4000  }
0x25: {  	[sflag:s7] =	ssyncset.done $0x0  }
0x26: {  	[sflag:s7] =	ssyncadd.s32 $0xFFFFC000  }
0x27: {  	[hbm4b:s8+s2] =	stream.linear.scatter [tilespmem:s6], [sflag:$0x2], $0x4000, $0x38;
	[tilespmem:$0x4080] =	vst v63  }
0x28: {  	_ =	swait.ge [sflag:s3], $0x4000  }
0x29: {  	[sflag:s3] =	ssyncset.done $0x0  }
0x2a: {  	[sflag:s3] =	ssyncadd.s32 $0xFFFFC000  }
0x2b: {  	[tilespmem:s2], [sflag:$0x2] =	stream.linear.gather [hbm4b:s9+s2], $0x80, $0x38;
	[tilespmem:$0x4080] =	vst v63  }
0x2c: {  	_ =	swait.ge [sflag:s3], $0x80  }
0x2d: {  	[sflag:s3] =	ssyncset.done $0x0  }
0x2e: {  	[sflag:s3] =	ssyncadd.s32 $0xFFFFFF80  }
0x2f: {  	[tilespmem:s6], [sflag:$0x1] =	stream.indirect.gather [hbm4b:s5+s6], $0x80, s2, s6, $0xb8;
	[tilespmem:$0x4080] =	vst v63  }
0x30: {  	_ =	swait.ge [sflag:s7], $0x4000  }
.Ltmp1:
0x31: {  	[sflag:s7] =	ssyncset.done $0x0;
	(pc) =	sbr.rel @p0 .LBB2_1-.Ltmp1, $4  }
0x32: {  	[sflag:s7] =	ssyncadd.s32 $0xFFFFC000  }
0x33: {  	[hbm4b:s10+s2] =	stream.linear.scatter [tilespmem:s6], [sflag:$0x2], $0x4000, $0x38;
	[tilespmem:$0x4080] =	vst v63  }
0x34: {  	_ =	swait.ge [sflag:s3], $0x4000  }
0x35: {  	[sflag:s3] =	ssyncset.done $0x0  }
.LBB2_2:
0x36: {  	[sflag:s3] =	ssyncadd.s32 $0xFFFFC000  }
0x37: {  	_ =	sfence.sel $0x180000  }
0x38: {  	[bflag:$0x0] =	sbarrier.arrive $0xFFFF  }
0x39: {  	p0 =	sne.s32 s0, $0x0;
	_ =	strace $0x90000047  }
0x3a: {  	s0 =	sadd.s32 @!p0 $0x100000, s1;
	[bflag:$0x2] =	sbarrier.arrive $0xFFFF  }
0x3b: {  	[sflag:s0] =	ssyncadd.tile.s32 @!p0 $0x1;
	_ =	shalt  }
.Lfunc_end2:
_tile_overlayer_lowered:
.L_overlay_start_2:
0x3c: {  	(tag) =	ssettag $0x2  }
0x3d: {  	s0 =	rddreg [dreg:$0x0];
	s2 =	stileid.u32  }
0x3e: {  	s1 =	rddreg [dreg:$0x1];
	p0 =	sne.s32 s2, $0x0  }
0x3f: {  	s3 =	rddreg [dreg:$0x2];
	[bflag:$0x3] =	sbarrier.arrive $0xFFFF;
	s2 =	simm.s32 @!p0 $0x1C02  }
0x40: {  	[timem:s3], [sflag:s2] =	dma.local @!p0 [hbm:s0], s1  }
0x41: {  	s0 =	simm.s32 @!p0 $0x2  }
0x42: {  	_ =	swait.ge @!p0 [sflag:s0], s1  }
0x43: {  	s1 =	ssub.s32 @!p0 $0x0, s1;
	[sflag:s0] =	ssyncset.done @!p0 $0x0  }
0x44: {  	[sflag:s0] =	ssyncadd.s32 @!p0 s1  }
0x45: {  	[bflag:$0x3] =	sbarrier.arrive $0xFFFF  }
0x46: {  	_ =	shalt  }

// kernel: kernel.47.cloned.1.call-start
scs
__scs_entry_jumppad:
0x0: {  	(pc) =	sbr.rel $0x88, $3  }
0x1: {  	(tag) =	ssettag $0x0;
	lr =	simm.s32 $0x1  }
0x2: {  	[smem:$0x3F92] =	sst lr;
	_ =	strace $0xD0000000  }
0x3: {  	_ = 	snop  }
0x4: {  	_ = 	snop  }
0x5: {  	_ = 	snop  }
0x6: {  	_ = 	snop  }
0x7: {  	_ = 	snop  }
__scs_overlays_trampoline_lowered:
0x8: {  	[smem:$0x3FA1] =	sst s0  }
0x9: {  	[smem:$0x3FA2] =	sst s1  }
0xa: {  	[smem:$0x3FA3] =	sst s2  }
0xb: {  	[smem:$0x3FA4] =	sst s3  }
0xc: {  	[smem:$0x3FA5] =	sst s4  }
0xd: {  	[smem:$0x3FA6] =	sst s5  }
0xe: {  	[smem:$0x3FA7] =	sst s6  }
0xf: {  	[smem:$0x3FA8] =	sst s7  }
0x10: {  	[smem:$0x3FA9] =	sst s8  }
0x11: {  	[smem:$0x3FAA] =	sst s9;
	s0 =	simm.s32 @!p0 $0x0  }
0x12: {  	s1 =	sld [smem:$0x3F90];
	s0 =	simm.s32 @p0 $0x1  }
0x13: {  	[smem:$0x3FAB] =	sst s0;
	s0 =	simm.s32 @!p1 $0x0  }
0x14: {  	s2 =	sld [smem:$0x3F8F];
	s0 =	simm.s32 @p1 $0x1  }
0x15: {  	[smem:$0x3FAC] =	sst s0;
	s0 =	simm.s32 @!p2 $0x0  }
0x16: {  	s3 =	sld [smem:$0x3FDB];
	s0 =	simm.s32 @p2 $0x1  }
0x17: {  	s4 =	simm.s32 $0x1BF5;
	[smem:$0x3FAE] =	sst s0  }
0x18: {  	s0 =	sld [smem:$0x3F91];
	_ =	swait.ge [sflag:s4], $0x0  }
0x19: {  	s7 =	sld [smem:$0x3F92]  }
0x1a: {  	s8 =	sadd.s32 $0xFFFFE003, lr  }
0x1b: {  	s9 =	sadd.s32 $0xFFFFFEF7, lr;
	s5 =	simm.s32 $0xFFFFFFFF;
	p2 =	slt.u32 s8, $0xFFFFF086  }
0x1c: {  	p1 =	slt.u32 s9, $0xF7A;
	s5 =	simm.s32 @!p2 $0x0  }
0x1d: {  	s5 =	simm.s32 @p1 $0x1;
	p0 =	seq.s32 s7, s2  }
0x1e: {  	s7 =	smul.u32 @!p0 $0xF7A, s2;
	p2 =	seq.s32 @!p0 s5, $0x0  }
0x1f: {  	s9 =	smul.u32 $0xF7A, s1;
	s8 =	simm.s32 @!p0 $0x1BF5;
	p2 =	por !p2, p0  }
0x20: {  	[sflag:s8] =	ssyncset.s32 @!p0 $0xFFFFF086;
	s6 =	sadd.s32 @!p0 s3, s7;
	s7 =	simm.s32 @!p0 $0x108  }
0x21: {  	s3 =	sadd.s32 s3, s9;
	s6 =	sadd.s32 @!p0 $0x88, s6;
	s7 =	simm.s32 @p2 $0x1082  }
0x22: {  	[simem:s7], [sflag:s8] =	dma.local @!p0 [hbm:s6], $0xF7A  }
0x23: {  	s9 =	sor.u32 $0xD0000000, s2;
	s6 =	simm.s32 $0x108;
	_ =	swait.ge @!p0 [sflag:s8], $0x0  }
0x24: {  	s3 =	sadd.s32 $0x88, s3;
	s6 =	simm.s32 @!p1 $0x1082;
	[sflag:s4] =	ssyncset.s32 $0xFFFFF086  }
0x25: {  	[simem:s6], [sflag:s4] =	dma.local [hbm:s3], $0xF7A  }
0x26: {  	[smem:$0x3F92] =	sst s1;
	(tag) =	ssettag s2;
	_ =	strace s9  }
0x27: {  	s1 =	sld [smem:$0x3FA2]  }
0x28: {  	s2 =	sld [smem:$0x3FA3]  }
0x29: {  	s4 =	sld [smem:$0x3FA5]  }
0x2a: {  	p0 =	seq.s32 s5, $0x0;
	s5 =	sld [smem:$0x3FA6]  }
0x2b: {  	s6 =	sld [smem:$0x3FA7]  }
0x2c: {  	s7 =	sld [smem:$0x3FA8]  }
0x2d: {  	s3 =	simm.s32 $0x108;
	s8 =	sld [smem:$0x3FA9]  }
0x2e: {  	s3 =	simm.s32 @!p0 $0x1082;
	s9 =	sld [smem:$0x3FAA]  }
0x2f: {  	lr =	sadd.s32 s0, s3;
	s0 =	sld [smem:$0x3FA1]  }
0x30: {  	s3 =	sld [smem:$0x3FA4]  }
0x31: {  	[smem:$0x3FAD] =	sst s10  }
0x32: {  	s10 =	sld [smem:$0x3FAB];
	_ =	sdelay $0x3  }
0x33: {  	p0 =	seq.s32 s10, $0x1;
	s10 =	sld [smem:$0x3FAD];
	_ =	sdelay $0x3  }
0x34: {  	[smem:$0x3FAD] =	sst s10  }
0x35: {  	s10 =	sld [smem:$0x3FAC];
	_ =	sdelay $0x3  }
0x36: {  	p1 =	seq.s32 s10, $0x1;
	s10 =	sld [smem:$0x3FAD];
	_ =	sdelay $0x3  }
0x37: {  	[smem:$0x3FAD] =	sst s10  }
0x38: {  	s10 =	sld [smem:$0x3FAE]  }
0x39: {  	_ = 	snop;
	(pc) =	sbr.ind lr, $3  }
0x3a: {  	_ = 	snop  }
0x3b: {  	_ = 	snop  }
0x3c: {  	p2 =	seq.s32 s10, $0x1;
	s10 =	sld [smem:$0x3FAD]  }
0x3d: {  	_ =	shalt  }
0x3e: {  	_ =	shalt  }
0x3f: {  	_ =	shalt  }
0x40: {  	_ =	shalt  }
0x41: {  	_ =	shalt  }
0x42: {  	_ =	shalt  }
0x43: {  	_ =	shalt  }
0x44: {  	_ =	shalt  }
0x45: {  	_ =	shalt  }
0x46: {  	_ =	shalt  }
0x47: {  	_ =	shalt  }
0x48: {  	_ =	shalt  }
0x49: {  	_ =	shalt  }
0x4a: {  	_ =	shalt  }
0x4b: {  	_ =	shalt  }
0x4c: {  	_ =	shalt  }
0x4d: {  	_ =	shalt  }
0x4e: {  	_ =	shalt  }
0x4f: {  	_ =	shalt  }
0x50: {  	_ =	shalt  }
0x51: {  	_ =	shalt  }
0x52: {  	_ =	shalt  }
0x53: {  	_ =	shalt  }
0x54: {  	_ =	shalt  }
0x55: {  	_ =	shalt  }
0x56: {  	_ =	shalt  }
0x57: {  	_ =	shalt  }
0x58: {  	_ =	shalt  }
0x59: {  	_ =	shalt  }
0x5a: {  	_ =	shalt  }
0x5b: {  	_ =	shalt  }
0x5c: {  	_ =	shalt  }
0x5d: {  	_ =	shalt  }
0x5e: {  	_ =	shalt  }
0x5f: {  	_ =	shalt  }
0x60: {  	_ =	shalt  }
0x61: {  	_ =	shalt  }
0x62: {  	_ =	shalt  }
0x63: {  	_ =	shalt  }
0x64: {  	_ =	shalt  }
0x65: {  	_ =	shalt  }
0x66: {  	_ =	shalt  }
0x67: {  	_ =	shalt  }
0x68: {  	_ =	shalt  }
0x69: {  	_ =	shalt  }
0x6a: {  	_ =	shalt  }
0x6b: {  	_ =	shalt  }
0x6c: {  	_ =	shalt  }
0x6d: {  	_ =	shalt  }
0x6e: {  	_ =	shalt  }
0x6f: {  	_ =	shalt  }
0x70: {  	_ =	shalt  }
0x71: {  	_ =	shalt  }
0x72: {  	_ =	shalt  }
0x73: {  	_ =	shalt  }
0x74: {  	_ =	shalt  }
0x75: {  	_ =	shalt  }
0x76: {  	_ =	shalt  }
0x77: {  	_ =	shalt  }
0x78: {  	_ =	shalt  }
0x79: {  	_ =	shalt  }
0x7a: {  	_ =	shalt  }
0x7b: {  	_ =	shalt  }
0x7c: {  	_ =	shalt  }
0x7d: {  	_ =	shalt  }
0x7e: {  	_ =	shalt  }
0x7f: {  	_ =	shalt  }
0x80: {  	_ =	shalt  }
0x81: {  	_ =	shalt  }
0x82: {  	_ =	shalt  }
0x83: {  	_ =	shalt  }
0x84: {  	_ =	shalt  }
0x85: {  	_ =	shalt  }
0x86: {  	_ =	shalt  }
0x87: {  	_ =	shalt  }
.Lfunc_end0:
.L_simem_size_0:
called_computation.5_lowered:
.L_overlay_start_0:
0x88: {  	s2 =	sld [smem:$0x3FD9]  }
0x89: {  	s3 =	sld [smem:$0x3FFE];
	_ =	sdelay $0x1  }
0x8a: {  	s1 =	srdreg.scid  }
0x8b: {  	s0 =	sand.u32 $0x1, s1  }
0x8c: {  	s17 =	sshll.u32 s0, $0xA;
	s2 =	sadd.s32 s3, s2  }
0x8d: {  	s2 =	sadd.s32 s2, s17  }
0x8e: {  	[smem:$0x3FB9] =	sst s2  }
0x8f: {  	_ = 	snop  }
0x90: {  	(tm) =	ssettm $0x1  }
0x91: {  	s18 =	sld [smem:$0x3FFB];
	_ =	sdelay $0x3  }
0x92: {  	_ =	strace s18  }
0x93: {  	s2 =	sld [smem:$0x3FFC];
	_ =	sdelay $0x3  }
0x94: {  	_ =	strace s2  }
0x95: {  	s2 =	sld [smem:$0x3FFD];
	_ =	sdelay $0x3  }
0x96: {  	_ =	strace s2  }
0x97: {  	_ =	strace $0x8FFFFFFF  }
0x98: {  	s19 =	sld [smem:$0x3FDB];
	_ =	sdelay $0x1  }
0x99: {  	s20 =	simm.s32 $_scs_section_size  }
0x9a: {  	s4 =	simm.s32 $_size__tile_overlayer_lowered;
	s5 =	simm.s32 $_tile_overlayer_lowered  }
0x9b: {  	s6 =	simm.s32 $0x1BFF;
	s21 =	sshll.u32 s5, $0x1;
	s3 =	sadd.s32 s20, s19  }
0x9c: {  	s22 =	simm.s32 $0x0;
	s4 =	sshll.u32 s4, $0x1;
	s5 =	sadd.s32 s21, s3  }
0x9d: {  	[timem:s22], [sflag:s6] =	dma.local [hbm:s5], s4  }
0x9e: {  	_ =	swait.ge [sflag:s6], s4  }
0x9f: {  	s4 =	ssub.s32 $0x0, s4;
	[sflag:s6] =	ssyncset.done $0x0  }
0xa0: {  	[sflag:s6] =	ssyncadd.s32 s4;
	_ =	sdelay $0x1  }
0xa1: {  	s23 =	simm.s32 $0x1B8B  }
0xa2: {  	_ =	swait.ge [sflag:s23], $0x1  }
0xa3: {  	[sflag:s23] =	ssyncset.done $0x0  }
0xa4: {  	[sflag:s23] =	ssyncadd.s32 $0xFFFFFFFF  }
0xa5: {  	s4 =	sld [smem:$0x0]  }
0xa6: {  	s5 =	sand.u32 $0xFFFFFFFE, s1  }
0xa7: {  	p0 =	sne.s32 s1, s5  }
0xa8: {  	s5 =	sshll.u32 @p0 s5, $0xE  }
0xa9: {  	s5 =	sadd.s32 @p0 $0x11B8D, s5;
	s6 =	sshll.u32 @p0 s4, $0x11  }
0xaa: {  	s5 =	sor.u32 @p0 s6, s5  }
0xab: {  	[sflag:s5] =	ssyncadd.remote.s32 @p0 $0x1;
	_ =	sdelay $0x1  }
0xac: {  	s5 =	simm.s32 @p0 $0x1B8D  }
0xad: {  	_ =	swait.eq @p0 [sflag:s5], $0x1  }
0xae: {  	[sflag:s5] =	ssyncadd.s32 @p0 $0xFFFFFFFF  }
0xaf: {  	s6 =	sshll.u32 @!p0 s1, $0xE  }
0xb0: {  	s6 =	sor.u32 @!p0 $0x4000, s6;
	s5 =	simm.s32 @!p0 $0x1B8D  }
0xb1: {  	s4 =	sshll.u32 @!p0 s4, $0x11;
	s6 =	sadd.s32 @!p0 $0x11B8D, s6;
	_ =	swait.eq @!p0 [sflag:s5], $0x1  }
0xb2: {  	s4 =	sor.u32 @!p0 s4, s6;
	[sflag:s5] =	ssyncadd.s32 @!p0 $0xFFFFFFFF  }
0xb3: {  	s25 =	simm.s32 $0x1B8E;
	s24 =	sld [smem:$0x3FFE];
	[sflag:s4] =	ssyncadd.remote.s32 @!p0 $0x1  }
0xb4: {  	s26 =	simm.s32 $execute0_lowered;
	[smem:$0x3FD2] =	sst s25  }
0xb5: {  	s5 =	sshll.u32 s26, $0x1;
	_ =	strace $0x8000004F;
	[dreg:$0x1] =	wrdreg $0xFFFFFFFF  }
0xb6: {  	s28 =	simm.s32 $_size_execute0_lowered;
	s3 =	sadd.s32 s3, s5;
	[dreg:$0x0] =	wrdreg $0x0  }
0xb7: {  	s5 =	sshll.u32 s28, $0x1;
	[dreg:$0x2] =	wrdreg s3  }
0xb8: {  	[dreg:$0x3] =	wrdreg s5  }
0xb9: {  	[dreg:$0x4] =	wrdreg $0xC0  }
0xba: {  	_ =	task [dreg:s22], $0x5FFFF  }
0xbb: {  	[dreg:$0x1] =	wrdreg $0xFFFFFFFF  }
0xbc: {  	[dreg:$0x0] =	wrdreg $0x60  }
0xbd: {  	[dreg:$0x2] =	wrdreg s24  }
0xbe: {  	[dreg:$0x3] =	wrdreg $0x9  }
0xbf: {  	_ =	task.clear_ibuf [dreg:s22], $0x4FFFF;
	_ =	strace $0x9000004F  }
0xc0: {  	s29 =	simm.s32 $0x9;
	_ =	strace $0x80000051  }
0xc1: {  	_ =	swait.ge [sflag:s29], $0x1  }
0xc2: {  	[sflag:s29] =	ssyncadd.s32 $0xFFFFFFFF  }
0xc3: {  	_ =	strace $0x90000051  }
0xc4: {  	_ =	sfence  }
0xc5: {  	s30 =	sld [smem:$0x0];
	_ =	sdelay $0x2  }
0xc6: {  	s31 =	sshll.u32 s1, $0xD;
	s1 =	sshrl.u32 s1, $0x2  }
0xc7: {  	s4 =	sand.u32 $0x4000, s31;
	s1 =	sadd.s32 s1, s30  }
0xc8: {  	s0 =	sor.u32 s4, s0;
	s1 =	sshll.u32 s1, $0x11  }
0xc9: {  	s0 =	sor.u32 s1, s0  }
0xca: {  	s0 =	sadd.s32 $0x8F2B, s0  }
0xcb: {  	[sflag:s0] =	ssyncadd.remote.s32 $0x1  }
0xcc: {  	_ =	sfence.sel $0xFFFF  }
0xcd: {  	[dreg:$0x0] =	wrdreg $0xFFFFFFFF;
	(pc) =	sbr.abs _section_cstart, $3  }
0xce: {  	[dreg:$0x1] =	wrdreg $0xFFFFFFFF  }
0xcf: {  	_ =	task.clear_ibuf [dreg:s22], $0x2FFFF;
	_ =	strace $0x9FFFFFFF  }
0xd0: {  	(tm) =	ssettm $0x7FFFFFFF  }
0xd1: {  	_ =	shalt  }
tec
execute0_lowered:
.L_overlay_start_1:
0x0: {  	(tag) =	ssettag $0x1  }
0x1: {  	s4 =	rddreg [dreg:$0x0]  }
0x2: {  	s0 =	rddreg [dreg:$0x1];
	s2 =	simm.s32 $0x0;
	s3 =	srdreg.scid  }
0x3: {  	s1 =	stileid.u32;
	s10 =	simm.s32 $0x0;
	[smem:$0x7FF] =	sst s2  }
0x4: {  	s5 =	sand.u32 $0x1, s3;
	s6 =	sshll.u32 s1, $0xE;
	s3 =	sadd.s32 $0x104800, s4  }
0x5: {  	s8 =	sshll.u32 s1, $0x12;
	_ =	strace $0x80000050;
	s7 =	sshll.u32 s5, $0xD  }
0x6: {  	s31 =	ssub.s32 $0x2, s5;
	s8 =	sadd.s32 s8, s4;
	s5 =	sshll.u32 s5, $0x11  }
0x7: {  	s6 =	sor.u32 s7, s6;
	s9 =	sshrl.u32 s31, $0x1;
	s5 =	sadd.s32 s5, s8  }
0x8: {  	s8 =	simm.s32 $0x80;
	s6 =	sshrl.u32 s6, $0x3;
	s7 =	ssub.s32 s31, s9  }
0x9: {  	s5 =	sadd.s32 $0x585C00, s5;
	s9 =	simm.s32 $0x1;
	s6 =	sadd.s32 s6, s4  }
0xa: {  	s4 =	smax.u32 s7, $0x1;
	s7 =	simm.s32 $0x2;
	s6 =	sadd.s32 $0x2CC00, s6  }
.LBB2_1:
0xb: {  	s11 =	sadd.s32 $0x0, s6  }
0xc: {  	[tilespmem:s2], [sflag:$0x2] =	stream.linear.gather [hbm4b:s11+s2], $0x80, $0x38;
	[tilespmem:$0x4080] =	vst v63  }
0xd: {  	_ =	swait.ge [sflag:s7], $0x80  }
0xe: {  	[sflag:s7] =	ssyncset.done $0x0  }
0xf: {  	[sflag:s7] =	ssyncadd.s32 $0xFFFFFF80  }
0x10: {  	[tilespmem:s8], [sflag:$0x1] =	stream.indirect.gather [hbm4b:s3+s8], $0x80, s2, s8, $0xb8;
	[tilespmem:$0x4080] =	vst v63  }
0x11: {  	_ =	swait.ge [sflag:s9], $0x4000  }
0x12: {  	[sflag:s9] =	ssyncset.done $0x0  }
0x13: {  	[sflag:s9] =	ssyncadd.s32 $0xFFFFC000  }
0x14: {  	[hbm4b:s5+s2] =	stream.linear.scatter [tilespmem:s8], [sflag:$0x2], $0x4000, $0x38;
	[tilespmem:$0x4080] =	vst v63  }
0x15: {  	s12 =	simm.s32 $0x10;
	_ =	swait.ge [sflag:s7], $0x4000  }
0x16: {  	s13 =	simm.s32 $0x20;
	s11 =	sadd.s32 $0x800, s5;
	[sflag:s7] =	ssyncset.done $0x0  }
.LBB2_2:
0x17: {  	s14 =	sadd.s32 s12, s6  }
0x18: {  	[sflag:s7] =	ssyncadd.s32 $0xFFFFC000;
	s12 =	smov.u32 s13;
	s15 =	sadd.s32 $0x10, s13  }
0x19: {  	[tilespmem:s2], [sflag:$0x2] =	stream.linear.gather [hbm4b:s14+s2], $0x80, $0x38;
	[tilespmem:$0x4080] =	vst v63  }
0x1a: {  	p0 =	sne.s32 s13, $0x3F0;
	_ =	swait.ge [sflag:s7], $0x80  }
0x1b: {  	[sflag:s7] =	ssyncset.done $0x0  }
0x1c: {  	[sflag:s7] =	ssyncadd.s32 $0xFFFFFF80  }
0x1d: {  	[tilespmem:s8], [sflag:$0x1] =	stream.indirect.gather [hbm4b:s3+s8], $0x80, s2, s8, $0xb8;
	[tilespmem:$0x4080] =	vst v63  }
0x1e: {  	_ =	swait.ge [sflag:s9], $0x4000  }
.Ltmp0:
0x1f: {  	[sflag:s9] =	ssyncset.done $0x0;
	(pc) =	sbr.rel @p0 .LBB2_2-.Ltmp0, $4  }
0x20: {  	[sflag:s9] =	ssyncadd.s32 $0xFFFFC000  }
0x21: {  	[hbm4b:s11+s2] =	stream.linear.scatter [tilespmem:s8], [sflag:$0x2], $0x4000, $0x38;
	[tilespmem:$0x4080] =	vst v63  }
0x22: {  	_ =	swait.ge [sflag:s7], $0x4000  }
0x23: {  	s13 =	smov.u32 s15;
	s11 =	sadd.s32 $0x800, s11;
	[sflag:s7] =	ssyncset.done $0x0  }
0x24: {  	s12 =	sadd.s32 s12, s6;
	[sflag:s7] =	ssyncadd.s32 $0xFFFFC000  }
0x25: {  	[tilespmem:s2], [sflag:$0x2] =	stream.linear.gather [hbm4b:s12+s2], $0x80, $0x38;
	[tilespmem:$0x4080] =	vst v63  }
0x26: {  	_ =	swait.ge [sflag:s7], $0x80  }
0x27: {  	[sflag:s7] =	ssyncset.done $0x0  }
0x28: {  	[sflag:s7] =	ssyncadd.s32 $0xFFFFFF80  }
0x29: {  	[tilespmem:s8], [sflag:$0x1] =	stream.indirect.gather [hbm4b:s3+s8], $0x80, s2, s8, $0xb8;
	[tilespmem:$0x4080] =	vst v63  }
0x2a: {  	s10 =	sadd.s32 $0x1, s10;
	_ =	swait.ge [sflag:s9], $0x4000  }
0x2b: {  	p0 =	sne.s32 s10, s4;
	[sflag:s9] =	ssyncset.done $0x0  }
.Ltmp1:
0x2c: {  	[sflag:s9] =	ssyncadd.s32 $0xFFFFC000;
	(pc) =	sbr.rel @p0 .LBB2_1-.Ltmp1, $4  }
0x2d: {  	[hbm4b:s11+s2] =	stream.linear.scatter [tilespmem:s8], [sflag:$0x2], $0x4000, $0x38;
	[tilespmem:$0x4080] =	vst v63  }
0x2e: {  	_ =	swait.ge [sflag:s7], $0x4000  }
0x2f: {  	[sflag:s7] =	ssyncset.done $0x0  }
0x30: {  	[sflag:s7] =	ssyncadd.s32 $0xFFFFC000  }
0x31: {  	_ =	sfence.sel $0x180000  }
0x32: {  	[bflag:$0x0] =	sbarrier.arrive $0xFFFF  }
0x33: {  	p0 =	sne.s32 s1, $0x0;
	_ =	strace $0x90000050  }
0x34: {  	s0 =	sadd.s32 @!p0 $0x100000, s0;
	[bflag:$0x2] =	sbarrier.arrive $0xFFFF  }
0x35: {  	[sflag:s0] =	ssyncadd.tile.s32 @!p0 $0x1;
	_ =	shalt  }
.Lfunc_end2:
_tile_overlayer_lowered:
.L_overlay_start_2:
0x36: {  	(tag) =	ssettag $0x2  }
0x37: {  	s0 =	rddreg [dreg:$0x0];
	s2 =	stileid.u32  }
0x38: {  	s1 =	rddreg [dreg:$0x1];
	p0 =	sne.s32 s2, $0x0  }
0x39: {  	s3 =	rddreg [dreg:$0x2];
	[bflag:$0x3] =	sbarrier.arrive $0xFFFF;
	s2 =	simm.s32 @!p0 $0x1C02  }
0x3a: {  	[timem:s3], [sflag:s2] =	dma.local @!p0 [hbm:s0], s1  }
0x3b: {  	s0 =	simm.s32 @!p0 $0x2  }
0x3c: {  	_ =	swait.ge @!p0 [sflag:s0], s1  }
0x3d: {  	s1 =	ssub.s32 @!p0 $0x0, s1;
	[sflag:s0] =	ssyncset.done @!p0 $0x0  }
0x3e: {  	[sflag:s0] =	ssyncadd.s32 @!p0 s1  }
0x3f: {  	[bflag:$0x3] =	sbarrier.arrive $0xFFFF  }
0x40: {  	_ =	shalt  }

// kernel: kernel.50.cloned.1.call-start
scs
__scs_entry_jumppad:
0x0: {  	(pc) =	sbr.rel $0x88, $3  }
0x1: {  	(tag) =	ssettag $0x0;
	lr =	simm.s32 $0x1  }
0x2: {  	[smem:$0x3F92] =	sst lr;
	_ =	strace $0xD0000000  }
0x3: {  	_ = 	snop  }
0x4: {  	_ = 	snop  }
0x5: {  	_ = 	snop  }
0x6: {  	_ = 	snop  }
0x7: {  	_ = 	snop  }
__scs_overlays_trampoline_lowered:
0x8: {  	[smem:$0x3FA1] =	sst s0  }
0x9: {  	[smem:$0x3FA2] =	sst s1  }
0xa: {  	[smem:$0x3FA3] =	sst s2  }
0xb: {  	[smem:$0x3FA4] =	sst s3  }
0xc: {  	[smem:$0x3FA5] =	sst s4  }
0xd: {  	[smem:$0x3FA6] =	sst s5  }
0xe: {  	[smem:$0x3FA7] =	sst s6  }
0xf: {  	[smem:$0x3FA8] =	sst s7  }
0x10: {  	[smem:$0x3FA9] =	sst s8  }
0x11: {  	[smem:$0x3FAA] =	sst s9;
	s0 =	simm.s32 @!p0 $0x0  }
0x12: {  	s1 =	sld [smem:$0x3F90];
	s0 =	simm.s32 @p0 $0x1  }
0x13: {  	[smem:$0x3FAB] =	sst s0;
	s0 =	simm.s32 @!p1 $0x0  }
0x14: {  	s2 =	sld [smem:$0x3F8F];
	s0 =	simm.s32 @p1 $0x1  }
0x15: {  	[smem:$0x3FAC] =	sst s0;
	s0 =	simm.s32 @!p2 $0x0  }
0x16: {  	s3 =	sld [smem:$0x3FDB];
	s0 =	simm.s32 @p2 $0x1  }
0x17: {  	s4 =	simm.s32 $0x1BF5;
	[smem:$0x3FAE] =	sst s0  }
0x18: {  	s0 =	sld [smem:$0x3F91];
	_ =	swait.ge [sflag:s4], $0x0  }
0x19: {  	s7 =	sld [smem:$0x3F92]  }
0x1a: {  	s8 =	sadd.s32 $0xFFFFE003, lr  }
0x1b: {  	s9 =	sadd.s32 $0xFFFFFEF7, lr;
	s5 =	simm.s32 $0xFFFFFFFF;
	p2 =	slt.u32 s8, $0xFFFFF086  }
0x1c: {  	p1 =	slt.u32 s9, $0xF7A;
	s5 =	simm.s32 @!p2 $0x0  }
0x1d: {  	s5 =	simm.s32 @p1 $0x1;
	p0 =	seq.s32 s7, s2  }
0x1e: {  	s7 =	smul.u32 @!p0 $0xF7A, s2;
	p2 =	seq.s32 @!p0 s5, $0x0  }
0x1f: {  	s9 =	smul.u32 $0xF7A, s1;
	s8 =	simm.s32 @!p0 $0x1BF5;
	p2 =	por !p2, p0  }
0x20: {  	[sflag:s8] =	ssyncset.s32 @!p0 $0xFFFFF086;
	s6 =	sadd.s32 @!p0 s3, s7;
	s7 =	simm.s32 @!p0 $0x108  }
0x21: {  	s3 =	sadd.s32 s3, s9;
	s6 =	sadd.s32 @!p0 $0x88, s6;
	s7 =	simm.s32 @p2 $0x1082  }
0x22: {  	[simem:s7], [sflag:s8] =	dma.local @!p0 [hbm:s6], $0xF7A  }
0x23: {  	s9 =	sor.u32 $0xD0000000, s2;
	s6 =	simm.s32 $0x108;
	_ =	swait.ge @!p0 [sflag:s8], $0x0  }
0x24: {  	s3 =	sadd.s32 $0x88, s3;
	s6 =	simm.s32 @!p1 $0x1082;
	[sflag:s4] =	ssyncset.s32 $0xFFFFF086  }
0x25: {  	[simem:s6], [sflag:s4] =	dma.local [hbm:s3], $0xF7A  }
0x26: {  	[smem:$0x3F92] =	sst s1;
	(tag) =	ssettag s2;
	_ =	strace s9  }
0x27: {  	s1 =	sld [smem:$0x3FA2]  }
0x28: {  	s2 =	sld [smem:$0x3FA3]  }
0x29: {  	s4 =	sld [smem:$0x3FA5]  }
0x2a: {  	p0 =	seq.s32 s5, $0x0;
	s5 =	sld [smem:$0x3FA6]  }
0x2b: {  	s6 =	sld [smem:$0x3FA7]  }
0x2c: {  	s7 =	sld [smem:$0x3FA8]  }
0x2d: {  	s3 =	simm.s32 $0x108;
	s8 =	sld [smem:$0x3FA9]  }
0x2e: {  	s3 =	simm.s32 @!p0 $0x1082;
	s9 =	sld [smem:$0x3FAA]  }
0x2f: {  	lr =	sadd.s32 s0, s3;
	s0 =	sld [smem:$0x3FA1]  }
0x30: {  	s3 =	sld [smem:$0x3FA4]  }
0x31: {  	[smem:$0x3FAD] =	sst s10  }
0x32: {  	s10 =	sld [smem:$0x3FAB];
	_ =	sdelay $0x3  }
0x33: {  	p0 =	seq.s32 s10, $0x1;
	s10 =	sld [smem:$0x3FAD];
	_ =	sdelay $0x3  }
0x34: {  	[smem:$0x3FAD] =	sst s10  }
0x35: {  	s10 =	sld [smem:$0x3FAC];
	_ =	sdelay $0x3  }
0x36: {  	p1 =	seq.s32 s10, $0x1;
	s10 =	sld [smem:$0x3FAD];
	_ =	sdelay $0x3  }
0x37: {  	[smem:$0x3FAD] =	sst s10  }
0x38: {  	s10 =	sld [smem:$0x3FAE]  }
0x39: {  	_ = 	snop;
	(pc) =	sbr.ind lr, $3  }
0x3a: {  	_ = 	snop  }
0x3b: {  	_ = 	snop  }
0x3c: {  	p2 =	seq.s32 s10, $0x1;
	s10 =	sld [smem:$0x3FAD]  }
0x3d: {  	_ =	shalt  }
0x3e: {  	_ =	shalt  }
0x3f: {  	_ =	shalt  }
0x40: {  	_ =	shalt  }
0x41: {  	_ =	shalt  }
0x42: {  	_ =	shalt  }
0x43: {  	_ =	shalt  }
0x44: {  	_ =	shalt  }
0x45: {  	_ =	shalt  }
0x46: {  	_ =	shalt  }
0x47: {  	_ =	shalt  }
0x48: {  	_ =	shalt  }
0x49: {  	_ =	shalt  }
0x4a: {  	_ =	shalt  }
0x4b: {  	_ =	shalt  }
0x4c: {  	_ =	shalt  }
0x4d: {  	_ =	shalt  }
0x4e: {  	_ =	shalt  }
0x4f: {  	_ =	shalt  }
0x50: {  	_ =	shalt  }
0x51: {  	_ =	shalt  }
0x52: {  	_ =	shalt  }
0x53: {  	_ =	shalt  }
0x54: {  	_ =	shalt  }
0x55: {  	_ =	shalt  }
0x56: {  	_ =	shalt  }
0x57: {  	_ =	shalt  }
0x58: {  	_ =	shalt  }
0x59: {  	_ =	shalt  }
0x5a: {  	_ =	shalt  }
0x5b: {  	_ =	shalt  }
0x5c: {  	_ =	shalt  }
0x5d: {  	_ =	shalt  }
0x5e: {  	_ =	shalt  }
0x5f: {  	_ =	shalt  }
0x60: {  	_ =	shalt  }
0x61: {  	_ =	shalt  }
0x62: {  	_ =	shalt  }
0x63: {  	_ =	shalt  }
0x64: {  	_ =	shalt  }
0x65: {  	_ =	shalt  }
0x66: {  	_ =	shalt  }
0x67: {  	_ =	shalt  }
0x68: {  	_ =	shalt  }
0x69: {  	_ =	shalt  }
0x6a: {  	_ =	shalt  }
0x6b: {  	_ =	shalt  }
0x6c: {  	_ =	shalt  }
0x6d: {  	_ =	shalt  }
0x6e: {  	_ =	shalt  }
0x6f: {  	_ =	shalt  }
0x70: {  	_ =	shalt  }
0x71: {  	_ =	shalt  }
0x72: {  	_ =	shalt  }
0x73: {  	_ =	shalt  }
0x74: {  	_ =	shalt  }
0x75: {  	_ =	shalt  }
0x76: {  	_ =	shalt  }
0x77: {  	_ =	shalt  }
0x78: {  	_ =	shalt  }
0x79: {  	_ =	shalt  }
0x7a: {  	_ =	shalt  }
0x7b: {  	_ =	shalt  }
0x7c: {  	_ =	shalt  }
0x7d: {  	_ =	shalt  }
0x7e: {  	_ =	shalt  }
0x7f: {  	_ =	shalt  }
0x80: {  	_ =	shalt  }
0x81: {  	_ =	shalt  }
0x82: {  	_ =	shalt  }
0x83: {  	_ =	shalt  }
0x84: {  	_ =	shalt  }
0x85: {  	_ =	shalt  }
0x86: {  	_ =	shalt  }
0x87: {  	_ =	shalt  }
.Lfunc_end0:
.L_simem_size_0:
called_computation.6_lowered:
.L_overlay_start_0:
0x88: {  	s2 =	sld [smem:$0x3FD9]  }
0x89: {  	s3 =	sld [smem:$0x3FFE];
	_ =	sdelay $0x1  }
0x8a: {  	s1 =	srdreg.scid  }
0x8b: {  	s0 =	sand.u32 $0x1, s1  }
0x8c: {  	s14 =	sshll.u32 s0, $0xA;
	s2 =	sadd.s32 s3, s2  }
0x8d: {  	s2 =	sadd.s32 s2, s14  }
0x8e: {  	[smem:$0x3FB9] =	sst s2  }
0x8f: {  	_ = 	snop  }
0x90: {  	s2 =	sld [smem:$0x3FD0];
	_ =	sdelay $0x2  }
0x91: {  	s15 =	simm.s32 $0xD;
	s4 =	simm.s32 $0x10  }
0x92: {  	[smem:s4], [sflag:s15] =	dma.local [hbm:s2], $0x1  }
0x93: {  	_ =	swait.eq [sflag:s15], $0x1  }
0x94: {  	[sflag:s15] =	ssyncset.done $0x0  }
0x95: {  	[sflag:s15] =	ssyncadd.s32 $0xFFFFFFFF  }
0x96: {  	s16 =	sld [smem:$0x10];
	(tm) =	ssettm $0x1  }
0x97: {  	s17 =	sld [smem:$0x3FFB];
	_ =	sdelay $0x3  }
0x98: {  	_ =	strace s17  }
0x99: {  	s3 =	sld [smem:$0x3FFC];
	_ =	sdelay $0x3  }
0x9a: {  	_ =	strace s3  }
0x9b: {  	s3 =	sld [smem:$0x3FFD];
	_ =	sdelay $0x3  }
0x9c: {  	_ =	strace s3  }
0x9d: {  	_ =	strace $0x8FFFFFFF  }
0x9e: {  	s18 =	sld [smem:$0x3FDB];
	_ =	sdelay $0x1  }
0x9f: {  	s19 =	simm.s32 $_scs_section_size  }
0xa0: {  	s5 =	simm.s32 $_size__tile_overlayer_lowered;
	s6 =	simm.s32 $_tile_overlayer_lowered  }
0xa1: {  	s22 =	simm.s32 $0x1BFF;
	s21 =	sshll.u32 s6, $0x1;
	s3 =	sadd.s32 s19, s18  }
0xa2: {  	s7 =	simm.s32 $0x0;
	s20 =	sshll.u32 s5, $0x1;
	s5 =	sadd.s32 s21, s3  }
0xa3: {  	[timem:s7], [sflag:s22] =	dma.local [hbm:s5], s20  }
0xa4: {  	_ =	swait.ge [sflag:s22], s20  }
0xa5: {  	s4 =	ssub.s32 $0x0, s20;
	[sflag:s22] =	ssyncset.done $0x0  }
0xa6: {  	[sflag:s22] =	ssyncadd.s32 s4;
	_ =	sdelay $0x1  }
0xa7: {  	s23 =	simm.s32 $0x1B8B  }
0xa8: {  	_ =	swait.ge [sflag:s23], $0x1  }
0xa9: {  	[sflag:s23] =	ssyncset.done $0x0  }
0xaa: {  	s25 =	simm.s32 $0x1B8E;
	s24 =	sld [smem:$0x3FFE];
	[sflag:s23] =	ssyncadd.s32 $0xFFFFFFFF  }
0xab: {  	s26 =	simm.s32 $execute0_lowered;
	[smem:$0x3FD2] =	sst s25  }
0xac: {  	s5 =	sshll.u32 s26, $0x1;
	_ =	strace $0x80000052;
	[dreg:$0x1] =	wrdreg $0xFFFFFFFF  }
0xad: {  	s28 =	simm.s32 $_size_execute0_lowered;
	s3 =	sadd.s32 s3, s5;
	[dreg:$0x0] =	wrdreg $0x0  }
0xae: {  	s5 =	sshll.u32 s28, $0x1;
	[dreg:$0x2] =	wrdreg s3  }
0xaf: {  	[dreg:$0x3] =	wrdreg s5  }
0xb0: {  	[dreg:$0x4] =	wrdreg $0xC0  }
0xb1: {  	_ =	task [dreg:s7], $0x5FFFF  }
0xb2: {  	[dreg:$0x1] =	wrdreg $0xFFFFFFFF  }
0xb3: {  	[dreg:$0x0] =	wrdreg $0x60  }
0xb4: {  	[dreg:$0x2] =	wrdreg s24  }
0xb5: {  	[dreg:$0x3] =	wrdreg s16  }
0xb6: {  	[dreg:$0x4] =	wrdreg $0x9  }
0xb7: {  	_ =	task.clear_ibuf [dreg:s7], $0x5FFFF;
	_ =	strace $0x90000052  }
0xb8: {  	s29 =	simm.s32 $0x9;
	_ =	strace $0x80000054  }
0xb9: {  	_ =	swait.ge [sflag:s29], $0x1  }
0xba: {  	[sflag:s29] =	ssyncadd.s32 $0xFFFFFFFF  }
0xbb: {  	_ =	strace $0x90000054  }
0xbc: {  	_ =	sfence  }
0xbd: {  	s30 =	sld [smem:$0x0];
	_ =	sdelay $0x2  }
0xbe: {  	s31 =	sshll.u32 s1, $0xD;
	s1 =	sshrl.u32 s1, $0x2  }
0xbf: {  	s3 =	sand.u32 $0x4000, s31;
	s1 =	sadd.s32 s1, s30  }
0xc0: {  	s0 =	sor.u32 s3, s0;
	s1 =	sshll.u32 s1, $0x11  }
0xc1: {  	s0 =	sor.u32 s1, s0  }
0xc2: {  	s0 =	sadd.s32 $0x8F2B, s0  }
0xc3: {  	[sflag:s0] =	ssyncadd.remote.s32 $0x1  }
0xc4: {  	_ =	sfence.sel $0xFFFF  }
0xc5: {  	[dreg:$0x0] =	wrdreg $0xFFFFFFFF;
	(pc) =	sbr.abs _section_cstart, $3  }
0xc6: {  	[dreg:$0x1] =	wrdreg $0xFFFFFFFF  }
0xc7: {  	_ =	task.clear_ibuf [dreg:s7], $0x2FFFF;
	_ =	strace $0x9FFFFFFF  }
0xc8: {  	(tm) =	ssettm $0x7FFFFFFF  }
0xc9: {  	_ =	shalt  }
tec
execute0_lowered:
.L_overlay_start_1:
0x0: {  	(tag) =	ssettag $0x1  }
0x1: {  	s1 =	srdreg.scid;
	s9 =	rddreg [dreg:$0x0]  }
0x2: {  	s0 =	stileid.u32;
	s3 =	rddreg [dreg:$0x1]  }
0x3: {  	s2 =	simm.s32 $0x0;
	s7 =	simm.s32 $0x80;
	s6 =	sand.u32 $0x1, s1  }
0x4: {  	s4 =	sshll.u32 s0, $0x7;
	s1 =	rddreg [dreg:$0x2];
	s5 =	sshll.u32 s6, $0x6  }
0x5: {  	s8 =	simm.s32 $0x1;
	[smem:$0x7FF] =	sst s2;
	s10 =	sor.u32 s5, s4  }
0x6: {  	_ =	strace $0x80000053;
	s11 =	ssub.s32 $0x2, s6;
	s4 =	sshrl.u32 s10, $0x3  }
0x7: {  	s6 =	simm.s32 $0x40;
	s4 =	sadd.s32 s3, s4;
	s3 =	simm.s32 $0x2  }
0x8: {  	[tilespmem:s2], [sflag:$0x2] =	stream.linear.gather [hbm4b:s4+s2], $0x40, $0x38;
	[tilespmem:$0x2080] =	vst v63  }
0x9: {  	s5 =	sadd.s32 $0xE4800, s9;
	s12 =	sshrl.u32 s11, $0x1;
	_ =	swait.ge [sflag:s3], $0x40  }
0xa: {  	s10 =	sshll.u32 s10, $0x4;
	s31 =	ssub.s32 s11, s12;
	[sflag:s3] =	ssyncset.done $0x0  }
0xb: {  	s9 =	sadd.s32 s10, s9;
	s10 =	smax.u32 s31, $0x1;
	[sflag:s3] =	ssyncadd.s32 $0xFFFFFFC0  }
0xc: {  	[tilespmem:s7], [sflag:$0x1] =	stream.indirect.gather [hbm4b:s5+s6], $0x80, s2, s6, $0xb8;
	[tilespmem:$0x2080] =	vst v63  }
0xd: {  	p0 =	sne.s32 s10, $0x1;
	_ =	swait.ge [sflag:s8], $0x2000  }
.Ltmp0:
0xe: {  	[sflag:s8] =	ssyncset.done $0x0;
	(pc) =	sbr.rel @!p0 .LBB2_2-.Ltmp0, $4  }
0xf: {  	s9 =	sadd.s32 $0x35600, s9;
	[sflag:s8] =	ssyncadd.s32 $0xFFFFE000  }
0x10: {  	[hbm4b:s9+s2] =	stream.linear.scatter [tilespmem:s7], [sflag:$0x2], $0x2000, $0x38;
	[tilespmem:$0x2080] =	vst v63  }
0x11: {  	_ =	swait.ge [sflag:s3], $0x2000  }
0x12: {  	s10 =	sadd.s32 $0xFFFFFFFF, s10;
	[sflag:s3] =	ssyncset.done $0x0  }
.LBB2_1:
0x13: {  	p0 =	sne.s32 s10, $0x1;
	s10 =	sadd.s32 $0xFFFFFFFF, s10;
	[sflag:s3] =	ssyncadd.s32 $0xFFFFE000  }
0x14: {  	[tilespmem:s2], [sflag:$0x2] =	stream.linear.gather [hbm4b:s4+s2], $0x40, $0x38;
	[tilespmem:$0x2080] =	vst v63  }
0x15: {  	_ =	swait.ge [sflag:s3], $0x40  }
0x16: {  	[sflag:s3] =	ssyncset.done $0x0  }
0x17: {  	[sflag:s3] =	ssyncadd.s32 $0xFFFFFFC0  }
0x18: {  	[tilespmem:s7], [sflag:$0x1] =	stream.indirect.gather [hbm4b:s5+s6], $0x80, s2, s6, $0xb8;
	[tilespmem:$0x2080] =	vst v63  }
0x19: {  	_ =	swait.ge [sflag:s8], $0x2000  }
.Ltmp1:
0x1a: {  	[sflag:s8] =	ssyncset.done $0x0;
	(pc) =	sbr.rel @p0 .LBB2_1-.Ltmp1, $4  }
0x1b: {  	[sflag:s8] =	ssyncadd.s32 $0xFFFFE000  }
0x1c: {  	[hbm4b:s9+s2] =	stream.linear.scatter [tilespmem:s7], [sflag:$0x2], $0x2000, $0x38;
	[tilespmem:$0x2080] =	vst v63  }
0x1d: {  	_ =	swait.ge [sflag:s3], $0x2000  }
0x1e: {  	[sflag:s3] =	ssyncset.done $0x0  }
.LBB2_2:
0x1f: {  	[sflag:s3] =	ssyncadd.s32 $0xFFFFE000  }
0x20: {  	_ =	sfence.sel $0x180000  }
0x21: {  	[bflag:$0x0] =	sbarrier.arrive $0xFFFF  }
0x22: {  	p0 =	sne.s32 s0, $0x0;
	_ =	strace $0x90000053  }
0x23: {  	s0 =	sadd.s32 @!p0 $0x100000, s1;
	[bflag:$0x2] =	sbarrier.arrive $0xFFFF  }
0x24: {  	[sflag:s0] =	ssyncadd.tile.s32 @!p0 $0x1;
	_ =	shalt  }
.Lfunc_end2:
_tile_overlayer_lowered:
.L_overlay_start_2:
0x25: {  	(tag) =	ssettag $0x2  }
0x26: {  	s0 =	rddreg [dreg:$0x0];
	s2 =	stileid.u32  }
0x27: {  	s1 =	rddreg [dreg:$0x1];
	p0 =	sne.s32 s2, $0x0  }
0x28: {  	s3 =	rddreg [dreg:$0x2];
	[bflag:$0x3] =	sbarrier.arrive $0xFFFF;
	s2 =	simm.s32 @!p0 $0x1C02  }
0x29: {  	[timem:s3], [sflag:s2] =	dma.local @!p0 [hbm:s0], s1  }
0x2a: {  	s0 =	simm.s32 @!p0 $0x2  }
0x2b: {  	_ =	swait.ge @!p0 [sflag:s0], s1  }
0x2c: {  	s1 =	ssub.s32 @!p0 $0x0, s1;
	[sflag:s0] =	ssyncset.done @!p0 $0x0  }
0x2d: {  	[sflag:s0] =	ssyncadd.s32 @!p0 s1  }
0x2e: {  	[bflag:$0x3] =	sbarrier.arrive $0xFFFF  }
0x2f: {  	_ =	shalt  }

// kernel: kernel.53.cloned.1.call-start
scs
__scs_entry_jumppad:
0x0: {  	(pc) =	sbr.rel $0x88, $3  }
0x1: {  	(tag) =	ssettag $0x0;
	lr =	simm.s32 $0x1  }
0x2: {  	[smem:$0x3F92] =	sst lr;
	_ =	strace $0xD0000000  }
0x3: {  	_ = 	snop  }
0x4: {  	_ = 	snop  }
0x5: {  	_ = 	snop  }
0x6: {  	_ = 	snop  }
0x7: {  	_ = 	snop  }
__scs_overlays_trampoline_lowered:
0x8: {  	[smem:$0x3FA1] =	sst s0  }
0x9: {  	[smem:$0x3FA2] =	sst s1  }
0xa: {  	[smem:$0x3FA3] =	sst s2  }
0xb: {  	[smem:$0x3FA4] =	sst s3  }
0xc: {  	[smem:$0x3FA5] =	sst s4  }
0xd: {  	[smem:$0x3FA6] =	sst s5  }
0xe: {  	[smem:$0x3FA7] =	sst s6  }
0xf: {  	[smem:$0x3FA8] =	sst s7  }
0x10: {  	[smem:$0x3FA9] =	sst s8  }
0x11: {  	[smem:$0x3FAA] =	sst s9;
	s0 =	simm.s32 @!p0 $0x0  }
0x12: {  	s1 =	sld [smem:$0x3F90];
	s0 =	simm.s32 @p0 $0x1  }
0x13: {  	[smem:$0x3FAB] =	sst s0;
	s0 =	simm.s32 @!p1 $0x0  }
0x14: {  	s2 =	sld [smem:$0x3F8F];
	s0 =	simm.s32 @p1 $0x1  }
0x15: {  	[smem:$0x3FAC] =	sst s0;
	s0 =	simm.s32 @!p2 $0x0  }
0x16: {  	s3 =	sld [smem:$0x3FDB];
	s0 =	simm.s32 @p2 $0x1  }
0x17: {  	s4 =	simm.s32 $0x1BF5;
	[smem:$0x3FAE] =	sst s0  }
0x18: {  	s0 =	sld [smem:$0x3F91];
	_ =	swait.ge [sflag:s4], $0x0  }
0x19: {  	s7 =	sld [smem:$0x3F92]  }
0x1a: {  	s8 =	sadd.s32 $0xFFFFE003, lr  }
0x1b: {  	s9 =	sadd.s32 $0xFFFFFEF7, lr;
	s5 =	simm.s32 $0xFFFFFFFF;
	p2 =	slt.u32 s8, $0xFFFFF086  }
0x1c: {  	p1 =	slt.u32 s9, $0xF7A;
	s5 =	simm.s32 @!p2 $0x0  }
0x1d: {  	s5 =	simm.s32 @p1 $0x1;
	p0 =	seq.s32 s7, s2  }
0x1e: {  	s7 =	smul.u32 @!p0 $0xF7A, s2;
	p2 =	seq.s32 @!p0 s5, $0x0  }
0x1f: {  	s9 =	smul.u32 $0xF7A, s1;
	s8 =	simm.s32 @!p0 $0x1BF5;
	p2 =	por !p2, p0  }
0x20: {  	[sflag:s8] =	ssyncset.s32 @!p0 $0xFFFFF086;
	s6 =	sadd.s32 @!p0 s3, s7;
	s7 =	simm.s32 @!p0 $0x108  }
0x21: {  	s3 =	sadd.s32 s3, s9;
	s6 =	sadd.s32 @!p0 $0x88, s6;
	s7 =	simm.s32 @p2 $0x1082  }
0x22: {  	[simem:s7], [sflag:s8] =	dma.local @!p0 [hbm:s6], $0xF7A  }
0x23: {  	s9 =	sor.u32 $0xD0000000, s2;
	s6 =	simm.s32 $0x108;
	_ =	swait.ge @!p0 [sflag:s8], $0x0  }
0x24: {  	s3 =	sadd.s32 $0x88, s3;
	s6 =	simm.s32 @!p1 $0x1082;
	[sflag:s4] =	ssyncset.s32 $0xFFFFF086  }
0x25: {  	[simem:s6], [sflag:s4] =	dma.local [hbm:s3], $0xF7A  }
0x26: {  	[smem:$0x3F92] =	sst s1;
	(tag) =	ssettag s2;
	_ =	strace s9  }
0x27: {  	s1 =	sld [smem:$0x3FA2]  }
0x28: {  	s2 =	sld [smem:$0x3FA3]  }
0x29: {  	s4 =	sld [smem:$0x3FA5]  }
0x2a: {  	p0 =	seq.s32 s5, $0x0;
	s5 =	sld [smem:$0x3FA6]  }
0x2b: {  	s6 =	sld [smem:$0x3FA7]  }
0x2c: {  	s7 =	sld [smem:$0x3FA8]  }
0x2d: {  	s3 =	simm.s32 $0x108;
	s8 =	sld [smem:$0x3FA9]  }
0x2e: {  	s3 =	simm.s32 @!p0 $0x1082;
	s9 =	sld [smem:$0x3FAA]  }
0x2f: {  	lr =	sadd.s32 s0, s3;
	s0 =	sld [smem:$0x3FA1]  }
0x30: {  	s3 =	sld [smem:$0x3FA4]  }
0x31: {  	[smem:$0x3FAD] =	sst s10  }
0x32: {  	s10 =	sld [smem:$0x3FAB];
	_ =	sdelay $0x3  }
0x33: {  	p0 =	seq.s32 s10, $0x1;
	s10 =	sld [smem:$0x3FAD];
	_ =	sdelay $0x3  }
0x34: {  	[smem:$0x3FAD] =	sst s10  }
0x35: {  	s10 =	sld [smem:$0x3FAC];
	_ =	sdelay $0x3  }
0x36: {  	p1 =	seq.s32 s10, $0x1;
	s10 =	sld [smem:$0x3FAD];
	_ =	sdelay $0x3  }
0x37: {  	[smem:$0x3FAD] =	sst s10  }
0x38: {  	s10 =	sld [smem:$0x3FAE]  }
0x39: {  	_ = 	snop;
	(pc) =	sbr.ind lr, $3  }
0x3a: {  	_ = 	snop  }
0x3b: {  	_ = 	snop  }
0x3c: {  	p2 =	seq.s32 s10, $0x1;
	s10 =	sld [smem:$0x3FAD]  }
0x3d: {  	_ =	shalt  }
0x3e: {  	_ =	shalt  }
0x3f: {  	_ =	shalt  }
0x40: {  	_ =	shalt  }
0x41: {  	_ =	shalt  }
0x42: {  	_ =	shalt  }
0x43: {  	_ =	shalt  }
0x44: {  	_ =	shalt  }
0x45: {  	_ =	shalt  }
0x46: {  	_ =	shalt  }
0x47: {  	_ =	shalt  }
0x48: {  	_ =	shalt  }
0x49: {  	_ =	shalt  }
0x4a: {  	_ =	shalt  }
0x4b: {  	_ =	shalt  }
0x4c: {  	_ =	shalt  }
0x4d: {  	_ =	shalt  }
0x4e: {  	_ =	shalt  }
0x4f: {  	_ =	shalt  }
0x50: {  	_ =	shalt  }
0x51: {  	_ =	shalt  }
0x52: {  	_ =	shalt  }
0x53: {  	_ =	shalt  }
0x54: {  	_ =	shalt  }
0x55: {  	_ =	shalt  }
0x56: {  	_ =	shalt  }
0x57: {  	_ =	shalt  }
0x58: {  	_ =	shalt  }
0x59: {  	_ =	shalt  }
0x5a: {  	_ =	shalt  }
0x5b: {  	_ =	shalt  }
0x5c: {  	_ =	shalt  }
0x5d: {  	_ =	shalt  }
0x5e: {  	_ =	shalt  }
0x5f: {  	_ =	shalt  }
0x60: {  	_ =	shalt  }
0x61: {  	_ =	shalt  }
0x62: {  	_ =	shalt  }
0x63: {  	_ =	shalt  }
0x64: {  	_ =	shalt  }
0x65: {  	_ =	shalt  }
0x66: {  	_ =	shalt  }
0x67: {  	_ =	shalt  }
0x68: {  	_ =	shalt  }
0x69: {  	_ =	shalt  }
0x6a: {  	_ =	shalt  }
0x6b: {  	_ =	shalt  }
0x6c: {  	_ =	shalt  }
0x6d: {  	_ =	shalt  }
0x6e: {  	_ =	shalt  }
0x6f: {  	_ =	shalt  }
0x70: {  	_ =	shalt  }
0x71: {  	_ =	shalt  }
0x72: {  	_ =	shalt  }
0x73: {  	_ =	shalt  }
0x74: {  	_ =	shalt  }
0x75: {  	_ =	shalt  }
0x76: {  	_ =	shalt  }
0x77: {  	_ =	shalt  }
0x78: {  	_ =	shalt  }
0x79: {  	_ =	shalt  }
0x7a: {  	_ =	shalt  }
0x7b: {  	_ =	shalt  }
0x7c: {  	_ =	shalt  }
0x7d: {  	_ =	shalt  }
0x7e: {  	_ =	shalt  }
0x7f: {  	_ =	shalt  }
0x80: {  	_ =	shalt  }
0x81: {  	_ =	shalt  }
0x82: {  	_ =	shalt  }
0x83: {  	_ =	shalt  }
0x84: {  	_ =	shalt  }
0x85: {  	_ =	shalt  }
0x86: {  	_ =	shalt  }
0x87: {  	_ =	shalt  }
.Lfunc_end0:
.L_simem_size_0:
called_computation.7_lowered:
.L_overlay_start_0:
0x88: {  	s2 =	sld [smem:$0x3FD9]  }
0x89: {  	s3 =	sld [smem:$0x3FFE];
	_ =	sdelay $0x1  }
0x8a: {  	s1 =	srdreg.scid  }
0x8b: {  	s0 =	sand.u32 $0x1, s1  }
0x8c: {  	s15 =	sshll.u32 s0, $0xA;
	s2 =	sadd.s32 s3, s2  }
0x8d: {  	s2 =	sadd.s32 s2, s15  }
0x8e: {  	[smem:$0x3FB9] =	sst s2  }
0x8f: {  	_ = 	snop  }
0x90: {  	s2 =	sld [smem:$0x3FD0];
	_ =	sdelay $0x2  }
0x91: {  	s16 =	simm.s32 $0xD;
	s4 =	simm.s32 $0x10  }
0x92: {  	[smem:s4], [sflag:s16] =	dma.local [hbm:s2], $0x1  }
0x93: {  	_ =	swait.eq [sflag:s16], $0x1  }
0x94: {  	[sflag:s16] =	ssyncset.done $0x0  }
0x95: {  	[sflag:s16] =	ssyncadd.s32 $0xFFFFFFFF  }
0x96: {  	s17 =	sld [smem:$0x10];
	(tm) =	ssettm $0x1  }
0x97: {  	s18 =	sld [smem:$0x3FFB];
	_ =	sdelay $0x3  }
0x98: {  	_ =	strace s18  }
0x99: {  	s2 =	sld [smem:$0x3FFC];
	_ =	sdelay $0x3  }
0x9a: {  	_ =	strace s2  }
0x9b: {  	s2 =	sld [smem:$0x3FFD];
	_ =	sdelay $0x3  }
0x9c: {  	_ =	strace s2  }
0x9d: {  	_ =	strace $0x8FFFFFFF  }
0x9e: {  	s19 =	sld [smem:$0x3FDB];
	_ =	sdelay $0x1  }
0x9f: {  	s20 =	simm.s32 $_scs_section_size  }
0xa0: {  	s5 =	simm.s32 $_size__tile_overlayer_lowered;
	s6 =	simm.s32 $_tile_overlayer_lowered  }
0xa1: {  	s7 =	simm.s32 $0x1BFF;
	s21 =	sshll.u32 s6, $0x1;
	s4 =	sadd.s32 s20, s19  }
0xa2: {  	s22 =	simm.s32 $0x0;
	s5 =	sshll.u32 s5, $0x1;
	s6 =	sadd.s32 s21, s4  }
0xa3: {  	[timem:s22], [sflag:s7] =	dma.local [hbm:s6], s5  }
0xa4: {  	_ =	swait.ge [sflag:s7], s5  }
0xa5: {  	s5 =	ssub.s32 $0x0, s5;
	[sflag:s7] =	ssyncset.done $0x0  }
0xa6: {  	[sflag:s7] =	ssyncadd.s32 s5;
	_ =	sdelay $0x1  }
0xa7: {  	s23 =	simm.s32 $0x1B8B  }
0xa8: {  	_ =	swait.ge [sflag:s23], $0x1  }
0xa9: {  	[sflag:s23] =	ssyncset.done $0x0  }
0xaa: {  	[sflag:s23] =	ssyncadd.s32 $0xFFFFFFFF  }
0xab: {  	s5 =	sld [smem:$0x0]  }
0xac: {  	s6 =	sand.u32 $0xFFFFFFFE, s1  }
0xad: {  	p0 =	sne.s32 s1, s6  }
0xae: {  	s6 =	sshll.u32 @p0 s6, $0xE  }
0xaf: {  	s6 =	sadd.s32 @p0 $0x11B8D, s6;
	s7 =	sshll.u32 @p0 s5, $0x11  }
0xb0: {  	s6 =	sor.u32 @p0 s7, s6  }
0xb1: {  	[sflag:s6] =	ssyncadd.remote.s32 @p0 $0x1;
	_ =	sdelay $0x1  }
0xb2: {  	s6 =	simm.s32 @p0 $0x1B8D  }
0xb3: {  	_ =	swait.eq @p0 [sflag:s6], $0x1  }
0xb4: {  	[sflag:s6] =	ssyncadd.s32 @p0 $0xFFFFFFFF  }
0xb5: {  	s7 =	sshll.u32 @!p0 s1, $0xE  }
0xb6: {  	s7 =	sor.u32 @!p0 $0x4000, s7;
	s6 =	simm.s32 @!p0 $0x1B8D  }
0xb7: {  	s5 =	sshll.u32 @!p0 s5, $0x11;
	s7 =	sadd.s32 @!p0 $0x11B8D, s7;
	_ =	swait.eq @!p0 [sflag:s6], $0x1  }
0xb8: {  	s5 =	sor.u32 @!p0 s5, s7;
	[sflag:s6] =	ssyncadd.s32 @!p0 $0xFFFFFFFF  }
0xb9: {  	s25 =	simm.s32 $0x1B8E;
	s24 =	sld [smem:$0x3FFE];
	[sflag:s5] =	ssyncadd.remote.s32 @!p0 $0x1  }
0xba: {  	s26 =	simm.s32 $execute0_lowered;
	[smem:$0x3FD2] =	sst s25  }
0xbb: {  	s6 =	sshll.u32 s26, $0x1;
	_ =	strace $0x80000064;
	[dreg:$0x1] =	wrdreg $0xFFFFFFFF  }
0xbc: {  	s28 =	simm.s32 $_size_execute0_lowered;
	s4 =	sadd.s32 s4, s6;
	[dreg:$0x0] =	wrdreg $0x0  }
0xbd: {  	s6 =	sshll.u32 s28, $0x1;
	[dreg:$0x2] =	wrdreg s4  }
0xbe: {  	[dreg:$0x3] =	wrdreg s6  }
0xbf: {  	[dreg:$0x4] =	wrdreg $0xC0  }
0xc0: {  	_ =	task [dreg:s22], $0x5FFFF  }
0xc1: {  	[dreg:$0x1] =	wrdreg $0xFFFFFFFF  }
0xc2: {  	[dreg:$0x0] =	wrdreg $0x60  }
0xc3: {  	[dreg:$0x2] =	wrdreg s24  }
0xc4: {  	[dreg:$0x3] =	wrdreg s17  }
0xc5: {  	[dreg:$0x4] =	wrdreg $0xB  }
0xc6: {  	_ =	task.clear_ibuf [dreg:s22], $0x5FFFF;
	_ =	strace $0x90000064  }
0xc7: {  	s29 =	simm.s32 $0xB;
	_ =	strace $0x80000066  }
0xc8: {  	_ =	swait.ge [sflag:s29], $0x1  }
0xc9: {  	[sflag:s29] =	ssyncadd.s32 $0xFFFFFFFF  }
0xca: {  	_ =	strace $0x90000066  }
0xcb: {  	_ =	sfence  }
0xcc: {  	s30 =	sld [smem:$0x0];
	_ =	sdelay $0x2  }
0xcd: {  	s31 =	sshll.u32 s1, $0xD;
	s1 =	sshrl.u32 s1, $0x2  }
0xce: {  	s4 =	sand.u32 $0x4000, s31;
	s1 =	sadd.s32 s1, s30  }
0xcf: {  	s0 =	sor.u32 s4, s0;
	s1 =	sshll.u32 s1, $0x11  }
0xd0: {  	s0 =	sor.u32 s1, s0  }
0xd1: {  	s0 =	sadd.s32 $0x8F2B, s0  }
0xd2: {  	[sflag:s0] =	ssyncadd.remote.s32 $0x1  }
0xd3: {  	_ =	sfence.sel $0xFFFF  }
0xd4: {  	[dreg:$0x0] =	wrdreg $0xFFFFFFFF;
	(pc) =	sbr.abs _section_cstart, $3  }
0xd5: {  	[dreg:$0x1] =	wrdreg $0xFFFFFFFF  }
0xd6: {  	_ =	task.clear_ibuf [dreg:s22], $0x2FFFF;
	_ =	strace $0x9FFFFFFF  }
0xd7: {  	(tm) =	ssettm $0x7FFFFFFF  }
tec
execute0_lowered:
.L_overlay_start_1:
0x0: {  	(tag) =	ssettag $0x1  }
0x1: {  	s4 =	rddreg [dreg:$0x0]  }
0x2: {  	s6 =	rddreg [dreg:$0x1]  }
0x3: {  	s0 =	rddreg [dreg:$0x2];
	s2 =	simm.s32 $0x0;
	s1 =	stileid.u32  }
0x4: {  	s3 =	srdreg.scid;
	[smem:$0x7FF] =	sst s2  }
0x5: {  	s5 =	sshll.u32 s1, $0x10;
	s7 =	sand.u32 $0x1, s3;
	s3 =	sadd.s32 $0xE4800, s4  }
0x6: {  	s9 =	sshll.u32 s1, $0xC;
	_ =	strace $0x80000065;
	s5 =	sadd.s32 s5, s4  }
0x7: {  	s29 =	ssub.s32 $0x2, s7;
	s10 =	sshll.u32 s7, $0xB;
	s7 =	sshll.u32 s7, $0xF  }
0x8: {  	s8 =	sshrl.u32 s29, $0x1;
	s30 =	sor.u32 s10, s9;
	s5 =	sadd.s32 s7, s5  }
0x9: {  	s7 =	simm.s32 $0x2;
	s9 =	simm.s32 $0x1;
	s10 =	simm.s32 $0x0  }
0xa: {  	s4 =	ssub.s32 s29, s8;
	s31 =	sshrl.u32 s30, $0x3;
	s5 =	sadd.s32 $0x185C00, s5  }
0xb: {  	s8 =	simm.s32 $0x80;
	s4 =	smax.u32 s4, $0x1;
	s6 =	sadd.s32 s31, s6  }
.LBB2_1:
0xc: {  	s11 =	sadd.s32 $0x0, s6  }
0xd: {  	[tilespmem:s2], [sflag:$0x2] =	stream.linear.gather [hbm4b:s11+s2], $0x80, $0x38;
	[tilespmem:$0x4080] =	vst v63  }
0xe: {  	_ =	swait.ge [sflag:s7], $0x80  }
0xf: {  	[sflag:s7] =	ssyncset.done $0x0  }
0x10: {  	[sflag:s7] =	ssyncadd.s32 $0xFFFFFF80  }
0x11: {  	[tilespmem:s8], [sflag:$0x1] =	stream.indirect.gather [hbm4b:s3+s8], $0x80, s2, s8, $0xb8;
	[tilespmem:$0x4080] =	vst v63  }
0x12: {  	_ =	swait.ge [sflag:s9], $0x4000  }
0x13: {  	[sflag:s9] =	ssyncset.done $0x0  }
0x14: {  	[sflag:s9] =	ssyncadd.s32 $0xFFFFC000  }
0x15: {  	[hbm4b:s5+s2] =	stream.linear.scatter [tilespmem:s8], [sflag:$0x2], $0x4000, $0x38;
	[tilespmem:$0x4080] =	vst v63  }
0x16: {  	s12 =	simm.s32 $0x10;
	_ =	swait.ge [sflag:s7], $0x4000  }
0x17: {  	s13 =	simm.s32 $0x20;
	s11 =	sadd.s32 $0x800, s5;
	[sflag:s7] =	ssyncset.done $0x0  }
.LBB2_2:
0x18: {  	s14 =	sadd.s32 s12, s6  }
0x19: {  	[sflag:s7] =	ssyncadd.s32 $0xFFFFC000;
	s12 =	smov.u32 s13;
	s15 =	sadd.s32 $0x10, s13  }
0x1a: {  	[tilespmem:s2], [sflag:$0x2] =	stream.linear.gather [hbm4b:s14+s2], $0x80, $0x38;
	[tilespmem:$0x4080] =	vst v63  }
0x1b: {  	p0 =	sne.s32 s13, $0xF0;
	_ =	swait.ge [sflag:s7], $0x80  }
0x1c: {  	[sflag:s7] =	ssyncset.done $0x0  }
0x1d: {  	[sflag:s7] =	ssyncadd.s32 $0xFFFFFF80  }
0x1e: {  	[tilespmem:s8], [sflag:$0x1] =	stream.indirect.gather [hbm4b:s3+s8], $0x80, s2, s8, $0xb8;
	[tilespmem:$0x4080] =	vst v63  }
0x1f: {  	_ =	swait.ge [sflag:s9], $0x4000  }
.Ltmp0:
0x20: {  	[sflag:s9] =	ssyncset.done $0x0;
	(pc) =	sbr.rel @p0 .LBB2_2-.Ltmp0, $4  }
0x21: {  	[sflag:s9] =	ssyncadd.s32 $0xFFFFC000  }
0x22: {  	[hbm4b:s11+s2] =	stream.linear.scatter [tilespmem:s8], [sflag:$0x2], $0x4000, $0x38;
	[tilespmem:$0x4080] =	vst v63  }
0x23: {  	_ =	swait.ge [sflag:s7], $0x4000  }
0x24: {  	s13 =	smov.u32 s15;
	s11 =	sadd.s32 $0x800, s11;
	[sflag:s7] =	ssyncset.done $0x0  }
0x25: {  	s12 =	sadd.s32 s12, s6;
	[sflag:s7] =	ssyncadd.s32 $0xFFFFC000  }
0x26: {  	[tilespmem:s2], [sflag:$0x2] =	stream.linear.gather [hbm4b:s12+s2], $0x80, $0x38;
	[tilespmem:$0x4080] =	vst v63  }
0x27: {  	_ =	swait.ge [sflag:s7], $0x80  }
0x28: {  	[sflag:s7] =	ssyncset.done $0x0  }
0x29: {  	[sflag:s7] =	ssyncadd.s32 $0xFFFFFF80  }
0x2a: {  	[tilespmem:s8], [sflag:$0x1] =	stream.indirect.gather [hbm4b:s3+s8], $0x80, s2, s8, $0xb8;
	[tilespmem:$0x4080] =	vst v63  }
0x2b: {  	s10 =	sadd.s32 $0x1, s10;
	_ =	swait.ge [sflag:s9], $0x4000  }
0x2c: {  	p0 =	sne.s32 s10, s4;
	[sflag:s9] =	ssyncset.done $0x0  }
.Ltmp1:
0x2d: {  	[sflag:s9] =	ssyncadd.s32 $0xFFFFC000;
	(pc) =	sbr.rel @p0 .LBB2_1-.Ltmp1, $4  }
0x2e: {  	[hbm4b:s11+s2] =	stream.linear.scatter [tilespmem:s8], [sflag:$0x2], $0x4000, $0x38;
	[tilespmem:$0x4080] =	vst v63  }
0x2f: {  	_ =	swait.ge [sflag:s7], $0x4000  }
0x30: {  	[sflag:s7] =	ssyncset.done $0x0  }
0x31: {  	[sflag:s7] =	ssyncadd.s32 $0xFFFFC000  }
0x32: {  	_ =	sfence.sel $0x180000  }
0x33: {  	[bflag:$0x0] =	sbarrier.arrive $0xFFFF  }
0x34: {  	p0 =	sne.s32 s1, $0x0;
	_ =	strace $0x90000065  }
0x35: {  	s0 =	sadd.s32 @!p0 $0x100000, s0;
	[bflag:$0x2] =	sbarrier.arrive $0xFFFF  }
0x36: {  	[sflag:s0] =	ssyncadd.tile.s32 @!p0 $0x1;
	_ =	shalt  }
.Lfunc_end2:
_tile_overlayer_lowered:
.L_overlay_start_2:
0x37: {  	(tag) =	ssettag $0x2  }
0x38: {  	s0 =	rddreg [dreg:$0x0];
	s2 =	stileid.u32  }
0x39: {  	s1 =	rddreg [dreg:$0x1];
	p0 =	sne.s32 s2, $0x0  }
0x3a: {  	s3 =	rddreg [dreg:$0x2];
	[bflag:$0x3] =	sbarrier.arrive $0xFFFF;
	s2 =	simm.s32 @!p0 $0x1C02  }
0x3b: {  	[timem:s3], [sflag:s2] =	dma.local @!p0 [hbm:s0], s1  }
0x3c: {  	s0 =	simm.s32 @!p0 $0x2  }
0x3d: {  	_ =	swait.ge @!p0 [sflag:s0], s1  }
0x3e: {  	s1 =	ssub.s32 @!p0 $0x0, s1;
	[sflag:s0] =	ssyncset.done @!p0 $0x0  }
0x3f: {  	[sflag:s0] =	ssyncadd.s32 @!p0 s1  }
0x40: {  	[bflag:$0x3] =	sbarrier.arrive $0xFFFF  }
0x41: {  	_ =	shalt  }

// kernel: kernel.56.cloned.1.call-start
scs
__scs_entry_jumppad:
0x0: {  	(pc) =	sbr.rel $0x88, $3  }
0x1: {  	(tag) =	ssettag $0x0;
	lr =	simm.s32 $0x1  }
0x2: {  	[smem:$0x3F92] =	sst lr;
	_ =	strace $0xD0000000  }
0x3: {  	_ = 	snop  }
0x4: {  	_ = 	snop  }
0x5: {  	_ = 	snop  }
0x6: {  	_ = 	snop  }
0x7: {  	_ = 	snop  }
__scs_overlays_trampoline_lowered:
0x8: {  	[smem:$0x3FA1] =	sst s0  }
0x9: {  	[smem:$0x3FA2] =	sst s1  }
0xa: {  	[smem:$0x3FA3] =	sst s2  }
0xb: {  	[smem:$0x3FA4] =	sst s3  }
0xc: {  	[smem:$0x3FA5] =	sst s4  }
0xd: {  	[smem:$0x3FA6] =	sst s5  }
0xe: {  	[smem:$0x3FA7] =	sst s6  }
0xf: {  	[smem:$0x3FA8] =	sst s7  }
0x10: {  	[smem:$0x3FA9] =	sst s8  }
0x11: {  	[smem:$0x3FAA] =	sst s9;
	s0 =	simm.s32 @!p0 $0x0  }
0x12: {  	s1 =	sld [smem:$0x3F90];
	s0 =	simm.s32 @p0 $0x1  }
0x13: {  	[smem:$0x3FAB] =	sst s0;
	s0 =	simm.s32 @!p1 $0x0  }
0x14: {  	s2 =	sld [smem:$0x3F8F];
	s0 =	simm.s32 @p1 $0x1  }
0x15: {  	[smem:$0x3FAC] =	sst s0;
	s0 =	simm.s32 @!p2 $0x0  }
0x16: {  	s3 =	sld [smem:$0x3FDB];
	s0 =	simm.s32 @p2 $0x1  }
0x17: {  	s4 =	simm.s32 $0x1BF5;
	[smem:$0x3FAE] =	sst s0  }
0x18: {  	s0 =	sld [smem:$0x3F91];
	_ =	swait.ge [sflag:s4], $0x0  }
0x19: {  	s7 =	sld [smem:$0x3F92]  }
0x1a: {  	s8 =	sadd.s32 $0xFFFFE003, lr  }
0x1b: {  	s9 =	sadd.s32 $0xFFFFFEF7, lr;
	s5 =	simm.s32 $0xFFFFFFFF;
	p2 =	slt.u32 s8, $0xFFFFF086  }
0x1c: {  	p1 =	slt.u32 s9, $0xF7A;
	s5 =	simm.s32 @!p2 $0x0  }
0x1d: {  	s5 =	simm.s32 @p1 $0x1;
	p0 =	seq.s32 s7, s2  }
0x1e: {  	s7 =	smul.u32 @!p0 $0xF7A, s2;
	p2 =	seq.s32 @!p0 s5, $0x0  }
0x1f: {  	s9 =	smul.u32 $0xF7A, s1;
	s8 =	simm.s32 @!p0 $0x1BF5;
	p2 =	por !p2, p0  }
0x20: {  	[sflag:s8] =	ssyncset.s32 @!p0 $0xFFFFF086;
	s6 =	sadd.s32 @!p0 s3, s7;
	s7 =	simm.s32 @!p0 $0x108  }
0x21: {  	s3 =	sadd.s32 s3, s9;
	s6 =	sadd.s32 @!p0 $0x88, s6;
	s7 =	simm.s32 @p2 $0x1082  }
0x22: {  	[simem:s7], [sflag:s8] =	dma.local @!p0 [hbm:s6], $0xF7A  }
0x23: {  	s9 =	sor.u32 $0xD0000000, s2;
	s6 =	simm.s32 $0x108;
	_ =	swait.ge @!p0 [sflag:s8], $0x0  }
0x24: {  	s3 =	sadd.s32 $0x88, s3;
	s6 =	simm.s32 @!p1 $0x1082;
	[sflag:s4] =	ssyncset.s32 $0xFFFFF086  }
0x25: {  	[simem:s6], [sflag:s4] =	dma.local [hbm:s3], $0xF7A  }
0x26: {  	[smem:$0x3F92] =	sst s1;
	(tag) =	ssettag s2;
	_ =	strace s9  }
0x27: {  	s1 =	sld [smem:$0x3FA2]  }
0x28: {  	s2 =	sld [smem:$0x3FA3]  }
0x29: {  	s4 =	sld [smem:$0x3FA5]  }
0x2a: {  	p0 =	seq.s32 s5, $0x0;
	s5 =	sld [smem:$0x3FA6]  }
0x2b: {  	s6 =	sld [smem:$0x3FA7]  }
0x2c: {  	s7 =	sld [smem:$0x3FA8]  }
0x2d: {  	s3 =	simm.s32 $0x108;
	s8 =	sld [smem:$0x3FA9]  }
0x2e: {  	s3 =	simm.s32 @!p0 $0x1082;
	s9 =	sld [smem:$0x3FAA]  }
0x2f: {  	lr =	sadd.s32 s0, s3;
	s0 =	sld [smem:$0x3FA1]  }
0x30: {  	s3 =	sld [smem:$0x3FA4]  }
0x31: {  	[smem:$0x3FAD] =	sst s10  }
0x32: {  	s10 =	sld [smem:$0x3FAB];
	_ =	sdelay $0x3  }
0x33: {  	p0 =	seq.s32 s10, $0x1;
	s10 =	sld [smem:$0x3FAD];
	_ =	sdelay $0x3  }
0x34: {  	[smem:$0x3FAD] =	sst s10  }
0x35: {  	s10 =	sld [smem:$0x3FAC];
	_ =	sdelay $0x3  }
0x36: {  	p1 =	seq.s32 s10, $0x1;
	s10 =	sld [smem:$0x3FAD];
	_ =	sdelay $0x3  }
0x37: {  	[smem:$0x3FAD] =	sst s10  }
0x38: {  	s10 =	sld [smem:$0x3FAE]  }
0x39: {  	_ = 	snop;
	(pc) =	sbr.ind lr, $3  }
0x3a: {  	_ = 	snop  }
0x3b: {  	_ = 	snop  }
0x3c: {  	p2 =	seq.s32 s10, $0x1;
	s10 =	sld [smem:$0x3FAD]  }
0x3d: {  	_ =	shalt  }
0x3e: {  	_ =	shalt  }
0x3f: {  	_ =	shalt  }
0x40: {  	_ =	shalt  }
0x41: {  	_ =	shalt  }
0x42: {  	_ =	shalt  }
0x43: {  	_ =	shalt  }
0x44: {  	_ =	shalt  }
0x45: {  	_ =	shalt  }
0x46: {  	_ =	shalt  }
0x47: {  	_ =	shalt  }
0x48: {  	_ =	shalt  }
0x49: {  	_ =	shalt  }
0x4a: {  	_ =	shalt  }
0x4b: {  	_ =	shalt  }
0x4c: {  	_ =	shalt  }
0x4d: {  	_ =	shalt  }
0x4e: {  	_ =	shalt  }
0x4f: {  	_ =	shalt  }
0x50: {  	_ =	shalt  }
0x51: {  	_ =	shalt  }
0x52: {  	_ =	shalt  }
0x53: {  	_ =	shalt  }
0x54: {  	_ =	shalt  }
0x55: {  	_ =	shalt  }
0x56: {  	_ =	shalt  }
0x57: {  	_ =	shalt  }
0x58: {  	_ =	shalt  }
0x59: {  	_ =	shalt  }
0x5a: {  	_ =	shalt  }
0x5b: {  	_ =	shalt  }
0x5c: {  	_ =	shalt  }
0x5d: {  	_ =	shalt  }
0x5e: {  	_ =	shalt  }
0x5f: {  	_ =	shalt  }
0x60: {  	_ =	shalt  }
0x61: {  	_ =	shalt  }
0x62: {  	_ =	shalt  }
0x63: {  	_ =	shalt  }
0x64: {  	_ =	shalt  }
0x65: {  	_ =	shalt  }
0x66: {  	_ =	shalt  }
0x67: {  	_ =	shalt  }
0x68: {  	_ =	shalt  }
0x69: {  	_ =	shalt  }
0x6a: {  	_ =	shalt  }
0x6b: {  	_ =	shalt  }
0x6c: {  	_ =	shalt  }
0x6d: {  	_ =	shalt  }
0x6e: {  	_ =	shalt  }
0x6f: {  	_ =	shalt  }
0x70: {  	_ =	shalt  }
0x71: {  	_ =	shalt  }
0x72: {  	_ =	shalt  }
0x73: {  	_ =	shalt  }
0x74: {  	_ =	shalt  }
0x75: {  	_ =	shalt  }
0x76: {  	_ =	shalt  }
0x77: {  	_ =	shalt  }
0x78: {  	_ =	shalt  }
0x79: {  	_ =	shalt  }
0x7a: {  	_ =	shalt  }
0x7b: {  	_ =	shalt  }
0x7c: {  	_ =	shalt  }
0x7d: {  	_ =	shalt  }
0x7e: {  	_ =	shalt  }
0x7f: {  	_ =	shalt  }
0x80: {  	_ =	shalt  }
0x81: {  	_ =	shalt  }
0x82: {  	_ =	shalt  }
0x83: {  	_ =	shalt  }
0x84: {  	_ =	shalt  }
0x85: {  	_ =	shalt  }
0x86: {  	_ =	shalt  }
0x87: {  	_ =	shalt  }
.Lfunc_end0:
.L_simem_size_0:
called_computation.8_lowered:
.L_overlay_start_0:
0x88: {  	s2 =	sld [smem:$0x3FD9]  }
0x89: {  	s3 =	sld [smem:$0x3FFE];
	_ =	sdelay $0x1  }
0x8a: {  	s1 =	srdreg.scid  }
0x8b: {  	s0 =	sand.u32 $0x1, s1  }
0x8c: {  	s15 =	sshll.u32 s0, $0xA;
	s2 =	sadd.s32 s3, s2  }
0x8d: {  	s2 =	sadd.s32 s2, s15  }
0x8e: {  	[smem:$0x3FB9] =	sst s2  }
0x8f: {  	_ = 	snop  }
0x90: {  	s2 =	sld [smem:$0x3FD0];
	_ =	sdelay $0x2  }
0x91: {  	s16 =	simm.s32 $0xD;
	s4 =	simm.s32 $0x10  }
0x92: {  	[smem:s4], [sflag:s16] =	dma.local [hbm:s2], $0x1  }
0x93: {  	_ =	swait.eq [sflag:s16], $0x1  }
0x94: {  	[sflag:s16] =	ssyncset.done $0x0  }
0x95: {  	[sflag:s16] =	ssyncadd.s32 $0xFFFFFFFF  }
0x96: {  	s17 =	sld [smem:$0x11];
	(tm) =	ssettm $0x1  }
0x97: {  	s18 =	sld [smem:$0x3FFB];
	_ =	sdelay $0x3  }
0x98: {  	_ =	strace s18  }
0x99: {  	s2 =	sld [smem:$0x3FFC];
	_ =	sdelay $0x3  }
0x9a: {  	_ =	strace s2  }
0x9b: {  	s2 =	sld [smem:$0x3FFD];
	_ =	sdelay $0x3  }
0x9c: {  	_ =	strace s2  }
0x9d: {  	_ =	strace $0x8FFFFFFF  }
0x9e: {  	s19 =	sld [smem:$0x3FDB];
	_ =	sdelay $0x1  }
0x9f: {  	s20 =	simm.s32 $_scs_section_size  }
0xa0: {  	s5 =	simm.s32 $_size__tile_overlayer_lowered;
	s6 =	simm.s32 $_tile_overlayer_lowered  }
0xa1: {  	s7 =	simm.s32 $0x1BFF;
	s21 =	sshll.u32 s6, $0x1;
	s4 =	sadd.s32 s20, s19  }
0xa2: {  	s22 =	simm.s32 $0x0;
	s5 =	sshll.u32 s5, $0x1;
	s6 =	sadd.s32 s21, s4  }
0xa3: {  	[timem:s22], [sflag:s7] =	dma.local [hbm:s6], s5  }
0xa4: {  	_ =	swait.ge [sflag:s7], s5  }
0xa5: {  	s5 =	ssub.s32 $0x0, s5;
	[sflag:s7] =	ssyncset.done $0x0  }
0xa6: {  	[sflag:s7] =	ssyncadd.s32 s5;
	_ =	sdelay $0x1  }
0xa7: {  	s23 =	simm.s32 $0x1B8B  }
0xa8: {  	_ =	swait.ge [sflag:s23], $0x1  }
0xa9: {  	[sflag:s23] =	ssyncset.done $0x0  }
0xaa: {  	[sflag:s23] =	ssyncadd.s32 $0xFFFFFFFF  }
0xab: {  	s5 =	sld [smem:$0x0]  }
0xac: {  	s6 =	sand.u32 $0xFFFFFFFE, s1  }
0xad: {  	p0 =	sne.s32 s1, s6  }
0xae: {  	s6 =	sshll.u32 @p0 s6, $0xE  }
0xaf: {  	s6 =	sadd.s32 @p0 $0x11B8D, s6;
	s7 =	sshll.u32 @p0 s5, $0x11  }
0xb0: {  	s6 =	sor.u32 @p0 s7, s6  }
0xb1: {  	[sflag:s6] =	ssyncadd.remote.s32 @p0 $0x1;
	_ =	sdelay $0x1  }
0xb2: {  	s6 =	simm.s32 @p0 $0x1B8D  }
0xb3: {  	_ =	swait.eq @p0 [sflag:s6], $0x1  }
0xb4: {  	[sflag:s6] =	ssyncadd.s32 @p0 $0xFFFFFFFF  }
0xb5: {  	s7 =	sshll.u32 @!p0 s1, $0xE  }
0xb6: {  	s7 =	sor.u32 @!p0 $0x4000, s7;
	s6 =	simm.s32 @!p0 $0x1B8D  }
0xb7: {  	s5 =	sshll.u32 @!p0 s5, $0x11;
	s7 =	sadd.s32 @!p0 $0x11B8D, s7;
	_ =	swait.eq @!p0 [sflag:s6], $0x1  }
0xb8: {  	s5 =	sor.u32 @!p0 s5, s7;
	[sflag:s6] =	ssyncadd.s32 @!p0 $0xFFFFFFFF  }
0xb9: {  	s25 =	simm.s32 $0x1B8E;
	s24 =	sld [smem:$0x3FFE];
	[sflag:s5] =	ssyncadd.remote.s32 @!p0 $0x1  }
0xba: {  	s26 =	simm.s32 $execute0_lowered;
	[smem:$0x3FD2] =	sst s25  }
0xbb: {  	s6 =	sshll.u32 s26, $0x1;
	_ =	strace $0x8000006D;
	[dreg:$0x1] =	wrdreg $0xFFFFFFFF  }
0xbc: {  	s28 =	simm.s32 $_size_execute0_lowered;
	s4 =	sadd.s32 s4, s6;
	[dreg:$0x0] =	wrdreg $0x0  }
0xbd: {  	s6 =	sshll.u32 s28, $0x1;
	[dreg:$0x2] =	wrdreg s4  }
0xbe: {  	[dreg:$0x3] =	wrdreg s6  }
0xbf: {  	[dreg:$0x4] =	wrdreg $0xC0  }
0xc0: {  	_ =	task [dreg:s22], $0x5FFFF  }
0xc1: {  	[dreg:$0x1] =	wrdreg $0xFFFFFFFF  }
0xc2: {  	[dreg:$0x0] =	wrdreg $0x60  }
0xc3: {  	[dreg:$0x2] =	wrdreg s24  }
0xc4: {  	[dreg:$0x3] =	wrdreg s17  }
0xc5: {  	[dreg:$0x4] =	wrdreg $0x9  }
0xc6: {  	_ =	task.clear_ibuf [dreg:s22], $0x5FFFF;
	_ =	strace $0x9000006D  }
0xc7: {  	s29 =	simm.s32 $0x9;
	_ =	strace $0x8000006F  }
0xc8: {  	_ =	swait.ge [sflag:s29], $0x1  }
0xc9: {  	[sflag:s29] =	ssyncadd.s32 $0xFFFFFFFF  }
0xca: {  	_ =	strace $0x9000006F  }
0xcb: {  	_ =	sfence  }
0xcc: {  	s30 =	sld [smem:$0x0];
	_ =	sdelay $0x2  }
0xcd: {  	s31 =	sshll.u32 s1, $0xD;
	s1 =	sshrl.u32 s1, $0x2  }
0xce: {  	s4 =	sand.u32 $0x4000, s31;
	s1 =	sadd.s32 s1, s30  }
0xcf: {  	s0 =	sor.u32 s4, s0;
	s1 =	sshll.u32 s1, $0x11  }
0xd0: {  	s0 =	sor.u32 s1, s0  }
0xd1: {  	s0 =	sadd.s32 $0x8F2B, s0  }
0xd2: {  	[sflag:s0] =	ssyncadd.remote.s32 $0x1  }
0xd3: {  	_ =	sfence.sel $0xFFFF  }
0xd4: {  	[dreg:$0x0] =	wrdreg $0xFFFFFFFF;
	(pc) =	sbr.abs _section_cstart, $3  }
0xd5: {  	[dreg:$0x1] =	wrdreg $0xFFFFFFFF  }
0xd6: {  	_ =	task.clear_ibuf [dreg:s22], $0x2FFFF;
	_ =	strace $0x9FFFFFFF  }
0xd7: {  	(tm) =	ssettm $0x7FFFFFFF  }
tec
execute0_lowered:
.L_overlay_start_1:
0x0: {  	(tag) =	ssettag $0x1  }
0x1: {  	s4 =	rddreg [dreg:$0x0]  }
0x2: {  	s6 =	rddreg [dreg:$0x1]  }
0x3: {  	s0 =	rddreg [dreg:$0x2];
	s2 =	simm.s32 $0x0;
	s1 =	stileid.u32  }
0x4: {  	s3 =	srdreg.scid;
	[smem:$0x7FF] =	sst s2  }
0x5: {  	s5 =	sshll.u32 s1, $0x10;
	s7 =	sand.u32 $0x1, s3;
	s3 =	sadd.s32 $0x24E00, s4  }
0x6: {  	s9 =	sshll.u32 s1, $0xC;
	_ =	strace $0x8000006E;
	s5 =	sadd.s32 s5, s4  }
0x7: {  	s29 =	ssub.s32 $0x2, s7;
	s10 =	sshll.u32 s7, $0xB;
	s7 =	sshll.u32 s7, $0xF  }
0x8: {  	s8 =	sshrl.u32 s29, $0x1;
	s30 =	sor.u32 s10, s9;
	s5 =	sadd.s32 s7, s5  }
0x9: {  	s7 =	simm.s32 $0x2;
	s9 =	simm.s32 $0x1;
	s10 =	simm.s32 $0x0  }
0xa: {  	s4 =	ssub.s32 s29, s8;
	s31 =	sshrl.u32 s30, $0x3;
	s5 =	sadd.s32 $0x285C00, s5  }
0xb: {  	s8 =	simm.s32 $0x80;
	s4 =	smax.u32 s4, $0x1;
	s6 =	sadd.s32 s31, s6  }
.LBB2_1:
0xc: {  	s11 =	sadd.s32 $0x0, s6  }
0xd: {  	[tilespmem:s2], [sflag:$0x2] =	stream.linear.gather [hbm4b:s11+s2], $0x80, $0x38;
	[tilespmem:$0x4080] =	vst v63  }
0xe: {  	_ =	swait.ge [sflag:s7], $0x80  }
0xf: {  	[sflag:s7] =	ssyncset.done $0x0  }
0x10: {  	[sflag:s7] =	ssyncadd.s32 $0xFFFFFF80  }
0x11: {  	[tilespmem:s8], [sflag:$0x1] =	stream.indirect.gather [hbm4b:s3+s8], $0x80, s2, s8, $0xb8;
	[tilespmem:$0x4080] =	vst v63  }
0x12: {  	_ =	swait.ge [sflag:s9], $0x4000  }
0x13: {  	[sflag:s9] =	ssyncset.done $0x0  }
0x14: {  	[sflag:s9] =	ssyncadd.s32 $0xFFFFC000  }
0x15: {  	[hbm4b:s5+s2] =	stream.linear.scatter [tilespmem:s8], [sflag:$0x2], $0x4000, $0x38;
	[tilespmem:$0x4080] =	vst v63  }
0x16: {  	s12 =	simm.s32 $0x10;
	_ =	swait.ge [sflag:s7], $0x4000  }
0x17: {  	s13 =	simm.s32 $0x20;
	s11 =	sadd.s32 $0x800, s5;
	[sflag:s7] =	ssyncset.done $0x0  }
.LBB2_2:
0x18: {  	s14 =	sadd.s32 s12, s6  }
0x19: {  	[sflag:s7] =	ssyncadd.s32 $0xFFFFC000;
	s12 =	smov.u32 s13;
	s15 =	sadd.s32 $0x10, s13  }
0x1a: {  	[tilespmem:s2], [sflag:$0x2] =	stream.linear.gather [hbm4b:s14+s2], $0x80, $0x38;
	[tilespmem:$0x4080] =	vst v63  }
0x1b: {  	p0 =	sne.s32 s13, $0xF0;
	_ =	swait.ge [sflag:s7], $0x80  }
0x1c: {  	[sflag:s7] =	ssyncset.done $0x0  }
0x1d: {  	[sflag:s7] =	ssyncadd.s32 $0xFFFFFF80  }
0x1e: {  	[tilespmem:s8], [sflag:$0x1] =	stream.indirect.gather [hbm4b:s3+s8], $0x80, s2, s8, $0xb8;
	[tilespmem:$0x4080] =	vst v63  }
0x1f: {  	_ =	swait.ge [sflag:s9], $0x4000  }
.Ltmp0:
0x20: {  	[sflag:s9] =	ssyncset.done $0x0;
	(pc) =	sbr.rel @p0 .LBB2_2-.Ltmp0, $4  }
0x21: {  	[sflag:s9] =	ssyncadd.s32 $0xFFFFC000  }
0x22: {  	[hbm4b:s11+s2] =	stream.linear.scatter [tilespmem:s8], [sflag:$0x2], $0x4000, $0x38;
	[tilespmem:$0x4080] =	vst v63  }
0x23: {  	_ =	swait.ge [sflag:s7], $0x4000  }
0x24: {  	s13 =	smov.u32 s15;
	s11 =	sadd.s32 $0x800, s11;
	[sflag:s7] =	ssyncset.done $0x0  }
0x25: {  	s12 =	sadd.s32 s12, s6;
	[sflag:s7] =	ssyncadd.s32 $0xFFFFC000  }
0x26: {  	[tilespmem:s2], [sflag:$0x2] =	stream.linear.gather [hbm4b:s12+s2], $0x80, $0x38;
	[tilespmem:$0x4080] =	vst v63  }
0x27: {  	_ =	swait.ge [sflag:s7], $0x80  }
0x28: {  	[sflag:s7] =	ssyncset.done $0x0  }
0x29: {  	[sflag:s7] =	ssyncadd.s32 $0xFFFFFF80  }
0x2a: {  	[tilespmem:s8], [sflag:$0x1] =	stream.indirect.gather [hbm4b:s3+s8], $0x80, s2, s8, $0xb8;
	[tilespmem:$0x4080] =	vst v63  }
0x2b: {  	s10 =	sadd.s32 $0x1, s10;
	_ =	swait.ge [sflag:s9], $0x4000  }
0x2c: {  	p0 =	sne.s32 s10, s4;
	[sflag:s9] =	ssyncset.done $0x0  }
.Ltmp1:
0x2d: {  	[sflag:s9] =	ssyncadd.s32 $0xFFFFC000;
	(pc) =	sbr.rel @p0 .LBB2_1-.Ltmp1, $4  }
0x2e: {  	[hbm4b:s11+s2] =	stream.linear.scatter [tilespmem:s8], [sflag:$0x2], $0x4000, $0x38;
	[tilespmem:$0x4080] =	vst v63  }
0x2f: {  	_ =	swait.ge [sflag:s7], $0x4000  }
0x30: {  	[sflag:s7] =	ssyncset.done $0x0  }
0x31: {  	[sflag:s7] =	ssyncadd.s32 $0xFFFFC000  }
0x32: {  	_ =	sfence.sel $0x180000  }
0x33: {  	[bflag:$0x0] =	sbarrier.arrive $0xFFFF  }
0x34: {  	p0 =	sne.s32 s1, $0x0;
	_ =	strace $0x9000006E  }
0x35: {  	s0 =	sadd.s32 @!p0 $0x100000, s0;
	[bflag:$0x2] =	sbarrier.arrive $0xFFFF  }
0x36: {  	[sflag:s0] =	ssyncadd.tile.s32 @!p0 $0x1;
	_ =	shalt  }
.Lfunc_end2:
_tile_overlayer_lowered:
.L_overlay_start_2:
0x37: {  	(tag) =	ssettag $0x2  }
0x38: {  	s0 =	rddreg [dreg:$0x0];
	s2 =	stileid.u32  }
0x39: {  	s1 =	rddreg [dreg:$0x1];
	p0 =	sne.s32 s2, $0x0  }
0x3a: {  	s3 =	rddreg [dreg:$0x2];
	[bflag:$0x3] =	sbarrier.arrive $0xFFFF;
	s2 =	simm.s32 @!p0 $0x1C02  }
0x3b: {  	[timem:s3], [sflag:s2] =	dma.local @!p0 [hbm:s0], s1  }
0x3c: {  	s0 =	simm.s32 @!p0 $0x2  }
0x3d: {  	_ =	swait.ge @!p0 [sflag:s0], s1  }
0x3e: {  	s1 =	ssub.s32 @!p0 $0x0, s1;
	[sflag:s0] =	ssyncset.done @!p0 $0x0  }
0x3f: {  	[sflag:s0] =	ssyncadd.s32 @!p0 s1  }
0x40: {  	[bflag:$0x3] =	sbarrier.arrive $0xFFFF  }
0x41: {  	_ =	shalt  }

// kernel: kernel.59.cloned.1.call-start
scs
__scs_entry_jumppad:
0x0: {  	(pc) =	sbr.rel $0x88, $3  }
0x1: {  	(tag) =	ssettag $0x0;
	lr =	simm.s32 $0x1  }
0x2: {  	[smem:$0x3F92] =	sst lr;
	_ =	strace $0xD0000000  }
0x3: {  	_ = 	snop  }
0x4: {  	_ = 	snop  }
0x5: {  	_ = 	snop  }
0x6: {  	_ = 	snop  }
0x7: {  	_ = 	snop  }
__scs_overlays_trampoline_lowered:
0x8: {  	[smem:$0x3FA1] =	sst s0  }
0x9: {  	[smem:$0x3FA2] =	sst s1  }
0xa: {  	[smem:$0x3FA3] =	sst s2  }
0xb: {  	[smem:$0x3FA4] =	sst s3  }
0xc: {  	[smem:$0x3FA5] =	sst s4  }
0xd: {  	[smem:$0x3FA6] =	sst s5  }
0xe: {  	[smem:$0x3FA7] =	sst s6  }
0xf: {  	[smem:$0x3FA8] =	sst s7  }
0x10: {  	[smem:$0x3FA9] =	sst s8  }
0x11: {  	[smem:$0x3FAA] =	sst s9;
	s0 =	simm.s32 @!p0 $0x0  }
0x12: {  	s1 =	sld [smem:$0x3F90];
	s0 =	simm.s32 @p0 $0x1  }
0x13: {  	[smem:$0x3FAB] =	sst s0;
	s0 =	simm.s32 @!p1 $0x0  }
0x14: {  	s2 =	sld [smem:$0x3F8F];
	s0 =	simm.s32 @p1 $0x1  }
0x15: {  	[smem:$0x3FAC] =	sst s0;
	s0 =	simm.s32 @!p2 $0x0  }
0x16: {  	s3 =	sld [smem:$0x3FDB];
	s0 =	simm.s32 @p2 $0x1  }
0x17: {  	s4 =	simm.s32 $0x1BF5;
	[smem:$0x3FAE] =	sst s0  }
0x18: {  	s0 =	sld [smem:$0x3F91];
	_ =	swait.ge [sflag:s4], $0x0  }
0x19: {  	s7 =	sld [smem:$0x3F92]  }
0x1a: {  	s8 =	sadd.s32 $0xFFFFE003, lr  }
0x1b: {  	s9 =	sadd.s32 $0xFFFFFEF7, lr;
	s5 =	simm.s32 $0xFFFFFFFF;
	p2 =	slt.u32 s8, $0xFFFFF086  }
0x1c: {  	p1 =	slt.u32 s9, $0xF7A;
	s5 =	simm.s32 @!p2 $0x0  }
0x1d: {  	s5 =	simm.s32 @p1 $0x1;
	p0 =	seq.s32 s7, s2  }
0x1e: {  	s7 =	smul.u32 @!p0 $0xF7A, s2;
	p2 =	seq.s32 @!p0 s5, $0x0  }
0x1f: {  	s9 =	smul.u32 $0xF7A, s1;
	s8 =	simm.s32 @!p0 $0x1BF5;
	p2 =	por !p2, p0  }
0x20: {  	[sflag:s8] =	ssyncset.s32 @!p0 $0xFFFFF086;
	s6 =	sadd.s32 @!p0 s3, s7;
	s7 =	simm.s32 @!p0 $0x108  }
0x21: {  	s3 =	sadd.s32 s3, s9;
	s6 =	sadd.s32 @!p0 $0x88, s6;
	s7 =	simm.s32 @p2 $0x1082  }
0x22: {  	[simem:s7], [sflag:s8] =	dma.local @!p0 [hbm:s6], $0xF7A  }
0x23: {  	s9 =	sor.u32 $0xD0000000, s2;
	s6 =	simm.s32 $0x108;
	_ =	swait.ge @!p0 [sflag:s8], $0x0  }
0x24: {  	s3 =	sadd.s32 $0x88, s3;
	s6 =	simm.s32 @!p1 $0x1082;
	[sflag:s4] =	ssyncset.s32 $0xFFFFF086  }
0x25: {  	[simem:s6], [sflag:s4] =	dma.local [hbm:s3], $0xF7A  }
0x26: {  	[smem:$0x3F92] =	sst s1;
	(tag) =	ssettag s2;
	_ =	strace s9  }
0x27: {  	s1 =	sld [smem:$0x3FA2]  }
0x28: {  	s2 =	sld [smem:$0x3FA3]  }
0x29: {  	s4 =	sld [smem:$0x3FA5]  }
0x2a: {  	p0 =	seq.s32 s5, $0x0;
	s5 =	sld [smem:$0x3FA6]  }
0x2b: {  	s6 =	sld [smem:$0x3FA7]  }
0x2c: {  	s7 =	sld [smem:$0x3FA8]  }
0x2d: {  	s3 =	simm.s32 $0x108;
	s8 =	sld [smem:$0x3FA9]  }
0x2e: {  	s3 =	simm.s32 @!p0 $0x1082;
	s9 =	sld [smem:$0x3FAA]  }
0x2f: {  	lr =	sadd.s32 s0, s3;
	s0 =	sld [smem:$0x3FA1]  }
0x30: {  	s3 =	sld [smem:$0x3FA4]  }
0x31: {  	[smem:$0x3FAD] =	sst s10  }
0x32: {  	s10 =	sld [smem:$0x3FAB];
	_ =	sdelay $0x3  }
0x33: {  	p0 =	seq.s32 s10, $0x1;
	s10 =	sld [smem:$0x3FAD];
	_ =	sdelay $0x3  }
0x34: {  	[smem:$0x3FAD] =	sst s10  }
0x35: {  	s10 =	sld [smem:$0x3FAC];
	_ =	sdelay $0x3  }
0x36: {  	p1 =	seq.s32 s10, $0x1;
	s10 =	sld [smem:$0x3FAD];
	_ =	sdelay $0x3  }
0x37: {  	[smem:$0x3FAD] =	sst s10  }
0x38: {  	s10 =	sld [smem:$0x3FAE]  }
0x39: {  	_ = 	snop;
	(pc) =	sbr.ind lr, $3  }
0x3a: {  	_ = 	snop  }
0x3b: {  	_ = 	snop  }
0x3c: {  	p2 =	seq.s32 s10, $0x1;
	s10 =	sld [smem:$0x3FAD]  }
0x3d: {  	_ =	shalt  }
0x3e: {  	_ =	shalt  }
0x3f: {  	_ =	shalt  }
0x40: {  	_ =	shalt  }
0x41: {  	_ =	shalt  }
0x42: {  	_ =	shalt  }
0x43: {  	_ =	shalt  }
0x44: {  	_ =	shalt  }
0x45: {  	_ =	shalt  }
0x46: {  	_ =	shalt  }
0x47: {  	_ =	shalt  }
0x48: {  	_ =	shalt  }
0x49: {  	_ =	shalt  }
0x4a: {  	_ =	shalt  }
0x4b: {  	_ =	shalt  }
0x4c: {  	_ =	shalt  }
0x4d: {  	_ =	shalt  }
0x4e: {  	_ =	shalt  }
0x4f: {  	_ =	shalt  }
0x50: {  	_ =	shalt  }
0x51: {  	_ =	shalt  }
0x52: {  	_ =	shalt  }
0x53: {  	_ =	shalt  }
0x54: {  	_ =	shalt  }
0x55: {  	_ =	shalt  }
0x56: {  	_ =	shalt  }
0x57: {  	_ =	shalt  }
0x58: {  	_ =	shalt  }
0x59: {  	_ =	shalt  }
0x5a: {  	_ =	shalt  }
0x5b: {  	_ =	shalt  }
0x5c: {  	_ =	shalt  }
0x5d: {  	_ =	shalt  }
0x5e: {  	_ =	shalt  }
0x5f: {  	_ =	shalt  }
0x60: {  	_ =	shalt  }
0x61: {  	_ =	shalt  }
0x62: {  	_ =	shalt  }
0x63: {  	_ =	shalt  }
0x64: {  	_ =	shalt  }
0x65: {  	_ =	shalt  }
0x66: {  	_ =	shalt  }
0x67: {  	_ =	shalt  }
0x68: {  	_ =	shalt  }
0x69: {  	_ =	shalt  }
0x6a: {  	_ =	shalt  }
0x6b: {  	_ =	shalt  }
0x6c: {  	_ =	shalt  }
0x6d: {  	_ =	shalt  }
0x6e: {  	_ =	shalt  }
0x6f: {  	_ =	shalt  }
0x70: {  	_ =	shalt  }
0x71: {  	_ =	shalt  }
0x72: {  	_ =	shalt  }
0x73: {  	_ =	shalt  }
0x74: {  	_ =	shalt  }
0x75: {  	_ =	shalt  }
0x76: {  	_ =	shalt  }
0x77: {  	_ =	shalt  }
0x78: {  	_ =	shalt  }
0x79: {  	_ =	shalt  }
0x7a: {  	_ =	shalt  }
0x7b: {  	_ =	shalt  }
0x7c: {  	_ =	shalt  }
0x7d: {  	_ =	shalt  }
0x7e: {  	_ =	shalt  }
0x7f: {  	_ =	shalt  }
0x80: {  	_ =	shalt  }
0x81: {  	_ =	shalt  }
0x82: {  	_ =	shalt  }
0x83: {  	_ =	shalt  }
0x84: {  	_ =	shalt  }
0x85: {  	_ =	shalt  }
0x86: {  	_ =	shalt  }
0x87: {  	_ =	shalt  }
.Lfunc_end0:
.L_simem_size_0:
called_computation.9_lowered:
.L_overlay_start_0:
0x88: {  	s2 =	sld [smem:$0x3FD9]  }
0x89: {  	s3 =	sld [smem:$0x3FFE];
	_ =	sdelay $0x1  }
0x8a: {  	s1 =	srdreg.scid  }
0x8b: {  	s0 =	sand.u32 $0x1, s1  }
0x8c: {  	s15 =	sshll.u32 s0, $0xA;
	s2 =	sadd.s32 s3, s2  }
0x8d: {  	s2 =	sadd.s32 s2, s15  }
0x8e: {  	[smem:$0x3FB9] =	sst s2  }
0x8f: {  	_ = 	snop  }
0x90: {  	s2 =	sld [smem:$0x3FD0];
	_ =	sdelay $0x2  }
0x91: {  	s16 =	simm.s32 $0xD;
	s4 =	simm.s32 $0x10  }
0x92: {  	[smem:s4], [sflag:s16] =	dma.local [hbm:s2], $0x1  }
0x93: {  	_ =	swait.eq [sflag:s16], $0x1  }
0x94: {  	[sflag:s16] =	ssyncset.done $0x0  }
0x95: {  	[sflag:s16] =	ssyncadd.s32 $0xFFFFFFFF  }
0x96: {  	s17 =	sld [smem:$0x10];
	(tm) =	ssettm $0x1  }
0x97: {  	s18 =	sld [smem:$0x3FFB];
	_ =	sdelay $0x3  }
0x98: {  	_ =	strace s18  }
0x99: {  	s2 =	sld [smem:$0x3FFC];
	_ =	sdelay $0x3  }
0x9a: {  	_ =	strace s2  }
0x9b: {  	s2 =	sld [smem:$0x3FFD];
	_ =	sdelay $0x3  }
0x9c: {  	_ =	strace s2  }
0x9d: {  	_ =	strace $0x8FFFFFFF  }
0x9e: {  	s19 =	sld [smem:$0x3FDB];
	_ =	sdelay $0x1  }
0x9f: {  	s20 =	simm.s32 $_scs_section_size  }
0xa0: {  	s5 =	simm.s32 $_size__tile_overlayer_lowered;
	s6 =	simm.s32 $_tile_overlayer_lowered  }
0xa1: {  	s7 =	simm.s32 $0x1BFF;
	s21 =	sshll.u32 s6, $0x1;
	s4 =	sadd.s32 s20, s19  }
0xa2: {  	s22 =	simm.s32 $0x0;
	s5 =	sshll.u32 s5, $0x1;
	s6 =	sadd.s32 s21, s4  }
0xa3: {  	[timem:s22], [sflag:s7] =	dma.local [hbm:s6], s5  }
0xa4: {  	_ =	swait.ge [sflag:s7], s5  }
0xa5: {  	s5 =	ssub.s32 $0x0, s5;
	[sflag:s7] =	ssyncset.done $0x0  }
0xa6: {  	[sflag:s7] =	ssyncadd.s32 s5;
	_ =	sdelay $0x1  }
0xa7: {  	s23 =	simm.s32 $0x1B8B  }
0xa8: {  	_ =	swait.ge [sflag:s23], $0x1  }
0xa9: {  	[sflag:s23] =	ssyncset.done $0x0  }
0xaa: {  	[sflag:s23] =	ssyncadd.s32 $0xFFFFFFFF  }
0xab: {  	s5 =	sld [smem:$0x0]  }
0xac: {  	s6 =	sand.u32 $0xFFFFFFFE, s1  }
0xad: {  	p0 =	sne.s32 s1, s6  }
0xae: {  	s6 =	sshll.u32 @p0 s6, $0xE  }
0xaf: {  	s6 =	sadd.s32 @p0 $0x11B8D, s6;
	s7 =	sshll.u32 @p0 s5, $0x11  }
0xb0: {  	s6 =	sor.u32 @p0 s7, s6  }
0xb1: {  	[sflag:s6] =	ssyncadd.remote.s32 @p0 $0x1;
	_ =	sdelay $0x1  }
0xb2: {  	s6 =	simm.s32 @p0 $0x1B8D  }
0xb3: {  	_ =	swait.eq @p0 [sflag:s6], $0x1  }
0xb4: {  	[sflag:s6] =	ssyncadd.s32 @p0 $0xFFFFFFFF  }
0xb5: {  	s7 =	sshll.u32 @!p0 s1, $0xE  }
0xb6: {  	s7 =	sor.u32 @!p0 $0x4000, s7;
	s6 =	simm.s32 @!p0 $0x1B8D  }
0xb7: {  	s5 =	sshll.u32 @!p0 s5, $0x11;
	s7 =	sadd.s32 @!p0 $0x11B8D, s7;
	_ =	swait.eq @!p0 [sflag:s6], $0x1  }
0xb8: {  	s5 =	sor.u32 @!p0 s5, s7;
	[sflag:s6] =	ssyncadd.s32 @!p0 $0xFFFFFFFF  }
0xb9: {  	s25 =	simm.s32 $0x1B8E;
	s24 =	sld [smem:$0x3FFE];
	[sflag:s5] =	ssyncadd.remote.s32 @!p0 $0x1  }
0xba: {  	s26 =	simm.s32 $execute0_lowered;
	[smem:$0x3FD2] =	sst s25  }
0xbb: {  	s6 =	sshll.u32 s26, $0x1;
	_ =	strace $0x80000073;
	[dreg:$0x1] =	wrdreg $0xFFFFFFFF  }
0xbc: {  	s28 =	simm.s32 $_size_execute0_lowered;
	s4 =	sadd.s32 s4, s6;
	[dreg:$0x0] =	wrdreg $0x0  }
0xbd: {  	s6 =	sshll.u32 s28, $0x1;
	[dreg:$0x2] =	wrdreg s4  }
0xbe: {  	[dreg:$0x3] =	wrdreg s6  }
0xbf: {  	[dreg:$0x4] =	wrdreg $0xC0  }
0xc0: {  	_ =	task [dreg:s22], $0x5FFFF  }
0xc1: {  	[dreg:$0x1] =	wrdreg $0xFFFFFFFF  }
0xc2: {  	[dreg:$0x0] =	wrdreg $0x60  }
0xc3: {  	[dreg:$0x2] =	wrdreg s24  }
0xc4: {  	[dreg:$0x3] =	wrdreg s17  }
0xc5: {  	[dreg:$0x4] =	wrdreg $0x9  }
0xc6: {  	_ =	task.clear_ibuf [dreg:s22], $0x5FFFF;
	_ =	strace $0x90000073  }
0xc7: {  	s29 =	simm.s32 $0x9;
	_ =	strace $0x80000075  }
0xc8: {  	_ =	swait.ge [sflag:s29], $0x1  }
0xc9: {  	[sflag:s29] =	ssyncadd.s32 $0xFFFFFFFF  }
0xca: {  	_ =	strace $0x90000075  }
0xcb: {  	_ =	sfence  }
0xcc: {  	s30 =	sld [smem:$0x0];
	_ =	sdelay $0x2  }
0xcd: {  	s31 =	sshll.u32 s1, $0xD;
	s1 =	sshrl.u32 s1, $0x2  }
0xce: {  	s4 =	sand.u32 $0x4000, s31;
	s1 =	sadd.s32 s1, s30  }
0xcf: {  	s0 =	sor.u32 s4, s0;
	s1 =	sshll.u32 s1, $0x11  }
0xd0: {  	s0 =	sor.u32 s1, s0  }
0xd1: {  	s0 =	sadd.s32 $0x8F2B, s0  }
0xd2: {  	[sflag:s0] =	ssyncadd.remote.s32 $0x1  }
0xd3: {  	_ =	sfence.sel $0xFFFF  }
0xd4: {  	[dreg:$0x0] =	wrdreg $0xFFFFFFFF;
	(pc) =	sbr.abs _section_cstart, $3  }
0xd5: {  	[dreg:$0x1] =	wrdreg $0xFFFFFFFF  }
0xd6: {  	_ =	task.clear_ibuf [dreg:s22], $0x2FFFF;
	_ =	strace $0x9FFFFFFF  }
0xd7: {  	(tm) =	ssettm $0x7FFFFFFF  }
tec
execute0_lowered:
.L_overlay_start_1:
0x0: {  	(tag) =	ssettag $0x1  }
0x1: {  	s3 =	rddreg [dreg:$0x0]  }
0x2: {  	s6 =	rddreg [dreg:$0x1]  }
0x3: {  	s0 =	rddreg [dreg:$0x2];
	s1 =	stileid.u32  }
0x4: {  	s2 =	simm.s32 $0x0;
	s5 =	srdreg.scid;
	s4 =	smul.u32 $0xC000, s1  }
0x5: {  	[smem:$0x7FF] =	sst s2;
	s5 =	sand.u32 $0x1, s5;
	s7 =	smul.u32 $0xC00, s1  }
0x6: {  	_ =	strace $0x80000074;
	s8 =	ssub.s32 $0x2, s5;
	s9 =	smul.u32 $0x600, s5  }
0x7: {  	s5 =	smul.u32 $0x6000, s5;
	s10 =	sadd.s32 s4, s3;
	s31 =	sshrl.u32 s8, $0x1  }
0x8: {  	s3 =	sadd.s32 $0xC4800, s3;
	s4 =	ssub.s32 s8, s31;
	s7 =	sadd.s32 s9, s7  }
0x9: {  	s5 =	sadd.s32 s5, s10;
	s8 =	simm.s32 $0x80;
	s9 =	simm.s32 $0x1  }
0xa: {  	s10 =	simm.s32 $0x0;
	s4 =	smax.u32 s4, $0x1;
	s7 =	sshrl.u32 s7, $0x3  }
0xb: {  	s5 =	sadd.s32 $0x1A4800, s5;
	s6 =	sadd.s32 s7, s6;
	s7 =	simm.s32 $0x2  }
.LBB2_1:
0xc: {  	s11 =	sadd.s32 $0x0, s6  }
0xd: {  	[tilespmem:s2], [sflag:$0x2] =	stream.linear.gather [hbm4b:s11+s2], $0x80, $0x38;
	[tilespmem:$0x4080] =	vst v63  }
0xe: {  	_ =	swait.ge [sflag:s7], $0x80  }
0xf: {  	[sflag:s7] =	ssyncset.done $0x0  }
0x10: {  	[sflag:s7] =	ssyncadd.s32 $0xFFFFFF80  }
0x11: {  	[tilespmem:s8], [sflag:$0x1] =	stream.indirect.gather [hbm4b:s3+s8], $0x80, s2, s8, $0xb8;
	[tilespmem:$0x4080] =	vst v63  }
0x12: {  	_ =	swait.ge [sflag:s9], $0x4000  }
0x13: {  	[sflag:s9] =	ssyncset.done $0x0  }
0x14: {  	[sflag:s9] =	ssyncadd.s32 $0xFFFFC000  }
0x15: {  	[hbm4b:s5+s2] =	stream.linear.scatter [tilespmem:s8], [sflag:$0x2], $0x4000, $0x38;
	[tilespmem:$0x4080] =	vst v63  }
0x16: {  	s12 =	simm.s32 $0x10;
	_ =	swait.ge [sflag:s7], $0x4000  }
0x17: {  	s13 =	simm.s32 $0x20;
	s11 =	sadd.s32 $0x800, s5;
	[sflag:s7] =	ssyncset.done $0x0  }
.LBB2_2:
0x18: {  	s14 =	sadd.s32 s12, s6  }
0x19: {  	[sflag:s7] =	ssyncadd.s32 $0xFFFFC000;
	s12 =	smov.u32 s13;
	s15 =	sadd.s32 $0x10, s13  }
0x1a: {  	[tilespmem:s2], [sflag:$0x2] =	stream.linear.gather [hbm4b:s14+s2], $0x80, $0x38;
	[tilespmem:$0x4080] =	vst v63  }
0x1b: {  	p0 =	sne.s32 s13, $0xB0;
	_ =	swait.ge [sflag:s7], $0x80  }
0x1c: {  	[sflag:s7] =	ssyncset.done $0x0  }
0x1d: {  	[sflag:s7] =	ssyncadd.s32 $0xFFFFFF80  }
0x1e: {  	[tilespmem:s8], [sflag:$0x1] =	stream.indirect.gather [hbm4b:s3+s8], $0x80, s2, s8, $0xb8;
	[tilespmem:$0x4080] =	vst v63  }
0x1f: {  	_ =	swait.ge [sflag:s9], $0x4000  }
.Ltmp0:
0x20: {  	[sflag:s9] =	ssyncset.done $0x0;
	(pc) =	sbr.rel @p0 .LBB2_2-.Ltmp0, $4  }
0x21: {  	[sflag:s9] =	ssyncadd.s32 $0xFFFFC000  }
0x22: {  	[hbm4b:s11+s2] =	stream.linear.scatter [tilespmem:s8], [sflag:$0x2], $0x4000, $0x38;
	[tilespmem:$0x4080] =	vst v63  }
0x23: {  	_ =	swait.ge [sflag:s7], $0x4000  }
0x24: {  	s13 =	smov.u32 s15;
	s11 =	sadd.s32 $0x800, s11;
	[sflag:s7] =	ssyncset.done $0x0  }
0x25: {  	s12 =	sadd.s32 s12, s6;
	[sflag:s7] =	ssyncadd.s32 $0xFFFFC000  }
0x26: {  	[tilespmem:s2], [sflag:$0x2] =	stream.linear.gather [hbm4b:s12+s2], $0x80, $0x38;
	[tilespmem:$0x4080] =	vst v63  }
0x27: {  	_ =	swait.ge [sflag:s7], $0x80  }
0x28: {  	[sflag:s7] =	ssyncset.done $0x0  }
0x29: {  	[sflag:s7] =	ssyncadd.s32 $0xFFFFFF80  }
0x2a: {  	[tilespmem:s8], [sflag:$0x1] =	stream.indirect.gather [hbm4b:s3+s8], $0x80, s2, s8, $0xb8;
	[tilespmem:$0x4080] =	vst v63  }
0x2b: {  	s10 =	sadd.s32 $0x1, s10;
	_ =	swait.ge [sflag:s9], $0x4000  }
0x2c: {  	p0 =	sne.s32 s10, s4;
	[sflag:s9] =	ssyncset.done $0x0  }
.Ltmp1:
0x2d: {  	[sflag:s9] =	ssyncadd.s32 $0xFFFFC000;
	(pc) =	sbr.rel @p0 .LBB2_1-.Ltmp1, $4  }
0x2e: {  	[hbm4b:s11+s2] =	stream.linear.scatter [tilespmem:s8], [sflag:$0x2], $0x4000, $0x38;
	[tilespmem:$0x4080] =	vst v63  }
0x2f: {  	_ =	swait.ge [sflag:s7], $0x4000  }
0x30: {  	[sflag:s7] =	ssyncset.done $0x0  }
0x31: {  	[sflag:s7] =	ssyncadd.s32 $0xFFFFC000  }
0x32: {  	_ =	sfence.sel $0x180000  }
0x33: {  	[bflag:$0x0] =	sbarrier.arrive $0xFFFF  }
0x34: {  	p0 =	sne.s32 s1, $0x0;
	_ =	strace $0x90000074  }
0x35: {  	s0 =	sadd.s32 @!p0 $0x100000, s0;
	[bflag:$0x2] =	sbarrier.arrive $0xFFFF  }
0x36: {  	[sflag:s0] =	ssyncadd.tile.s32 @!p0 $0x1;
	_ =	shalt  }
.Lfunc_end2:
_tile_overlayer_lowered:
.L_overlay_start_2:
0x37: {  	(tag) =	ssettag $0x2  }
0x38: {  	s0 =	rddreg [dreg:$0x0];
	s2 =	stileid.u32  }
0x39: {  	s1 =	rddreg [dreg:$0x1];
	p0 =	sne.s32 s2, $0x0  }
0x3a: {  	s3 =	rddreg [dreg:$0x2];
	[bflag:$0x3] =	sbarrier.arrive $0xFFFF;
	s2 =	simm.s32 @!p0 $0x1C02  }
0x3b: {  	[timem:s3], [sflag:s2] =	dma.local @!p0 [hbm:s0], s1  }
0x3c: {  	s0 =	simm.s32 @!p0 $0x2  }
0x3d: {  	_ =	swait.ge @!p0 [sflag:s0], s1  }
0x3e: {  	s1 =	ssub.s32 @!p0 $0x0, s1;
	[sflag:s0] =	ssyncset.done @!p0 $0x0  }
0x3f: {  	[sflag:s0] =	ssyncadd.s32 @!p0 s1  }
0x40: {  	[bflag:$0x3] =	sbarrier.arrive $0xFFFF  }
0x41: {  	_ =	shalt  }

// kernel: kernel.62.cloned.1.call-start
scs
__scs_entry_jumppad:
0x0: {  	(pc) =	sbr.rel $0x88, $3  }
0x1: {  	(tag) =	ssettag $0x0;
	lr =	simm.s32 $0x1  }
0x2: {  	[smem:$0x3F92] =	sst lr;
	_ =	strace $0xD0000000  }
0x3: {  	_ = 	snop  }
0x4: {  	_ = 	snop  }
0x5: {  	_ = 	snop  }
0x6: {  	_ = 	snop  }
0x7: {  	_ = 	snop  }
__scs_overlays_trampoline_lowered:
0x8: {  	[smem:$0x3FA1] =	sst s0  }
0x9: {  	[smem:$0x3FA2] =	sst s1  }
0xa: {  	[smem:$0x3FA3] =	sst s2  }
0xb: {  	[smem:$0x3FA4] =	sst s3  }
0xc: {  	[smem:$0x3FA5] =	sst s4  }
0xd: {  	[smem:$0x3FA6] =	sst s5  }
0xe: {  	[smem:$0x3FA7] =	sst s6  }
0xf: {  	[smem:$0x3FA8] =	sst s7  }
0x10: {  	[smem:$0x3FA9] =	sst s8  }
0x11: {  	[smem:$0x3FAA] =	sst s9;
	s0 =	simm.s32 @!p0 $0x0  }
0x12: {  	s1 =	sld [smem:$0x3F90];
	s0 =	simm.s32 @p0 $0x1  }
0x13: {  	[smem:$0x3FAB] =	sst s0;
	s0 =	simm.s32 @!p1 $0x0  }
0x14: {  	s2 =	sld [smem:$0x3F8F];
	s0 =	simm.s32 @p1 $0x1  }
0x15: {  	[smem:$0x3FAC] =	sst s0;
	s0 =	simm.s32 @!p2 $0x0  }
0x16: {  	s3 =	sld [smem:$0x3FDB];
	s0 =	simm.s32 @p2 $0x1  }
0x17: {  	s4 =	simm.s32 $0x1BF5;
	[smem:$0x3FAE] =	sst s0  }
0x18: {  	s0 =	sld [smem:$0x3F91];
	_ =	swait.ge [sflag:s4], $0x0  }
0x19: {  	s7 =	sld [smem:$0x3F92]  }
0x1a: {  	s8 =	sadd.s32 $0xFFFFE003, lr  }
0x1b: {  	s9 =	sadd.s32 $0xFFFFFEF7, lr;
	s5 =	simm.s32 $0xFFFFFFFF;
	p2 =	slt.u32 s8, $0xFFFFF086  }
0x1c: {  	p1 =	slt.u32 s9, $0xF7A;
	s5 =	simm.s32 @!p2 $0x0  }
0x1d: {  	s5 =	simm.s32 @p1 $0x1;
	p0 =	seq.s32 s7, s2  }
0x1e: {  	s7 =	smul.u32 @!p0 $0xF7A, s2;
	p2 =	seq.s32 @!p0 s5, $0x0  }
0x1f: {  	s9 =	smul.u32 $0xF7A, s1;
	s8 =	simm.s32 @!p0 $0x1BF5;
	p2 =	por !p2, p0  }
0x20: {  	[sflag:s8] =	ssyncset.s32 @!p0 $0xFFFFF086;
	s6 =	sadd.s32 @!p0 s3, s7;
	s7 =	simm.s32 @!p0 $0x108  }
0x21: {  	s3 =	sadd.s32 s3, s9;
	s6 =	sadd.s32 @!p0 $0x88, s6;
	s7 =	simm.s32 @p2 $0x1082  }
0x22: {  	[simem:s7], [sflag:s8] =	dma.local @!p0 [hbm:s6], $0xF7A  }
0x23: {  	s9 =	sor.u32 $0xD0000000, s2;
	s6 =	simm.s32 $0x108;
	_ =	swait.ge @!p0 [sflag:s8], $0x0  }
0x24: {  	s3 =	sadd.s32 $0x88, s3;
	s6 =	simm.s32 @!p1 $0x1082;
	[sflag:s4] =	ssyncset.s32 $0xFFFFF086  }
0x25: {  	[simem:s6], [sflag:s4] =	dma.local [hbm:s3], $0xF7A  }
0x26: {  	[smem:$0x3F92] =	sst s1;
	(tag) =	ssettag s2;
	_ =	strace s9  }
0x27: {  	s1 =	sld [smem:$0x3FA2]  }
0x28: {  	s2 =	sld [smem:$0x3FA3]  }
0x29: {  	s4 =	sld [smem:$0x3FA5]  }
0x2a: {  	p0 =	seq.s32 s5, $0x0;
	s5 =	sld [smem:$0x3FA6]  }
0x2b: {  	s6 =	sld [smem:$0x3FA7]  }
0x2c: {  	s7 =	sld [smem:$0x3FA8]  }
0x2d: {  	s3 =	simm.s32 $0x108;
	s8 =	sld [smem:$0x3FA9]  }
0x2e: {  	s3 =	simm.s32 @!p0 $0x1082;
	s9 =	sld [smem:$0x3FAA]  }
0x2f: {  	lr =	sadd.s32 s0, s3;
	s0 =	sld [smem:$0x3FA1]  }
0x30: {  	s3 =	sld [smem:$0x3FA4]  }
0x31: {  	[smem:$0x3FAD] =	sst s10  }
0x32: {  	s10 =	sld [smem:$0x3FAB];
	_ =	sdelay $0x3  }
0x33: {  	p0 =	seq.s32 s10, $0x1;
	s10 =	sld [smem:$0x3FAD];
	_ =	sdelay $0x3  }
0x34: {  	[smem:$0x3FAD] =	sst s10  }
0x35: {  	s10 =	sld [smem:$0x3FAC];
	_ =	sdelay $0x3  }
0x36: {  	p1 =	seq.s32 s10, $0x1;
	s10 =	sld [smem:$0x3FAD];
	_ =	sdelay $0x3  }
0x37: {  	[smem:$0x3FAD] =	sst s10  }
0x38: {  	s10 =	sld [smem:$0x3FAE]  }
0x39: {  	_ = 	snop;
	(pc) =	sbr.ind lr, $3  }
0x3a: {  	_ = 	snop  }
0x3b: {  	_ = 	snop  }
0x3c: {  	p2 =	seq.s32 s10, $0x1;
	s10 =	sld [smem:$0x3FAD]  }
0x3d: {  	_ =	shalt  }
0x3e: {  	_ =	shalt  }
0x3f: {  	_ =	shalt  }
0x40: {  	_ =	shalt  }
0x41: {  	_ =	shalt  }
0x42: {  	_ =	shalt  }
0x43: {  	_ =	shalt  }
0x44: {  	_ =	shalt  }
0x45: {  	_ =	shalt  }
0x46: {  	_ =	shalt  }
0x47: {  	_ =	shalt  }
0x48: {  	_ =	shalt  }
0x49: {  	_ =	shalt  }
0x4a: {  	_ =	shalt  }
0x4b: {  	_ =	shalt  }
0x4c: {  	_ =	shalt  }
0x4d: {  	_ =	shalt  }
0x4e: {  	_ =	shalt  }
0x4f: {  	_ =	shalt  }
0x50: {  	_ =	shalt  }
0x51: {  	_ =	shalt  }
0x52: {  	_ =	shalt  }
0x53: {  	_ =	shalt  }
0x54: {  	_ =	shalt  }
0x55: {  	_ =	shalt  }
0x56: {  	_ =	shalt  }
0x57: {  	_ =	shalt  }
0x58: {  	_ =	shalt  }
0x59: {  	_ =	shalt  }
0x5a: {  	_ =	shalt  }
0x5b: {  	_ =	shalt  }
0x5c: {  	_ =	shalt  }
0x5d: {  	_ =	shalt  }
0x5e: {  	_ =	shalt  }
0x5f: {  	_ =	shalt  }
0x60: {  	_ =	shalt  }
0x61: {  	_ =	shalt  }
0x62: {  	_ =	shalt  }
0x63: {  	_ =	shalt  }
0x64: {  	_ =	shalt  }
0x65: {  	_ =	shalt  }
0x66: {  	_ =	shalt  }
0x67: {  	_ =	shalt  }
0x68: {  	_ =	shalt  }
0x69: {  	_ =	shalt  }
0x6a: {  	_ =	shalt  }
0x6b: {  	_ =	shalt  }
0x6c: {  	_ =	shalt  }
0x6d: {  	_ =	shalt  }
0x6e: {  	_ =	shalt  }
0x6f: {  	_ =	shalt  }
0x70: {  	_ =	shalt  }
0x71: {  	_ =	shalt  }
0x72: {  	_ =	shalt  }
0x73: {  	_ =	shalt  }
0x74: {  	_ =	shalt  }
0x75: {  	_ =	shalt  }
0x76: {  	_ =	shalt  }
0x77: {  	_ =	shalt  }
0x78: {  	_ =	shalt  }
0x79: {  	_ =	shalt  }
0x7a: {  	_ =	shalt  }
0x7b: {  	_ =	shalt  }
0x7c: {  	_ =	shalt  }
0x7d: {  	_ =	shalt  }
0x7e: {  	_ =	shalt  }
0x7f: {  	_ =	shalt  }
0x80: {  	_ =	shalt  }
0x81: {  	_ =	shalt  }
0x82: {  	_ =	shalt  }
0x83: {  	_ =	shalt  }
0x84: {  	_ =	shalt  }
0x85: {  	_ =	shalt  }
0x86: {  	_ =	shalt  }
0x87: {  	_ =	shalt  }
.Lfunc_end0:
.L_simem_size_0:
called_computation.10_lowered:
.L_overlay_start_0:
0x88: {  	s2 =	sld [smem:$0x3FD9]  }
0x89: {  	s3 =	sld [smem:$0x3FFE];
	_ =	sdelay $0x1  }
0x8a: {  	s1 =	srdreg.scid  }
0x8b: {  	s0 =	sand.u32 $0x1, s1  }
0x8c: {  	s15 =	sshll.u32 s0, $0xA;
	s2 =	sadd.s32 s3, s2  }
0x8d: {  	s2 =	sadd.s32 s2, s15  }
0x8e: {  	[smem:$0x3FB9] =	sst s2  }
0x8f: {  	_ = 	snop  }
0x90: {  	s2 =	sld [smem:$0x3FD0];
	_ =	sdelay $0x2  }
0x91: {  	s16 =	simm.s32 $0xD;
	s4 =	simm.s32 $0x10  }
0x92: {  	[smem:s4], [sflag:s16] =	dma.local [hbm:s2], $0x1  }
0x93: {  	_ =	swait.eq [sflag:s16], $0x1  }
0x94: {  	[sflag:s16] =	ssyncset.done $0x0  }
0x95: {  	[sflag:s16] =	ssyncadd.s32 $0xFFFFFFFF  }
0x96: {  	s17 =	sld [smem:$0x11];
	(tm) =	ssettm $0x1  }
0x97: {  	s18 =	sld [smem:$0x3FFB];
	_ =	sdelay $0x3  }
0x98: {  	_ =	strace s18  }
0x99: {  	s2 =	sld [smem:$0x3FFC];
	_ =	sdelay $0x3  }
0x9a: {  	_ =	strace s2  }
0x9b: {  	s2 =	sld [smem:$0x3FFD];
	_ =	sdelay $0x3  }
0x9c: {  	_ =	strace s2  }
0x9d: {  	_ =	strace $0x8FFFFFFF  }
0x9e: {  	s19 =	sld [smem:$0x3FDB];
	_ =	sdelay $0x1  }
0x9f: {  	s20 =	simm.s32 $_scs_section_size  }
0xa0: {  	s5 =	simm.s32 $_size__tile_overlayer_lowered;
	s6 =	simm.s32 $_tile_overlayer_lowered  }
0xa1: {  	s7 =	simm.s32 $0x1BFF;
	s21 =	sshll.u32 s6, $0x1;
	s4 =	sadd.s32 s20, s19  }
0xa2: {  	s22 =	simm.s32 $0x0;
	s5 =	sshll.u32 s5, $0x1;
	s6 =	sadd.s32 s21, s4  }
0xa3: {  	[timem:s22], [sflag:s7] =	dma.local [hbm:s6], s5  }
0xa4: {  	_ =	swait.ge [sflag:s7], s5  }
0xa5: {  	s5 =	ssub.s32 $0x0, s5;
	[sflag:s7] =	ssyncset.done $0x0  }
0xa6: {  	[sflag:s7] =	ssyncadd.s32 s5;
	_ =	sdelay $0x1  }
0xa7: {  	s23 =	simm.s32 $0x1B8B  }
0xa8: {  	_ =	swait.ge [sflag:s23], $0x1  }
0xa9: {  	[sflag:s23] =	ssyncset.done $0x0  }
0xaa: {  	[sflag:s23] =	ssyncadd.s32 $0xFFFFFFFF  }
0xab: {  	s5 =	sld [smem:$0x0]  }
0xac: {  	s6 =	sand.u32 $0xFFFFFFFE, s1  }
0xad: {  	p0 =	sne.s32 s1, s6  }
0xae: {  	s6 =	sshll.u32 @p0 s6, $0xE  }
0xaf: {  	s6 =	sadd.s32 @p0 $0x11B8D, s6;
	s7 =	sshll.u32 @p0 s5, $0x11  }
0xb0: {  	s6 =	sor.u32 @p0 s7, s6  }
0xb1: {  	[sflag:s6] =	ssyncadd.remote.s32 @p0 $0x1;
	_ =	sdelay $0x1  }
0xb2: {  	s6 =	simm.s32 @p0 $0x1B8D  }
0xb3: {  	_ =	swait.eq @p0 [sflag:s6], $0x1  }
0xb4: {  	[sflag:s6] =	ssyncadd.s32 @p0 $0xFFFFFFFF  }
0xb5: {  	s7 =	sshll.u32 @!p0 s1, $0xE  }
0xb6: {  	s7 =	sor.u32 @!p0 $0x4000, s7;
	s6 =	simm.s32 @!p0 $0x1B8D  }
0xb7: {  	s5 =	sshll.u32 @!p0 s5, $0x11;
	s7 =	sadd.s32 @!p0 $0x11B8D, s7;
	_ =	swait.eq @!p0 [sflag:s6], $0x1  }
0xb8: {  	s5 =	sor.u32 @!p0 s5, s7;
	[sflag:s6] =	ssyncadd.s32 @!p0 $0xFFFFFFFF  }
0xb9: {  	s25 =	simm.s32 $0x1B8E;
	s24 =	sld [smem:$0x3FFE];
	[sflag:s5] =	ssyncadd.remote.s32 @!p0 $0x1  }
0xba: {  	s26 =	simm.s32 $execute0_lowered;
	[smem:$0x3FD2] =	sst s25  }
0xbb: {  	s6 =	sshll.u32 s26, $0x1;
	_ =	strace $0x80000049;
	[dreg:$0x1] =	wrdreg $0xFFFFFFFF  }
0xbc: {  	s28 =	simm.s32 $_size_execute0_lowered;
	s4 =	sadd.s32 s4, s6;
	[dreg:$0x0] =	wrdreg $0x0  }
0xbd: {  	s6 =	sshll.u32 s28, $0x1;
	[dreg:$0x2] =	wrdreg s4  }
0xbe: {  	[dreg:$0x3] =	wrdreg s6  }
0xbf: {  	[dreg:$0x4] =	wrdreg $0xC0  }
0xc0: {  	_ =	task [dreg:s22], $0x5FFFF  }
0xc1: {  	[dreg:$0x1] =	wrdreg $0xFFFFFFFF  }
0xc2: {  	[dreg:$0x0] =	wrdreg $0x60  }
0xc3: {  	[dreg:$0x2] =	wrdreg s24  }
0xc4: {  	[dreg:$0x3] =	wrdreg s17  }
0xc5: {  	[dreg:$0x4] =	wrdreg $0xA  }
0xc6: {  	_ =	task.clear_ibuf [dreg:s22], $0x5FFFF;
	_ =	strace $0x90000049  }
0xc7: {  	s29 =	simm.s32 $0xA;
	_ =	strace $0x8000004B  }
0xc8: {  	_ =	swait.ge [sflag:s29], $0x1  }
0xc9: {  	[sflag:s29] =	ssyncadd.s32 $0xFFFFFFFF  }
0xca: {  	_ =	strace $0x9000004B  }
0xcb: {  	_ =	sfence  }
0xcc: {  	s30 =	sld [smem:$0x0];
	_ =	sdelay $0x2  }
0xcd: {  	s31 =	sshll.u32 s1, $0xD;
	s1 =	sshrl.u32 s1, $0x2  }
0xce: {  	s4 =	sand.u32 $0x4000, s31;
	s1 =	sadd.s32 s1, s30  }
0xcf: {  	s0 =	sor.u32 s4, s0;
	s1 =	sshll.u32 s1, $0x11  }
0xd0: {  	s0 =	sor.u32 s1, s0  }
0xd1: {  	s0 =	sadd.s32 $0x8F2B, s0  }
0xd2: {  	[sflag:s0] =	ssyncadd.remote.s32 $0x1  }
0xd3: {  	_ =	sfence.sel $0xFFFF  }
0xd4: {  	[dreg:$0x0] =	wrdreg $0xFFFFFFFF;
	(pc) =	sbr.abs _section_cstart, $3  }
0xd5: {  	[dreg:$0x1] =	wrdreg $0xFFFFFFFF  }
0xd6: {  	_ =	task.clear_ibuf [dreg:s22], $0x2FFFF;
	_ =	strace $0x9FFFFFFF  }
0xd7: {  	(tm) =	ssettm $0x7FFFFFFF  }
tec
execute0_lowered:
.L_overlay_start_1:
0x0: {  	(tag) =	ssettag $0x1  }
0x1: {  	s1 =	srdreg.scid  }
0x2: {  	s8 =	rddreg [dreg:$0x0];
	s0 =	stileid.u32;
	s10 =	sand.u32 $0x1, s1  }
0x3: {  	s9 =	rddreg [dreg:$0x1];
	s3 =	sshll.u32 s0, $0x9;
	s4 =	sshll.u32 s10, $0x8  }
0x4: {  	s2 =	simm.s32 $0x0;
	s1 =	rddreg [dreg:$0x2];
	s11 =	sor.u32 s4, s3  }
0x5: {  	[smem:$0x7FF] =	sst s2;
	s3 =	sshrl.u32 s11, $0x3  }
0x6: {  	_ =	strace $0x8000004A;
	s4 =	sadd.s32 s9, s3;
	s3 =	simm.s32 $0x2  }
0x7: {  	[tilespmem:s2], [sflag:$0x2] =	stream.linear.gather [hbm4b:s4+s2], $0x80, $0x38;
	[tilespmem:$0x4080] =	vst v63  }
0x8: {  	_ =	swait.ge [sflag:s3], $0x80  }
0x9: {  	s6 =	simm.s32 $0x80;
	[sflag:s3] =	ssyncset.done $0x0  }
0xa: {  	s7 =	simm.s32 $0x1;
	s5 =	sadd.s32 $0xC4800, s8;
	[sflag:s3] =	ssyncadd.s32 $0xFFFFFF80  }
0xb: {  	[tilespmem:s6], [sflag:$0x1] =	stream.indirect.gather [hbm4b:s5+s6], $0x80, s2, s6, $0xb8;
	[tilespmem:$0x4080] =	vst v63  }
0xc: {  	_ =	swait.ge [sflag:s7], $0x4000  }
0xd: {  	s12 =	sadd.s32 $0x164800, s8;
	s28 =	sshll.u32 s11, $0x4;
	[sflag:s7] =	ssyncset.done $0x0  }
0xe: {  	s8 =	sadd.s32 s12, s28;
	[sflag:s7] =	ssyncadd.s32 $0xFFFFC000  }
0xf: {  	[hbm4b:s8+s2] =	stream.linear.scatter [tilespmem:s6], [sflag:$0x2], $0x4000, $0x38;
	[tilespmem:$0x4080] =	vst v63  }
0x10: {  	s11 =	sor.u32 $0x80, s11;
	_ =	swait.ge [sflag:s3], $0x4000  }
0x11: {  	s13 =	sshrl.u32 s11, $0x3;
	[sflag:s3] =	ssyncset.done $0x0  }
0x12: {  	s10 =	ssub.s32 $0x2, s10;
	s9 =	sadd.s32 s9, s13;
	[sflag:s3] =	ssyncadd.s32 $0xFFFFC000  }
0x13: {  	[tilespmem:s2], [sflag:$0x2] =	stream.linear.gather [hbm4b:s9+s2], $0x80, $0x38;
	[tilespmem:$0x4080] =	vst v63  }
0x14: {  	s29 =	sshrl.u32 s10, $0x1;
	_ =	swait.ge [sflag:s3], $0x80  }
0x15: {  	s13 =	ssub.s32 s10, s29;
	[sflag:s3] =	ssyncset.done $0x0  }
0x16: {  	s31 =	smax.u32 s13, $0x1;
	[sflag:s3] =	ssyncadd.s32 $0xFFFFFF80  }
0x17: {  	[tilespmem:s6], [sflag:$0x1] =	stream.indirect.gather [hbm4b:s5+s6], $0x80, s2, s6, $0xb8;
	[tilespmem:$0x4080] =	vst v63  }
0x18: {  	p0 =	sne.s32 s31, $0x1;
	_ =	swait.ge [sflag:s7], $0x4000  }
.Ltmp0:
0x19: {  	s30 =	sshll.u32 s11, $0x4;
	[sflag:s7] =	ssyncset.done $0x0;
	(pc) =	sbr.rel @!p0 .LBB2_2-.Ltmp0, $4  }
0x1a: {  	s10 =	sadd.s32 s12, s30;
	[sflag:s7] =	ssyncadd.s32 $0xFFFFC000  }
0x1b: {  	[hbm4b:s10+s2] =	stream.linear.scatter [tilespmem:s6], [sflag:$0x2], $0x4000, $0x38;
	[tilespmem:$0x4080] =	vst v63  }
0x1c: {  	_ =	swait.ge [sflag:s3], $0x4000  }
0x1d: {  	s11 =	sadd.s32 $0xFFFFFFFF, s31;
	[sflag:s3] =	ssyncset.done $0x0  }
.LBB2_1:
0x1e: {  	p0 =	sne.s32 s11, $0x1;
	s11 =	sadd.s32 $0xFFFFFFFF, s11;
	[sflag:s3] =	ssyncadd.s32 $0xFFFFC000  }
0x1f: {  	[tilespmem:s2], [sflag:$0x2] =	stream.linear.gather [hbm4b:s4+s2], $0x80, $0x38;
	[tilespmem:$0x4080] =	vst v63  }
0x20: {  	_ =	swait.ge [sflag:s3], $0x80  }
0x21: {  	[sflag:s3] =	ssyncset.done $0x0  }
0x22: {  	[sflag:s3] =	ssyncadd.s32 $0xFFFFFF80  }
0x23: {  	[tilespmem:s6], [sflag:$0x1] =	stream.indirect.gather [hbm4b:s5+s6], $0x80, s2, s6, $0xb8;
	[tilespmem:$0x4080] =	vst v63  }
0x24: {  	_ =	swait.ge [sflag:s7], $0x4000  }
0x25: {  	[sflag:s7] =	ssyncset.done $0x0  }
0x26: {  	[sflag:s7] =	ssyncadd.s32 $0xFFFFC000  }
0x27: {  	[hbm4b:s8+s2] =	stream.linear.scatter [tilespmem:s6], [sflag:$0x2], $0x4000, $0x38;
	[tilespmem:$0x4080] =	vst v63  }
0x28: {  	_ =	swait.ge [sflag:s3], $0x4000  }
0x29: {  	[sflag:s3] =	ssyncset.done $0x0  }
0x2a: {  	[sflag:s3] =	ssyncadd.s32 $0xFFFFC000  }
0x2b: {  	[tilespmem:s2], [sflag:$0x2] =	stream.linear.gather [hbm4b:s9+s2], $0x80, $0x38;
	[tilespmem:$0x4080] =	vst v63  }
0x2c: {  	_ =	swait.ge [sflag:s3], $0x80  }
0x2d: {  	[sflag:s3] =	ssyncset.done $0x0  }
0x2e: {  	[sflag:s3] =	ssyncadd.s32 $0xFFFFFF80  }
0x2f: {  	[tilespmem:s6], [sflag:$0x1] =	stream.indirect.gather [hbm4b:s5+s6], $0x80, s2, s6, $0xb8;
	[tilespmem:$0x4080] =	vst v63  }
0x30: {  	_ =	swait.ge [sflag:s7], $0x4000  }
.Ltmp1:
0x31: {  	[sflag:s7] =	ssyncset.done $0x0;
	(pc) =	sbr.rel @p0 .LBB2_1-.Ltmp1, $4  }
0x32: {  	[sflag:s7] =	ssyncadd.s32 $0xFFFFC000  }
0x33: {  	[hbm4b:s10+s2] =	stream.linear.scatter [tilespmem:s6], [sflag:$0x2], $0x4000, $0x38;
	[tilespmem:$0x4080] =	vst v63  }
0x34: {  	_ =	swait.ge [sflag:s3], $0x4000  }
0x35: {  	[sflag:s3] =	ssyncset.done $0x0  }
.LBB2_2:
0x36: {  	[sflag:s3] =	ssyncadd.s32 $0xFFFFC000  }
0x37: {  	_ =	sfence.sel $0x180000  }
0x38: {  	[bflag:$0x0] =	sbarrier.arrive $0xFFFF  }
0x39: {  	p0 =	sne.s32 s0, $0x0;
	_ =	strace $0x9000004A  }
0x3a: {  	s0 =	sadd.s32 @!p0 $0x100000, s1;
	[bflag:$0x2] =	sbarrier.arrive $0xFFFF  }
0x3b: {  	[sflag:s0] =	ssyncadd.tile.s32 @!p0 $0x1;
	_ =	shalt  }
.Lfunc_end2:
_tile_overlayer_lowered:
.L_overlay_start_2:
0x3c: {  	(tag) =	ssettag $0x2  }
0x3d: {  	s0 =	rddreg [dreg:$0x0];
	s2 =	stileid.u32  }
0x3e: {  	s1 =	rddreg [dreg:$0x1];
	p0 =	sne.s32 s2, $0x0  }
0x3f: {  	s3 =	rddreg [dreg:$0x2];
	[bflag:$0x3] =	sbarrier.arrive $0xFFFF;
	s2 =	simm.s32 @!p0 $0x1C02  }
0x40: {  	[timem:s3], [sflag:s2] =	dma.local @!p0 [hbm:s0], s1  }
0x41: {  	s0 =	simm.s32 @!p0 $0x2  }
0x42: {  	_ =	swait.ge @!p0 [sflag:s0], s1  }
0x43: {  	s1 =	ssub.s32 @!p0 $0x0, s1;
	[sflag:s0] =	ssyncset.done @!p0 $0x0  }
0x44: {  	[sflag:s0] =	ssyncadd.s32 @!p0 s1  }
0x45: {  	[bflag:$0x3] =	sbarrier.arrive $0xFFFF  }
0x46: {  	_ =	shalt  }

// kernel: kernel.65.cloned.1.call-start
scs
__scs_entry_jumppad:
0x0: {  	(pc) =	sbr.rel $0x88, $3  }
0x1: {  	(tag) =	ssettag $0x0;
	lr =	simm.s32 $0x1  }
0x2: {  	[smem:$0x3F92] =	sst lr;
	_ =	strace $0xD0000000  }
0x3: {  	_ = 	snop  }
0x4: {  	_ = 	snop  }
0x5: {  	_ = 	snop  }
0x6: {  	_ = 	snop  }
0x7: {  	_ = 	snop  }
__scs_overlays_trampoline_lowered:
0x8: {  	[smem:$0x3FA1] =	sst s0  }
0x9: {  	[smem:$0x3FA2] =	sst s1  }
0xa: {  	[smem:$0x3FA3] =	sst s2  }
0xb: {  	[smem:$0x3FA4] =	sst s3  }
0xc: {  	[smem:$0x3FA5] =	sst s4  }
0xd: {  	[smem:$0x3FA6] =	sst s5  }
0xe: {  	[smem:$0x3FA7] =	sst s6  }
0xf: {  	[smem:$0x3FA8] =	sst s7  }
0x10: {  	[smem:$0x3FA9] =	sst s8  }
0x11: {  	[smem:$0x3FAA] =	sst s9;
	s0 =	simm.s32 @!p0 $0x0  }
0x12: {  	s1 =	sld [smem:$0x3F90];
	s0 =	simm.s32 @p0 $0x1  }
0x13: {  	[smem:$0x3FAB] =	sst s0;
	s0 =	simm.s32 @!p1 $0x0  }
0x14: {  	s2 =	sld [smem:$0x3F8F];
	s0 =	simm.s32 @p1 $0x1  }
0x15: {  	[smem:$0x3FAC] =	sst s0;
	s0 =	simm.s32 @!p2 $0x0  }
0x16: {  	s3 =	sld [smem:$0x3FDB];
	s0 =	simm.s32 @p2 $0x1  }
0x17: {  	s4 =	simm.s32 $0x1BF5;
	[smem:$0x3FAE] =	sst s0  }
0x18: {  	s0 =	sld [smem:$0x3F91];
	_ =	swait.ge [sflag:s4], $0x0  }
0x19: {  	s7 =	sld [smem:$0x3F92]  }
0x1a: {  	s8 =	sadd.s32 $0xFFFFE003, lr  }
0x1b: {  	s9 =	sadd.s32 $0xFFFFFEF7, lr;
	s5 =	simm.s32 $0xFFFFFFFF;
	p2 =	slt.u32 s8, $0xFFFFF086  }
0x1c: {  	p1 =	slt.u32 s9, $0xF7A;
	s5 =	simm.s32 @!p2 $0x0  }
0x1d: {  	s5 =	simm.s32 @p1 $0x1;
	p0 =	seq.s32 s7, s2  }
0x1e: {  	s7 =	smul.u32 @!p0 $0xF7A, s2;
	p2 =	seq.s32 @!p0 s5, $0x0  }
0x1f: {  	s9 =	smul.u32 $0xF7A, s1;
	s8 =	simm.s32 @!p0 $0x1BF5;
	p2 =	por !p2, p0  }
0x20: {  	[sflag:s8] =	ssyncset.s32 @!p0 $0xFFFFF086;
	s6 =	sadd.s32 @!p0 s3, s7;
	s7 =	simm.s32 @!p0 $0x108  }
0x21: {  	s3 =	sadd.s32 s3, s9;
	s6 =	sadd.s32 @!p0 $0x88, s6;
	s7 =	simm.s32 @p2 $0x1082  }
0x22: {  	[simem:s7], [sflag:s8] =	dma.local @!p0 [hbm:s6], $0xF7A  }
0x23: {  	s9 =	sor.u32 $0xD0000000, s2;
	s6 =	simm.s32 $0x108;
	_ =	swait.ge @!p0 [sflag:s8], $0x0  }
0x24: {  	s3 =	sadd.s32 $0x88, s3;
	s6 =	simm.s32 @!p1 $0x1082;
	[sflag:s4] =	ssyncset.s32 $0xFFFFF086  }
0x25: {  	[simem:s6], [sflag:s4] =	dma.local [hbm:s3], $0xF7A  }
0x26: {  	[smem:$0x3F92] =	sst s1;
	(tag) =	ssettag s2;
	_ =	strace s9  }
0x27: {  	s1 =	sld [smem:$0x3FA2]  }
0x28: {  	s2 =	sld [smem:$0x3FA3]  }
0x29: {  	s4 =	sld [smem:$0x3FA5]  }
0x2a: {  	p0 =	seq.s32 s5, $0x0;
	s5 =	sld [smem:$0x3FA6]  }
0x2b: {  	s6 =	sld [smem:$0x3FA7]  }
0x2c: {  	s7 =	sld [smem:$0x3FA8]  }
0x2d: {  	s3 =	simm.s32 $0x108;
	s8 =	sld [smem:$0x3FA9]  }
0x2e: {  	s3 =	simm.s32 @!p0 $0x1082;
	s9 =	sld [smem:$0x3FAA]  }
0x2f: {  	lr =	sadd.s32 s0, s3;
	s0 =	sld [smem:$0x3FA1]  }
0x30: {  	s3 =	sld [smem:$0x3FA4]  }
0x31: {  	[smem:$0x3FAD] =	sst s10  }
0x32: {  	s10 =	sld [smem:$0x3FAB];
	_ =	sdelay $0x3  }
0x33: {  	p0 =	seq.s32 s10, $0x1;
	s10 =	sld [smem:$0x3FAD];
	_ =	sdelay $0x3  }
0x34: {  	[smem:$0x3FAD] =	sst s10  }
0x35: {  	s10 =	sld [smem:$0x3FAC];
	_ =	sdelay $0x3  }
0x36: {  	p1 =	seq.s32 s10, $0x1;
	s10 =	sld [smem:$0x3FAD];
	_ =	sdelay $0x3  }
0x37: {  	[smem:$0x3FAD] =	sst s10  }
0x38: {  	s10 =	sld [smem:$0x3FAE]  }
0x39: {  	_ = 	snop;
	(pc) =	sbr.ind lr, $3  }
0x3a: {  	_ = 	snop  }
0x3b: {  	_ = 	snop  }
0x3c: {  	p2 =	seq.s32 s10, $0x1;
	s10 =	sld [smem:$0x3FAD]  }
0x3d: {  	_ =	shalt  }
0x3e: {  	_ =	shalt  }
0x3f: {  	_ =	shalt  }
0x40: {  	_ =	shalt  }
0x41: {  	_ =	shalt  }
0x42: {  	_ =	shalt  }
0x43: {  	_ =	shalt  }
0x44: {  	_ =	shalt  }
0x45: {  	_ =	shalt  }
0x46: {  	_ =	shalt  }
0x47: {  	_ =	shalt  }
0x48: {  	_ =	shalt  }
0x49: {  	_ =	shalt  }
0x4a: {  	_ =	shalt  }
0x4b: {  	_ =	shalt  }
0x4c: {  	_ =	shalt  }
0x4d: {  	_ =	shalt  }
0x4e: {  	_ =	shalt  }
0x4f: {  	_ =	shalt  }
0x50: {  	_ =	shalt  }
0x51: {  	_ =	shalt  }
0x52: {  	_ =	shalt  }
0x53: {  	_ =	shalt  }
0x54: {  	_ =	shalt  }
0x55: {  	_ =	shalt  }
0x56: {  	_ =	shalt  }
0x57: {  	_ =	shalt  }
0x58: {  	_ =	shalt  }
0x59: {  	_ =	shalt  }
0x5a: {  	_ =	shalt  }
0x5b: {  	_ =	shalt  }
0x5c: {  	_ =	shalt  }
0x5d: {  	_ =	shalt  }
0x5e: {  	_ =	shalt  }
0x5f: {  	_ =	shalt  }
0x60: {  	_ =	shalt  }
0x61: {  	_ =	shalt  }
0x62: {  	_ =	shalt  }
0x63: {  	_ =	shalt  }
0x64: {  	_ =	shalt  }
0x65: {  	_ =	shalt  }
0x66: {  	_ =	shalt  }
0x67: {  	_ =	shalt  }
0x68: {  	_ =	shalt  }
0x69: {  	_ =	shalt  }
0x6a: {  	_ =	shalt  }
0x6b: {  	_ =	shalt  }
0x6c: {  	_ =	shalt  }
0x6d: {  	_ =	shalt  }
0x6e: {  	_ =	shalt  }
0x6f: {  	_ =	shalt  }
0x70: {  	_ =	shalt  }
0x71: {  	_ =	shalt  }
0x72: {  	_ =	shalt  }
0x73: {  	_ =	shalt  }
0x74: {  	_ =	shalt  }
0x75: {  	_ =	shalt  }
0x76: {  	_ =	shalt  }
0x77: {  	_ =	shalt  }
0x78: {  	_ =	shalt  }
0x79: {  	_ =	shalt  }
0x7a: {  	_ =	shalt  }
0x7b: {  	_ =	shalt  }
0x7c: {  	_ =	shalt  }
0x7d: {  	_ =	shalt  }
0x7e: {  	_ =	shalt  }
0x7f: {  	_ =	shalt  }
0x80: {  	_ =	shalt  }
0x81: {  	_ =	shalt  }
0x82: {  	_ =	shalt  }
0x83: {  	_ =	shalt  }
0x84: {  	_ =	shalt  }
0x85: {  	_ =	shalt  }
0x86: {  	_ =	shalt  }
0x87: {  	_ =	shalt  }
.Lfunc_end0:
.L_simem_size_0:
called_computation.11_lowered:
.L_overlay_start_0:
0x88: {  	s2 =	sld [smem:$0x3FD9]  }
0x89: {  	s3 =	sld [smem:$0x3FFE];
	_ =	sdelay $0x1  }
0x8a: {  	s1 =	srdreg.scid  }
0x8b: {  	s0 =	sand.u32 $0x1, s1  }
0x8c: {  	s16 =	sshll.u32 s0, $0xA;
	s2 =	sadd.s32 s3, s2  }
0x8d: {  	s2 =	sadd.s32 s2, s16  }
0x8e: {  	[smem:$0x3FB9] =	sst s2  }
0x8f: {  	_ = 	snop  }
0x90: {  	(tm) =	ssettm $0x1  }
0x91: {  	s17 =	sld [smem:$0x3FFB];
	_ =	sdelay $0x3  }
0x92: {  	_ =	strace s17  }
0x93: {  	s2 =	sld [smem:$0x3FFC];
	_ =	sdelay $0x3  }
0x94: {  	_ =	strace s2  }
0x95: {  	s2 =	sld [smem:$0x3FFD];
	_ =	sdelay $0x3  }
0x96: {  	_ =	strace s2  }
0x97: {  	_ =	strace $0x8FFFFFFF  }
0x98: {  	s18 =	sld [smem:$0x3FDB];
	_ =	sdelay $0x1  }
0x99: {  	s19 =	simm.s32 $_scs_section_size  }
0x9a: {  	s4 =	simm.s32 $_size__tile_overlayer_lowered;
	s5 =	simm.s32 $_tile_overlayer_lowered  }
0x9b: {  	s22 =	simm.s32 $0x1BFF;
	s21 =	sshll.u32 s5, $0x1;
	s2 =	sadd.s32 s19, s18  }
0x9c: {  	s6 =	simm.s32 $0x0;
	s20 =	sshll.u32 s4, $0x1;
	s4 =	sadd.s32 s21, s2  }
0x9d: {  	[timem:s6], [sflag:s22] =	dma.local [hbm:s4], s20  }
0x9e: {  	_ =	swait.ge [sflag:s22], s20  }
0x9f: {  	s3 =	ssub.s32 $0x0, s20;
	[sflag:s22] =	ssyncset.done $0x0  }
0xa0: {  	[sflag:s22] =	ssyncadd.s32 s3;
	_ =	sdelay $0x1  }
0xa1: {  	s23 =	simm.s32 $0x1B8B  }
0xa2: {  	_ =	swait.ge [sflag:s23], $0x1  }
0xa3: {  	[sflag:s23] =	ssyncset.done $0x0  }
0xa4: {  	s25 =	simm.s32 $0x1B8E;
	s24 =	sld [smem:$0x3FFE];
	[sflag:s23] =	ssyncadd.s32 $0xFFFFFFFF  }
0xa5: {  	s26 =	simm.s32 $execute0_lowered;
	[smem:$0x3FD2] =	sst s25  }
0xa6: {  	s4 =	sshll.u32 s26, $0x1;
	_ =	strace $0x8000004C;
	[dreg:$0x1] =	wrdreg $0xFFFFFFFF  }
0xa7: {  	s28 =	simm.s32 $_size_execute0_lowered;
	s2 =	sadd.s32 s2, s4;
	[dreg:$0x0] =	wrdreg $0x0  }
0xa8: {  	s4 =	sshll.u32 s28, $0x1;
	[dreg:$0x2] =	wrdreg s2  }
0xa9: {  	[dreg:$0x3] =	wrdreg s4  }
0xaa: {  	[dreg:$0x4] =	wrdreg $0xC0  }
0xab: {  	_ =	task [dreg:s6], $0x5FFFF  }
0xac: {  	[dreg:$0x1] =	wrdreg $0xFFFFFFFF  }
0xad: {  	[dreg:$0x0] =	wrdreg $0x60  }
0xae: {  	[dreg:$0x2] =	wrdreg s24  }
0xaf: {  	[dreg:$0x3] =	wrdreg $0xA  }
0xb0: {  	_ =	task.clear_ibuf [dreg:s6], $0x4FFFF;
	_ =	strace $0x9000004C  }
0xb1: {  	s29 =	simm.s32 $0xA;
	_ =	strace $0x8000004E  }
0xb2: {  	_ =	swait.ge [sflag:s29], $0x1  }
0xb3: {  	[sflag:s29] =	ssyncadd.s32 $0xFFFFFFFF  }
0xb4: {  	_ =	strace $0x9000004E  }
0xb5: {  	_ =	sfence  }
0xb6: {  	s30 =	sld [smem:$0x0];
	_ =	sdelay $0x2  }
0xb7: {  	s31 =	sshll.u32 s1, $0xD;
	s1 =	sshrl.u32 s1, $0x2  }
0xb8: {  	s3 =	sand.u32 $0x4000, s31;
	s1 =	sadd.s32 s1, s30  }
0xb9: {  	s0 =	sor.u32 s3, s0;
	s1 =	sshll.u32 s1, $0x11  }
0xba: {  	s0 =	sor.u32 s1, s0  }
0xbb: {  	s0 =	sadd.s32 $0x8F2B, s0  }
0xbc: {  	[sflag:s0] =	ssyncadd.remote.s32 $0x1  }
0xbd: {  	_ =	sfence.sel $0xFFFF  }
0xbe: {  	[dreg:$0x0] =	wrdreg $0xFFFFFFFF;
	(pc) =	sbr.abs _section_cstart, $3  }
0xbf: {  	[dreg:$0x1] =	wrdreg $0xFFFFFFFF  }
0xc0: {  	_ =	task.clear_ibuf [dreg:s6], $0x2FFFF;
	_ =	strace $0x9FFFFFFF  }
0xc1: {  	(tm) =	ssettm $0x7FFFFFFF  }
tec
execute0_lowered:
.L_overlay_start_1:
0x0: {  	(tag) =	ssettag $0x1  }
0x1: {  	s4 =	rddreg [dreg:$0x0]  }
0x2: {  	s0 =	rddreg [dreg:$0x1];
	s2 =	simm.s32 $0x0;
	s3 =	srdreg.scid  }
0x3: {  	s1 =	stileid.u32;
	s10 =	simm.s32 $0x0;
	[smem:$0x7FF] =	sst s2  }
0x4: {  	s5 =	sand.u32 $0x1, s3;
	s6 =	sshll.u32 s1, $0xE;
	s3 =	sadd.s32 $0xC4800, s4  }
0x5: {  	s8 =	sshll.u32 s1, $0x12;
	_ =	strace $0x8000004D;
	s7 =	sshll.u32 s5, $0xD  }
0x6: {  	s31 =	ssub.s32 $0x2, s5;
	s8 =	sadd.s32 s8, s4;
	s5 =	sshll.u32 s5, $0x11  }
0x7: {  	s6 =	sor.u32 s7, s6;
	s9 =	sshrl.u32 s31, $0x1;
	s5 =	sadd.s32 s5, s8  }
0x8: {  	s8 =	simm.s32 $0x80;
	s6 =	sshrl.u32 s6, $0x3;
	s7 =	ssub.s32 s31, s9  }
0x9: {  	s5 =	sadd.s32 $0x185C00, s5;
	s9 =	simm.s32 $0x1;
	s6 =	sadd.s32 s6, s4  }
0xa: {  	s4 =	smax.u32 s7, $0x1;
	s7 =	simm.s32 $0x2;
	s6 =	sadd.s32 $0x24C00, s6  }
.LBB2_1:
0xb: {  	s11 =	sadd.s32 $0x0, s6  }
0xc: {  	[tilespmem:s2], [sflag:$0x2] =	stream.linear.gather [hbm4b:s11+s2], $0x80, $0x38;
	[tilespmem:$0x4080] =	vst v63  }
0xd: {  	_ =	swait.ge [sflag:s7], $0x80  }
0xe: {  	[sflag:s7] =	ssyncset.done $0x0  }
0xf: {  	[sflag:s7] =	ssyncadd.s32 $0xFFFFFF80  }
0x10: {  	[tilespmem:s8], [sflag:$0x1] =	stream.indirect.gather [hbm4b:s3+s8], $0x80, s2, s8, $0xb8;
	[tilespmem:$0x4080] =	vst v63  }
0x11: {  	_ =	swait.ge [sflag:s9], $0x4000  }
0x12: {  	[sflag:s9] =	ssyncset.done $0x0  }
0x13: {  	[sflag:s9] =	ssyncadd.s32 $0xFFFFC000  }
0x14: {  	[hbm4b:s5+s2] =	stream.linear.scatter [tilespmem:s8], [sflag:$0x2], $0x4000, $0x38;
	[tilespmem:$0x4080] =	vst v63  }
0x15: {  	s12 =	simm.s32 $0x10;
	_ =	swait.ge [sflag:s7], $0x4000  }
0x16: {  	s13 =	simm.s32 $0x20;
	s11 =	sadd.s32 $0x800, s5;
	[sflag:s7] =	ssyncset.done $0x0  }
.LBB2_2:
0x17: {  	s14 =	sadd.s32 s12, s6  }
0x18: {  	[sflag:s7] =	ssyncadd.s32 $0xFFFFC000;
	s12 =	smov.u32 s13;
	s15 =	sadd.s32 $0x10, s13  }
0x19: {  	[tilespmem:s2], [sflag:$0x2] =	stream.linear.gather [hbm4b:s14+s2], $0x80, $0x38;
	[tilespmem:$0x4080] =	vst v63  }
0x1a: {  	p0 =	sne.s32 s13, $0x3F0;
	_ =	swait.ge [sflag:s7], $0x80  }
0x1b: {  	[sflag:s7] =	ssyncset.done $0x0  }
0x1c: {  	[sflag:s7] =	ssyncadd.s32 $0xFFFFFF80  }
0x1d: {  	[tilespmem:s8], [sflag:$0x1] =	stream.indirect.gather [hbm4b:s3+s8], $0x80, s2, s8, $0xb8;
	[tilespmem:$0x4080] =	vst v63  }
0x1e: {  	_ =	swait.ge [sflag:s9], $0x4000  }
.Ltmp0:
0x1f: {  	[sflag:s9] =	ssyncset.done $0x0;
	(pc) =	sbr.rel @p0 .LBB2_2-.Ltmp0, $4  }
0x20: {  	[sflag:s9] =	ssyncadd.s32 $0xFFFFC000  }
0x21: {  	[hbm4b:s11+s2] =	stream.linear.scatter [tilespmem:s8], [sflag:$0x2], $0x4000, $0x38;
	[tilespmem:$0x4080] =	vst v63  }
0x22: {  	_ =	swait.ge [sflag:s7], $0x4000  }
0x23: {  	s13 =	smov.u32 s15;
	s11 =	sadd.s32 $0x800, s11;
	[sflag:s7] =	ssyncset.done $0x0  }
0x24: {  	s12 =	sadd.s32 s12, s6;
	[sflag:s7] =	ssyncadd.s32 $0xFFFFC000  }
0x25: {  	[tilespmem:s2], [sflag:$0x2] =	stream.linear.gather [hbm4b:s12+s2], $0x80, $0x38;
	[tilespmem:$0x4080] =	vst v63  }
0x26: {  	_ =	swait.ge [sflag:s7], $0x80  }
0x27: {  	[sflag:s7] =	ssyncset.done $0x0  }
0x28: {  	[sflag:s7] =	ssyncadd.s32 $0xFFFFFF80  }
0x29: {  	[tilespmem:s8], [sflag:$0x1] =	stream.indirect.gather [hbm4b:s3+s8], $0x80, s2, s8, $0xb8;
	[tilespmem:$0x4080] =	vst v63  }
0x2a: {  	s10 =	sadd.s32 $0x1, s10;
	_ =	swait.ge [sflag:s9], $0x4000  }
0x2b: {  	p0 =	sne.s32 s10, s4;
	[sflag:s9] =	ssyncset.done $0x0  }
.Ltmp1:
0x2c: {  	[sflag:s9] =	ssyncadd.s32 $0xFFFFC000;
	(pc) =	sbr.rel @p0 .LBB2_1-.Ltmp1, $4  }
0x2d: {  	[hbm4b:s11+s2] =	stream.linear.scatter [tilespmem:s8], [sflag:$0x2], $0x4000, $0x38;
	[tilespmem:$0x4080] =	vst v63  }
0x2e: {  	_ =	swait.ge [sflag:s7], $0x4000  }
0x2f: {  	[sflag:s7] =	ssyncset.done $0x0  }
0x30: {  	[sflag:s7] =	ssyncadd.s32 $0xFFFFC000  }
0x31: {  	_ =	sfence.sel $0x180000  }
0x32: {  	[bflag:$0x0] =	sbarrier.arrive $0xFFFF  }
0x33: {  	p0 =	sne.s32 s1, $0x0;
	_ =	strace $0x9000004D  }
0x34: {  	s0 =	sadd.s32 @!p0 $0x100000, s0;
	[bflag:$0x2] =	sbarrier.arrive $0xFFFF  }
0x35: {  	[sflag:s0] =	ssyncadd.tile.s32 @!p0 $0x1;
	_ =	shalt  }
.Lfunc_end2:
_tile_overlayer_lowered:
.L_overlay_start_2:
0x36: {  	(tag) =	ssettag $0x2  }
0x37: {  	s0 =	rddreg [dreg:$0x0];
	s2 =	stileid.u32  }
0x38: {  	s1 =	rddreg [dreg:$0x1];
	p0 =	sne.s32 s2, $0x0  }
0x39: {  	s3 =	rddreg [dreg:$0x2];
	[bflag:$0x3] =	sbarrier.arrive $0xFFFF;
	s2 =	simm.s32 @!p0 $0x1C02  }
0x3a: {  	[timem:s3], [sflag:s2] =	dma.local @!p0 [hbm:s0], s1  }
0x3b: {  	s0 =	simm.s32 @!p0 $0x2  }
0x3c: {  	_ =	swait.ge @!p0 [sflag:s0], s1  }
0x3d: {  	s1 =	ssub.s32 @!p0 $0x0, s1;
	[sflag:s0] =	ssyncset.done @!p0 $0x0  }
0x3e: {  	[sflag:s0] =	ssyncadd.s32 @!p0 s1  }
0x3f: {  	[bflag:$0x3] =	sbarrier.arrive $0xFFFF  }
0x40: {  	_ =	shalt  }

// kernel: kernel.68.cloned.1.call-start
scs
__scs_entry_jumppad:
0x0: {  	(pc) =	sbr.rel $0x88, $3  }
0x1: {  	(tag) =	ssettag $0x0;
	lr =	simm.s32 $0x1  }
0x2: {  	[smem:$0x3F92] =	sst lr;
	_ =	strace $0xD0000000  }
0x3: {  	_ = 	snop  }
0x4: {  	_ = 	snop  }
0x5: {  	_ = 	snop  }
0x6: {  	_ = 	snop  }
0x7: {  	_ = 	snop  }
__scs_overlays_trampoline_lowered:
0x8: {  	[smem:$0x3FA1] =	sst s0  }
0x9: {  	[smem:$0x3FA2] =	sst s1  }
0xa: {  	[smem:$0x3FA3] =	sst s2  }
0xb: {  	[smem:$0x3FA4] =	sst s3  }
0xc: {  	[smem:$0x3FA5] =	sst s4  }
0xd: {  	[smem:$0x3FA6] =	sst s5  }
0xe: {  	[smem:$0x3FA7] =	sst s6  }
0xf: {  	[smem:$0x3FA8] =	sst s7  }
0x10: {  	[smem:$0x3FA9] =	sst s8  }
0x11: {  	[smem:$0x3FAA] =	sst s9;
	s0 =	simm.s32 @!p0 $0x0  }
0x12: {  	s1 =	sld [smem:$0x3F90];
	s0 =	simm.s32 @p0 $0x1  }
0x13: {  	[smem:$0x3FAB] =	sst s0;
	s0 =	simm.s32 @!p1 $0x0  }
0x14: {  	s2 =	sld [smem:$0x3F8F];
	s0 =	simm.s32 @p1 $0x1  }
0x15: {  	[smem:$0x3FAC] =	sst s0;
	s0 =	simm.s32 @!p2 $0x0  }
0x16: {  	s3 =	sld [smem:$0x3FDB];
	s0 =	simm.s32 @p2 $0x1  }
0x17: {  	s4 =	simm.s32 $0x1BF5;
	[smem:$0x3FAE] =	sst s0  }
0x18: {  	s0 =	sld [smem:$0x3F91];
	_ =	swait.ge [sflag:s4], $0x0  }
0x19: {  	s7 =	sld [smem:$0x3F92]  }
0x1a: {  	s8 =	sadd.s32 $0xFFFFE003, lr  }
0x1b: {  	s9 =	sadd.s32 $0xFFFFFEF7, lr;
	s5 =	simm.s32 $0xFFFFFFFF;
	p2 =	slt.u32 s8, $0xFFFFF086  }
0x1c: {  	p1 =	slt.u32 s9, $0xF7A;
	s5 =	simm.s32 @!p2 $0x0  }
0x1d: {  	s5 =	simm.s32 @p1 $0x1;
	p0 =	seq.s32 s7, s2  }
0x1e: {  	s7 =	smul.u32 @!p0 $0xF7A, s2;
	p2 =	seq.s32 @!p0 s5, $0x0  }
0x1f: {  	s9 =	smul.u32 $0xF7A, s1;
	s8 =	simm.s32 @!p0 $0x1BF5;
	p2 =	por !p2, p0  }
0x20: {  	[sflag:s8] =	ssyncset.s32 @!p0 $0xFFFFF086;
	s6 =	sadd.s32 @!p0 s3, s7;
	s7 =	simm.s32 @!p0 $0x108  }
0x21: {  	s3 =	sadd.s32 s3, s9;
	s6 =	sadd.s32 @!p0 $0x88, s6;
	s7 =	simm.s32 @p2 $0x1082  }
0x22: {  	[simem:s7], [sflag:s8] =	dma.local @!p0 [hbm:s6], $0xF7A  }
0x23: {  	s9 =	sor.u32 $0xD0000000, s2;
	s6 =	simm.s32 $0x108;
	_ =	swait.ge @!p0 [sflag:s8], $0x0  }
0x24: {  	s3 =	sadd.s32 $0x88, s3;
	s6 =	simm.s32 @!p1 $0x1082;
	[sflag:s4] =	ssyncset.s32 $0xFFFFF086  }
0x25: {  	[simem:s6], [sflag:s4] =	dma.local [hbm:s3], $0xF7A  }
0x26: {  	[smem:$0x3F92] =	sst s1;
	(tag) =	ssettag s2;
	_ =	strace s9  }
0x27: {  	s1 =	sld [smem:$0x3FA2]  }
0x28: {  	s2 =	sld [smem:$0x3FA3]  }
0x29: {  	s4 =	sld [smem:$0x3FA5]  }
0x2a: {  	p0 =	seq.s32 s5, $0x0;
	s5 =	sld [smem:$0x3FA6]  }
0x2b: {  	s6 =	sld [smem:$0x3FA7]  }
0x2c: {  	s7 =	sld [smem:$0x3FA8]  }
0x2d: {  	s3 =	simm.s32 $0x108;
	s8 =	sld [smem:$0x3FA9]  }
0x2e: {  	s3 =	simm.s32 @!p0 $0x1082;
	s9 =	sld [smem:$0x3FAA]  }
0x2f: {  	lr =	sadd.s32 s0, s3;
	s0 =	sld [smem:$0x3FA1]  }
0x30: {  	s3 =	sld [smem:$0x3FA4]  }
0x31: {  	[smem:$0x3FAD] =	sst s10  }
0x32: {  	s10 =	sld [smem:$0x3FAB];
	_ =	sdelay $0x3  }
0x33: {  	p0 =	seq.s32 s10, $0x1;
	s10 =	sld [smem:$0x3FAD];
	_ =	sdelay $0x3  }
0x34: {  	[smem:$0x3FAD] =	sst s10  }
0x35: {  	s10 =	sld [smem:$0x3FAC];
	_ =	sdelay $0x3  }
0x36: {  	p1 =	seq.s32 s10, $0x1;
	s10 =	sld [smem:$0x3FAD];
	_ =	sdelay $0x3  }
0x37: {  	[smem:$0x3FAD] =	sst s10  }
0x38: {  	s10 =	sld [smem:$0x3FAE]  }
0x39: {  	_ = 	snop;
	(pc) =	sbr.ind lr, $3  }
0x3a: {  	_ = 	snop  }
0x3b: {  	_ = 	snop  }
0x3c: {  	p2 =	seq.s32 s10, $0x1;
	s10 =	sld [smem:$0x3FAD]  }
0x3d: {  	_ =	shalt  }
0x3e: {  	_ =	shalt  }
0x3f: {  	_ =	shalt  }
0x40: {  	_ =	shalt  }
0x41: {  	_ =	shalt  }
0x42: {  	_ =	shalt  }
0x43: {  	_ =	shalt  }
0x44: {  	_ =	shalt  }
0x45: {  	_ =	shalt  }
0x46: {  	_ =	shalt  }
0x47: {  	_ =	shalt  }
0x48: {  	_ =	shalt  }
0x49: {  	_ =	shalt  }
0x4a: {  	_ =	shalt  }
0x4b: {  	_ =	shalt  }
0x4c: {  	_ =	shalt  }
0x4d: {  	_ =	shalt  }
0x4e: {  	_ =	shalt  }
0x4f: {  	_ =	shalt  }
0x50: {  	_ =	shalt  }
0x51: {  	_ =	shalt  }
0x52: {  	_ =	shalt  }
0x53: {  	_ =	shalt  }
0x54: {  	_ =	shalt  }
0x55: {  	_ =	shalt  }
0x56: {  	_ =	shalt  }
0x57: {  	_ =	shalt  }
0x58: {  	_ =	shalt  }
0x59: {  	_ =	shalt  }
0x5a: {  	_ =	shalt  }
0x5b: {  	_ =	shalt  }
0x5c: {  	_ =	shalt  }
0x5d: {  	_ =	shalt  }
0x5e: {  	_ =	shalt  }
0x5f: {  	_ =	shalt  }
0x60: {  	_ =	shalt  }
0x61: {  	_ =	shalt  }
0x62: {  	_ =	shalt  }
0x63: {  	_ =	shalt  }
0x64: {  	_ =	shalt  }
0x65: {  	_ =	shalt  }
0x66: {  	_ =	shalt  }
0x67: {  	_ =	shalt  }
0x68: {  	_ =	shalt  }
0x69: {  	_ =	shalt  }
0x6a: {  	_ =	shalt  }
0x6b: {  	_ =	shalt  }
0x6c: {  	_ =	shalt  }
0x6d: {  	_ =	shalt  }
0x6e: {  	_ =	shalt  }
0x6f: {  	_ =	shalt  }
0x70: {  	_ =	shalt  }
0x71: {  	_ =	shalt  }
0x72: {  	_ =	shalt  }
0x73: {  	_ =	shalt  }
0x74: {  	_ =	shalt  }
0x75: {  	_ =	shalt  }
0x76: {  	_ =	shalt  }
0x77: {  	_ =	shalt  }
0x78: {  	_ =	shalt  }
0x79: {  	_ =	shalt  }
0x7a: {  	_ =	shalt  }
0x7b: {  	_ =	shalt  }
0x7c: {  	_ =	shalt  }
0x7d: {  	_ =	shalt  }
0x7e: {  	_ =	shalt  }
0x7f: {  	_ =	shalt  }
0x80: {  	_ =	shalt  }
0x81: {  	_ =	shalt  }
0x82: {  	_ =	shalt  }
0x83: {  	_ =	shalt  }
0x84: {  	_ =	shalt  }
0x85: {  	_ =	shalt  }
0x86: {  	_ =	shalt  }
0x87: {  	_ =	shalt  }
.Lfunc_end0:
.L_simem_size_0:
called_computation.12_lowered:
.L_overlay_start_0:
0x88: {  	s2 =	sld [smem:$0x3FD9]  }
0x89: {  	s3 =	sld [smem:$0x3FFE];
	_ =	sdelay $0x1  }
0x8a: {  	s1 =	srdreg.scid  }
0x8b: {  	s0 =	sand.u32 $0x1, s1  }
0x8c: {  	s15 =	sshll.u32 s0, $0xA;
	s2 =	sadd.s32 s3, s2  }
0x8d: {  	s2 =	sadd.s32 s2, s15  }
0x8e: {  	[smem:$0x3FB9] =	sst s2  }
0x8f: {  	_ = 	snop  }
0x90: {  	s2 =	sld [smem:$0x3FD0];
	_ =	sdelay $0x2  }
0x91: {  	s16 =	simm.s32 $0xD;
	s4 =	simm.s32 $0x10  }
0x92: {  	[smem:s4], [sflag:s16] =	dma.local [hbm:s2], $0x1  }
0x93: {  	_ =	swait.eq [sflag:s16], $0x1  }
0x94: {  	[sflag:s16] =	ssyncset.done $0x0  }
0x95: {  	[sflag:s16] =	ssyncadd.s32 $0xFFFFFFFF  }
0x96: {  	s17 =	sld [smem:$0x11];
	(tm) =	ssettm $0x1  }
0x97: {  	s18 =	sld [smem:$0x3FFB];
	_ =	sdelay $0x3  }
0x98: {  	_ =	strace s18  }
0x99: {  	s2 =	sld [smem:$0x3FFC];
	_ =	sdelay $0x3  }
0x9a: {  	_ =	strace s2  }
0x9b: {  	s2 =	sld [smem:$0x3FFD];
	_ =	sdelay $0x3  }
0x9c: {  	_ =	strace s2  }
0x9d: {  	_ =	strace $0x8FFFFFFF  }
0x9e: {  	s19 =	sld [smem:$0x3FDB];
	_ =	sdelay $0x1  }
0x9f: {  	s20 =	simm.s32 $_scs_section_size  }
0xa0: {  	s5 =	simm.s32 $_size__tile_overlayer_lowered;
	s6 =	simm.s32 $_tile_overlayer_lowered  }
0xa1: {  	s7 =	simm.s32 $0x1BFF;
	s21 =	sshll.u32 s6, $0x1;
	s4 =	sadd.s32 s20, s19  }
0xa2: {  	s22 =	simm.s32 $0x0;
	s5 =	sshll.u32 s5, $0x1;
	s6 =	sadd.s32 s21, s4  }
0xa3: {  	[timem:s22], [sflag:s7] =	dma.local [hbm:s6], s5  }
0xa4: {  	_ =	swait.ge [sflag:s7], s5  }
0xa5: {  	s5 =	ssub.s32 $0x0, s5;
	[sflag:s7] =	ssyncset.done $0x0  }
0xa6: {  	[sflag:s7] =	ssyncadd.s32 s5;
	_ =	sdelay $0x1  }
0xa7: {  	s23 =	simm.s32 $0x1B8B  }
0xa8: {  	_ =	swait.ge [sflag:s23], $0x1  }
0xa9: {  	[sflag:s23] =	ssyncset.done $0x0  }
0xaa: {  	[sflag:s23] =	ssyncadd.s32 $0xFFFFFFFF  }
0xab: {  	s5 =	sld [smem:$0x0]  }
0xac: {  	s6 =	sand.u32 $0xFFFFFFFE, s1  }
0xad: {  	p0 =	sne.s32 s1, s6  }
0xae: {  	s6 =	sshll.u32 @p0 s6, $0xE  }
0xaf: {  	s6 =	sadd.s32 @p0 $0x11B8D, s6;
	s7 =	sshll.u32 @p0 s5, $0x11  }
0xb0: {  	s6 =	sor.u32 @p0 s7, s6  }
0xb1: {  	[sflag:s6] =	ssyncadd.remote.s32 @p0 $0x1;
	_ =	sdelay $0x1  }
0xb2: {  	s6 =	simm.s32 @p0 $0x1B8D  }
0xb3: {  	_ =	swait.eq @p0 [sflag:s6], $0x1  }
0xb4: {  	[sflag:s6] =	ssyncadd.s32 @p0 $0xFFFFFFFF  }
0xb5: {  	s7 =	sshll.u32 @!p0 s1, $0xE  }
0xb6: {  	s7 =	sor.u32 @!p0 $0x4000, s7;
	s6 =	simm.s32 @!p0 $0x1B8D  }
0xb7: {  	s5 =	sshll.u32 @!p0 s5, $0x11;
	s7 =	sadd.s32 @!p0 $0x11B8D, s7;
	_ =	swait.eq @!p0 [sflag:s6], $0x1  }
0xb8: {  	s5 =	sor.u32 @!p0 s5, s7;
	[sflag:s6] =	ssyncadd.s32 @!p0 $0xFFFFFFFF  }
0xb9: {  	s25 =	simm.s32 $0x1B8E;
	s24 =	sld [smem:$0x3FFE];
	[sflag:s5] =	ssyncadd.remote.s32 @!p0 $0x1  }
0xba: {  	s26 =	simm.s32 $execute0_lowered;
	[smem:$0x3FD2] =	sst s25  }
0xbb: {  	s6 =	sshll.u32 s26, $0x1;
	_ =	strace $0x80000055;
	[dreg:$0x1] =	wrdreg $0xFFFFFFFF  }
0xbc: {  	s28 =	simm.s32 $_size_execute0_lowered;
	s4 =	sadd.s32 s4, s6;
	[dreg:$0x0] =	wrdreg $0x0  }
0xbd: {  	s6 =	sshll.u32 s28, $0x1;
	[dreg:$0x2] =	wrdreg s4  }
0xbe: {  	[dreg:$0x3] =	wrdreg s6  }
0xbf: {  	[dreg:$0x4] =	wrdreg $0xC0  }
0xc0: {  	_ =	task [dreg:s22], $0x5FFFF  }
0xc1: {  	[dreg:$0x1] =	wrdreg $0xFFFFFFFF  }
0xc2: {  	[dreg:$0x0] =	wrdreg $0x60  }
0xc3: {  	[dreg:$0x2] =	wrdreg s24  }
0xc4: {  	[dreg:$0x3] =	wrdreg s17  }
0xc5: {  	[dreg:$0x4] =	wrdreg $0xA  }
0xc6: {  	_ =	task.clear_ibuf [dreg:s22], $0x5FFFF;
	_ =	strace $0x90000055  }
0xc7: {  	s29 =	simm.s32 $0xA;
	_ =	strace $0x80000057  }
0xc8: {  	_ =	swait.ge [sflag:s29], $0x1  }
0xc9: {  	[sflag:s29] =	ssyncadd.s32 $0xFFFFFFFF  }
0xca: {  	_ =	strace $0x90000057  }
0xcb: {  	_ =	sfence  }
0xcc: {  	s30 =	sld [smem:$0x0];
	_ =	sdelay $0x2  }
0xcd: {  	s31 =	sshll.u32 s1, $0xD;
	s1 =	sshrl.u32 s1, $0x2  }
0xce: {  	s4 =	sand.u32 $0x4000, s31;
	s1 =	sadd.s32 s1, s30  }
0xcf: {  	s0 =	sor.u32 s4, s0;
	s1 =	sshll.u32 s1, $0x11  }
0xd0: {  	s0 =	sor.u32 s1, s0  }
0xd1: {  	s0 =	sadd.s32 $0x8F2B, s0  }
0xd2: {  	[sflag:s0] =	ssyncadd.remote.s32 $0x1  }
0xd3: {  	_ =	sfence.sel $0xFFFF  }
0xd4: {  	[dreg:$0x0] =	wrdreg $0xFFFFFFFF;
	(pc) =	sbr.abs _section_cstart, $3  }
0xd5: {  	[dreg:$0x1] =	wrdreg $0xFFFFFFFF  }
0xd6: {  	_ =	task.clear_ibuf [dreg:s22], $0x2FFFF;
	_ =	strace $0x9FFFFFFF  }
0xd7: {  	(tm) =	ssettm $0x7FFFFFFF  }
tec
execute0_lowered:
.L_overlay_start_1:
0x0: {  	(tag) =	ssettag $0x1  }
0x1: {  	s1 =	srdreg.scid;
	s9 =	rddreg [dreg:$0x0]  }
0x2: {  	s0 =	stileid.u32;
	s3 =	rddreg [dreg:$0x1]  }
0x3: {  	s2 =	simm.s32 $0x0;
	s7 =	simm.s32 $0x80;
	s6 =	sand.u32 $0x1, s1  }
0x4: {  	s4 =	sshll.u32 s0, $0x7;
	s1 =	rddreg [dreg:$0x2];
	s5 =	sshll.u32 s6, $0x6  }
0x5: {  	s8 =	simm.s32 $0x1;
	[smem:$0x7FF] =	sst s2;
	s10 =	sor.u32 s5, s4  }
0x6: {  	_ =	strace $0x80000056;
	s11 =	ssub.s32 $0x2, s6;
	s4 =	sshrl.u32 s10, $0x3  }
0x7: {  	s6 =	simm.s32 $0x40;
	s4 =	sadd.s32 s3, s4;
	s3 =	simm.s32 $0x2  }
0x8: {  	[tilespmem:s2], [sflag:$0x2] =	stream.linear.gather [hbm4b:s4+s2], $0x40, $0x38;
	[tilespmem:$0x2080] =	vst v63  }
0x9: {  	s5 =	sadd.s32 $0x104800, s9;
	s12 =	sshrl.u32 s11, $0x1;
	_ =	swait.ge [sflag:s3], $0x40  }
0xa: {  	s10 =	sshll.u32 s10, $0x4;
	s31 =	ssub.s32 s11, s12;
	[sflag:s3] =	ssyncset.done $0x0  }
0xb: {  	s9 =	sadd.s32 s10, s9;
	s10 =	smax.u32 s31, $0x1;
	[sflag:s3] =	ssyncadd.s32 $0xFFFFFFC0  }
0xc: {  	[tilespmem:s7], [sflag:$0x1] =	stream.indirect.gather [hbm4b:s5+s6], $0x80, s2, s6, $0xb8;
	[tilespmem:$0x2080] =	vst v63  }
0xd: {  	p0 =	sne.s32 s10, $0x1;
	_ =	swait.ge [sflag:s8], $0x2000  }
.Ltmp0:
0xe: {  	[sflag:s8] =	ssyncset.done $0x0;
	(pc) =	sbr.rel @!p0 .LBB2_2-.Ltmp0, $4  }
0xf: {  	s9 =	sadd.s32 $0x24E00, s9;
	[sflag:s8] =	ssyncadd.s32 $0xFFFFE000  }
0x10: {  	[hbm4b:s9+s2] =	stream.linear.scatter [tilespmem:s7], [sflag:$0x2], $0x2000, $0x38;
	[tilespmem:$0x2080] =	vst v63  }
0x11: {  	_ =	swait.ge [sflag:s3], $0x2000  }
0x12: {  	s10 =	sadd.s32 $0xFFFFFFFF, s10;
	[sflag:s3] =	ssyncset.done $0x0  }
.LBB2_1:
0x13: {  	p0 =	sne.s32 s10, $0x1;
	s10 =	sadd.s32 $0xFFFFFFFF, s10;
	[sflag:s3] =	ssyncadd.s32 $0xFFFFE000  }
0x14: {  	[tilespmem:s2], [sflag:$0x2] =	stream.linear.gather [hbm4b:s4+s2], $0x40, $0x38;
	[tilespmem:$0x2080] =	vst v63  }
0x15: {  	_ =	swait.ge [sflag:s3], $0x40  }
0x16: {  	[sflag:s3] =	ssyncset.done $0x0  }
0x17: {  	[sflag:s3] =	ssyncadd.s32 $0xFFFFFFC0  }
0x18: {  	[tilespmem:s7], [sflag:$0x1] =	stream.indirect.gather [hbm4b:s5+s6], $0x80, s2, s6, $0xb8;
	[tilespmem:$0x2080] =	vst v63  }
0x19: {  	_ =	swait.ge [sflag:s8], $0x2000  }
.Ltmp1:
0x1a: {  	[sflag:s8] =	ssyncset.done $0x0;
	(pc) =	sbr.rel @p0 .LBB2_1-.Ltmp1, $4  }
0x1b: {  	[sflag:s8] =	ssyncadd.s32 $0xFFFFE000  }
0x1c: {  	[hbm4b:s9+s2] =	stream.linear.scatter [tilespmem:s7], [sflag:$0x2], $0x2000, $0x38;
	[tilespmem:$0x2080] =	vst v63  }
0x1d: {  	_ =	swait.ge [sflag:s3], $0x2000  }
0x1e: {  	[sflag:s3] =	ssyncset.done $0x0  }
.LBB2_2:
0x1f: {  	[sflag:s3] =	ssyncadd.s32 $0xFFFFE000  }
0x20: {  	_ =	sfence.sel $0x180000  }
0x21: {  	[bflag:$0x0] =	sbarrier.arrive $0xFFFF  }
0x22: {  	p0 =	sne.s32 s0, $0x0;
	_ =	strace $0x90000056  }
0x23: {  	s0 =	sadd.s32 @!p0 $0x100000, s1;
	[bflag:$0x2] =	sbarrier.arrive $0xFFFF  }
0x24: {  	[sflag:s0] =	ssyncadd.tile.s32 @!p0 $0x1;
	_ =	shalt  }
.Lfunc_end2:
_tile_overlayer_lowered:
.L_overlay_start_2:
0x25: {  	(tag) =	ssettag $0x2  }
0x26: {  	s0 =	rddreg [dreg:$0x0];
	s2 =	stileid.u32  }
0x27: {  	s1 =	rddreg [dreg:$0x1];
	p0 =	sne.s32 s2, $0x0  }
0x28: {  	s3 =	rddreg [dreg:$0x2];
	[bflag:$0x3] =	sbarrier.arrive $0xFFFF;
	s2 =	simm.s32 @!p0 $0x1C02  }
0x29: {  	[timem:s3], [sflag:s2] =	dma.local @!p0 [hbm:s0], s1  }
0x2a: {  	s0 =	simm.s32 @!p0 $0x2  }
0x2b: {  	_ =	swait.ge @!p0 [sflag:s0], s1  }
0x2c: {  	s1 =	ssub.s32 @!p0 $0x0, s1;
	[sflag:s0] =	ssyncset.done @!p0 $0x0  }
0x2d: {  	[sflag:s0] =	ssyncadd.s32 @!p0 s1  }
0x2e: {  	[bflag:$0x3] =	sbarrier.arrive $0xFFFF  }
0x2f: {  	_ =	shalt  }

// kernel: kernel.71.cloned.1.call-start
scs
__scs_entry_jumppad:
0x0: {  	(pc) =	sbr.rel $0x88, $3  }
0x1: {  	(tag) =	ssettag $0x0;
	lr =	simm.s32 $0x1  }
0x2: {  	[smem:$0x3F92] =	sst lr;
	_ =	strace $0xD0000000  }
0x3: {  	_ = 	snop  }
0x4: {  	_ = 	snop  }
0x5: {  	_ = 	snop  }
0x6: {  	_ = 	snop  }
0x7: {  	_ = 	snop  }
__scs_overlays_trampoline_lowered:
0x8: {  	[smem:$0x3FA1] =	sst s0  }
0x9: {  	[smem:$0x3FA2] =	sst s1  }
0xa: {  	[smem:$0x3FA3] =	sst s2  }
0xb: {  	[smem:$0x3FA4] =	sst s3  }
0xc: {  	[smem:$0x3FA5] =	sst s4  }
0xd: {  	[smem:$0x3FA6] =	sst s5  }
0xe: {  	[smem:$0x3FA7] =	sst s6  }
0xf: {  	[smem:$0x3FA8] =	sst s7  }
0x10: {  	[smem:$0x3FA9] =	sst s8  }
0x11: {  	[smem:$0x3FAA] =	sst s9;
	s0 =	simm.s32 @!p0 $0x0  }
0x12: {  	s1 =	sld [smem:$0x3F90];
	s0 =	simm.s32 @p0 $0x1  }
0x13: {  	[smem:$0x3FAB] =	sst s0;
	s0 =	simm.s32 @!p1 $0x0  }
0x14: {  	s2 =	sld [smem:$0x3F8F];
	s0 =	simm.s32 @p1 $0x1  }
0x15: {  	[smem:$0x3FAC] =	sst s0;
	s0 =	simm.s32 @!p2 $0x0  }
0x16: {  	s3 =	sld [smem:$0x3FDB];
	s0 =	simm.s32 @p2 $0x1  }
0x17: {  	s4 =	simm.s32 $0x1BF5;
	[smem:$0x3FAE] =	sst s0  }
0x18: {  	s0 =	sld [smem:$0x3F91];
	_ =	swait.ge [sflag:s4], $0x0  }
0x19: {  	s7 =	sld [smem:$0x3F92]  }
0x1a: {  	s8 =	sadd.s32 $0xFFFFE003, lr  }
0x1b: {  	s9 =	sadd.s32 $0xFFFFFEF7, lr;
	s5 =	simm.s32 $0xFFFFFFFF;
	p2 =	slt.u32 s8, $0xFFFFF086  }
0x1c: {  	p1 =	slt.u32 s9, $0xF7A;
	s5 =	simm.s32 @!p2 $0x0  }
0x1d: {  	s5 =	simm.s32 @p1 $0x1;
	p0 =	seq.s32 s7, s2  }
0x1e: {  	s7 =	smul.u32 @!p0 $0xF7A, s2;
	p2 =	seq.s32 @!p0 s5, $0x0  }
0x1f: {  	s9 =	smul.u32 $0xF7A, s1;
	s8 =	simm.s32 @!p0 $0x1BF5;
	p2 =	por !p2, p0  }
0x20: {  	[sflag:s8] =	ssyncset.s32 @!p0 $0xFFFFF086;
	s6 =	sadd.s32 @!p0 s3, s7;
	s7 =	simm.s32 @!p0 $0x108  }
0x21: {  	s3 =	sadd.s32 s3, s9;
	s6 =	sadd.s32 @!p0 $0x88, s6;
	s7 =	simm.s32 @p2 $0x1082  }
0x22: {  	[simem:s7], [sflag:s8] =	dma.local @!p0 [hbm:s6], $0xF7A  }
0x23: {  	s9 =	sor.u32 $0xD0000000, s2;
	s6 =	simm.s32 $0x108;
	_ =	swait.ge @!p0 [sflag:s8], $0x0  }
0x24: {  	s3 =	sadd.s32 $0x88, s3;
	s6 =	simm.s32 @!p1 $0x1082;
	[sflag:s4] =	ssyncset.s32 $0xFFFFF086  }
0x25: {  	[simem:s6], [sflag:s4] =	dma.local [hbm:s3], $0xF7A  }
0x26: {  	[smem:$0x3F92] =	sst s1;
	(tag) =	ssettag s2;
	_ =	strace s9  }
0x27: {  	s1 =	sld [smem:$0x3FA2]  }
0x28: {  	s2 =	sld [smem:$0x3FA3]  }
0x29: {  	s4 =	sld [smem:$0x3FA5]  }
0x2a: {  	p0 =	seq.s32 s5, $0x0;
	s5 =	sld [smem:$0x3FA6]  }
0x2b: {  	s6 =	sld [smem:$0x3FA7]  }
0x2c: {  	s7 =	sld [smem:$0x3FA8]  }
0x2d: {  	s3 =	simm.s32 $0x108;
	s8 =	sld [smem:$0x3FA9]  }
0x2e: {  	s3 =	simm.s32 @!p0 $0x1082;
	s9 =	sld [smem:$0x3FAA]  }
0x2f: {  	lr =	sadd.s32 s0, s3;
	s0 =	sld [smem:$0x3FA1]  }
0x30: {  	s3 =	sld [smem:$0x3FA4]  }
0x31: {  	[smem:$0x3FAD] =	sst s10  }
0x32: {  	s10 =	sld [smem:$0x3FAB];
	_ =	sdelay $0x3  }
0x33: {  	p0 =	seq.s32 s10, $0x1;
	s10 =	sld [smem:$0x3FAD];
	_ =	sdelay $0x3  }
0x34: {  	[smem:$0x3FAD] =	sst s10  }
0x35: {  	s10 =	sld [smem:$0x3FAC];
	_ =	sdelay $0x3  }
0x36: {  	p1 =	seq.s32 s10, $0x1;
	s10 =	sld [smem:$0x3FAD];
	_ =	sdelay $0x3  }
0x37: {  	[smem:$0x3FAD] =	sst s10  }
0x38: {  	s10 =	sld [smem:$0x3FAE]  }
0x39: {  	_ = 	snop;
	(pc) =	sbr.ind lr, $3  }
0x3a: {  	_ = 	snop  }
0x3b: {  	_ = 	snop  }
0x3c: {  	p2 =	seq.s32 s10, $0x1;
	s10 =	sld [smem:$0x3FAD]  }
0x3d: {  	_ =	shalt  }
0x3e: {  	_ =	shalt  }
0x3f: {  	_ =	shalt  }
0x40: {  	_ =	shalt  }
0x41: {  	_ =	shalt  }
0x42: {  	_ =	shalt  }
0x43: {  	_ =	shalt  }
0x44: {  	_ =	shalt  }
0x45: {  	_ =	shalt  }
0x46: {  	_ =	shalt  }
0x47: {  	_ =	shalt  }
0x48: {  	_ =	shalt  }
0x49: {  	_ =	shalt  }
0x4a: {  	_ =	shalt  }
0x4b: {  	_ =	shalt  }
0x4c: {  	_ =	shalt  }
0x4d: {  	_ =	shalt  }
0x4e: {  	_ =	shalt  }
0x4f: {  	_ =	shalt  }
0x50: {  	_ =	shalt  }
0x51: {  	_ =	shalt  }
0x52: {  	_ =	shalt  }
0x53: {  	_ =	shalt  }
0x54: {  	_ =	shalt  }
0x55: {  	_ =	shalt  }
0x56: {  	_ =	shalt  }
0x57: {  	_ =	shalt  }
0x58: {  	_ =	shalt  }
0x59: {  	_ =	shalt  }
0x5a: {  	_ =	shalt  }
0x5b: {  	_ =	shalt  }
0x5c: {  	_ =	shalt  }
0x5d: {  	_ =	shalt  }
0x5e: {  	_ =	shalt  }
0x5f: {  	_ =	shalt  }
0x60: {  	_ =	shalt  }
0x61: {  	_ =	shalt  }
0x62: {  	_ =	shalt  }
0x63: {  	_ =	shalt  }
0x64: {  	_ =	shalt  }
0x65: {  	_ =	shalt  }
0x66: {  	_ =	shalt  }
0x67: {  	_ =	shalt  }
0x68: {  	_ =	shalt  }
0x69: {  	_ =	shalt  }
0x6a: {  	_ =	shalt  }
0x6b: {  	_ =	shalt  }
0x6c: {  	_ =	shalt  }
0x6d: {  	_ =	shalt  }
0x6e: {  	_ =	shalt  }
0x6f: {  	_ =	shalt  }
0x70: {  	_ =	shalt  }
0x71: {  	_ =	shalt  }
0x72: {  	_ =	shalt  }
0x73: {  	_ =	shalt  }
0x74: {  	_ =	shalt  }
0x75: {  	_ =	shalt  }
0x76: {  	_ =	shalt  }
0x77: {  	_ =	shalt  }
0x78: {  	_ =	shalt  }
0x79: {  	_ =	shalt  }
0x7a: {  	_ =	shalt  }
0x7b: {  	_ =	shalt  }
0x7c: {  	_ =	shalt  }
0x7d: {  	_ =	shalt  }
0x7e: {  	_ =	shalt  }
0x7f: {  	_ =	shalt  }
0x80: {  	_ =	shalt  }
0x81: {  	_ =	shalt  }
0x82: {  	_ =	shalt  }
0x83: {  	_ =	shalt  }
0x84: {  	_ =	shalt  }
0x85: {  	_ =	shalt  }
0x86: {  	_ =	shalt  }
0x87: {  	_ =	shalt  }
.Lfunc_end0:
.L_simem_size_0:
called_computation.13_lowered:
.L_overlay_start_0:
0x88: {  	s2 =	sld [smem:$0x3FD9]  }
0x89: {  	s3 =	sld [smem:$0x3FFE];
	_ =	sdelay $0x1  }
0x8a: {  	s1 =	srdreg.scid  }
0x8b: {  	s0 =	sand.u32 $0x1, s1  }
0x8c: {  	s15 =	sshll.u32 s0, $0xA;
	s2 =	sadd.s32 s3, s2  }
0x8d: {  	s2 =	sadd.s32 s2, s15  }
0x8e: {  	[smem:$0x3FB9] =	sst s2  }
0x8f: {  	_ = 	snop  }
0x90: {  	s2 =	sld [smem:$0x3FD0];
	_ =	sdelay $0x2  }
0x91: {  	s16 =	simm.s32 $0xD;
	s4 =	simm.s32 $0x10  }
0x92: {  	[smem:s4], [sflag:s16] =	dma.local [hbm:s2], $0x1  }
0x93: {  	_ =	swait.eq [sflag:s16], $0x1  }
0x94: {  	[sflag:s16] =	ssyncset.done $0x0  }
0x95: {  	[sflag:s16] =	ssyncadd.s32 $0xFFFFFFFF  }
0x96: {  	s17 =	sld [smem:$0x11];
	(tm) =	ssettm $0x1  }
0x97: {  	s18 =	sld [smem:$0x3FFB];
	_ =	sdelay $0x3  }
0x98: {  	_ =	strace s18  }
0x99: {  	s2 =	sld [smem:$0x3FFC];
	_ =	sdelay $0x3  }
0x9a: {  	_ =	strace s2  }
0x9b: {  	s2 =	sld [smem:$0x3FFD];
	_ =	sdelay $0x3  }
0x9c: {  	_ =	strace s2  }
0x9d: {  	_ =	strace $0x8FFFFFFF  }
0x9e: {  	s19 =	sld [smem:$0x3FDB];
	_ =	sdelay $0x1  }
0x9f: {  	s20 =	simm.s32 $_scs_section_size  }
0xa0: {  	s5 =	simm.s32 $_size__tile_overlayer_lowered;
	s6 =	simm.s32 $_tile_overlayer_lowered  }
0xa1: {  	s7 =	simm.s32 $0x1BFF;
	s21 =	sshll.u32 s6, $0x1;
	s4 =	sadd.s32 s20, s19  }
0xa2: {  	s22 =	simm.s32 $0x0;
	s5 =	sshll.u32 s5, $0x1;
	s6 =	sadd.s32 s21, s4  }
0xa3: {  	[timem:s22], [sflag:s7] =	dma.local [hbm:s6], s5  }
0xa4: {  	_ =	swait.ge [sflag:s7], s5  }
0xa5: {  	s5 =	ssub.s32 $0x0, s5;
	[sflag:s7] =	ssyncset.done $0x0  }
0xa6: {  	[sflag:s7] =	ssyncadd.s32 s5;
	_ =	sdelay $0x1  }
0xa7: {  	s23 =	simm.s32 $0x1B8B  }
0xa8: {  	_ =	swait.ge [sflag:s23], $0x1  }
0xa9: {  	[sflag:s23] =	ssyncset.done $0x0  }
0xaa: {  	[sflag:s23] =	ssyncadd.s32 $0xFFFFFFFF  }
0xab: {  	s5 =	sld [smem:$0x0]  }
0xac: {  	s6 =	sand.u32 $0xFFFFFFFE, s1  }
0xad: {  	p0 =	sne.s32 s1, s6  }
0xae: {  	s6 =	sshll.u32 @p0 s6, $0xE  }
0xaf: {  	s6 =	sadd.s32 @p0 $0x11B8D, s6;
	s7 =	sshll.u32 @p0 s5, $0x11  }
0xb0: {  	s6 =	sor.u32 @p0 s7, s6  }
0xb1: {  	[sflag:s6] =	ssyncadd.remote.s32 @p0 $0x1;
	_ =	sdelay $0x1  }
0xb2: {  	s6 =	simm.s32 @p0 $0x1B8D  }
0xb3: {  	_ =	swait.eq @p0 [sflag:s6], $0x1  }
0xb4: {  	[sflag:s6] =	ssyncadd.s32 @p0 $0xFFFFFFFF  }
0xb5: {  	s7 =	sshll.u32 @!p0 s1, $0xE  }
0xb6: {  	s7 =	sor.u32 @!p0 $0x4000, s7;
	s6 =	simm.s32 @!p0 $0x1B8D  }
0xb7: {  	s5 =	sshll.u32 @!p0 s5, $0x11;
	s7 =	sadd.s32 @!p0 $0x11B8D, s7;
	_ =	swait.eq @!p0 [sflag:s6], $0x1  }
0xb8: {  	s5 =	sor.u32 @!p0 s5, s7;
	[sflag:s6] =	ssyncadd.s32 @!p0 $0xFFFFFFFF  }
0xb9: {  	s25 =	simm.s32 $0x1B8E;
	s24 =	sld [smem:$0x3FFE];
	[sflag:s5] =	ssyncadd.remote.s32 @!p0 $0x1  }
0xba: {  	s26 =	simm.s32 $execute0_lowered;
	[smem:$0x3FD2] =	sst s25  }
0xbb: {  	s6 =	sshll.u32 s26, $0x1;
	_ =	strace $0x80000067;
	[dreg:$0x1] =	wrdreg $0xFFFFFFFF  }
0xbc: {  	s28 =	simm.s32 $_size_execute0_lowered;
	s4 =	sadd.s32 s4, s6;
	[dreg:$0x0] =	wrdreg $0x0  }
0xbd: {  	s6 =	sshll.u32 s28, $0x1;
	[dreg:$0x2] =	wrdreg s4  }
0xbe: {  	[dreg:$0x3] =	wrdreg s6  }
0xbf: {  	[dreg:$0x4] =	wrdreg $0xC0  }
0xc0: {  	_ =	task [dreg:s22], $0x5FFFF  }
0xc1: {  	[dreg:$0x1] =	wrdreg $0xFFFFFFFF  }
0xc2: {  	[dreg:$0x0] =	wrdreg $0x60  }
0xc3: {  	[dreg:$0x2] =	wrdreg s24  }
0xc4: {  	[dreg:$0x3] =	wrdreg s17  }
0xc5: {  	[dreg:$0x4] =	wrdreg $0xC  }
0xc6: {  	_ =	task.clear_ibuf [dreg:s22], $0x5FFFF;
	_ =	strace $0x90000067  }
0xc7: {  	s29 =	simm.s32 $0xC;
	_ =	strace $0x80000069  }
0xc8: {  	_ =	swait.ge [sflag:s29], $0x1  }
0xc9: {  	[sflag:s29] =	ssyncadd.s32 $0xFFFFFFFF  }
0xca: {  	_ =	strace $0x90000069  }
0xcb: {  	_ =	sfence  }
0xcc: {  	s30 =	sld [smem:$0x0];
	_ =	sdelay $0x2  }
0xcd: {  	s31 =	sshll.u32 s1, $0xD;
	s1 =	sshrl.u32 s1, $0x2  }
0xce: {  	s4 =	sand.u32 $0x4000, s31;
	s1 =	sadd.s32 s1, s30  }
0xcf: {  	s0 =	sor.u32 s4, s0;
	s1 =	sshll.u32 s1, $0x11  }
0xd0: {  	s0 =	sor.u32 s1, s0  }
0xd1: {  	s0 =	sadd.s32 $0x8F2B, s0  }
0xd2: {  	[sflag:s0] =	ssyncadd.remote.s32 $0x1  }
0xd3: {  	_ =	sfence.sel $0xFFFF  }
0xd4: {  	[dreg:$0x0] =	wrdreg $0xFFFFFFFF;
	(pc) =	sbr.abs _section_cstart, $3  }
0xd5: {  	[dreg:$0x1] =	wrdreg $0xFFFFFFFF  }
0xd6: {  	_ =	task.clear_ibuf [dreg:s22], $0x2FFFF;
	_ =	strace $0x9FFFFFFF  }
0xd7: {  	(tm) =	ssettm $0x7FFFFFFF  }
tec
execute0_lowered:
.L_overlay_start_1:
0x0: {  	(tag) =	ssettag $0x1  }
0x1: {  	s4 =	rddreg [dreg:$0x0]  }
0x2: {  	s6 =	rddreg [dreg:$0x1]  }
0x3: {  	s0 =	rddreg [dreg:$0x2];
	s2 =	simm.s32 $0x0;
	s1 =	stileid.u32  }
0x4: {  	s3 =	srdreg.scid;
	[smem:$0x7FF] =	sst s2  }
0x5: {  	s5 =	sshll.u32 s1, $0x10;
	s7 =	sand.u32 $0x1, s3;
	s3 =	sadd.s32 $0x104800, s4  }
0x6: {  	s9 =	sshll.u32 s1, $0xC;
	_ =	strace $0x80000068;
	s5 =	sadd.s32 s5, s4  }
0x7: {  	s29 =	ssub.s32 $0x2, s7;
	s10 =	sshll.u32 s7, $0xB;
	s7 =	sshll.u32 s7, $0xF  }
0x8: {  	s8 =	sshrl.u32 s29, $0x1;
	s30 =	sor.u32 s10, s9;
	s5 =	sadd.s32 s7, s5  }
0x9: {  	s7 =	simm.s32 $0x2;
	s9 =	simm.s32 $0x1;
	s10 =	simm.s32 $0x0  }
0xa: {  	s4 =	ssub.s32 s29, s8;
	s31 =	sshrl.u32 s30, $0x3;
	s5 =	sadd.s32 $0x285C00, s5  }
0xb: {  	s8 =	simm.s32 $0x80;
	s4 =	smax.u32 s4, $0x1;
	s6 =	sadd.s32 s31, s6  }
.LBB2_1:
0xc: {  	s11 =	sadd.s32 $0x0, s6  }
0xd: {  	[tilespmem:s2], [sflag:$0x2] =	stream.linear.gather [hbm4b:s11+s2], $0x80, $0x38;
	[tilespmem:$0x4080] =	vst v63  }
0xe: {  	_ =	swait.ge [sflag:s7], $0x80  }
0xf: {  	[sflag:s7] =	ssyncset.done $0x0  }
0x10: {  	[sflag:s7] =	ssyncadd.s32 $0xFFFFFF80  }
0x11: {  	[tilespmem:s8], [sflag:$0x1] =	stream.indirect.gather [hbm4b:s3+s8], $0x80, s2, s8, $0xb8;
	[tilespmem:$0x4080] =	vst v63  }
0x12: {  	_ =	swait.ge [sflag:s9], $0x4000  }
0x13: {  	[sflag:s9] =	ssyncset.done $0x0  }
0x14: {  	[sflag:s9] =	ssyncadd.s32 $0xFFFFC000  }
0x15: {  	[hbm4b:s5+s2] =	stream.linear.scatter [tilespmem:s8], [sflag:$0x2], $0x4000, $0x38;
	[tilespmem:$0x4080] =	vst v63  }
0x16: {  	s12 =	simm.s32 $0x10;
	_ =	swait.ge [sflag:s7], $0x4000  }
0x17: {  	s13 =	simm.s32 $0x20;
	s11 =	sadd.s32 $0x800, s5;
	[sflag:s7] =	ssyncset.done $0x0  }
.LBB2_2:
0x18: {  	s14 =	sadd.s32 s12, s6  }
0x19: {  	[sflag:s7] =	ssyncadd.s32 $0xFFFFC000;
	s12 =	smov.u32 s13;
	s15 =	sadd.s32 $0x10, s13  }
0x1a: {  	[tilespmem:s2], [sflag:$0x2] =	stream.linear.gather [hbm4b:s14+s2], $0x80, $0x38;
	[tilespmem:$0x4080] =	vst v63  }
0x1b: {  	p0 =	sne.s32 s13, $0xF0;
	_ =	swait.ge [sflag:s7], $0x80  }
0x1c: {  	[sflag:s7] =	ssyncset.done $0x0  }
0x1d: {  	[sflag:s7] =	ssyncadd.s32 $0xFFFFFF80  }
0x1e: {  	[tilespmem:s8], [sflag:$0x1] =	stream.indirect.gather [hbm4b:s3+s8], $0x80, s2, s8, $0xb8;
	[tilespmem:$0x4080] =	vst v63  }
0x1f: {  	_ =	swait.ge [sflag:s9], $0x4000  }
.Ltmp0:
0x20: {  	[sflag:s9] =	ssyncset.done $0x0;
	(pc) =	sbr.rel @p0 .LBB2_2-.Ltmp0, $4  }
0x21: {  	[sflag:s9] =	ssyncadd.s32 $0xFFFFC000  }
0x22: {  	[hbm4b:s11+s2] =	stream.linear.scatter [tilespmem:s8], [sflag:$0x2], $0x4000, $0x38;
	[tilespmem:$0x4080] =	vst v63  }
0x23: {  	_ =	swait.ge [sflag:s7], $0x4000  }
0x24: {  	s13 =	smov.u32 s15;
	s11 =	sadd.s32 $0x800, s11;
	[sflag:s7] =	ssyncset.done $0x0  }
0x25: {  	s12 =	sadd.s32 s12, s6;
	[sflag:s7] =	ssyncadd.s32 $0xFFFFC000  }
0x26: {  	[tilespmem:s2], [sflag:$0x2] =	stream.linear.gather [hbm4b:s12+s2], $0x80, $0x38;
	[tilespmem:$0x4080] =	vst v63  }
0x27: {  	_ =	swait.ge [sflag:s7], $0x80  }
0x28: {  	[sflag:s7] =	ssyncset.done $0x0  }
0x29: {  	[sflag:s7] =	ssyncadd.s32 $0xFFFFFF80  }
0x2a: {  	[tilespmem:s8], [sflag:$0x1] =	stream.indirect.gather [hbm4b:s3+s8], $0x80, s2, s8, $0xb8;
	[tilespmem:$0x4080] =	vst v63  }
0x2b: {  	s10 =	sadd.s32 $0x1, s10;
	_ =	swait.ge [sflag:s9], $0x4000  }
0x2c: {  	p0 =	sne.s32 s10, s4;
	[sflag:s9] =	ssyncset.done $0x0  }
.Ltmp1:
0x2d: {  	[sflag:s9] =	ssyncadd.s32 $0xFFFFC000;
	(pc) =	sbr.rel @p0 .LBB2_1-.Ltmp1, $4  }
0x2e: {  	[hbm4b:s11+s2] =	stream.linear.scatter [tilespmem:s8], [sflag:$0x2], $0x4000, $0x38;
	[tilespmem:$0x4080] =	vst v63  }
0x2f: {  	_ =	swait.ge [sflag:s7], $0x4000  }
0x30: {  	[sflag:s7] =	ssyncset.done $0x0  }
0x31: {  	[sflag:s7] =	ssyncadd.s32 $0xFFFFC000  }
0x32: {  	_ =	sfence.sel $0x180000  }
0x33: {  	[bflag:$0x0] =	sbarrier.arrive $0xFFFF  }
0x34: {  	p0 =	sne.s32 s1, $0x0;
	_ =	strace $0x90000068  }
0x35: {  	s0 =	sadd.s32 @!p0 $0x100000, s0;
	[bflag:$0x2] =	sbarrier.arrive $0xFFFF  }
0x36: {  	[sflag:s0] =	ssyncadd.tile.s32 @!p0 $0x1;
	_ =	shalt  }
.Lfunc_end2:
_tile_overlayer_lowered:
.L_overlay_start_2:
0x37: {  	(tag) =	ssettag $0x2  }
0x38: {  	s0 =	rddreg [dreg:$0x0];
	s2 =	stileid.u32  }
0x39: {  	s1 =	rddreg [dreg:$0x1];
	p0 =	sne.s32 s2, $0x0  }
0x3a: {  	s3 =	rddreg [dreg:$0x2];
	[bflag:$0x3] =	sbarrier.arrive $0xFFFF;
	s2 =	simm.s32 @!p0 $0x1C02  }
0x3b: {  	[timem:s3], [sflag:s2] =	dma.local @!p0 [hbm:s0], s1  }
0x3c: {  	s0 =	simm.s32 @!p0 $0x2  }
0x3d: {  	_ =	swait.ge @!p0 [sflag:s0], s1  }
0x3e: {  	s1 =	ssub.s32 @!p0 $0x0, s1;
	[sflag:s0] =	ssyncset.done @!p0 $0x0  }
0x3f: {  	[sflag:s0] =	ssyncadd.s32 @!p0 s1  }
0x40: {  	[bflag:$0x3] =	sbarrier.arrive $0xFFFF  }
0x41: {  	_ =	shalt  }

// kernel: kernel.74.cloned.1.call-start
scs
__scs_entry_jumppad:
0x0: {  	(pc) =	sbr.rel $0x88, $3  }
0x1: {  	(tag) =	ssettag $0x0;
	lr =	simm.s32 $0x1  }
0x2: {  	[smem:$0x3F92] =	sst lr;
	_ =	strace $0xD0000000  }
0x3: {  	_ = 	snop  }
0x4: {  	_ = 	snop  }
0x5: {  	_ = 	snop  }
0x6: {  	_ = 	snop  }
0x7: {  	_ = 	snop  }
__scs_overlays_trampoline_lowered:
0x8: {  	[smem:$0x3FA1] =	sst s0  }
0x9: {  	[smem:$0x3FA2] =	sst s1  }
0xa: {  	[smem:$0x3FA3] =	sst s2  }
0xb: {  	[smem:$0x3FA4] =	sst s3  }
0xc: {  	[smem:$0x3FA5] =	sst s4  }
0xd: {  	[smem:$0x3FA6] =	sst s5  }
0xe: {  	[smem:$0x3FA7] =	sst s6  }
0xf: {  	[smem:$0x3FA8] =	sst s7  }
0x10: {  	[smem:$0x3FA9] =	sst s8  }
0x11: {  	[smem:$0x3FAA] =	sst s9;
	s0 =	simm.s32 @!p0 $0x0  }
0x12: {  	s1 =	sld [smem:$0x3F90];
	s0 =	simm.s32 @p0 $0x1  }
0x13: {  	[smem:$0x3FAB] =	sst s0;
	s0 =	simm.s32 @!p1 $0x0  }
0x14: {  	s2 =	sld [smem:$0x3F8F];
	s0 =	simm.s32 @p1 $0x1  }
0x15: {  	[smem:$0x3FAC] =	sst s0;
	s0 =	simm.s32 @!p2 $0x0  }
0x16: {  	s3 =	sld [smem:$0x3FDB];
	s0 =	simm.s32 @p2 $0x1  }
0x17: {  	s4 =	simm.s32 $0x1BF5;
	[smem:$0x3FAE] =	sst s0  }
0x18: {  	s0 =	sld [smem:$0x3F91];
	_ =	swait.ge [sflag:s4], $0x0  }
0x19: {  	s7 =	sld [smem:$0x3F92]  }
0x1a: {  	s8 =	sadd.s32 $0xFFFFE003, lr  }
0x1b: {  	s9 =	sadd.s32 $0xFFFFFEF7, lr;
	s5 =	simm.s32 $0xFFFFFFFF;
	p2 =	slt.u32 s8, $0xFFFFF086  }
0x1c: {  	p1 =	slt.u32 s9, $0xF7A;
	s5 =	simm.s32 @!p2 $0x0  }
0x1d: {  	s5 =	simm.s32 @p1 $0x1;
	p0 =	seq.s32 s7, s2  }
0x1e: {  	s7 =	smul.u32 @!p0 $0xF7A, s2;
	p2 =	seq.s32 @!p0 s5, $0x0  }
0x1f: {  	s9 =	smul.u32 $0xF7A, s1;
	s8 =	simm.s32 @!p0 $0x1BF5;
	p2 =	por !p2, p0  }
0x20: {  	[sflag:s8] =	ssyncset.s32 @!p0 $0xFFFFF086;
	s6 =	sadd.s32 @!p0 s3, s7;
	s7 =	simm.s32 @!p0 $0x108  }
0x21: {  	s3 =	sadd.s32 s3, s9;
	s6 =	sadd.s32 @!p0 $0x88, s6;
	s7 =	simm.s32 @p2 $0x1082  }
0x22: {  	[simem:s7], [sflag:s8] =	dma.local @!p0 [hbm:s6], $0xF7A  }
0x23: {  	s9 =	sor.u32 $0xD0000000, s2;
	s6 =	simm.s32 $0x108;
	_ =	swait.ge @!p0 [sflag:s8], $0x0  }
0x24: {  	s3 =	sadd.s32 $0x88, s3;
	s6 =	simm.s32 @!p1 $0x1082;
	[sflag:s4] =	ssyncset.s32 $0xFFFFF086  }
0x25: {  	[simem:s6], [sflag:s4] =	dma.local [hbm:s3], $0xF7A  }
0x26: {  	[smem:$0x3F92] =	sst s1;
	(tag) =	ssettag s2;
	_ =	strace s9  }
0x27: {  	s1 =	sld [smem:$0x3FA2]  }
0x28: {  	s2 =	sld [smem:$0x3FA3]  }
0x29: {  	s4 =	sld [smem:$0x3FA5]  }
0x2a: {  	p0 =	seq.s32 s5, $0x0;
	s5 =	sld [smem:$0x3FA6]  }
0x2b: {  	s6 =	sld [smem:$0x3FA7]  }
0x2c: {  	s7 =	sld [smem:$0x3FA8]  }
0x2d: {  	s3 =	simm.s32 $0x108;
	s8 =	sld [smem:$0x3FA9]  }
0x2e: {  	s3 =	simm.s32 @!p0 $0x1082;
	s9 =	sld [smem:$0x3FAA]  }
0x2f: {  	lr =	sadd.s32 s0, s3;
	s0 =	sld [smem:$0x3FA1]  }
0x30: {  	s3 =	sld [smem:$0x3FA4]  }
0x31: {  	[smem:$0x3FAD] =	sst s10  }
0x32: {  	s10 =	sld [smem:$0x3FAB];
	_ =	sdelay $0x3  }
0x33: {  	p0 =	seq.s32 s10, $0x1;
	s10 =	sld [smem:$0x3FAD];
	_ =	sdelay $0x3  }
0x34: {  	[smem:$0x3FAD] =	sst s10  }
0x35: {  	s10 =	sld [smem:$0x3FAC];
	_ =	sdelay $0x3  }
0x36: {  	p1 =	seq.s32 s10, $0x1;
	s10 =	sld [smem:$0x3FAD];
	_ =	sdelay $0x3  }
0x37: {  	[smem:$0x3FAD] =	sst s10  }
0x38: {  	s10 =	sld [smem:$0x3FAE]  }
0x39: {  	_ = 	snop;
	(pc) =	sbr.ind lr, $3  }
0x3a: {  	_ = 	snop  }
0x3b: {  	_ = 	snop  }
0x3c: {  	p2 =	seq.s32 s10, $0x1;
	s10 =	sld [smem:$0x3FAD]  }
0x3d: {  	_ =	shalt  }
0x3e: {  	_ =	shalt  }
0x3f: {  	_ =	shalt  }
0x40: {  	_ =	shalt  }
0x41: {  	_ =	shalt  }
0x42: {  	_ =	shalt  }
0x43: {  	_ =	shalt  }
0x44: {  	_ =	shalt  }
0x45: {  	_ =	shalt  }
0x46: {  	_ =	shalt  }
0x47: {  	_ =	shalt  }
0x48: {  	_ =	shalt  }
0x49: {  	_ =	shalt  }
0x4a: {  	_ =	shalt  }
0x4b: {  	_ =	shalt  }
0x4c: {  	_ =	shalt  }
0x4d: {  	_ =	shalt  }
0x4e: {  	_ =	shalt  }
0x4f: {  	_ =	shalt  }
0x50: {  	_ =	shalt  }
0x51: {  	_ =	shalt  }
0x52: {  	_ =	shalt  }
0x53: {  	_ =	shalt  }
0x54: {  	_ =	shalt  }
0x55: {  	_ =	shalt  }
0x56: {  	_ =	shalt  }
0x57: {  	_ =	shalt  }
0x58: {  	_ =	shalt  }
0x59: {  	_ =	shalt  }
0x5a: {  	_ =	shalt  }
0x5b: {  	_ =	shalt  }
0x5c: {  	_ =	shalt  }
0x5d: {  	_ =	shalt  }
0x5e: {  	_ =	shalt  }
0x5f: {  	_ =	shalt  }
0x60: {  	_ =	shalt  }
0x61: {  	_ =	shalt  }
0x62: {  	_ =	shalt  }
0x63: {  	_ =	shalt  }
0x64: {  	_ =	shalt  }
0x65: {  	_ =	shalt  }
0x66: {  	_ =	shalt  }
0x67: {  	_ =	shalt  }
0x68: {  	_ =	shalt  }
0x69: {  	_ =	shalt  }
0x6a: {  	_ =	shalt  }
0x6b: {  	_ =	shalt  }
0x6c: {  	_ =	shalt  }
0x6d: {  	_ =	shalt  }
0x6e: {  	_ =	shalt  }
0x6f: {  	_ =	shalt  }
0x70: {  	_ =	shalt  }
0x71: {  	_ =	shalt  }
0x72: {  	_ =	shalt  }
0x73: {  	_ =	shalt  }
0x74: {  	_ =	shalt  }
0x75: {  	_ =	shalt  }
0x76: {  	_ =	shalt  }
0x77: {  	_ =	shalt  }
0x78: {  	_ =	shalt  }
0x79: {  	_ =	shalt  }
0x7a: {  	_ =	shalt  }
0x7b: {  	_ =	shalt  }
0x7c: {  	_ =	shalt  }
0x7d: {  	_ =	shalt  }
0x7e: {  	_ =	shalt  }
0x7f: {  	_ =	shalt  }
0x80: {  	_ =	shalt  }
0x81: {  	_ =	shalt  }
0x82: {  	_ =	shalt  }
0x83: {  	_ =	shalt  }
0x84: {  	_ =	shalt  }
0x85: {  	_ =	shalt  }
0x86: {  	_ =	shalt  }
0x87: {  	_ =	shalt  }
.Lfunc_end0:
.L_simem_size_0:
called_computation.14_lowered:
.L_overlay_start_0:
0x88: {  	s2 =	sld [smem:$0x3FD9]  }
0x89: {  	s3 =	sld [smem:$0x3FFE];
	_ =	sdelay $0x1  }
0x8a: {  	s1 =	srdreg.scid  }
0x8b: {  	s0 =	sand.u32 $0x1, s1  }
0x8c: {  	s16 =	sshll.u32 s0, $0xA;
	s2 =	sadd.s32 s3, s2  }
0x8d: {  	s2 =	sadd.s32 s2, s16  }
0x8e: {  	[smem:$0x3FB9] =	sst s2  }
0x8f: {  	_ = 	snop  }
0x90: {  	(tm) =	ssettm $0x1  }
0x91: {  	s17 =	sld [smem:$0x3FFB];
	_ =	sdelay $0x3  }
0x92: {  	_ =	strace s17  }
0x93: {  	s2 =	sld [smem:$0x3FFC];
	_ =	sdelay $0x3  }
0x94: {  	_ =	strace s2  }
0x95: {  	s2 =	sld [smem:$0x3FFD];
	_ =	sdelay $0x3  }
0x96: {  	_ =	strace s2  }
0x97: {  	_ =	strace $0x8FFFFFFF  }
0x98: {  	s18 =	sld [smem:$0x3FDB];
	_ =	sdelay $0x1  }
0x99: {  	s19 =	simm.s32 $_scs_section_size  }
0x9a: {  	s4 =	simm.s32 $_size__tile_overlayer_lowered;
	s5 =	simm.s32 $_tile_overlayer_lowered  }
0x9b: {  	s22 =	simm.s32 $0x1BFF;
	s21 =	sshll.u32 s5, $0x1;
	s2 =	sadd.s32 s19, s18  }
0x9c: {  	s6 =	simm.s32 $0x0;
	s20 =	sshll.u32 s4, $0x1;
	s4 =	sadd.s32 s21, s2  }
0x9d: {  	[timem:s6], [sflag:s22] =	dma.local [hbm:s4], s20  }
0x9e: {  	_ =	swait.ge [sflag:s22], s20  }
0x9f: {  	s3 =	ssub.s32 $0x0, s20;
	[sflag:s22] =	ssyncset.done $0x0  }
0xa0: {  	[sflag:s22] =	ssyncadd.s32 s3;
	_ =	sdelay $0x1  }
0xa1: {  	s23 =	simm.s32 $0x1B8B  }
0xa2: {  	_ =	swait.ge [sflag:s23], $0x1  }
0xa3: {  	[sflag:s23] =	ssyncset.done $0x0  }
0xa4: {  	s25 =	simm.s32 $0x1B8E;
	s24 =	sld [smem:$0x3FFE];
	[sflag:s23] =	ssyncadd.s32 $0xFFFFFFFF  }
0xa5: {  	s26 =	simm.s32 $execute0_lowered;
	[smem:$0x3FD2] =	sst s25  }
0xa6: {  	s4 =	sshll.u32 s26, $0x1;
	_ =	strace $0x8000006A;
	[dreg:$0x1] =	wrdreg $0xFFFFFFFF  }
0xa7: {  	s28 =	simm.s32 $_size_execute0_lowered;
	s2 =	sadd.s32 s2, s4;
	[dreg:$0x0] =	wrdreg $0x0  }
0xa8: {  	s4 =	sshll.u32 s28, $0x1;
	[dreg:$0x2] =	wrdreg s2  }
0xa9: {  	[dreg:$0x3] =	wrdreg s4  }
0xaa: {  	[dreg:$0x4] =	wrdreg $0xC0  }
0xab: {  	_ =	task [dreg:s6], $0x5FFFF  }
0xac: {  	[dreg:$0x1] =	wrdreg $0xFFFFFFFF  }
0xad: {  	[dreg:$0x0] =	wrdreg $0x60  }
0xae: {  	[dreg:$0x2] =	wrdreg s24  }
0xaf: {  	[dreg:$0x3] =	wrdreg $0xA  }
0xb0: {  	_ =	task.clear_ibuf [dreg:s6], $0x4FFFF;
	_ =	strace $0x9000006A  }
0xb1: {  	s29 =	simm.s32 $0xA;
	_ =	strace $0x8000006C  }
0xb2: {  	_ =	swait.ge [sflag:s29], $0x1  }
0xb3: {  	[sflag:s29] =	ssyncadd.s32 $0xFFFFFFFF  }
0xb4: {  	_ =	strace $0x9000006C  }
0xb5: {  	_ =	sfence  }
0xb6: {  	s30 =	sld [smem:$0x0];
	_ =	sdelay $0x2  }
0xb7: {  	s31 =	sshll.u32 s1, $0xD;
	s1 =	sshrl.u32 s1, $0x2  }
0xb8: {  	s3 =	sand.u32 $0x4000, s31;
	s1 =	sadd.s32 s1, s30  }
0xb9: {  	s0 =	sor.u32 s3, s0;
	s1 =	sshll.u32 s1, $0x11  }
0xba: {  	s0 =	sor.u32 s1, s0  }
0xbb: {  	s0 =	sadd.s32 $0x8F2B, s0  }
0xbc: {  	[sflag:s0] =	ssyncadd.remote.s32 $0x1  }
0xbd: {  	_ =	sfence.sel $0xFFFF  }
0xbe: {  	[dreg:$0x0] =	wrdreg $0xFFFFFFFF;
	(pc) =	sbr.abs _section_cstart, $3  }
0xbf: {  	[dreg:$0x1] =	wrdreg $0xFFFFFFFF  }
0xc0: {  	_ =	task.clear_ibuf [dreg:s6], $0x2FFFF;
	_ =	strace $0x9FFFFFFF  }
0xc1: {  	(tm) =	ssettm $0x7FFFFFFF  }
tec
execute0_lowered:
.L_overlay_start_1:
0x0: {  	(tag) =	ssettag $0x1  }
0x1: {  	s4 =	rddreg [dreg:$0x0]  }
0x2: {  	s0 =	rddreg [dreg:$0x1];
	s2 =	simm.s32 $0x0;
	s3 =	srdreg.scid  }
0x3: {  	s1 =	stileid.u32;
	s10 =	simm.s32 $0x0;
	[smem:$0x7FF] =	sst s2  }
0x4: {  	s5 =	sand.u32 $0x1, s3;
	s6 =	sshll.u32 s1, $0xC;
	s3 =	sadd.s32 $0x35600, s4  }
0x5: {  	s8 =	sshll.u32 s1, $0x10;
	_ =	strace $0x8000006B;
	s7 =	sshll.u32 s5, $0xB  }
0x6: {  	s31 =	ssub.s32 $0x2, s5;
	s8 =	sadd.s32 s8, s4;
	s5 =	sshll.u32 s5, $0xF  }
0x7: {  	s6 =	sor.u32 s7, s6;
	s9 =	sshrl.u32 s31, $0x1;
	s5 =	sadd.s32 s5, s8  }
0x8: {  	s8 =	simm.s32 $0x80;
	s6 =	sshrl.u32 s6, $0x3;
	s7 =	ssub.s32 s31, s9  }
0x9: {  	s5 =	sadd.s32 $0x185C00, s5;
	s9 =	simm.s32 $0x1;
	s6 =	sadd.s32 s6, s4  }
0xa: {  	s4 =	smax.u32 s7, $0x1;
	s7 =	simm.s32 $0x2;
	s6 =	sadd.s32 $0x3D600, s6  }
.LBB2_1:
0xb: {  	s11 =	sadd.s32 $0x0, s6  }
0xc: {  	[tilespmem:s2], [sflag:$0x2] =	stream.linear.gather [hbm4b:s11+s2], $0x80, $0x38;
	[tilespmem:$0x4080] =	vst v63  }
0xd: {  	_ =	swait.ge [sflag:s7], $0x80  }
0xe: {  	[sflag:s7] =	ssyncset.done $0x0  }
0xf: {  	[sflag:s7] =	ssyncadd.s32 $0xFFFFFF80  }
0x10: {  	[tilespmem:s8], [sflag:$0x1] =	stream.indirect.gather [hbm4b:s3+s8], $0x80, s2, s8, $0xb8;
	[tilespmem:$0x4080] =	vst v63  }
0x11: {  	_ =	swait.ge [sflag:s9], $0x4000  }
0x12: {  	[sflag:s9] =	ssyncset.done $0x0  }
0x13: {  	[sflag:s9] =	ssyncadd.s32 $0xFFFFC000  }
0x14: {  	[hbm4b:s5+s2] =	stream.linear.scatter [tilespmem:s8], [sflag:$0x2], $0x4000, $0x38;
	[tilespmem:$0x4080] =	vst v63  }
0x15: {  	s12 =	simm.s32 $0x10;
	_ =	swait.ge [sflag:s7], $0x4000  }
0x16: {  	s13 =	simm.s32 $0x20;
	s11 =	sadd.s32 $0x800, s5;
	[sflag:s7] =	ssyncset.done $0x0  }
.LBB2_2:
0x17: {  	s14 =	sadd.s32 s12, s6  }
0x18: {  	[sflag:s7] =	ssyncadd.s32 $0xFFFFC000;
	s12 =	smov.u32 s13;
	s15 =	sadd.s32 $0x10, s13  }
0x19: {  	[tilespmem:s2], [sflag:$0x2] =	stream.linear.gather [hbm4b:s14+s2], $0x80, $0x38;
	[tilespmem:$0x4080] =	vst v63  }
0x1a: {  	p0 =	sne.s32 s13, $0xF0;
	_ =	swait.ge [sflag:s7], $0x80  }
0x1b: {  	[sflag:s7] =	ssyncset.done $0x0  }
0x1c: {  	[sflag:s7] =	ssyncadd.s32 $0xFFFFFF80  }
0x1d: {  	[tilespmem:s8], [sflag:$0x1] =	stream.indirect.gather [hbm4b:s3+s8], $0x80, s2, s8, $0xb8;
	[tilespmem:$0x4080] =	vst v63  }
0x1e: {  	_ =	swait.ge [sflag:s9], $0x4000  }
.Ltmp0:
0x1f: {  	[sflag:s9] =	ssyncset.done $0x0;
	(pc) =	sbr.rel @p0 .LBB2_2-.Ltmp0, $4  }
0x20: {  	[sflag:s9] =	ssyncadd.s32 $0xFFFFC000  }
0x21: {  	[hbm4b:s11+s2] =	stream.linear.scatter [tilespmem:s8], [sflag:$0x2], $0x4000, $0x38;
	[tilespmem:$0x4080] =	vst v63  }
0x22: {  	_ =	swait.ge [sflag:s7], $0x4000  }
0x23: {  	s13 =	smov.u32 s15;
	s11 =	sadd.s32 $0x800, s11;
	[sflag:s7] =	ssyncset.done $0x0  }
0x24: {  	s12 =	sadd.s32 s12, s6;
	[sflag:s7] =	ssyncadd.s32 $0xFFFFC000  }
0x25: {  	[tilespmem:s2], [sflag:$0x2] =	stream.linear.gather [hbm4b:s12+s2], $0x80, $0x38;
	[tilespmem:$0x4080] =	vst v63  }
0x26: {  	_ =	swait.ge [sflag:s7], $0x80  }
0x27: {  	[sflag:s7] =	ssyncset.done $0x0  }
0x28: {  	[sflag:s7] =	ssyncadd.s32 $0xFFFFFF80  }
0x29: {  	[tilespmem:s8], [sflag:$0x1] =	stream.indirect.gather [hbm4b:s3+s8], $0x80, s2, s8, $0xb8;
	[tilespmem:$0x4080] =	vst v63  }
0x2a: {  	s10 =	sadd.s32 $0x1, s10;
	_ =	swait.ge [sflag:s9], $0x4000  }
0x2b: {  	p0 =	sne.s32 s10, s4;
	[sflag:s9] =	ssyncset.done $0x0  }
.Ltmp1:
0x2c: {  	[sflag:s9] =	ssyncadd.s32 $0xFFFFC000;
	(pc) =	sbr.rel @p0 .LBB2_1-.Ltmp1, $4  }
0x2d: {  	[hbm4b:s11+s2] =	stream.linear.scatter [tilespmem:s8], [sflag:$0x2], $0x4000, $0x38;
	[tilespmem:$0x4080] =	vst v63  }
0x2e: {  	_ =	swait.ge [sflag:s7], $0x4000  }
0x2f: {  	[sflag:s7] =	ssyncset.done $0x0  }
0x30: {  	[sflag:s7] =	ssyncadd.s32 $0xFFFFC000  }
0x31: {  	_ =	sfence.sel $0x180000  }
0x32: {  	[bflag:$0x0] =	sbarrier.arrive $0xFFFF  }
0x33: {  	p0 =	sne.s32 s1, $0x0;
	_ =	strace $0x9000006B  }
0x34: {  	s0 =	sadd.s32 @!p0 $0x100000, s0;
	[bflag:$0x2] =	sbarrier.arrive $0xFFFF  }
0x35: {  	[sflag:s0] =	ssyncadd.tile.s32 @!p0 $0x1;
	_ =	shalt  }
.Lfunc_end2:
_tile_overlayer_lowered:
.L_overlay_start_2:
0x36: {  	(tag) =	ssettag $0x2  }
0x37: {  	s0 =	rddreg [dreg:$0x0];
	s2 =	stileid.u32  }
0x38: {  	s1 =	rddreg [dreg:$0x1];
	p0 =	sne.s32 s2, $0x0  }
0x39: {  	s3 =	rddreg [dreg:$0x2];
	[bflag:$0x3] =	sbarrier.arrive $0xFFFF;
	s2 =	simm.s32 @!p0 $0x1C02  }
0x3a: {  	[timem:s3], [sflag:s2] =	dma.local @!p0 [hbm:s0], s1  }
0x3b: {  	s0 =	simm.s32 @!p0 $0x2  }
0x3c: {  	_ =	swait.ge @!p0 [sflag:s0], s1  }
0x3d: {  	s1 =	ssub.s32 @!p0 $0x0, s1;
	[sflag:s0] =	ssyncset.done @!p0 $0x0  }
0x3e: {  	[sflag:s0] =	ssyncadd.s32 @!p0 s1  }
0x3f: {  	[bflag:$0x3] =	sbarrier.arrive $0xFFFF  }
0x40: {  	_ =	shalt  }

// kernel: kernel.77.cloned.1.call-start
scs
__scs_entry_jumppad:
0x0: {  	(pc) =	sbr.rel $0x88, $3  }
0x1: {  	(tag) =	ssettag $0x0;
	lr =	simm.s32 $0x1  }
0x2: {  	[smem:$0x3F92] =	sst lr;
	_ =	strace $0xD0000000  }
0x3: {  	_ = 	snop  }
0x4: {  	_ = 	snop  }
0x5: {  	_ = 	snop  }
0x6: {  	_ = 	snop  }
0x7: {  	_ = 	snop  }
__scs_overlays_trampoline_lowered:
0x8: {  	[smem:$0x3FA1] =	sst s0  }
0x9: {  	[smem:$0x3FA2] =	sst s1  }
0xa: {  	[smem:$0x3FA3] =	sst s2  }
0xb: {  	[smem:$0x3FA4] =	sst s3  }
0xc: {  	[smem:$0x3FA5] =	sst s4  }
0xd: {  	[smem:$0x3FA6] =	sst s5  }
0xe: {  	[smem:$0x3FA7] =	sst s6  }
0xf: {  	[smem:$0x3FA8] =	sst s7  }
0x10: {  	[smem:$0x3FA9] =	sst s8  }
0x11: {  	[smem:$0x3FAA] =	sst s9;
	s0 =	simm.s32 @!p0 $0x0  }
0x12: {  	s1 =	sld [smem:$0x3F90];
	s0 =	simm.s32 @p0 $0x1  }
0x13: {  	[smem:$0x3FAB] =	sst s0;
	s0 =	simm.s32 @!p1 $0x0  }
0x14: {  	s2 =	sld [smem:$0x3F8F];
	s0 =	simm.s32 @p1 $0x1  }
0x15: {  	[smem:$0x3FAC] =	sst s0;
	s0 =	simm.s32 @!p2 $0x0  }
0x16: {  	s3 =	sld [smem:$0x3FDB];
	s0 =	simm.s32 @p2 $0x1  }
0x17: {  	s4 =	simm.s32 $0x1BF5;
	[smem:$0x3FAE] =	sst s0  }
0x18: {  	s0 =	sld [smem:$0x3F91];
	_ =	swait.ge [sflag:s4], $0x0  }
0x19: {  	s7 =	sld [smem:$0x3F92]  }
0x1a: {  	s8 =	sadd.s32 $0xFFFFE003, lr  }
0x1b: {  	s9 =	sadd.s32 $0xFFFFFEF7, lr;
	s5 =	simm.s32 $0xFFFFFFFF;
	p2 =	slt.u32 s8, $0xFFFFF086  }
0x1c: {  	p1 =	slt.u32 s9, $0xF7A;
	s5 =	simm.s32 @!p2 $0x0  }
0x1d: {  	s5 =	simm.s32 @p1 $0x1;
	p0 =	seq.s32 s7, s2  }
0x1e: {  	s7 =	smul.u32 @!p0 $0xF7A, s2;
	p2 =	seq.s32 @!p0 s5, $0x0  }
0x1f: {  	s9 =	smul.u32 $0xF7A, s1;
	s8 =	simm.s32 @!p0 $0x1BF5;
	p2 =	por !p2, p0  }
0x20: {  	[sflag:s8] =	ssyncset.s32 @!p0 $0xFFFFF086;
	s6 =	sadd.s32 @!p0 s3, s7;
	s7 =	simm.s32 @!p0 $0x108  }
0x21: {  	s3 =	sadd.s32 s3, s9;
	s6 =	sadd.s32 @!p0 $0x88, s6;
	s7 =	simm.s32 @p2 $0x1082  }
0x22: {  	[simem:s7], [sflag:s8] =	dma.local @!p0 [hbm:s6], $0xF7A  }
0x23: {  	s9 =	sor.u32 $0xD0000000, s2;
	s6 =	simm.s32 $0x108;
	_ =	swait.ge @!p0 [sflag:s8], $0x0  }
0x24: {  	s3 =	sadd.s32 $0x88, s3;
	s6 =	simm.s32 @!p1 $0x1082;
	[sflag:s4] =	ssyncset.s32 $0xFFFFF086  }
0x25: {  	[simem:s6], [sflag:s4] =	dma.local [hbm:s3], $0xF7A  }
0x26: {  	[smem:$0x3F92] =	sst s1;
	(tag) =	ssettag s2;
	_ =	strace s9  }
0x27: {  	s1 =	sld [smem:$0x3FA2]  }
0x28: {  	s2 =	sld [smem:$0x3FA3]  }
0x29: {  	s4 =	sld [smem:$0x3FA5]  }
0x2a: {  	p0 =	seq.s32 s5, $0x0;
	s5 =	sld [smem:$0x3FA6]  }
0x2b: {  	s6 =	sld [smem:$0x3FA7]  }
0x2c: {  	s7 =	sld [smem:$0x3FA8]  }
0x2d: {  	s3 =	simm.s32 $0x108;
	s8 =	sld [smem:$0x3FA9]  }
0x2e: {  	s3 =	simm.s32 @!p0 $0x1082;
	s9 =	sld [smem:$0x3FAA]  }
0x2f: {  	lr =	sadd.s32 s0, s3;
	s0 =	sld [smem:$0x3FA1]  }
0x30: {  	s3 =	sld [smem:$0x3FA4]  }
0x31: {  	[smem:$0x3FAD] =	sst s10  }
0x32: {  	s10 =	sld [smem:$0x3FAB];
	_ =	sdelay $0x3  }
0x33: {  	p0 =	seq.s32 s10, $0x1;
	s10 =	sld [smem:$0x3FAD];
	_ =	sdelay $0x3  }
0x34: {  	[smem:$0x3FAD] =	sst s10  }
0x35: {  	s10 =	sld [smem:$0x3FAC];
	_ =	sdelay $0x3  }
0x36: {  	p1 =	seq.s32 s10, $0x1;
	s10 =	sld [smem:$0x3FAD];
	_ =	sdelay $0x3  }
0x37: {  	[smem:$0x3FAD] =	sst s10  }
0x38: {  	s10 =	sld [smem:$0x3FAE]  }
0x39: {  	_ = 	snop;
	(pc) =	sbr.ind lr, $3  }
0x3a: {  	_ = 	snop  }
0x3b: {  	_ = 	snop  }
0x3c: {  	p2 =	seq.s32 s10, $0x1;
	s10 =	sld [smem:$0x3FAD]  }
0x3d: {  	_ =	shalt  }
0x3e: {  	_ =	shalt  }
0x3f: {  	_ =	shalt  }
0x40: {  	_ =	shalt  }
0x41: {  	_ =	shalt  }
0x42: {  	_ =	shalt  }
0x43: {  	_ =	shalt  }
0x44: {  	_ =	shalt  }
0x45: {  	_ =	shalt  }
0x46: {  	_ =	shalt  }
0x47: {  	_ =	shalt  }
0x48: {  	_ =	shalt  }
0x49: {  	_ =	shalt  }
0x4a: {  	_ =	shalt  }
0x4b: {  	_ =	shalt  }
0x4c: {  	_ =	shalt  }
0x4d: {  	_ =	shalt  }
0x4e: {  	_ =	shalt  }
0x4f: {  	_ =	shalt  }
0x50: {  	_ =	shalt  }
0x51: {  	_ =	shalt  }
0x52: {  	_ =	shalt  }
0x53: {  	_ =	shalt  }
0x54: {  	_ =	shalt  }
0x55: {  	_ =	shalt  }
0x56: {  	_ =	shalt  }
0x57: {  	_ =	shalt  }
0x58: {  	_ =	shalt  }
0x59: {  	_ =	shalt  }
0x5a: {  	_ =	shalt  }
0x5b: {  	_ =	shalt  }
0x5c: {  	_ =	shalt  }
0x5d: {  	_ =	shalt  }
0x5e: {  	_ =	shalt  }
0x5f: {  	_ =	shalt  }
0x60: {  	_ =	shalt  }
0x61: {  	_ =	shalt  }
0x62: {  	_ =	shalt  }
0x63: {  	_ =	shalt  }
0x64: {  	_ =	shalt  }
0x65: {  	_ =	shalt  }
0x66: {  	_ =	shalt  }
0x67: {  	_ =	shalt  }
0x68: {  	_ =	shalt  }
0x69: {  	_ =	shalt  }
0x6a: {  	_ =	shalt  }
0x6b: {  	_ =	shalt  }
0x6c: {  	_ =	shalt  }
0x6d: {  	_ =	shalt  }
0x6e: {  	_ =	shalt  }
0x6f: {  	_ =	shalt  }
0x70: {  	_ =	shalt  }
0x71: {  	_ =	shalt  }
0x72: {  	_ =	shalt  }
0x73: {  	_ =	shalt  }
0x74: {  	_ =	shalt  }
0x75: {  	_ =	shalt  }
0x76: {  	_ =	shalt  }
0x77: {  	_ =	shalt  }
0x78: {  	_ =	shalt  }
0x79: {  	_ =	shalt  }
0x7a: {  	_ =	shalt  }
0x7b: {  	_ =	shalt  }
0x7c: {  	_ =	shalt  }
0x7d: {  	_ =	shalt  }
0x7e: {  	_ =	shalt  }
0x7f: {  	_ =	shalt  }
0x80: {  	_ =	shalt  }
0x81: {  	_ =	shalt  }
0x82: {  	_ =	shalt  }
0x83: {  	_ =	shalt  }
0x84: {  	_ =	shalt  }
0x85: {  	_ =	shalt  }
0x86: {  	_ =	shalt  }
0x87: {  	_ =	shalt  }
.Lfunc_end0:
.L_simem_size_0:
called_computation.15_lowered:
.L_overlay_start_0:
0x88: {  	s2 =	sld [smem:$0x3FD9]  }
0x89: {  	s3 =	sld [smem:$0x3FFE];
	_ =	sdelay $0x1  }
0x8a: {  	s1 =	srdreg.scid  }
0x8b: {  	s0 =	sand.u32 $0x1, s1  }
0x8c: {  	s17 =	sshll.u32 s0, $0xA;
	s2 =	sadd.s32 s3, s2  }
0x8d: {  	s2 =	sadd.s32 s2, s17  }
0x8e: {  	[smem:$0x3FB9] =	sst s2  }
0x8f: {  	_ = 	snop  }
0x90: {  	(tm) =	ssettm $0x1  }
0x91: {  	s18 =	sld [smem:$0x3FFB];
	_ =	sdelay $0x3  }
0x92: {  	_ =	strace s18  }
0x93: {  	s2 =	sld [smem:$0x3FFC];
	_ =	sdelay $0x3  }
0x94: {  	_ =	strace s2  }
0x95: {  	s2 =	sld [smem:$0x3FFD];
	_ =	sdelay $0x3  }
0x96: {  	_ =	strace s2  }
0x97: {  	_ =	strace $0x8FFFFFFF  }
0x98: {  	s19 =	sld [smem:$0x3FDB];
	_ =	sdelay $0x1  }
0x99: {  	s20 =	simm.s32 $_scs_section_size  }
0x9a: {  	s4 =	simm.s32 $_size__tile_overlayer_lowered;
	s5 =	simm.s32 $_tile_overlayer_lowered  }
0x9b: {  	s6 =	simm.s32 $0x1BFF;
	s21 =	sshll.u32 s5, $0x1;
	s3 =	sadd.s32 s20, s19  }
0x9c: {  	s22 =	simm.s32 $0x0;
	s4 =	sshll.u32 s4, $0x1;
	s5 =	sadd.s32 s21, s3  }
0x9d: {  	[timem:s22], [sflag:s6] =	dma.local [hbm:s5], s4  }
0x9e: {  	_ =	swait.ge [sflag:s6], s4  }
0x9f: {  	s4 =	ssub.s32 $0x0, s4;
	[sflag:s6] =	ssyncset.done $0x0  }
0xa0: {  	[sflag:s6] =	ssyncadd.s32 s4;
	_ =	sdelay $0x1  }
0xa1: {  	s23 =	simm.s32 $0x1B8B  }
0xa2: {  	_ =	swait.ge [sflag:s23], $0x1  }
0xa3: {  	[sflag:s23] =	ssyncset.done $0x0  }
0xa4: {  	[sflag:s23] =	ssyncadd.s32 $0xFFFFFFFF  }
0xa5: {  	s4 =	sld [smem:$0x0]  }
0xa6: {  	s5 =	sand.u32 $0xFFFFFFFE, s1  }
0xa7: {  	p0 =	sne.s32 s1, s5  }
0xa8: {  	s5 =	sshll.u32 @p0 s5, $0xE  }
0xa9: {  	s5 =	sadd.s32 @p0 $0x11B8D, s5;
	s6 =	sshll.u32 @p0 s4, $0x11  }
0xaa: {  	s5 =	sor.u32 @p0 s6, s5  }
0xab: {  	[sflag:s5] =	ssyncadd.remote.s32 @p0 $0x1;
	_ =	sdelay $0x1  }
0xac: {  	s5 =	simm.s32 @p0 $0x1B8D  }
0xad: {  	_ =	swait.eq @p0 [sflag:s5], $0x1  }
0xae: {  	[sflag:s5] =	ssyncadd.s32 @p0 $0xFFFFFFFF  }
0xaf: {  	s6 =	sshll.u32 @!p0 s1, $0xE  }
0xb0: {  	s6 =	sor.u32 @!p0 $0x4000, s6;
	s5 =	simm.s32 @!p0 $0x1B8D  }
0xb1: {  	s4 =	sshll.u32 @!p0 s4, $0x11;
	s6 =	sadd.s32 @!p0 $0x11B8D, s6;
	_ =	swait.eq @!p0 [sflag:s5], $0x1  }
0xb2: {  	s4 =	sor.u32 @!p0 s4, s6;
	[sflag:s5] =	ssyncadd.s32 @!p0 $0xFFFFFFFF  }
0xb3: {  	s25 =	simm.s32 $0x1B8E;
	s24 =	sld [smem:$0x3FFE];
	[sflag:s4] =	ssyncadd.remote.s32 @!p0 $0x1  }
0xb4: {  	s26 =	simm.s32 $execute0_lowered;
	[smem:$0x3FD2] =	sst s25  }
0xb5: {  	s5 =	sshll.u32 s26, $0x1;
	_ =	strace $0x80000070;
	[dreg:$0x1] =	wrdreg $0xFFFFFFFF  }
0xb6: {  	s28 =	simm.s32 $_size_execute0_lowered;
	s3 =	sadd.s32 s3, s5;
	[dreg:$0x0] =	wrdreg $0x0  }
0xb7: {  	s5 =	sshll.u32 s28, $0x1;
	[dreg:$0x2] =	wrdreg s3  }
0xb8: {  	[dreg:$0x3] =	wrdreg s5  }
0xb9: {  	[dreg:$0x4] =	wrdreg $0xC0  }
0xba: {  	_ =	task [dreg:s22], $0x5FFFF  }
0xbb: {  	[dreg:$0x1] =	wrdreg $0xFFFFFFFF  }
0xbc: {  	[dreg:$0x0] =	wrdreg $0x60  }
0xbd: {  	[dreg:$0x2] =	wrdreg s24  }
0xbe: {  	[dreg:$0x3] =	wrdreg $0xA  }
0xbf: {  	_ =	task.clear_ibuf [dreg:s22], $0x4FFFF;
	_ =	strace $0x90000070  }
0xc0: {  	s29 =	simm.s32 $0xA;
	_ =	strace $0x80000072  }
0xc1: {  	_ =	swait.ge [sflag:s29], $0x1  }
0xc2: {  	[sflag:s29] =	ssyncadd.s32 $0xFFFFFFFF  }
0xc3: {  	_ =	strace $0x90000072  }
0xc4: {  	_ =	sfence  }
0xc5: {  	s30 =	sld [smem:$0x0];
	_ =	sdelay $0x2  }
0xc6: {  	s31 =	sshll.u32 s1, $0xD;
	s1 =	sshrl.u32 s1, $0x2  }
0xc7: {  	s4 =	sand.u32 $0x4000, s31;
	s1 =	sadd.s32 s1, s30  }
0xc8: {  	s0 =	sor.u32 s4, s0;
	s1 =	sshll.u32 s1, $0x11  }
0xc9: {  	s0 =	sor.u32 s1, s0  }
0xca: {  	s0 =	sadd.s32 $0x8F2B, s0  }
0xcb: {  	[sflag:s0] =	ssyncadd.remote.s32 $0x1  }
0xcc: {  	_ =	sfence.sel $0xFFFF  }
0xcd: {  	[dreg:$0x0] =	wrdreg $0xFFFFFFFF;
	(pc) =	sbr.abs _section_cstart, $3  }
0xce: {  	[dreg:$0x1] =	wrdreg $0xFFFFFFFF  }
0xcf: {  	_ =	task.clear_ibuf [dreg:s22], $0x2FFFF;
	_ =	strace $0x9FFFFFFF  }
0xd0: {  	(tm) =	ssettm $0x7FFFFFFF  }
0xd1: {  	_ =	shalt  }
tec
execute0_lowered:
.L_overlay_start_1:
0x0: {  	(tag) =	ssettag $0x1  }
0x1: {  	s4 =	rddreg [dreg:$0x0]  }
0x2: {  	s0 =	rddreg [dreg:$0x1];
	s2 =	simm.s32 $0x0;
	s1 =	stileid.u32  }
0x3: {  	s3 =	srdreg.scid;
	s10 =	simm.s32 $0x0;
	s6 =	smul.u32 $0xC00, s1  }
0x4: {  	[smem:$0x7FF] =	sst s2;
	s5 =	sand.u32 $0x1, s3;
	s8 =	smul.u32 $0xC000, s1  }
0x5: {  	s3 =	sadd.s32 $0x4600, s4;
	s7 =	smul.u32 $0x600, s5;
	s9 =	ssub.s32 $0x2, s5  }
0x6: {  	_ =	strace $0x80000071;
	s5 =	smul.u32 $0x6000, s5;
	s31 =	sshrl.u32 s9, $0x1  }
0x7: {  	s8 =	sadd.s32 s8, s4;
	s6 =	sadd.s32 s7, s6;
	s7 =	ssub.s32 s9, s31  }
0x8: {  	s5 =	sadd.s32 s5, s8;
	s8 =	simm.s32 $0x80;
	s6 =	sshrl.u32 s6, $0x3  }
0x9: {  	s9 =	simm.s32 $0x1;
	s5 =	sadd.s32 $0xE4800, s5;
	s6 =	sadd.s32 s6, s4  }
0xa: {  	s4 =	smax.u32 s7, $0x1;
	s7 =	simm.s32 $0x2;
	s6 =	sadd.s32 $0x3FC00, s6  }
.LBB2_1:
0xb: {  	s11 =	sadd.s32 $0x0, s6  }
0xc: {  	[tilespmem:s2], [sflag:$0x2] =	stream.linear.gather [hbm4b:s11+s2], $0x80, $0x38;
	[tilespmem:$0x4080] =	vst v63  }
0xd: {  	_ =	swait.ge [sflag:s7], $0x80  }
0xe: {  	[sflag:s7] =	ssyncset.done $0x0  }
0xf: {  	[sflag:s7] =	ssyncadd.s32 $0xFFFFFF80  }
0x10: {  	[tilespmem:s8], [sflag:$0x1] =	stream.indirect.gather [hbm4b:s3+s8], $0x80, s2, s8, $0xb8;
	[tilespmem:$0x4080] =	vst v63  }
0x11: {  	_ =	swait.ge [sflag:s9], $0x4000  }
0x12: {  	[sflag:s9] =	ssyncset.done $0x0  }
0x13: {  	[sflag:s9] =	ssyncadd.s32 $0xFFFFC000  }
0x14: {  	[hbm4b:s5+s2] =	stream.linear.scatter [tilespmem:s8], [sflag:$0x2], $0x4000, $0x38;
	[tilespmem:$0x4080] =	vst v63  }
0x15: {  	s12 =	simm.s32 $0x10;
	_ =	swait.ge [sflag:s7], $0x4000  }
0x16: {  	s13 =	simm.s32 $0x20;
	s11 =	sadd.s32 $0x800, s5;
	[sflag:s7] =	ssyncset.done $0x0  }
.LBB2_2:
0x17: {  	s14 =	sadd.s32 s12, s6  }
0x18: {  	[sflag:s7] =	ssyncadd.s32 $0xFFFFC000;
	s12 =	smov.u32 s13;
	s15 =	sadd.s32 $0x10, s13  }
0x19: {  	[tilespmem:s2], [sflag:$0x2] =	stream.linear.gather [hbm4b:s14+s2], $0x80, $0x38;
	[tilespmem:$0x4080] =	vst v63  }
0x1a: {  	p0 =	sne.s32 s13, $0xB0;
	_ =	swait.ge [sflag:s7], $0x80  }
0x1b: {  	[sflag:s7] =	ssyncset.done $0x0  }
0x1c: {  	[sflag:s7] =	ssyncadd.s32 $0xFFFFFF80  }
0x1d: {  	[tilespmem:s8], [sflag:$0x1] =	stream.indirect.gather [hbm4b:s3+s8], $0x80, s2, s8, $0xb8;
	[tilespmem:$0x4080] =	vst v63  }
0x1e: {  	_ =	swait.ge [sflag:s9], $0x4000  }
.Ltmp0:
0x1f: {  	[sflag:s9] =	ssyncset.done $0x0;
	(pc) =	sbr.rel @p0 .LBB2_2-.Ltmp0, $4  }
0x20: {  	[sflag:s9] =	ssyncadd.s32 $0xFFFFC000  }
0x21: {  	[hbm4b:s11+s2] =	stream.linear.scatter [tilespmem:s8], [sflag:$0x2], $0x4000, $0x38;
	[tilespmem:$0x4080] =	vst v63  }
0x22: {  	_ =	swait.ge [sflag:s7], $0x4000  }
0x23: {  	s13 =	smov.u32 s15;
	s11 =	sadd.s32 $0x800, s11;
	[sflag:s7] =	ssyncset.done $0x0  }
0x24: {  	s12 =	sadd.s32 s12, s6;
	[sflag:s7] =	ssyncadd.s32 $0xFFFFC000  }
0x25: {  	[tilespmem:s2], [sflag:$0x2] =	stream.linear.gather [hbm4b:s12+s2], $0x80, $0x38;
	[tilespmem:$0x4080] =	vst v63  }
0x26: {  	_ =	swait.ge [sflag:s7], $0x80  }
0x27: {  	[sflag:s7] =	ssyncset.done $0x0  }
0x28: {  	[sflag:s7] =	ssyncadd.s32 $0xFFFFFF80  }
0x29: {  	[tilespmem:s8], [sflag:$0x1] =	stream.indirect.gather [hbm4b:s3+s8], $0x80, s2, s8, $0xb8;
	[tilespmem:$0x4080] =	vst v63  }
0x2a: {  	s10 =	sadd.s32 $0x1, s10;
	_ =	swait.ge [sflag:s9], $0x4000  }
0x2b: {  	p0 =	sne.s32 s10, s4;
	[sflag:s9] =	ssyncset.done $0x0  }
.Ltmp1:
0x2c: {  	[sflag:s9] =	ssyncadd.s32 $0xFFFFC000;
	(pc) =	sbr.rel @p0 .LBB2_1-.Ltmp1, $4  }
0x2d: {  	[hbm4b:s11+s2] =	stream.linear.scatter [tilespmem:s8], [sflag:$0x2], $0x4000, $0x38;
	[tilespmem:$0x4080] =	vst v63  }
0x2e: {  	_ =	swait.ge [sflag:s7], $0x4000  }
0x2f: {  	[sflag:s7] =	ssyncset.done $0x0  }
0x30: {  	[sflag:s7] =	ssyncadd.s32 $0xFFFFC000  }
0x31: {  	_ =	sfence.sel $0x180000  }
0x32: {  	[bflag:$0x0] =	sbarrier.arrive $0xFFFF  }
0x33: {  	p0 =	sne.s32 s1, $0x0;
	_ =	strace $0x90000071  }
0x34: {  	s0 =	sadd.s32 @!p0 $0x100000, s0;
	[bflag:$0x2] =	sbarrier.arrive $0xFFFF  }
0x35: {  	[sflag:s0] =	ssyncadd.tile.s32 @!p0 $0x1;
	_ =	shalt  }
.Lfunc_end2:
_tile_overlayer_lowered:
.L_overlay_start_2:
0x36: {  	(tag) =	ssettag $0x2  }
0x37: {  	s0 =	rddreg [dreg:$0x0];
	s2 =	stileid.u32  }
0x38: {  	s1 =	rddreg [dreg:$0x1];
	p0 =	sne.s32 s2, $0x0  }
0x39: {  	s3 =	rddreg [dreg:$0x2];
	[bflag:$0x3] =	sbarrier.arrive $0xFFFF;
	s2 =	simm.s32 @!p0 $0x1C02  }
0x3a: {  	[timem:s3], [sflag:s2] =	dma.local @!p0 [hbm:s0], s1  }
0x3b: {  	s0 =	simm.s32 @!p0 $0x2  }
0x3c: {  	_ =	swait.ge @!p0 [sflag:s0], s1  }
0x3d: {  	s1 =	ssub.s32 @!p0 $0x0, s1;
	[sflag:s0] =	ssyncset.done @!p0 $0x0  }
0x3e: {  	[sflag:s0] =	ssyncadd.s32 @!p0 s1  }
0x3f: {  	[bflag:$0x3] =	sbarrier.arrive $0xFFFF  }
0x40: {  	_ =	shalt  }

// kernel: sparse-core-data-format-call.1.cloned.1.call-start
scs
called_computation.1_lowered:
.L_overlay_start_0:
0x0: {  	s2 =	sld [smem:$0x3FD9]  }
0x1: {  	s3 =	sld [smem:$0x3FFE];
	_ =	sdelay $0x1  }
0x2: {  	s1 =	srdreg.scid  }
0x3: {  	s0 =	sand.u32 $0x1, s1  }
0x4: {  	s18 =	sshll.u32 s0, $0xA;
	s2 =	sadd.s32 s3, s2  }
0x5: {  	s2 =	sadd.s32 s2, s18  }
0x6: {  	[smem:$0x3FB9] =	sst s2  }
0x7: {  	_ = 	snop  }
0x8: {  	(tm) =	ssettm $0x1  }
0x9: {  	s19 =	sld [smem:$0x3FFB];
	_ =	sdelay $0x3  }
0xa: {  	_ =	strace s19  }
0xb: {  	s2 =	sld [smem:$0x3FFC];
	_ =	sdelay $0x3  }
0xc: {  	_ =	strace s2  }
0xd: {  	s2 =	sld [smem:$0x3FFD];
	_ =	sdelay $0x3  }
0xe: {  	_ =	strace s2  }
0xf: {  	_ =	strace $0x8FFFFFFF  }
0x10: {  	s20 =	sld [smem:$0x3FDB];
	_ =	sdelay $0x1  }
0x11: {  	s21 =	simm.s32 $_scs_section_size  }
0x12: {  	s4 =	simm.s32 $_size__tile_overlayer_lowered;
	s5 =	simm.s32 $_tile_overlayer_lowered  }
0x13: {  	s6 =	simm.s32 $0x1BFF;
	s22 =	sshll.u32 s5, $0x1;
	s3 =	sadd.s32 s21, s20  }
0x14: {  	s23 =	simm.s32 $0x0;
	s4 =	sshll.u32 s4, $0x1;
	s5 =	sadd.s32 s22, s3  }
0x15: {  	[timem:s23], [sflag:s6] =	dma.local [hbm:s5], s4  }
0x16: {  	_ =	swait.ge [sflag:s6], s4  }
0x17: {  	s4 =	ssub.s32 $0x0, s4;
	[sflag:s6] =	ssyncset.done $0x0  }
0x18: {  	[sflag:s6] =	ssyncadd.s32 s4;
	_ =	sdelay $0x1  }
0x19: {  	s24 =	simm.s32 $0x1B8B  }
0x1a: {  	_ =	swait.ge [sflag:s24], $0x1  }
0x1b: {  	[sflag:s24] =	ssyncset.done $0x0  }
0x1c: {  	[sflag:s24] =	ssyncadd.s32 $0xFFFFFFFF  }
0x1d: {  	s4 =	sld [smem:$0x0]  }
0x1e: {  	s5 =	sand.u32 $0xFFFFFFFE, s1  }
0x1f: {  	p0 =	sne.s32 s1, s5  }
0x20: {  	s5 =	sshll.u32 @p0 s5, $0xE  }
0x21: {  	s5 =	sadd.s32 @p0 $0x11B8D, s5;
	s6 =	sshll.u32 @p0 s4, $0x11  }
0x22: {  	s5 =	sor.u32 @p0 s6, s5  }
0x23: {  	[sflag:s5] =	ssyncadd.remote.s32 @p0 $0x1;
	_ =	sdelay $0x1  }
0x24: {  	s5 =	simm.s32 @p0 $0x1B8D  }
0x25: {  	_ =	swait.eq @p0 [sflag:s5], $0x1  }
0x26: {  	[sflag:s5] =	ssyncadd.s32 @p0 $0xFFFFFFFF  }
0x27: {  	s6 =	sshll.u32 @!p0 s1, $0xE  }
0x28: {  	s6 =	sor.u32 @!p0 $0x4000, s6;
	s5 =	simm.s32 @!p0 $0x1B8D  }
0x29: {  	s4 =	sshll.u32 @!p0 s4, $0x11;
	s6 =	sadd.s32 @!p0 $0x11B8D, s6;
	_ =	swait.eq @!p0 [sflag:s5], $0x1  }
0x2a: {  	s4 =	sor.u32 @!p0 s4, s6;
	[sflag:s5] =	ssyncadd.s32 @!p0 $0xFFFFFFFF  }
0x2b: {  	s26 =	simm.s32 $0x1B8E;
	s25 =	sld [smem:$0x3FFE];
	[sflag:s4] =	ssyncadd.remote.s32 @!p0 $0x1  }
0x2c: {  	s27 =	simm.s32 $execute0_lowered;
	[smem:$0x3FD2] =	sst s26  }
0x2d: {  	s5 =	sshll.u32 s27, $0x1;
	_ =	strace $0x80000061;
	[dreg:$0x1] =	wrdreg $0xFFFFFFFF  }
0x2e: {  	s28 =	simm.s32 $_size_execute0_lowered;
	s3 =	sadd.s32 s3, s5;
	[dreg:$0x0] =	wrdreg $0x0  }
0x2f: {  	s5 =	sshll.u32 s28, $0x1;
	[dreg:$0x2] =	wrdreg s3  }
0x30: {  	[dreg:$0x3] =	wrdreg s5  }
0x31: {  	[dreg:$0x4] =	wrdreg $0xC0  }
0x32: {  	_ =	task [dreg:s23], $0x5FFFF  }
0x33: {  	[dreg:$0x1] =	wrdreg $0xFFFFFFFF  }
0x34: {  	[dreg:$0x0] =	wrdreg $0x60  }
0x35: {  	[dreg:$0x2] =	wrdreg s25  }
0x36: {  	[dreg:$0x3] =	wrdreg $0xA  }
0x37: {  	_ =	task.clear_ibuf [dreg:s23], $0x4FFFF;
	_ =	strace $0x90000061  }
0x38: {  	s29 =	simm.s32 $0xA;
	_ =	strace $0x80000063  }
0x39: {  	_ =	swait.ge [sflag:s29], $0x1  }
0x3a: {  	[sflag:s29] =	ssyncadd.s32 $0xFFFFFFFF  }
0x3b: {  	_ =	strace $0x90000063  }
0x3c: {  	_ =	sfence  }
0x3d: {  	s30 =	sld [smem:$0x0];
	_ =	sdelay $0x2  }
0x3e: {  	s31 =	sshll.u32 s1, $0xD;
	s1 =	sshrl.u32 s1, $0x2  }
0x3f: {  	s4 =	sand.u32 $0x4000, s31;
	s1 =	sadd.s32 s1, s30  }
0x40: {  	s0 =	sor.u32 s4, s0;
	s1 =	sshll.u32 s1, $0x11  }
0x41: {  	s0 =	sor.u32 s1, s0  }
0x42: {  	s0 =	sadd.s32 $0x8F2B, s0  }
0x43: {  	[sflag:s0] =	ssyncadd.remote.s32 $0x1  }
0x44: {  	_ =	sfence.sel $0xFFFF  }
0x45: {  	[dreg:$0x0] =	wrdreg $0xFFFFFFFF;
	(pc) =	sbr.abs _section_cstart, $3  }
0x46: {  	[dreg:$0x1] =	wrdreg $0xFFFFFFFF  }
0x47: {  	_ =	task.clear_ibuf [dreg:s23], $0x2FFFF;
	_ =	strace $0x9FFFFFFF  }
0x48: {  	(tm) =	ssettm $0x7FFFFFFF  }
0x49: {  	_ =	shalt  }
tec
execute0_lowered:
.L_overlay_start_1:
0x0: {  	(tag) =	ssettag $0x1  }
0x1: {  	s0 =	stileid.u32  }
0x2: {  	s1 =	srdreg.scid;
	s5 =	rddreg [dreg:$0x0];
	s31 =	simm.s32 $0x2  }
0x3: {  	s16 =	simm.s32 $0x0;
	s2 =	sshll.u32 s0, $0x6;
	s1 =	sshll.u32 s1, $0xA  }
0x4: {  	s9 =	simm.s32 $0x8000;
	s14 =	simm.s32 $0x0;
	s1 =	sor.u32 s2, s1  }
0x5: {  	s15 =	simm.s32 $0x0;
	s10 =	simm.s32 $0x0;
	s1 =	sand.u32 $0x780, s1  }
0x6: {  	s13 =	simm.s32 $0x0;
	s2 =	sand.u32 $0x1, s0;
	s3 =	ssub.s32 $0x1000, s1  }
0x7: {  	s4 =	ssub.s32 $0x2, s2;
	s12 =	smov.u32 s2;
	s6 =	sand.u32 $0x780, s3  }
0x8: {  	s7 =	sshrl.u32 s4, $0x1;
	p0 =	sne.s32 s6, $0x0;
	s6 =	simm.s32 $0x1  }
0x9: {  	s4 =	sand.u32 $0x1, s4;
	s8 =	sshrl.u32 s3, $0xB;
	s6 =	simm.s32 @!p0 $0x0  }
.Ltmp0:
0xa: {  	s4 =	sadd.s32 s4, s7;
	s6 =	sadd.s32 s6, s8;
	(pc) =	sbr.rel .LBB1_1-.Ltmp0, $4  }
0xb: {  	s11 =	smov.u32 s1;
	s3 =	rddreg [dreg:$0x1];
	s7 =	smul.u32 s6, s4  }
0xc: {  	_ =	strace $0x80000062;
	p0 =	por $0x0, $0x0;
	s6 =	simm.s32 $0x1  }
0xd: {  	s4 =	sadd.s32 $0x785C00, s5;
	[sflag:s6] =	ssyncpa.u1 $0x0;
	s7 =	sshll.u32 s7, $0x3  }
0xe: {  	s5 =	sadd.s32 $0x885C00, s5;
	[sflag:s31] =	ssyncpa.u1 $0x0;
	s8 =	sor.u32 $0x1, s7  }
.LBB1_4:
0xf: {  	v5 =	vld [tilespmem:s19+$0xFFFFFFD0]  }
0x10: {  	[tilespmem:s20+$0x2040 ss:$0x81] =	vst.msk $0xffff, v1;
	v58 =	vld [tilespmem:s19+$0xFFFFFFE0]  }
0x11: {  	[tilespmem:s20+$0x2850 ss:$0x81] =	vst.msk $0xffff, v2;
	v59 =	vld [tilespmem:s19+$0xFFFFFFF0]  }
0x12: {  	s21 =	sshra.s32 s21, $0x2;
	[tilespmem:s20+$0x3060 ss:$0x81] =	vst.msk $0xffff, v3;
	v60 =	vld [tilespmem:s19+$0x0]  }
0x13: {  	[tilespmem:s20+$0x0 ss:$0x81] =	vst.msk $0xffff, v0;
	v61 =	vld [tilespmem:s19+$0x10];
	s18 =	sadd.s32 s21, s18  }
0x14: {  	s26 =	sshll.u32 s16, $0xC;
	v62 =	vld [tilespmem:s19+$0x20];
	[tilespmem:s18+$0x3870 ss:$0x81] =	vst.msk $0xffff, v4  }
0x15: {  	s27 =	sand.u32 $0x78, s14;
	s22 =	sshll.u32 s14, $0x3;
	v63 =	vld [tilespmem:s19+$0xFFFFFFC0];
	s29 =	sshll.u32 s16, $0x7;
	[tilespmem:s18+$0x810 ss:$0x81] =	vst.msk $0xffff, v5  }
0x16: {  	s15 =	sshll.u32 s15, $0x13;
	s20 =	sand.u32 $0x3F8000, s26;
	s28 =	sand.u32 $0x3FFC00, s22;
	[tilespmem:s18+$0x1020 ss:$0x81] =	vst.msk $0xffff, v58  }
0x17: {  	s31 =	sand.u32 $0x7, s14;
	s22 =	sand.u32 $0xC00, s22;
	s19 =	sadd.s32 s28, s20;
	[tilespmem:s18+$0x1830 ss:$0x81] =	vst.msk $0xffff, v59  }
0x18: {  	s16 =	sand.u32 $0x380, s29;
	s30 =	sor.u32 s27, s22;
	s19 =	sshrl.u32 s19, $0x3;
	[tilespmem:s18+$0x2040 ss:$0x81] =	vst.msk $0xffff, v60  }
0x19: {  	s15 =	sadd.s32 s5, s15;
	s16 =	sor.u32 s16, s30;
	s19 =	sand.u32 $0x7FE00, s19;
	[tilespmem:s18+$0x2850 ss:$0x81] =	vst.msk $0xffff, v61  }
0x1a: {  	s14 =	sshll.u32 s31, $0x12;
	s16 =	sshrl.u32 s16, $0x3;
	[tilespmem:s18+$0x3060 ss:$0x81] =	vst.msk $0xffff, v62;
	s15 =	sadd.s32 s19, s15  }
0x1b: {  	s14 =	sor.u32 $0x400, s14;
	[tilespmem:s18+$0x0 ss:$0x81] =	vst.msk $0xffff, v63;
	s15 =	sadd.s32 s16, s15  }
0x1c: {  	[hbm4b:s15+s14] =	stream.strided.scatter [tilespmem:s17], [sflag:$0x2], $0x4000, s9, s14, $0x20;
	[tilespmem:$0x10100] =	vst v63  }
.LBB1_5:
0x1d: {  	s17 =	sadd.s32 $0x80, s10  }
0x1e: {  	s14 =	sadd.s32 $0x800, s11;
	s18 =	smov.u32 s11;
	p2 =	sgt.s32 s17, $0x3FF  }
0x1f: {  	s18 =	smov.u32 @p2 s14  }
0x20: {  	s20 =	smov.u32 s12;
	s14 =	sadd.s32 $0x2, s12;
	p3 =	sgt.s32 s18, $0xFFF  }
0x21: {  	s20 =	smov.u32 @p3 s14  }
0x22: {  	s17 =	simm.s32 @p2 $0x0;
	p2 =	sgt.s32 s20, $0x1  }
0x23: {  	p1 =	slt.u32 s13, $0x2;
	s20 =	smov.u32 @p2 s2;
	p2 =	sne.s32 s13, s8  }
.Ltmp1:
0x24: {  	s19 =	simm.s32 @!p1 $0x2;
	(pc) =	sbr.rel @!p2 .LBB1_6-.Ltmp1, $4  }
0x25: {  	s16 =	smov.u32 s10;
	s15 =	smov.u32 s12;
	_ =	swait.ge @!p1 [sflag:s19], $0x4000  }
0x26: {  	p0 =	por !p0, !p0;
	[sflag:s19] =	ssyncset.done @!p1 $0x0;
	s10 =	smov.u32 s17  }
0x27: {  	s18 =	smov.u32 @p3 s1;
	s14 =	smov.u32 s11;
	[sflag:s19] =	ssyncadd.s32 @!p1 $0xFFFFC000  }
0x28: {  	s11 =	smov.u32 s18;
	s13 =	sadd.s32 $0x1, s13;
	s12 =	smov.u32 s20  }
.LBB1_1:
0x29: {  	p1 =	sge.u32 s13, s7  }
0x2a: {  	s31 =	sadd.s32 $0xFFFFFFFF, s13;
	s17 =	sshll.u32 @!p1 s11, $0x7  }
0x2b: {  	s18 =	sxor.u32 @!p1 $0xFFFFFFFF, s13;
	s19 =	sand.u32 @!p1 $0x78, s10;
	s20 =	sand.u32 @!p1 $0x380, s17  }
0x2c: {  	s18 =	sshll.u32 @!p1 s18, $0xE;
	s19 =	sor.u32 @!p1 s19, s20;
	s20 =	sshll.u32 @!p1 s12, $0x13  }
0x2d: {  	s17 =	sand.u32 @!p1 $0x7FC00, s17;
	s19 =	sshrl.u32 @!p1 s19, $0x3;
	s20 =	sadd.s32 @!p1 s4, s20  }
0x2e: {  	s17 =	sadd.s32 @!p1 s10, s17;
	s19 =	sadd.s32 @!p1 s19, s20;
	s20 =	sand.u32 @!p1 $0x7, s10  }
0x2f: {  	s18 =	sand.u32 @!p1 $0x4000, s18;
	s17 =	sand.u32 @!p1 $0x7FF80, s17;
	s20 =	sshll.u32 @!p1 s20, $0x12  }
0x30: {  	s17 =	sadd.s32 @!p1 s17, s19;
	s19 =	sor.u32 @!p1 $0x400, s20;
	s20 =	simm.s32 @!p1 $0x2000  }
0x31: {  	[tilespmem:s18], [sflag:$0x1] =	stream.strided.gather @!p1 [hbm4b:s17+s19], $0x4000, s20, s19, $0x38;
	[tilespmem:$0x10100] =	vst v63  }
0x32: {  	p1 =	sge.u32 s31, s7  }
.Ltmp2:
0x33: {  	_ = 	snop;
	(pc) =	sbr.rel @p1 .LBB1_5-.Ltmp2, $1  }
0x34: {  	_ =	sdelay $0x3  }
0x35: {  	s17 =	simm.s32 $0x1  }
0x36: {  	_ =	swait.ge [sflag:s6], $0x4000;
	s17 =	simm.s32 @!p0 $0x0  }
0x37: {  	[sflag:s6] =	ssyncset.done $0x0;
	s18 =	sshll.u32 s17, $0xE  }
0x38: {  	[sflag:s6] =	ssyncadd.s32 $0xFFFFC000;
	s19 =	sor.u32 $0x40, s18  }
0x39: {  	s17 =	smul.u32 $0x10200, s17;
	v0 =	vld [tilespmem:s19+$0x30]  }
0x3a: {  	v3 =	vld [tilespmem:s19+$0xFFFFFFD0]  }
0x3b: {  	s17 =	sshrl.u32 s17, $0x2;
	v4 =	vld [tilespmem:s19+$0xFFFFFFE0]  }
0x3c: {  	v5 =	vld [tilespmem:s19+$0xFFFFFFF0];
	s18 =	sor.u32 $0x8000, s17  }
0x3d: {  	s31 =	sand.u32 $0x1, s13;
	v1 =	vld [tilespmem:s19+$0x0];
	s20 =	sadd.s32 $0x0, s18  }
0x3e: {  	v2 =	vld [tilespmem:s19+$0x10];
	s17 =	smul.u32 $0x10200, s31;
	[tilespmem:s20+$0x3870 ss:$0x81] =	vst.msk $0xffff, v0  }
0x3f: {  	[tilespmem:s20+$0x810 ss:$0x81] =	vst.msk $0xffff, v3;
	v3 =	vld [tilespmem:s19+$0x20]  }
0x40: {  	s17 =	sshrl.u32 s17, $0x2;
	v0 =	vld [tilespmem:s19+$0xFFFFFFC0];
	[tilespmem:s20+$0x1020 ss:$0x81] =	vst.msk $0xffff, v4;
	s19 =	sadd.s32 $0x80, s19  }
0x41: {  	s21 =	simm.s32 $0x4;
	s22 =	simm.s32 $0x8;
	s17 =	sor.u32 $0x8000, s17;
	[tilespmem:s20+$0x1830 ss:$0x81] =	vst.msk $0xffff, v5;
	v4 =	vld [tilespmem:s19+$0x30]  }
.LBB1_3:
0x42: {  	p1 =	sne.s32 s22, $0x1FC;
	v5 =	vld [tilespmem:s19+$0xFFFFFFD0];
	[tilespmem:s20+$0x2040 ss:$0x81] =	vst.msk $0xffff, v1  }
0x43: {  	v6 =	vld [tilespmem:s19+$0xFFFFFFE0];
	[tilespmem:s20+$0x2850 ss:$0x81] =	vst.msk $0xffff, v2  }
0x44: {  	s23 =	sshra.s32 s21, $0x2;
	s21 =	smov.u32 s22;
	v7 =	vld [tilespmem:s19+$0xFFFFFFF0];
	[tilespmem:s20+$0x3060 ss:$0x81] =	vst.msk $0xffff, v3  }
.Ltmp3:
0x45: {  	v1 =	vld [tilespmem:s19+$0x0];
	[tilespmem:s20+$0x0 ss:$0x81] =	vst.msk $0xffff, v0;
	s20 =	sadd.s32 s23, s18;
	(pc) =	sbr.rel @p1 .LBB1_3-.Ltmp3, $4  }
0x46: {  	v2 =	vld [tilespmem:s19+$0x10];
	[tilespmem:s20+$0x3870 ss:$0x81] =	vst.msk $0xffff, v4  }
0x47: {  	[tilespmem:s20+$0x810 ss:$0x81] =	vst.msk $0xffff, v5;
	v3 =	vld [tilespmem:s19+$0x20]  }
0x48: {  	v0 =	vld [tilespmem:s19+$0xFFFFFFC0];
	[tilespmem:s20+$0x1020 ss:$0x81] =	vst.msk $0xffff, v6;
	s19 =	sadd.s32 $0x80, s19  }
0x49: {  	s22 =	sadd.s32 $0x4, s22;
	v4 =	vld [tilespmem:s19+$0x30];
	[tilespmem:s20+$0x1830 ss:$0x81] =	vst.msk $0xffff, v7  }
.Ltmp4:
0x4a: {  	_ = 	snop;
	(pc) =	sbr.rel .LBB1_4-.Ltmp4, $1  }
0x4b: {  	_ =	sdelay $0x3  }
.LBB1_6:
0x4c: {  	_ =	sfence.sel $0x180000  }
0x4d: {  	s1 =	simm.s32 $0x1;
	[bflag:$0x0] =	sbarrier.arrive $0xFFFF  }
0x4e: {  	s31 =	simm.s32 $0x2;
	[sflag:s1] =	ssyncpa.u1 $0x1  }
0x4f: {  	[sflag:s31] =	ssyncpa.u1 $0x1  }
0x50: {  	p0 =	sne.s32 s0, $0x0;
	_ =	strace $0x90000062  }
0x51: {  	s0 =	sadd.s32 @!p0 $0x100000, s3;
	[bflag:$0x2] =	sbarrier.arrive $0xFFFF  }
0x52: {  	[sflag:s0] =	ssyncadd.tile.s32 @!p0 $0x1;
	_ =	shalt  }
.Lfunc_end1:
_tile_overlayer_lowered:
.L_overlay_start_2:
0x53: {  	(tag) =	ssettag $0x2  }
0x54: {  	s0 =	rddreg [dreg:$0x0];
	s2 =	stileid.u32  }
0x55: {  	s1 =	rddreg [dreg:$0x1];
	p0 =	sne.s32 s2, $0x0  }
0x56: {  	s3 =	rddreg [dreg:$0x2];
	[bflag:$0x3] =	sbarrier.arrive $0xFFFF;
	s2 =	simm.s32 @!p0 $0x1C01  }
0x57: {  	[timem:s3], [sflag:s2] =	dma.local @!p0 [hbm:s0], s1  }
0x58: {  	s0 =	simm.s32 @!p0 $0x1  }
0x59: {  	_ =	swait.ge @!p0 [sflag:s0], s1  }
0x5a: {  	s1 =	ssub.s32 @!p0 $0x0, s1;
	[sflag:s0] =	ssyncset.done @!p0 $0x0  }
0x5b: {  	[sflag:s0] =	ssyncadd.s32 @!p0 s1  }
0x5c: {  	[bflag:$0x3] =	sbarrier.arrive $0xFFFF  }
0x5d: {  	_ =	shalt  }

// kernel: sparse-core-data-format-call.2.cloned.1.call-start
scs
called_computation.2_lowered:
.L_overlay_start_0:
0x0: {  	s1 =	sld [smem:$0x3FD9]  }
0x1: {  	s2 =	sld [smem:$0x3FFE];
	_ =	sdelay $0x1  }
0x2: {  	s3 =	srdreg.scid  }
0x3: {  	s0 =	sand.u32 $0x1, s3  }
0x4: {  	s17 =	sshll.u32 s0, $0xA;
	s1 =	sadd.s32 s2, s1  }
0x5: {  	s1 =	sadd.s32 s1, s17  }
0x6: {  	[smem:$0x3FB9] =	sst s1  }
0x7: {  	_ = 	snop  }
0x8: {  	(tm) =	ssettm $0x1  }
0x9: {  	s18 =	sld [smem:$0x3FFB];
	_ =	sdelay $0x3  }
0xa: {  	_ =	strace s18  }
0xb: {  	s1 =	sld [smem:$0x3FFC];
	_ =	sdelay $0x3  }
0xc: {  	_ =	strace s1  }
0xd: {  	s1 =	sld [smem:$0x3FFD];
	_ =	sdelay $0x3  }
0xe: {  	_ =	strace s1  }
0xf: {  	_ =	strace $0x8FFFFFFF  }
0x10: {  	s19 =	sld [smem:$0x3FDB];
	_ =	sdelay $0x1  }
0x11: {  	s20 =	simm.s32 $_scs_section_size  }
0x12: {  	s4 =	simm.s32 $_size__tile_overlayer_lowered;
	s5 =	simm.s32 $_tile_overlayer_lowered  }
0x13: {  	s23 =	simm.s32 $0x1BFF;
	s22 =	sshll.u32 s5, $0x1;
	s1 =	sadd.s32 s20, s19  }
0x14: {  	s6 =	simm.s32 $0x0;
	s21 =	sshll.u32 s4, $0x1;
	s4 =	sadd.s32 s22, s1  }
0x15: {  	[timem:s6], [sflag:s23] =	dma.local [hbm:s4], s21  }
0x16: {  	_ =	swait.ge [sflag:s23], s21  }
0x17: {  	s2 =	ssub.s32 $0x0, s21;
	[sflag:s23] =	ssyncset.done $0x0  }
0x18: {  	[sflag:s23] =	ssyncadd.s32 s2;
	_ =	sdelay $0x1  }
0x19: {  	s24 =	simm.s32 $0x1B8B  }
0x1a: {  	_ =	swait.ge [sflag:s24], $0x1  }
0x1b: {  	[sflag:s24] =	ssyncset.done $0x0  }
0x1c: {  	s26 =	simm.s32 $0x1B8E;
	s25 =	sld [smem:$0x3FFE];
	[sflag:s24] =	ssyncadd.s32 $0xFFFFFFFF  }
0x1d: {  	s27 =	simm.s32 $execute0_lowered;
	[smem:$0x3FD2] =	sst s26  }
0x1e: {  	s4 =	sshll.u32 s27, $0x1;
	_ =	strace $0x80000058;
	[dreg:$0x1] =	wrdreg $0xFFFFFFFF  }
0x1f: {  	s28 =	simm.s32 $_size_execute0_lowered;
	s1 =	sadd.s32 s1, s4;
	[dreg:$0x0] =	wrdreg $0x0  }
0x20: {  	s4 =	sshll.u32 s28, $0x1;
	[dreg:$0x2] =	wrdreg s1  }
0x21: {  	[dreg:$0x3] =	wrdreg s4  }
0x22: {  	[dreg:$0x4] =	wrdreg $0xC0  }
0x23: {  	_ =	task [dreg:s6], $0x5FFFF  }
0x24: {  	[dreg:$0x1] =	wrdreg $0xFFFFFFFF  }
0x25: {  	[dreg:$0x0] =	wrdreg $0x60  }
0x26: {  	[dreg:$0x2] =	wrdreg s25  }
0x27: {  	[dreg:$0x3] =	wrdreg $0xB  }
0x28: {  	_ =	task.clear_ibuf [dreg:s6], $0x4FFFF;
	_ =	strace $0x90000058  }
0x29: {  	s29 =	simm.s32 $0xB;
	_ =	strace $0x8000005A  }
0x2a: {  	_ =	swait.ge [sflag:s29], $0x1  }
0x2b: {  	[sflag:s29] =	ssyncadd.s32 $0xFFFFFFFF  }
0x2c: {  	_ =	strace $0x9000005A  }
0x2d: {  	_ =	sfence  }
0x2e: {  	s30 =	sld [smem:$0x0];
	_ =	sdelay $0x2  }
0x2f: {  	s31 =	sshll.u32 s3, $0xD;
	s3 =	sshrl.u32 s3, $0x2  }
0x30: {  	s2 =	sand.u32 $0x4000, s31;
	s1 =	sadd.s32 s3, s30  }
0x31: {  	s0 =	sor.u32 s2, s0;
	s1 =	sshll.u32 s1, $0x11  }
0x32: {  	s0 =	sor.u32 s1, s0  }
0x33: {  	s0 =	sadd.s32 $0x8F2B, s0  }
0x34: {  	[sflag:s0] =	ssyncadd.remote.s32 $0x1  }
0x35: {  	_ =	sfence.sel $0xFFFF  }
0x36: {  	[dreg:$0x0] =	wrdreg $0xFFFFFFFF;
	(pc) =	sbr.abs _section_cstart, $3  }
0x37: {  	[dreg:$0x1] =	wrdreg $0xFFFFFFFF  }
0x38: {  	_ =	task.clear_ibuf [dreg:s6], $0x2FFFF;
	_ =	strace $0x9FFFFFFF  }
0x39: {  	(tm) =	ssettm $0x7FFFFFFF  }
tec
execute0_lowered:
.L_overlay_start_1:
0x0: {  	(tag) =	ssettag $0x1  }
0x1: {  	s0 =	stileid.u32  }
0x2: {  	s8 =	rddreg [dreg:$0x0];
	s3 =	srdreg.scid  }
0x3: {  	s31 =	simm.s32 $0x2;
	s17 =	simm.s32 $0x0;
	s10 =	simm.s32 $0x2000  }
0x4: {  	s15 =	simm.s32 $0x0;
	s16 =	simm.s32 $0x0;
	s2 =	sshll.u32 s0, $0x6  }
0x5: {  	s14 =	simm.s32 $0x0;
	s1 =	sand.u32 $0x1, s0;
	s2 =	sand.u32 $0x380, s2  }
0x6: {  	s3 =	sshll.u32 s3, $0x7;
	s4 =	ssub.s32 $0x2, s1;
	s5 =	ssub.s32 $0x400, s2  }
0x7: {  	s3 =	sand.u32 $0x80, s3;
	s13 =	smov.u32 s1;
	s7 =	sand.u32 $0x380, s5  }
0x8: {  	s6 =	sshrl.u32 s4, $0x1;
	p0 =	sne.s32 s7, $0x0;
	s7 =	simm.s32 $0x1  }
0x9: {  	s4 =	sand.u32 $0x1, s4;
	s5 =	sshrl.u32 s5, $0xA;
	s7 =	simm.s32 @!p0 $0x0  }
0xa: {  	s9 =	ssub.s32 $0x1000, s3;
	s4 =	sadd.s32 s4, s6;
	s5 =	sadd.s32 s7, s5  }
0xb: {  	s11 =	smov.u32 s3;
	s28 =	sshrl.u32 s9, $0x7;
	s30 =	smul.u32 s4, s5  }
.Ltmp0:
0xc: {  	s29 =	sshrl.u32 s9, $0x8;
	s6 =	sand.u32 $0x1, s28;
	(pc) =	sbr.rel .LBB1_1-.Ltmp0, $4  }
0xd: {  	s12 =	smov.u32 s2;
	s6 =	sadd.s32 s29, s6;
	s4 =	rddreg [dreg:$0x1]  }
0xe: {  	_ =	strace $0x80000059;
	s5 =	simm.s32 $0x1;
	s6 =	smul.u32 s6, s30  }
0xf: {  	p0 =	por $0x0, $0x0;
	s7 =	sadd.s32 $0x185C00, s8;
	[sflag:s5] =	ssyncpa.u1 $0x0  }
0x10: {  	s8 =	sadd.s32 $0x285C00, s8;
	[sflag:s31] =	ssyncpa.u1 $0x0;
	s9 =	sadd.s32 $0x1, s6  }
.LBB1_4:
0x11: {  	v5 =	vld [tilespmem:s21+$0xFFFFFFD0];
	[tilespmem:s20+$0x2040 ss:$0x81] =	vst.msk $0xffff, v1  }
0x12: {  	v58 =	vld [tilespmem:s21+$0xFFFFFFE0];
	[tilespmem:s20+$0x2850 ss:$0x81] =	vst.msk $0xffff, v2  }
0x13: {  	s22 =	sshra.s32 s22, $0x2;
	v59 =	vld [tilespmem:s21+$0xFFFFFFF0];
	[tilespmem:s20+$0x3060 ss:$0x81] =	vst.msk $0xffff, v3  }
0x14: {  	v60 =	vld [tilespmem:s21+$0x0];
	[tilespmem:s20+$0x0 ss:$0x81] =	vst.msk $0xffff, v0;
	s19 =	sadd.s32 s22, s19  }
0x15: {  	v61 =	vld [tilespmem:s21+$0x10];
	[tilespmem:s19+$0x3870 ss:$0x81] =	vst.msk $0xffff, v4  }
0x16: {  	v62 =	vld [tilespmem:s21+$0x20];
	s26 =	sshll.u32 s17, $0xA;
	s27 =	sshll.u32 s15, $0x3;
	[tilespmem:s19+$0x810 ss:$0x81] =	vst.msk $0xffff, v5  }
0x17: {  	v63 =	vld [tilespmem:s21+$0xFFFFFFC0];
	s29 =	sshll.u32 s17, $0x7;
	s30 =	sand.u32 $0x78, s15;
	s16 =	sshll.u32 s16, $0x13;
	[tilespmem:s19+$0x1020 ss:$0x81] =	vst.msk $0xffff, v58  }
0x18: {  	s20 =	sand.u32 $0x3FE000, s26;
	s28 =	sand.u32 $0x3FFC00, s27;
	s17 =	sand.u32 $0x380, s29;
	[tilespmem:s19+$0x1830 ss:$0x81] =	vst.msk $0xffff, v59  }
0x19: {  	s31 =	sand.u32 $0x7, s15;
	s20 =	sadd.s32 s28, s20;
	s17 =	sor.u32 s30, s17;
	[tilespmem:s19+$0x2040 ss:$0x81] =	vst.msk $0xffff, v60  }
0x1a: {  	s16 =	sadd.s32 s8, s16;
	s20 =	sshrl.u32 s20, $0x3;
	s17 =	sshrl.u32 s17, $0x3;
	[tilespmem:s19+$0x2850 ss:$0x81] =	vst.msk $0xffff, v61  }
0x1b: {  	s15 =	sshll.u32 s31, $0x12;
	s20 =	sand.u32 $0x7FF80, s20;
	s16 =	sadd.s32 s17, s16;
	[tilespmem:s19+$0x3060 ss:$0x81] =	vst.msk $0xffff, v62  }
0x1c: {  	s15 =	sor.u32 $0x400, s15;
	[tilespmem:s19+$0x0 ss:$0x81] =	vst.msk $0xffff, v63;
	s16 =	sadd.s32 s20, s16  }
0x1d: {  	[hbm4b:s16+s15] =	stream.strided.scatter [tilespmem:s18], [sflag:$0x2], $0x4000, s10, s15, $0x20;
	[tilespmem:$0x10100] =	vst v63  }
.LBB1_5:
0x1e: {  	s18 =	sadd.s32 $0x100, s11  }
0x1f: {  	s15 =	sadd.s32 $0x400, s12;
	s19 =	smov.u32 s12;
	p2 =	sgt.s32 s18, $0xFFF  }
0x20: {  	s19 =	smov.u32 @p2 s15  }
0x21: {  	s21 =	smov.u32 s13;
	s15 =	sadd.s32 $0x2, s13;
	p3 =	sgt.s32 s19, $0x3FF  }
0x22: {  	s21 =	smov.u32 @p3 s15  }
0x23: {  	s18 =	smov.u32 @p2 s3;
	p2 =	sgt.s32 s21, $0x1  }
0x24: {  	p1 =	slt.u32 s14, $0x2;
	s21 =	smov.u32 @p2 s1;
	p2 =	sne.s32 s14, s9  }
.Ltmp1:
0x25: {  	s20 =	simm.s32 @!p1 $0x2;
	(pc) =	sbr.rel @!p2 .LBB1_6-.Ltmp1, $4  }
0x26: {  	s17 =	smov.u32 s11;
	s16 =	smov.u32 s13;
	_ =	swait.ge @!p1 [sflag:s20], $0x4000  }
0x27: {  	p0 =	por !p0, !p0;
	[sflag:s20] =	ssyncset.done @!p1 $0x0;
	s11 =	smov.u32 s18  }
0x28: {  	s19 =	smov.u32 @p3 s2;
	s15 =	smov.u32 s12;
	[sflag:s20] =	ssyncadd.s32 @!p1 $0xFFFFC000  }
0x29: {  	s12 =	smov.u32 s19;
	s14 =	sadd.s32 $0x1, s14;
	s13 =	smov.u32 s21  }
.LBB1_1:
0x2a: {  	p1 =	sge.u32 s14, s6;
	s31 =	sadd.s32 $0xFFFFFFFF, s14  }
0x2b: {  	s18 =	sxor.u32 @!p1 $0xFFFFFFFF, s14;
	s19 =	sand.u32 @!p1 $0x78, s11;
	s20 =	sshll.u32 @!p1 s12, $0xC  }
0x2c: {  	s21 =	sshll.u32 @!p1 s12, $0x7;
	s22 =	sshll.u32 @!p1 s11, $0x3;
	s18 =	sshll.u32 @!p1 s18, $0xE  }
0x2d: {  	s20 =	sand.u32 @!p1 $0x3F8000, s20;
	s21 =	sand.u32 @!p1 $0x380, s21;
	s18 =	sand.u32 @!p1 $0x4000, s18  }
0x2e: {  	s20 =	sadd.s32 @!p1 s20, s22;
	s22 =	sand.u32 @!p1 $0xC00, s22;
	s19 =	sor.u32 @!p1 s21, s19  }
0x2f: {  	s21 =	sshll.u32 @!p1 s13, $0x13;
	s19 =	sor.u32 @!p1 s22, s19;
	s20 =	sshrl.u32 @!p1 s20, $0x3  }
0x30: {  	s21 =	sadd.s32 @!p1 s7, s21;
	s22 =	sand.u32 @!p1 $0x7, s11;
	s20 =	sand.u32 @!p1 $0x7FE00, s20  }
0x31: {  	s19 =	sshrl.u32 @!p1 s19, $0x3;
	s20 =	sadd.s32 @!p1 s20, s21;
	s21 =	sshll.u32 @!p1 s22, $0x12  }
0x32: {  	s19 =	sadd.s32 @!p1 s19, s20;
	s20 =	sor.u32 @!p1 $0x400, s21;
	s21 =	simm.s32 @!p1 $0x8000  }
0x33: {  	[tilespmem:s18], [sflag:$0x1] =	stream.strided.gather @!p1 [hbm4b:s19+s20], $0x4000, s21, s20, $0x38;
	[tilespmem:$0x10100] =	vst v63  }
0x34: {  	p1 =	sge.u32 s31, s6  }
.Ltmp2:
0x35: {  	_ = 	snop;
	(pc) =	sbr.rel @p1 .LBB1_5-.Ltmp2, $1  }
0x36: {  	_ =	sdelay $0x3  }
0x37: {  	s18 =	simm.s32 $0x1  }
0x38: {  	_ =	swait.ge [sflag:s5], $0x4000;
	s18 =	simm.s32 @!p0 $0x0  }
0x39: {  	[sflag:s5] =	ssyncset.done $0x0;
	s19 =	sshll.u32 s18, $0xE  }
0x3a: {  	[sflag:s5] =	ssyncadd.s32 $0xFFFFC000;
	s21 =	sor.u32 $0x40, s19  }
0x3b: {  	s18 =	smul.u32 $0x10200, s18;
	v0 =	vld [tilespmem:s21+$0x30]  }
0x3c: {  	v3 =	vld [tilespmem:s21+$0xFFFFFFD0]  }
0x3d: {  	s18 =	sshrl.u32 s18, $0x2;
	v4 =	vld [tilespmem:s21+$0xFFFFFFE0]  }
0x3e: {  	v5 =	vld [tilespmem:s21+$0xFFFFFFF0];
	s19 =	sor.u32 $0x8000, s18  }
0x3f: {  	s31 =	sand.u32 $0x1, s14;
	v1 =	vld [tilespmem:s21+$0x0];
	s20 =	sadd.s32 $0x0, s19  }
0x40: {  	v2 =	vld [tilespmem:s21+$0x10];
	s18 =	smul.u32 $0x10200, s31;
	[tilespmem:s20+$0x3870 ss:$0x81] =	vst.msk $0xffff, v0  }
0x41: {  	[tilespmem:s20+$0x810 ss:$0x81] =	vst.msk $0xffff, v3;
	v3 =	vld [tilespmem:s21+$0x20]  }
0x42: {  	s18 =	sshrl.u32 s18, $0x2;
	v0 =	vld [tilespmem:s21+$0xFFFFFFC0];
	[tilespmem:s20+$0x1020 ss:$0x81] =	vst.msk $0xffff, v4;
	s21 =	sadd.s32 $0x80, s21  }
0x43: {  	s22 =	simm.s32 $0x4;
	s23 =	simm.s32 $0x8;
	s18 =	sor.u32 $0x8000, s18;
	[tilespmem:s20+$0x1830 ss:$0x81] =	vst.msk $0xffff, v5;
	v4 =	vld [tilespmem:s21+$0x30]  }
.LBB1_3:
0x44: {  	p1 =	sne.s32 s23, $0x1FC;
	v5 =	vld [tilespmem:s21+$0xFFFFFFD0];
	[tilespmem:s20+$0x2040 ss:$0x81] =	vst.msk $0xffff, v1  }
0x45: {  	v6 =	vld [tilespmem:s21+$0xFFFFFFE0];
	[tilespmem:s20+$0x2850 ss:$0x81] =	vst.msk $0xffff, v2  }
0x46: {  	s24 =	sshra.s32 s22, $0x2;
	s22 =	smov.u32 s23;
	v7 =	vld [tilespmem:s21+$0xFFFFFFF0];
	[tilespmem:s20+$0x3060 ss:$0x81] =	vst.msk $0xffff, v3  }
.Ltmp3:
0x47: {  	v1 =	vld [tilespmem:s21+$0x0];
	[tilespmem:s20+$0x0 ss:$0x81] =	vst.msk $0xffff, v0;
	s20 =	sadd.s32 s24, s19;
	(pc) =	sbr.rel @p1 .LBB1_3-.Ltmp3, $4  }
0x48: {  	v2 =	vld [tilespmem:s21+$0x10];
	[tilespmem:s20+$0x3870 ss:$0x81] =	vst.msk $0xffff, v4  }
0x49: {  	[tilespmem:s20+$0x810 ss:$0x81] =	vst.msk $0xffff, v5;
	v3 =	vld [tilespmem:s21+$0x20]  }
0x4a: {  	v0 =	vld [tilespmem:s21+$0xFFFFFFC0];
	[tilespmem:s20+$0x1020 ss:$0x81] =	vst.msk $0xffff, v6;
	s21 =	sadd.s32 $0x80, s21  }
0x4b: {  	s23 =	sadd.s32 $0x4, s23;
	v4 =	vld [tilespmem:s21+$0x30];
	[tilespmem:s20+$0x1830 ss:$0x81] =	vst.msk $0xffff, v7  }
.Ltmp4:
0x4c: {  	_ = 	snop;
	(pc) =	sbr.rel .LBB1_4-.Ltmp4, $1  }
0x4d: {  	_ =	sdelay $0x3  }
.LBB1_6:
0x4e: {  	_ =	sfence.sel $0x180000  }
0x4f: {  	s1 =	simm.s32 $0x1;
	[bflag:$0x0] =	sbarrier.arrive $0xFFFF  }
0x50: {  	s31 =	simm.s32 $0x2;
	[sflag:s1] =	ssyncpa.u1 $0x1  }
0x51: {  	[sflag:s31] =	ssyncpa.u1 $0x1  }
0x52: {  	p0 =	sne.s32 s0, $0x0;
	_ =	strace $0x90000059  }
0x53: {  	s0 =	sadd.s32 @!p0 $0x100000, s4;
	[bflag:$0x2] =	sbarrier.arrive $0xFFFF  }
0x54: {  	[sflag:s0] =	ssyncadd.tile.s32 @!p0 $0x1;
	_ =	shalt  }
.Lfunc_end1:
_tile_overlayer_lowered:
.L_overlay_start_2:
0x55: {  	(tag) =	ssettag $0x2  }
0x56: {  	s0 =	rddreg [dreg:$0x0];
	s2 =	stileid.u32  }
0x57: {  	s1 =	rddreg [dreg:$0x1];
	p0 =	sne.s32 s2, $0x0  }
0x58: {  	s3 =	rddreg [dreg:$0x2];
	[bflag:$0x3] =	sbarrier.arrive $0xFFFF;
	s2 =	simm.s32 @!p0 $0x1C01  }
0x59: {  	[timem:s3], [sflag:s2] =	dma.local @!p0 [hbm:s0], s1  }
0x5a: {  	s0 =	simm.s32 @!p0 $0x1  }
0x5b: {  	_ =	swait.ge @!p0 [sflag:s0], s1  }
0x5c: {  	s1 =	ssub.s32 @!p0 $0x0, s1;
	[sflag:s0] =	ssyncset.done @!p0 $0x0  }
0x5d: {  	[sflag:s0] =	ssyncadd.s32 @!p0 s1  }
0x5e: {  	[bflag:$0x3] =	sbarrier.arrive $0xFFFF  }
0x5f: {  	_ =	shalt  }

// kernel: sparse-core-data-format-call.3.cloned.1.call-start
scs
called_computation.3_lowered:
.L_overlay_start_0:
0x0: {  	s2 =	sld [smem:$0x3FD9]  }
0x1: {  	s3 =	sld [smem:$0x3FFE];
	_ =	sdelay $0x1  }
0x2: {  	s1 =	srdreg.scid  }
0x3: {  	s0 =	sand.u32 $0x1, s1  }
0x4: {  	s18 =	sshll.u32 s0, $0xA;
	s2 =	sadd.s32 s3, s2  }
0x5: {  	s2 =	sadd.s32 s2, s18  }
0x6: {  	[smem:$0x3FB9] =	sst s2  }
0x7: {  	_ = 	snop  }
0x8: {  	(tm) =	ssettm $0x1  }
0x9: {  	s19 =	sld [smem:$0x3FFB];
	_ =	sdelay $0x3  }
0xa: {  	_ =	strace s19  }
0xb: {  	s2 =	sld [smem:$0x3FFC];
	_ =	sdelay $0x3  }
0xc: {  	_ =	strace s2  }
0xd: {  	s2 =	sld [smem:$0x3FFD];
	_ =	sdelay $0x3  }
0xe: {  	_ =	strace s2  }
0xf: {  	_ =	strace $0x8FFFFFFF  }
0x10: {  	s20 =	sld [smem:$0x3FDB];
	_ =	sdelay $0x1  }
0x11: {  	s21 =	simm.s32 $_scs_section_size  }
0x12: {  	s4 =	simm.s32 $_size__tile_overlayer_lowered;
	s5 =	simm.s32 $_tile_overlayer_lowered  }
0x13: {  	s6 =	simm.s32 $0x1BFF;
	s22 =	sshll.u32 s5, $0x1;
	s3 =	sadd.s32 s21, s20  }
0x14: {  	s23 =	simm.s32 $0x0;
	s4 =	sshll.u32 s4, $0x1;
	s5 =	sadd.s32 s22, s3  }
0x15: {  	[timem:s23], [sflag:s6] =	dma.local [hbm:s5], s4  }
0x16: {  	_ =	swait.ge [sflag:s6], s4  }
0x17: {  	s4 =	ssub.s32 $0x0, s4;
	[sflag:s6] =	ssyncset.done $0x0  }
0x18: {  	[sflag:s6] =	ssyncadd.s32 s4;
	_ =	sdelay $0x1  }
0x19: {  	s24 =	simm.s32 $0x1B8B  }
0x1a: {  	_ =	swait.ge [sflag:s24], $0x1  }
0x1b: {  	[sflag:s24] =	ssyncset.done $0x0  }
0x1c: {  	[sflag:s24] =	ssyncadd.s32 $0xFFFFFFFF  }
0x1d: {  	s4 =	sld [smem:$0x0]  }
0x1e: {  	s5 =	sand.u32 $0xFFFFFFFE, s1  }
0x1f: {  	p0 =	sne.s32 s1, s5  }
0x20: {  	s5 =	sshll.u32 @p0 s5, $0xE  }
0x21: {  	s5 =	sadd.s32 @p0 $0x11B8D, s5;
	s6 =	sshll.u32 @p0 s4, $0x11  }
0x22: {  	s5 =	sor.u32 @p0 s6, s5  }
0x23: {  	[sflag:s5] =	ssyncadd.remote.s32 @p0 $0x1;
	_ =	sdelay $0x1  }
0x24: {  	s5 =	simm.s32 @p0 $0x1B8D  }
0x25: {  	_ =	swait.eq @p0 [sflag:s5], $0x1  }
0x26: {  	[sflag:s5] =	ssyncadd.s32 @p0 $0xFFFFFFFF  }
0x27: {  	s6 =	sshll.u32 @!p0 s1, $0xE  }
0x28: {  	s6 =	sor.u32 @!p0 $0x4000, s6;
	s5 =	simm.s32 @!p0 $0x1B8D  }
0x29: {  	s4 =	sshll.u32 @!p0 s4, $0x11;
	s6 =	sadd.s32 @!p0 $0x11B8D, s6;
	_ =	swait.eq @!p0 [sflag:s5], $0x1  }
0x2a: {  	s4 =	sor.u32 @!p0 s4, s6;
	[sflag:s5] =	ssyncadd.s32 @!p0 $0xFFFFFFFF  }
0x2b: {  	s26 =	simm.s32 $0x1B8E;
	s25 =	sld [smem:$0x3FFE];
	[sflag:s4] =	ssyncadd.remote.s32 @!p0 $0x1  }
0x2c: {  	s27 =	simm.s32 $execute0_lowered;
	[smem:$0x3FD2] =	sst s26  }
0x2d: {  	s5 =	sshll.u32 s27, $0x1;
	_ =	strace $0x8000005B;
	[dreg:$0x1] =	wrdreg $0xFFFFFFFF  }
0x2e: {  	s28 =	simm.s32 $_size_execute0_lowered;
	s3 =	sadd.s32 s3, s5;
	[dreg:$0x0] =	wrdreg $0x0  }
0x2f: {  	s5 =	sshll.u32 s28, $0x1;
	[dreg:$0x2] =	wrdreg s3  }
0x30: {  	[dreg:$0x3] =	wrdreg s5  }
0x31: {  	[dreg:$0x4] =	wrdreg $0xC0  }
0x32: {  	_ =	task [dreg:s23], $0x5FFFF  }
0x33: {  	[dreg:$0x1] =	wrdreg $0xFFFFFFFF  }
0x34: {  	[dreg:$0x0] =	wrdreg $0x60  }
0x35: {  	[dreg:$0x2] =	wrdreg s25  }
0x36: {  	[dreg:$0x3] =	wrdreg $0xC  }
0x37: {  	_ =	task.clear_ibuf [dreg:s23], $0x4FFFF;
	_ =	strace $0x9000005B  }
0x38: {  	s29 =	simm.s32 $0xC;
	_ =	strace $0x8000005D  }
0x39: {  	_ =	swait.ge [sflag:s29], $0x1  }
0x3a: {  	[sflag:s29] =	ssyncadd.s32 $0xFFFFFFFF  }
0x3b: {  	_ =	strace $0x9000005D  }
0x3c: {  	_ =	sfence  }
0x3d: {  	s30 =	sld [smem:$0x0];
	_ =	sdelay $0x2  }
0x3e: {  	s31 =	sshll.u32 s1, $0xD;
	s1 =	sshrl.u32 s1, $0x2  }
0x3f: {  	s4 =	sand.u32 $0x4000, s31;
	s1 =	sadd.s32 s1, s30  }
0x40: {  	s0 =	sor.u32 s4, s0;
	s1 =	sshll.u32 s1, $0x11  }
0x41: {  	s0 =	sor.u32 s1, s0  }
0x42: {  	s0 =	sadd.s32 $0x8F2B, s0  }
0x43: {  	[sflag:s0] =	ssyncadd.remote.s32 $0x1  }
0x44: {  	_ =	sfence.sel $0xFFFF  }
0x45: {  	[dreg:$0x0] =	wrdreg $0xFFFFFFFF;
	(pc) =	sbr.abs _section_cstart, $3  }
0x46: {  	[dreg:$0x1] =	wrdreg $0xFFFFFFFF  }
0x47: {  	_ =	task.clear_ibuf [dreg:s23], $0x2FFFF;
	_ =	strace $0x9FFFFFFF  }
0x48: {  	(tm) =	ssettm $0x7FFFFFFF  }
0x49: {  	_ =	shalt  }
tec
execute0_lowered:
.L_overlay_start_1:
0x0: {  	(tag) =	ssettag $0x1  }
0x1: {  	s0 =	stileid.u32  }
0x2: {  	s8 =	rddreg [dreg:$0x0];
	s3 =	srdreg.scid  }
0x3: {  	s31 =	simm.s32 $0x2;
	s17 =	simm.s32 $0x0;
	s10 =	simm.s32 $0x2000  }
0x4: {  	s15 =	simm.s32 $0x0;
	s16 =	simm.s32 $0x0;
	s2 =	sshll.u32 s0, $0x6  }
0x5: {  	s14 =	simm.s32 $0x0;
	s1 =	sand.u32 $0x1, s0;
	s2 =	sand.u32 $0x380, s2  }
0x6: {  	s3 =	sshll.u32 s3, $0x7;
	s4 =	ssub.s32 $0x2, s1;
	s5 =	ssub.s32 $0x400, s2  }
0x7: {  	s3 =	sand.u32 $0x80, s3;
	s13 =	smov.u32 s1;
	s7 =	sand.u32 $0x380, s5  }
0x8: {  	s6 =	sshrl.u32 s4, $0x1;
	p0 =	sne.s32 s7, $0x0;
	s7 =	simm.s32 $0x1  }
0x9: {  	s4 =	sand.u32 $0x1, s4;
	s5 =	sshrl.u32 s5, $0xA;
	s7 =	simm.s32 @!p0 $0x0  }
0xa: {  	s9 =	ssub.s32 $0x1000, s3;
	s4 =	sadd.s32 s4, s6;
	s5 =	sadd.s32 s7, s5  }
0xb: {  	s11 =	smov.u32 s3;
	s28 =	sshrl.u32 s9, $0x7;
	s30 =	smul.u32 s4, s5  }
.Ltmp0:
0xc: {  	s29 =	sshrl.u32 s9, $0x8;
	s6 =	sand.u32 $0x1, s28;
	(pc) =	sbr.rel .LBB1_1-.Ltmp0, $4  }
0xd: {  	s12 =	smov.u32 s2;
	s6 =	sadd.s32 s29, s6;
	s4 =	rddreg [dreg:$0x1]  }
0xe: {  	_ =	strace $0x8000005C;
	s5 =	simm.s32 $0x1;
	s6 =	smul.u32 s6, s30  }
0xf: {  	p0 =	por $0x0, $0x0;
	s7 =	sadd.s32 $0x385C00, s8;
	[sflag:s5] =	ssyncpa.u1 $0x0  }
0x10: {  	s8 =	sadd.s32 $0x485C00, s8;
	[sflag:s31] =	ssyncpa.u1 $0x0;
	s9 =	sadd.s32 $0x1, s6  }
.LBB1_4:
0x11: {  	v5 =	vld [tilespmem:s21+$0xFFFFFFD0];
	[tilespmem:s20+$0x2040 ss:$0x81] =	vst.msk $0xffff, v1  }
0x12: {  	v58 =	vld [tilespmem:s21+$0xFFFFFFE0];
	[tilespmem:s20+$0x2850 ss:$0x81] =	vst.msk $0xffff, v2  }
0x13: {  	s22 =	sshra.s32 s22, $0x2;
	v59 =	vld [tilespmem:s21+$0xFFFFFFF0];
	[tilespmem:s20+$0x3060 ss:$0x81] =	vst.msk $0xffff, v3  }
0x14: {  	v60 =	vld [tilespmem:s21+$0x0];
	[tilespmem:s20+$0x0 ss:$0x81] =	vst.msk $0xffff, v0;
	s19 =	sadd.s32 s22, s19  }
0x15: {  	v61 =	vld [tilespmem:s21+$0x10];
	[tilespmem:s19+$0x3870 ss:$0x81] =	vst.msk $0xffff, v4  }
0x16: {  	v62 =	vld [tilespmem:s21+$0x20];
	s26 =	sshll.u32 s17, $0xA;
	s27 =	sshll.u32 s15, $0x3;
	[tilespmem:s19+$0x810 ss:$0x81] =	vst.msk $0xffff, v5  }
0x17: {  	v63 =	vld [tilespmem:s21+$0xFFFFFFC0];
	s29 =	sshll.u32 s17, $0x7;
	s30 =	sand.u32 $0x78, s15;
	s16 =	sshll.u32 s16, $0x13;
	[tilespmem:s19+$0x1020 ss:$0x81] =	vst.msk $0xffff, v58  }
0x18: {  	s20 =	sand.u32 $0x3FE000, s26;
	s28 =	sand.u32 $0x3FFC00, s27;
	s17 =	sand.u32 $0x380, s29;
	[tilespmem:s19+$0x1830 ss:$0x81] =	vst.msk $0xffff, v59  }
0x19: {  	s31 =	sand.u32 $0x7, s15;
	s20 =	sadd.s32 s28, s20;
	s17 =	sor.u32 s30, s17;
	[tilespmem:s19+$0x2040 ss:$0x81] =	vst.msk $0xffff, v60  }
0x1a: {  	s16 =	sadd.s32 s8, s16;
	s20 =	sshrl.u32 s20, $0x3;
	s17 =	sshrl.u32 s17, $0x3;
	[tilespmem:s19+$0x2850 ss:$0x81] =	vst.msk $0xffff, v61  }
0x1b: {  	s15 =	sshll.u32 s31, $0x12;
	s20 =	sand.u32 $0x7FF80, s20;
	s16 =	sadd.s32 s17, s16;
	[tilespmem:s19+$0x3060 ss:$0x81] =	vst.msk $0xffff, v62  }
0x1c: {  	s15 =	sor.u32 $0x400, s15;
	[tilespmem:s19+$0x0 ss:$0x81] =	vst.msk $0xffff, v63;
	s16 =	sadd.s32 s20, s16  }
0x1d: {  	[hbm4b:s16+s15] =	stream.strided.scatter [tilespmem:s18], [sflag:$0x2], $0x4000, s10, s15, $0x20;
	[tilespmem:$0x10100] =	vst v63  }
.LBB1_5:
0x1e: {  	s18 =	sadd.s32 $0x100, s11  }
0x1f: {  	s15 =	sadd.s32 $0x400, s12;
	s19 =	smov.u32 s12;
	p2 =	sgt.s32 s18, $0xFFF  }
0x20: {  	s19 =	smov.u32 @p2 s15  }
0x21: {  	s21 =	smov.u32 s13;
	s15 =	sadd.s32 $0x2, s13;
	p3 =	sgt.s32 s19, $0x3FF  }
0x22: {  	s21 =	smov.u32 @p3 s15  }
0x23: {  	s18 =	smov.u32 @p2 s3;
	p2 =	sgt.s32 s21, $0x1  }
0x24: {  	p1 =	slt.u32 s14, $0x2;
	s21 =	smov.u32 @p2 s1;
	p2 =	sne.s32 s14, s9  }
.Ltmp1:
0x25: {  	s20 =	simm.s32 @!p1 $0x2;
	(pc) =	sbr.rel @!p2 .LBB1_6-.Ltmp1, $4  }
0x26: {  	s17 =	smov.u32 s11;
	s16 =	smov.u32 s13;
	_ =	swait.ge @!p1 [sflag:s20], $0x4000  }
0x27: {  	p0 =	por !p0, !p0;
	[sflag:s20] =	ssyncset.done @!p1 $0x0;
	s11 =	smov.u32 s18  }
0x28: {  	s19 =	smov.u32 @p3 s2;
	s15 =	smov.u32 s12;
	[sflag:s20] =	ssyncadd.s32 @!p1 $0xFFFFC000  }
0x29: {  	s12 =	smov.u32 s19;
	s14 =	sadd.s32 $0x1, s14;
	s13 =	smov.u32 s21  }
.LBB1_1:
0x2a: {  	p1 =	sge.u32 s14, s6;
	s31 =	sadd.s32 $0xFFFFFFFF, s14  }
0x2b: {  	s18 =	sxor.u32 @!p1 $0xFFFFFFFF, s14;
	s19 =	sand.u32 @!p1 $0x78, s11;
	s20 =	sshll.u32 @!p1 s12, $0xC  }
0x2c: {  	s21 =	sshll.u32 @!p1 s12, $0x7;
	s22 =	sshll.u32 @!p1 s11, $0x3;
	s18 =	sshll.u32 @!p1 s18, $0xE  }
0x2d: {  	s20 =	sand.u32 @!p1 $0x3F8000, s20;
	s21 =	sand.u32 @!p1 $0x380, s21;
	s18 =	sand.u32 @!p1 $0x4000, s18  }
0x2e: {  	s20 =	sadd.s32 @!p1 s20, s22;
	s22 =	sand.u32 @!p1 $0xC00, s22;
	s19 =	sor.u32 @!p1 s21, s19  }
0x2f: {  	s21 =	sshll.u32 @!p1 s13, $0x13;
	s19 =	sor.u32 @!p1 s22, s19;
	s20 =	sshrl.u32 @!p1 s20, $0x3  }
0x30: {  	s21 =	sadd.s32 @!p1 s7, s21;
	s22 =	sand.u32 @!p1 $0x7, s11;
	s20 =	sand.u32 @!p1 $0x7FE00, s20  }
0x31: {  	s19 =	sshrl.u32 @!p1 s19, $0x3;
	s20 =	sadd.s32 @!p1 s20, s21;
	s21 =	sshll.u32 @!p1 s22, $0x12  }
0x32: {  	s19 =	sadd.s32 @!p1 s19, s20;
	s20 =	sor.u32 @!p1 $0x400, s21;
	s21 =	simm.s32 @!p1 $0x8000  }
0x33: {  	[tilespmem:s18], [sflag:$0x1] =	stream.strided.gather @!p1 [hbm4b:s19+s20], $0x4000, s21, s20, $0x38;
	[tilespmem:$0x10100] =	vst v63  }
0x34: {  	p1 =	sge.u32 s31, s6  }
.Ltmp2:
0x35: {  	_ = 	snop;
	(pc) =	sbr.rel @p1 .LBB1_5-.Ltmp2, $1  }
0x36: {  	_ =	sdelay $0x3  }
0x37: {  	s18 =	simm.s32 $0x1  }
0x38: {  	_ =	swait.ge [sflag:s5], $0x4000;
	s18 =	simm.s32 @!p0 $0x0  }
0x39: {  	[sflag:s5] =	ssyncset.done $0x0;
	s19 =	sshll.u32 s18, $0xE  }
0x3a: {  	[sflag:s5] =	ssyncadd.s32 $0xFFFFC000;
	s21 =	sor.u32 $0x40, s19  }
0x3b: {  	s18 =	smul.u32 $0x10200, s18;
	v0 =	vld [tilespmem:s21+$0x30]  }
0x3c: {  	v3 =	vld [tilespmem:s21+$0xFFFFFFD0]  }
0x3d: {  	s18 =	sshrl.u32 s18, $0x2;
	v4 =	vld [tilespmem:s21+$0xFFFFFFE0]  }
0x3e: {  	v5 =	vld [tilespmem:s21+$0xFFFFFFF0];
	s19 =	sor.u32 $0x8000, s18  }
0x3f: {  	s31 =	sand.u32 $0x1, s14;
	v1 =	vld [tilespmem:s21+$0x0];
	s20 =	sadd.s32 $0x0, s19  }
0x40: {  	v2 =	vld [tilespmem:s21+$0x10];
	s18 =	smul.u32 $0x10200, s31;
	[tilespmem:s20+$0x3870 ss:$0x81] =	vst.msk $0xffff, v0  }
0x41: {  	[tilespmem:s20+$0x810 ss:$0x81] =	vst.msk $0xffff, v3;
	v3 =	vld [tilespmem:s21+$0x20]  }
0x42: {  	s18 =	sshrl.u32 s18, $0x2;
	v0 =	vld [tilespmem:s21+$0xFFFFFFC0];
	[tilespmem:s20+$0x1020 ss:$0x81] =	vst.msk $0xffff, v4;
	s21 =	sadd.s32 $0x80, s21  }
0x43: {  	s22 =	simm.s32 $0x4;
	s23 =	simm.s32 $0x8;
	s18 =	sor.u32 $0x8000, s18;
	[tilespmem:s20+$0x1830 ss:$0x81] =	vst.msk $0xffff, v5;
	v4 =	vld [tilespmem:s21+$0x30]  }
.LBB1_3:
0x44: {  	p1 =	sne.s32 s23, $0x1FC;
	v5 =	vld [tilespmem:s21+$0xFFFFFFD0];
	[tilespmem:s20+$0x2040 ss:$0x81] =	vst.msk $0xffff, v1  }
0x45: {  	v6 =	vld [tilespmem:s21+$0xFFFFFFE0];
	[tilespmem:s20+$0x2850 ss:$0x81] =	vst.msk $0xffff, v2  }
0x46: {  	s24 =	sshra.s32 s22, $0x2;
	s22 =	smov.u32 s23;
	v7 =	vld [tilespmem:s21+$0xFFFFFFF0];
	[tilespmem:s20+$0x3060 ss:$0x81] =	vst.msk $0xffff, v3  }
.Ltmp3:
0x47: {  	v1 =	vld [tilespmem:s21+$0x0];
	[tilespmem:s20+$0x0 ss:$0x81] =	vst.msk $0xffff, v0;
	s20 =	sadd.s32 s24, s19;
	(pc) =	sbr.rel @p1 .LBB1_3-.Ltmp3, $4  }
0x48: {  	v2 =	vld [tilespmem:s21+$0x10];
	[tilespmem:s20+$0x3870 ss:$0x81] =	vst.msk $0xffff, v4  }
0x49: {  	[tilespmem:s20+$0x810 ss:$0x81] =	vst.msk $0xffff, v5;
	v3 =	vld [tilespmem:s21+$0x20]  }
0x4a: {  	v0 =	vld [tilespmem:s21+$0xFFFFFFC0];
	[tilespmem:s20+$0x1020 ss:$0x81] =	vst.msk $0xffff, v6;
	s21 =	sadd.s32 $0x80, s21  }
0x4b: {  	s23 =	sadd.s32 $0x4, s23;
	v4 =	vld [tilespmem:s21+$0x30];
	[tilespmem:s20+$0x1830 ss:$0x81] =	vst.msk $0xffff, v7  }
.Ltmp4:
0x4c: {  	_ = 	snop;
	(pc) =	sbr.rel .LBB1_4-.Ltmp4, $1  }
0x4d: {  	_ =	sdelay $0x3  }
.LBB1_6:
0x4e: {  	_ =	sfence.sel $0x180000  }
0x4f: {  	s1 =	simm.s32 $0x1;
	[bflag:$0x0] =	sbarrier.arrive $0xFFFF  }
0x50: {  	s31 =	simm.s32 $0x2;
	[sflag:s1] =	ssyncpa.u1 $0x1  }
0x51: {  	[sflag:s31] =	ssyncpa.u1 $0x1  }
0x52: {  	p0 =	sne.s32 s0, $0x0;
	_ =	strace $0x9000005C  }
0x53: {  	s0 =	sadd.s32 @!p0 $0x100000, s4;
	[bflag:$0x2] =	sbarrier.arrive $0xFFFF  }
0x54: {  	[sflag:s0] =	ssyncadd.tile.s32 @!p0 $0x1;
	_ =	shalt  }
.Lfunc_end1:
_tile_overlayer_lowered:
.L_overlay_start_2:
0x55: {  	(tag) =	ssettag $0x2  }
0x56: {  	s0 =	rddreg [dreg:$0x0];
	s2 =	stileid.u32  }
0x57: {  	s1 =	rddreg [dreg:$0x1];
	p0 =	sne.s32 s2, $0x0  }
0x58: {  	s3 =	rddreg [dreg:$0x2];
	[bflag:$0x3] =	sbarrier.arrive $0xFFFF;
	s2 =	simm.s32 @!p0 $0x1C01  }
0x59: {  	[timem:s3], [sflag:s2] =	dma.local @!p0 [hbm:s0], s1  }
0x5a: {  	s0 =	simm.s32 @!p0 $0x1  }
0x5b: {  	_ =	swait.ge @!p0 [sflag:s0], s1  }
0x5c: {  	s1 =	ssub.s32 @!p0 $0x0, s1;
	[sflag:s0] =	ssyncset.done @!p0 $0x0  }
0x5d: {  	[sflag:s0] =	ssyncadd.s32 @!p0 s1  }
0x5e: {  	[bflag:$0x3] =	sbarrier.arrive $0xFFFF  }
0x5f: {  	_ =	shalt  }

// kernel: sparse-core-data-format-call.cloned.1.call-start
scs
called_computation_lowered:
.L_overlay_start_0:
0x0: {  	s2 =	sld [smem:$0x3FD9]  }
0x1: {  	s3 =	sld [smem:$0x3FFE];
	_ =	sdelay $0x1  }
0x2: {  	s1 =	srdreg.scid  }
0x3: {  	s0 =	sand.u32 $0x1, s1  }
0x4: {  	s18 =	sshll.u32 s0, $0xA;
	s2 =	sadd.s32 s3, s2  }
0x5: {  	s2 =	sadd.s32 s2, s18  }
0x6: {  	[smem:$0x3FB9] =	sst s2  }
0x7: {  	_ = 	snop  }
0x8: {  	(tm) =	ssettm $0x1  }
0x9: {  	s19 =	sld [smem:$0x3FFB];
	_ =	sdelay $0x3  }
0xa: {  	_ =	strace s19  }
0xb: {  	s2 =	sld [smem:$0x3FFC];
	_ =	sdelay $0x3  }
0xc: {  	_ =	strace s2  }
0xd: {  	s2 =	sld [smem:$0x3FFD];
	_ =	sdelay $0x3  }
0xe: {  	_ =	strace s2  }
0xf: {  	_ =	strace $0x8FFFFFFF  }
0x10: {  	s20 =	sld [smem:$0x3FDB];
	_ =	sdelay $0x1  }
0x11: {  	s21 =	simm.s32 $_scs_section_size  }
0x12: {  	s4 =	simm.s32 $_size__tile_overlayer_lowered;
	s5 =	simm.s32 $_tile_overlayer_lowered  }
0x13: {  	s6 =	simm.s32 $0x1BFF;
	s22 =	sshll.u32 s5, $0x1;
	s3 =	sadd.s32 s21, s20  }
0x14: {  	s23 =	simm.s32 $0x0;
	s4 =	sshll.u32 s4, $0x1;
	s5 =	sadd.s32 s22, s3  }
0x15: {  	[timem:s23], [sflag:s6] =	dma.local [hbm:s5], s4  }
0x16: {  	_ =	swait.ge [sflag:s6], s4  }
0x17: {  	s4 =	ssub.s32 $0x0, s4;
	[sflag:s6] =	ssyncset.done $0x0  }
0x18: {  	[sflag:s6] =	ssyncadd.s32 s4;
	_ =	sdelay $0x1  }
0x19: {  	s24 =	simm.s32 $0x1B8B  }
0x1a: {  	_ =	swait.ge [sflag:s24], $0x1  }
0x1b: {  	[sflag:s24] =	ssyncset.done $0x0  }
0x1c: {  	[sflag:s24] =	ssyncadd.s32 $0xFFFFFFFF  }
0x1d: {  	s4 =	sld [smem:$0x0]  }
0x1e: {  	s5 =	sand.u32 $0xFFFFFFFE, s1  }
0x1f: {  	p0 =	sne.s32 s1, s5  }
0x20: {  	s5 =	sshll.u32 @p0 s5, $0xE  }
0x21: {  	s5 =	sadd.s32 @p0 $0x11B8D, s5;
	s6 =	sshll.u32 @p0 s4, $0x11  }
0x22: {  	s5 =	sor.u32 @p0 s6, s5  }
0x23: {  	[sflag:s5] =	ssyncadd.remote.s32 @p0 $0x1;
	_ =	sdelay $0x1  }
0x24: {  	s5 =	simm.s32 @p0 $0x1B8D  }
0x25: {  	_ =	swait.eq @p0 [sflag:s5], $0x1  }
0x26: {  	[sflag:s5] =	ssyncadd.s32 @p0 $0xFFFFFFFF  }
0x27: {  	s6 =	sshll.u32 @!p0 s1, $0xE  }
0x28: {  	s6 =	sor.u32 @!p0 $0x4000, s6;
	s5 =	simm.s32 @!p0 $0x1B8D  }
0x29: {  	s4 =	sshll.u32 @!p0 s4, $0x11;
	s6 =	sadd.s32 @!p0 $0x11B8D, s6;
	_ =	swait.eq @!p0 [sflag:s5], $0x1  }
0x2a: {  	s4 =	sor.u32 @!p0 s4, s6;
	[sflag:s5] =	ssyncadd.s32 @!p0 $0xFFFFFFFF  }
0x2b: {  	s26 =	simm.s32 $0x1B8E;
	s25 =	sld [smem:$0x3FFE];
	[sflag:s4] =	ssyncadd.remote.s32 @!p0 $0x1  }
0x2c: {  	s27 =	simm.s32 $execute0_lowered;
	[smem:$0x3FD2] =	sst s26  }
0x2d: {  	s5 =	sshll.u32 s27, $0x1;
	_ =	strace $0x8000005E;
	[dreg:$0x1] =	wrdreg $0xFFFFFFFF  }
0x2e: {  	s28 =	simm.s32 $_size_execute0_lowered;
	s3 =	sadd.s32 s3, s5;
	[dreg:$0x0] =	wrdreg $0x0  }
0x2f: {  	s5 =	sshll.u32 s28, $0x1;
	[dreg:$0x2] =	wrdreg s3  }
0x30: {  	[dreg:$0x3] =	wrdreg s5  }
0x31: {  	[dreg:$0x4] =	wrdreg $0xC0  }
0x32: {  	_ =	task [dreg:s23], $0x5FFFF  }
0x33: {  	[dreg:$0x1] =	wrdreg $0xFFFFFFFF  }
0x34: {  	[dreg:$0x0] =	wrdreg $0x60  }
0x35: {  	[dreg:$0x2] =	wrdreg s25  }
0x36: {  	[dreg:$0x3] =	wrdreg $0x9  }
0x37: {  	_ =	task.clear_ibuf [dreg:s23], $0x4FFFF;
	_ =	strace $0x9000005E  }
0x38: {  	s29 =	simm.s32 $0x9;
	_ =	strace $0x80000060  }
0x39: {  	_ =	swait.ge [sflag:s29], $0x1  }
0x3a: {  	[sflag:s29] =	ssyncadd.s32 $0xFFFFFFFF  }
0x3b: {  	_ =	strace $0x90000060  }
0x3c: {  	_ =	sfence  }
0x3d: {  	s30 =	sld [smem:$0x0];
	_ =	sdelay $0x2  }
0x3e: {  	s31 =	sshll.u32 s1, $0xD;
	s1 =	sshrl.u32 s1, $0x2  }
0x3f: {  	s4 =	sand.u32 $0x4000, s31;
	s1 =	sadd.s32 s1, s30  }
0x40: {  	s0 =	sor.u32 s4, s0;
	s1 =	sshll.u32 s1, $0x11  }
0x41: {  	s0 =	sor.u32 s1, s0  }
0x42: {  	s0 =	sadd.s32 $0x8F2B, s0  }
0x43: {  	[sflag:s0] =	ssyncadd.remote.s32 $0x1  }
0x44: {  	_ =	sfence.sel $0xFFFF  }
0x45: {  	[dreg:$0x0] =	wrdreg $0xFFFFFFFF;
	(pc) =	sbr.abs _section_cstart, $3  }
0x46: {  	[dreg:$0x1] =	wrdreg $0xFFFFFFFF  }
0x47: {  	_ =	task.clear_ibuf [dreg:s23], $0x2FFFF;
	_ =	strace $0x9FFFFFFF  }
0x48: {  	(tm) =	ssettm $0x7FFFFFFF  }
0x49: {  	_ =	shalt  }
tec
execute0_lowered:
.L_overlay_start_1:
0x0: {  	(tag) =	ssettag $0x1  }
0x1: {  	s0 =	stileid.u32  }
0x2: {  	s1 =	srdreg.scid;
	s5 =	rddreg [dreg:$0x0];
	s31 =	simm.s32 $0x2  }
0x3: {  	s16 =	simm.s32 $0x0;
	s2 =	sshll.u32 s0, $0x6;
	s1 =	sshll.u32 s1, $0xA  }
0x4: {  	s9 =	simm.s32 $0x8000;
	s14 =	simm.s32 $0x0;
	s1 =	sor.u32 s2, s1  }
0x5: {  	s15 =	simm.s32 $0x0;
	s10 =	simm.s32 $0x0;
	s1 =	sand.u32 $0x780, s1  }
0x6: {  	s13 =	simm.s32 $0x0;
	s2 =	sand.u32 $0x1, s0;
	s3 =	ssub.s32 $0x1000, s1  }
0x7: {  	s4 =	ssub.s32 $0x2, s2;
	s12 =	smov.u32 s2;
	s6 =	sand.u32 $0x780, s3  }
0x8: {  	s7 =	sshrl.u32 s4, $0x1;
	p0 =	sne.s32 s6, $0x0;
	s6 =	simm.s32 $0x1  }
0x9: {  	s4 =	sand.u32 $0x1, s4;
	s8 =	sshrl.u32 s3, $0xB;
	s6 =	simm.s32 @!p0 $0x0  }
.Ltmp0:
0xa: {  	s4 =	sadd.s32 s4, s7;
	s6 =	sadd.s32 s6, s8;
	(pc) =	sbr.rel .LBB1_1-.Ltmp0, $4  }
0xb: {  	s11 =	smov.u32 s1;
	s3 =	rddreg [dreg:$0x1];
	s7 =	smul.u32 s6, s4  }
0xc: {  	_ =	strace $0x8000005F;
	p0 =	por $0x0, $0x0;
	s6 =	simm.s32 $0x1  }
0xd: {  	s4 =	sadd.s32 $0x585C00, s5;
	[sflag:s6] =	ssyncpa.u1 $0x0;
	s7 =	sshll.u32 s7, $0x3  }
0xe: {  	s5 =	sadd.s32 $0x685C00, s5;
	[sflag:s31] =	ssyncpa.u1 $0x0;
	s8 =	sor.u32 $0x1, s7  }
.LBB1_4:
0xf: {  	v5 =	vld [tilespmem:s19+$0xFFFFFFD0]  }
0x10: {  	[tilespmem:s20+$0x2040 ss:$0x81] =	vst.msk $0xffff, v1;
	v58 =	vld [tilespmem:s19+$0xFFFFFFE0]  }
0x11: {  	[tilespmem:s20+$0x2850 ss:$0x81] =	vst.msk $0xffff, v2;
	v59 =	vld [tilespmem:s19+$0xFFFFFFF0]  }
0x12: {  	s21 =	sshra.s32 s21, $0x2;
	[tilespmem:s20+$0x3060 ss:$0x81] =	vst.msk $0xffff, v3;
	v60 =	vld [tilespmem:s19+$0x0]  }
0x13: {  	[tilespmem:s20+$0x0 ss:$0x81] =	vst.msk $0xffff, v0;
	v61 =	vld [tilespmem:s19+$0x10];
	s18 =	sadd.s32 s21, s18  }
0x14: {  	s26 =	sshll.u32 s16, $0xC;
	v62 =	vld [tilespmem:s19+$0x20];
	[tilespmem:s18+$0x3870 ss:$0x81] =	vst.msk $0xffff, v4  }
0x15: {  	s27 =	sand.u32 $0x78, s14;
	s22 =	sshll.u32 s14, $0x3;
	v63 =	vld [tilespmem:s19+$0xFFFFFFC0];
	s29 =	sshll.u32 s16, $0x7;
	[tilespmem:s18+$0x810 ss:$0x81] =	vst.msk $0xffff, v5  }
0x16: {  	s15 =	sshll.u32 s15, $0x13;
	s20 =	sand.u32 $0x3F8000, s26;
	s28 =	sand.u32 $0x3FFC00, s22;
	[tilespmem:s18+$0x1020 ss:$0x81] =	vst.msk $0xffff, v58  }
0x17: {  	s31 =	sand.u32 $0x7, s14;
	s22 =	sand.u32 $0xC00, s22;
	s19 =	sadd.s32 s28, s20;
	[tilespmem:s18+$0x1830 ss:$0x81] =	vst.msk $0xffff, v59  }
0x18: {  	s16 =	sand.u32 $0x380, s29;
	s30 =	sor.u32 s27, s22;
	s19 =	sshrl.u32 s19, $0x3;
	[tilespmem:s18+$0x2040 ss:$0x81] =	vst.msk $0xffff, v60  }
0x19: {  	s15 =	sadd.s32 s5, s15;
	s16 =	sor.u32 s16, s30;
	s19 =	sand.u32 $0x7FE00, s19;
	[tilespmem:s18+$0x2850 ss:$0x81] =	vst.msk $0xffff, v61  }
0x1a: {  	s14 =	sshll.u32 s31, $0x12;
	s16 =	sshrl.u32 s16, $0x3;
	[tilespmem:s18+$0x3060 ss:$0x81] =	vst.msk $0xffff, v62;
	s15 =	sadd.s32 s19, s15  }
0x1b: {  	s14 =	sor.u32 $0x400, s14;
	[tilespmem:s18+$0x0 ss:$0x81] =	vst.msk $0xffff, v63;
	s15 =	sadd.s32 s16, s15  }
0x1c: {  	[hbm4b:s15+s14] =	stream.strided.scatter [tilespmem:s17], [sflag:$0x2], $0x4000, s9, s14, $0x20;
	[tilespmem:$0x10100] =	vst v63  }
.LBB1_5:
0x1d: {  	s17 =	sadd.s32 $0x80, s10  }
0x1e: {  	s14 =	sadd.s32 $0x800, s11;
	s18 =	smov.u32 s11;
	p2 =	sgt.s32 s17, $0x3FF  }
0x1f: {  	s18 =	smov.u32 @p2 s14  }
0x20: {  	s20 =	smov.u32 s12;
	s14 =	sadd.s32 $0x2, s12;
	p3 =	sgt.s32 s18, $0xFFF  }
0x21: {  	s20 =	smov.u32 @p3 s14  }
0x22: {  	s17 =	simm.s32 @p2 $0x0;
	p2 =	sgt.s32 s20, $0x1  }
0x23: {  	p1 =	slt.u32 s13, $0x2;
	s20 =	smov.u32 @p2 s2;
	p2 =	sne.s32 s13, s8  }
.Ltmp1:
0x24: {  	s19 =	simm.s32 @!p1 $0x2;
	(pc) =	sbr.rel @!p2 .LBB1_6-.Ltmp1, $4  }
0x25: {  	s16 =	smov.u32 s10;
	s15 =	smov.u32 s12;
	_ =	swait.ge @!p1 [sflag:s19], $0x4000  }
0x26: {  	p0 =	por !p0, !p0;
	[sflag:s19] =	ssyncset.done @!p1 $0x0;
	s10 =	smov.u32 s17  }
0x27: {  	s18 =	smov.u32 @p3 s1;
	s14 =	smov.u32 s11;
	[sflag:s19] =	ssyncadd.s32 @!p1 $0xFFFFC000  }
0x28: {  	s11 =	smov.u32 s18;
	s13 =	sadd.s32 $0x1, s13;
	s12 =	smov.u32 s20  }
.LBB1_1:
0x29: {  	p1 =	sge.u32 s13, s7  }
0x2a: {  	s31 =	sadd.s32 $0xFFFFFFFF, s13;
	s17 =	sshll.u32 @!p1 s11, $0x7  }
0x2b: {  	s18 =	sxor.u32 @!p1 $0xFFFFFFFF, s13;
	s19 =	sand.u32 @!p1 $0x78, s10;
	s20 =	sand.u32 @!p1 $0x380, s17  }
0x2c: {  	s18 =	sshll.u32 @!p1 s18, $0xE;
	s19 =	sor.u32 @!p1 s19, s20;
	s20 =	sshll.u32 @!p1 s12, $0x13  }
0x2d: {  	s17 =	sand.u32 @!p1 $0x7FC00, s17;
	s19 =	sshrl.u32 @!p1 s19, $0x3;
	s20 =	sadd.s32 @!p1 s4, s20  }
0x2e: {  	s17 =	sadd.s32 @!p1 s10, s17;
	s19 =	sadd.s32 @!p1 s19, s20;
	s20 =	sand.u32 @!p1 $0x7, s10  }
0x2f: {  	s18 =	sand.u32 @!p1 $0x4000, s18;
	s17 =	sand.u32 @!p1 $0x7FF80, s17;
	s20 =	sshll.u32 @!p1 s20, $0x12  }
0x30: {  	s17 =	sadd.s32 @!p1 s17, s19;
	s19 =	sor.u32 @!p1 $0x400, s20;
	s20 =	simm.s32 @!p1 $0x2000  }
0x31: {  	[tilespmem:s18], [sflag:$0x1] =	stream.strided.gather @!p1 [hbm4b:s17+s19], $0x4000, s20, s19, $0x38;
	[tilespmem:$0x10100] =	vst v63  }
0x32: {  	p1 =	sge.u32 s31, s7  }
.Ltmp2:
0x33: {  	_ = 	snop;
	(pc) =	sbr.rel @p1 .LBB1_5-.Ltmp2, $1  }
0x34: {  	_ =	sdelay $0x3  }
0x35: {  	s17 =	simm.s32 $0x1  }
0x36: {  	_ =	swait.ge [sflag:s6], $0x4000;
	s17 =	simm.s32 @!p0 $0x0  }
0x37: {  	[sflag:s6] =	ssyncset.done $0x0;
	s18 =	sshll.u32 s17, $0xE  }
0x38: {  	[sflag:s6] =	ssyncadd.s32 $0xFFFFC000;
	s19 =	sor.u32 $0x40, s18  }
0x39: {  	s17 =	smul.u32 $0x10200, s17;
	v0 =	vld [tilespmem:s19+$0x30]  }
0x3a: {  	v3 =	vld [tilespmem:s19+$0xFFFFFFD0]  }
0x3b: {  	s17 =	sshrl.u32 s17, $0x2;
	v4 =	vld [tilespmem:s19+$0xFFFFFFE0]  }
0x3c: {  	v5 =	vld [tilespmem:s19+$0xFFFFFFF0];
	s18 =	sor.u32 $0x8000, s17  }
0x3d: {  	s31 =	sand.u32 $0x1, s13;
	v1 =	vld [tilespmem:s19+$0x0];
	s20 =	sadd.s32 $0x0, s18  }
0x3e: {  	v2 =	vld [tilespmem:s19+$0x10];
	s17 =	smul.u32 $0x10200, s31;
	[tilespmem:s20+$0x3870 ss:$0x81] =	vst.msk $0xffff, v0  }
0x3f: {  	[tilespmem:s20+$0x810 ss:$0x81] =	vst.msk $0xffff, v3;
	v3 =	vld [tilespmem:s19+$0x20]  }
0x40: {  	s17 =	sshrl.u32 s17, $0x2;
	v0 =	vld [tilespmem:s19+$0xFFFFFFC0];
	[tilespmem:s20+$0x1020 ss:$0x81] =	vst.msk $0xffff, v4;
	s19 =	sadd.s32 $0x80, s19  }
0x41: {  	s21 =	simm.s32 $0x4;
	s22 =	simm.s32 $0x8;
	s17 =	sor.u32 $0x8000, s17;
	[tilespmem:s20+$0x1830 ss:$0x81] =	vst.msk $0xffff, v5;
	v4 =	vld [tilespmem:s19+$0x30]  }
.LBB1_3:
0x42: {  	p1 =	sne.s32 s22, $0x1FC;
	v5 =	vld [tilespmem:s19+$0xFFFFFFD0];
	[tilespmem:s20+$0x2040 ss:$0x81] =	vst.msk $0xffff, v1  }
0x43: {  	v6 =	vld [tilespmem:s19+$0xFFFFFFE0];
	[tilespmem:s20+$0x2850 ss:$0x81] =	vst.msk $0xffff, v2  }
0x44: {  	s23 =	sshra.s32 s21, $0x2;
	s21 =	smov.u32 s22;
	v7 =	vld [tilespmem:s19+$0xFFFFFFF0];
	[tilespmem:s20+$0x3060 ss:$0x81] =	vst.msk $0xffff, v3  }
.Ltmp3:
0x45: {  	v1 =	vld [tilespmem:s19+$0x0];
	[tilespmem:s20+$0x0 ss:$0x81] =	vst.msk $0xffff, v0;
	s20 =	sadd.s32 s23, s18;
	(pc) =	sbr.rel @p1 .LBB1_3-.Ltmp3, $4  }
0x46: {  	v2 =	vld [tilespmem:s19+$0x10];
	[tilespmem:s20+$0x3870 ss:$0x81] =	vst.msk $0xffff, v4  }
0x47: {  	[tilespmem:s20+$0x810 ss:$0x81] =	vst.msk $0xffff, v5;
	v3 =	vld [tilespmem:s19+$0x20]  }
0x48: {  	v0 =	vld [tilespmem:s19+$0xFFFFFFC0];
	[tilespmem:s20+$0x1020 ss:$0x81] =	vst.msk $0xffff, v6;
	s19 =	sadd.s32 $0x80, s19  }
0x49: {  	s22 =	sadd.s32 $0x4, s22;
	v4 =	vld [tilespmem:s19+$0x30];
	[tilespmem:s20+$0x1830 ss:$0x81] =	vst.msk $0xffff, v7  }
.Ltmp4:
0x4a: {  	_ = 	snop;
	(pc) =	sbr.rel .LBB1_4-.Ltmp4, $1  }
0x4b: {  	_ =	sdelay $0x3  }
.LBB1_6:
0x4c: {  	_ =	sfence.sel $0x180000  }
0x4d: {  	s1 =	simm.s32 $0x1;
	[bflag:$0x0] =	sbarrier.arrive $0xFFFF  }
0x4e: {  	s31 =	simm.s32 $0x2;
	[sflag:s1] =	ssyncpa.u1 $0x1  }
0x4f: {  	[sflag:s31] =	ssyncpa.u1 $0x1  }
0x50: {  	p0 =	sne.s32 s0, $0x0;
	_ =	strace $0x9000005F  }
0x51: {  	s0 =	sadd.s32 @!p0 $0x100000, s3;
	[bflag:$0x2] =	sbarrier.arrive $0xFFFF  }
0x52: {  	[sflag:s0] =	ssyncadd.tile.s32 @!p0 $0x1;
	_ =	shalt  }
.Lfunc_end1:
_tile_overlayer_lowered:
.L_overlay_start_2:
0x53: {  	(tag) =	ssettag $0x2  }
0x54: {  	s0 =	rddreg [dreg:$0x0];
	s2 =	stileid.u32  }
0x55: {  	s1 =	rddreg [dreg:$0x1];
	p0 =	sne.s32 s2, $0x0  }
0x56: {  	s3 =	rddreg [dreg:$0x2];
	[bflag:$0x3] =	sbarrier.arrive $0xFFFF;
	s2 =	simm.s32 @!p0 $0x1C01  }
0x57: {  	[timem:s3], [sflag:s2] =	dma.local @!p0 [hbm:s0], s1  }
0x58: {  	s0 =	simm.s32 @!p0 $0x1  }
0x59: {  	_ =	swait.ge @!p0 [sflag:s0], s1  }
0x5a: {  	s1 =	ssub.s32 @!p0 $0x0, s1;
	[sflag:s0] =	ssyncset.done @!p0 $0x0  }
0x5b: {  	[sflag:s0] =	ssyncadd.s32 @!p0 s1  }
0x5c: {  	[bflag:$0x3] =	sbarrier.arrive $0xFFFF  }
0x5d: {  	_ =	shalt  }

</sc_bundles>
